<compile_context>
chip_gen: v7x
topology: tpu7x:2x2x1
jax: 0.10.2.dev20260603
libtpu: 0.0.44.dev20260713+nightly
codegen_flags: <defaults>
</compile_context>

<pallas_src>
import functools

import jax
import jax.numpy as jnp
import numpy as np
from jax import lax
from jax.experimental import pallas as pl
from jax.experimental.pallas import tpu as pltpu
from jax.experimental.pallas import tpu_sc as plsc

NC = 2
NS = 16
NW = NC * NS
K = 128
NBUF = 8


def _mesh():
    return plsc.VectorSubcoreMesh(
        core_axis_name="c", subcore_axis_name="s", num_cores=NC, num_subcores=NS
    )


def _flush_rows(n):
    return ((n + 128 + 16 * NS - 1) // (16 * NS)) * 16


def _zero_fill_2d(ref, rows, cols):
    z16 = jnp.zeros((16,), jnp.float32)

    @pl.loop(0, rows)
    def _(i):
        for c in range(cols // 16):
            ref[i, pl.ds(c * 16, 16)] = z16


def _make_deg_kernel(n, nch, k):
    fl = _flush_rows(n)
    nacc = NS * fl

    @functools.partial(
        pl.kernel,
        out_type=jax.ShapeDtypeStruct((NC, NS, fl), jnp.float32),
        mesh=_mesh(),
        scratch_types=[
            pltpu.VMEM((nch, k), jnp.int32),
            pltpu.VMEM((K,), jnp.float32),
            pltpu.VMEM((fl,), jnp.float32),
            pltpu.VMEM_SHARED((nacc,), jnp.float32),
        ],
        compiler_params=pltpu.CompilerParams(use_tc_tiling_on_sc=False),
    )
    def deg_k(dst_hbm, out_hbm, dst_v, ones_v, zb_v, acc_sh):
        cid = lax.axis_index("c")
        sid = lax.axis_index("s")
        wid = cid * NS + sid
        pltpu.sync_copy(dst_hbm.at[wid], dst_v)

        one16 = jnp.ones((16,), jnp.float32)
        zero16 = jnp.zeros((16,), jnp.float32)

        @pl.loop(0, K // 16)
        def _(i):
            ones_v[pl.ds(i * 16, 16)] = one16

        @pl.loop(0, fl // 16)
        def _(i):
            zb_v[pl.ds(i * 16, 16)] = zero16

        pltpu.sync_copy(zb_v, acc_sh.at[pl.ds(sid * fl, fl)])
        plsc.subcore_barrier()

        @pl.loop(0, nch)
        def _(j):
            pltpu.sync_copy(ones_v.at[pl.ds(0, k)], acc_sh.at[dst_v.at[j]],
                            add=True)

        plsc.subcore_barrier()
        pltpu.sync_copy(acc_sh.at[pl.ds(sid * fl, fl)], zb_v)
        pltpu.sync_copy(zb_v, out_hbm.at[cid, sid])

    return deg_k


def _make_prop_kernel(n, c, nch, k):
    fl = _flush_rows(n)
    nacc = NS * fl

    @functools.partial(
        pl.kernel,
        out_type=jax.ShapeDtypeStruct((NC, NS, fl, c), jnp.float32),
        mesh=_mesh(),
        scratch_types=[
            pltpu.VMEM((nch, k), jnp.int32),
            pltpu.VMEM((nch, k), jnp.int32),
            pltpu.VMEM((NBUF, k, c), jnp.float32),
            pltpu.VMEM((fl, c), jnp.float32),
            pltpu.VMEM_SHARED((nacc, c), jnp.float32),
        ]
        + [pltpu.SemaphoreType.DMA] * NBUF,
        compiler_params=pltpu.CompilerParams(use_tc_tiling_on_sc=False),
    )
    def prop_k(ht_hbm, src_hbm, dst_hbm, out_hbm, src_v, dst_v, ring_v, zb_v,
               acc_sh, *sems):
        cid = lax.axis_index("c")
        sid = lax.axis_index("s")
        wid = cid * NS + sid
        pltpu.sync_copy(src_hbm.at[wid], src_v)
        pltpu.sync_copy(dst_hbm.at[wid], dst_v)

        _zero_fill_2d(zb_v, fl, c)
        pltpu.sync_copy(zb_v, acc_sh.at[pl.ds(sid * fl, fl)])
        plsc.subcore_barrier()

        def gather(j, b):
            return pltpu.make_async_copy(
                ht_hbm.at[src_v.at[j]], ring_v.at[b], sems[b]
            )

        for b in range(NBUF):
            gather(b, b).start()

        @pl.loop(0, (nch - NBUF) // NBUF)
        def _(t):
            go = t * NBUF
            for b in range(NBUF):
                j = go + b
                gather(j, b).wait()
                pltpu.sync_copy(ring_v.at[b], acc_sh.at[dst_v.at[j]], add=True)
                gather(j + NBUF, b).start()

        for b in range(NBUF):
            j = nch - NBUF + b
            gather(j, b).wait()
            pltpu.sync_copy(ring_v.at[b], acc_sh.at[dst_v.at[j]], add=True)

        plsc.subcore_barrier()
        pltpu.sync_copy(acc_sh.at[pl.ds(sid * fl, fl)], zb_v)
        pltpu.sync_copy(zb_v, out_hbm.at[cid, sid])

    return prop_k




def _tc_call(fn, out_shapes, *args):
    return pl.pallas_call(fn, out_shape=out_shapes)(*args)


def _tc1_body(x_ref, w_ref, d0_ref, d1_ref, ht_ref, dinv_ref):
    deg = d0_ref[...] + d1_ref[...] + 1.0
    dinv = 1.0 / jnp.sqrt(deg)
    h = jnp.dot(x_ref[...], w_ref[...], preferred_element_type=jnp.float32)
    ht_ref[...] = h * dinv
    dinv_ref[...] = dinv


def _bn_act(p, g, be, leaky):
    m = jnp.mean(p, axis=0, keepdims=True)
    d = p - m
    v = jnp.mean(d * d, axis=0, keepdims=True)
    y = d * (g / jnp.sqrt(v + 1e-5)) + be
    if leaky:
        return jnp.where(y >= 0.0, y, 0.01 * y)
    return jnp.maximum(y, 0.0)


def _tcb_body(pall_ref, ht_ref, dinv_ref, g_ref, be_ref, out_ref):
    nn = ht_ref.shape[0]
    dinv = dinv_ref[...]
    p = dinv * (pall_ref[0, :nn, :] + pall_ref[1, :nn, :] + ht_ref[...])
    y = _bn_act(p, g_ref[...], be_ref[...], leaky=True)
    out_ref[...] = dinv * y


def _tcc_body(pall_ref, ht_ref, dinv_ref, w_ref, g_ref, be_ref, out_ref):
    nn = ht_ref.shape[0]
    dinv = dinv_ref[...]
    p = dinv * (pall_ref[0, :nn, :] + pall_ref[1, :nn, :] + ht_ref[...])
    h = jnp.dot(p, w_ref[...], preferred_element_type=jnp.float32)
    y = _bn_act(h, g_ref[...], be_ref[...], leaky=True)
    out_ref[...] = dinv * y


def _tcd_body(pall_ref, ht_ref, dinv_ref, w_ref, g_ref, be_ref, pool_ref,
              out_ref):
    nn = ht_ref.shape[0]
    dinv = dinv_ref[...]
    p = dinv * (pall_ref[0, :nn, :] + pall_ref[1, :nn, :] + ht_ref[...])
    h = jnp.dot(p, w_ref[...], preferred_element_type=jnp.float32)
    y = _bn_act(h, g_ref[...], be_ref[...], leaky=False)
    out_ref[...] = jnp.dot(y, pool_ref[...], preferred_element_type=jnp.float32)


def kernel(x, edge_index, W1, b1, g1, be1, W2, b2, g2, be2, W3, b3, g3, be3):
    del b1, b2, b3
    n = x.shape[0]
    e = edge_index.shape[1]
    src = edge_index[0].astype(jnp.int32)
    dst = edge_index[1].astype(jnp.int32)

    ept = -(-e // NW)
    nch = -(-(-(-ept // K)) // NBUF) * NBUF
    if ept % nch == 0:
        k = ept // nch
        srcp = src.reshape(NW, nch, k)
        dstp = dst.reshape(NW, nch, k)
    else:
        k = K
        ppt = nch * k - ept
        cyc = (jnp.arange(ppt, dtype=jnp.int32) % 128)[None, :].repeat(NW, axis=0)
        srcp = jnp.concatenate(
            [src.reshape(NW, ept), cyc], axis=1).reshape(NW, nch, k)
        dstp = jnp.concatenate(
            [dst.reshape(NW, ept), cyc + n], axis=1).reshape(NW, nch, k)

    fl = _flush_rows(n)

    degp = _make_deg_kernel(n, nch, k)(dstp)
    degp = degp.reshape(NC, NS * fl)[:, :n]
    deg0 = degp[0].reshape(n, 1)
    deg1 = degp[1].reshape(n, 1)

    c1, c2, c3 = W1.shape[1], W2.shape[1], W3.shape[1]
    f32 = jnp.float32

    ht1, dinv = _tc_call(
        _tc1_body,
        [jax.ShapeDtypeStruct((n, c1), f32), jax.ShapeDtypeStruct((n, 1), f32)],
        x, W1, deg0, deg1,
    )

    def prop(ht, c):
        parts = _make_prop_kernel(n, c, nch, k)(ht, srcp, dstp)
        return parts.reshape(NC, NS * fl, c)

    pall = prop(ht1, c1)
    ht2 = _tc_call(
        _tcb_body,
        jax.ShapeDtypeStruct((n, c1), f32),
        pall, ht1, dinv, g1.reshape(1, c1), be1.reshape(1, c1),
    )

    pall = prop(ht2, c1)
    ht3 = _tc_call(
        _tcc_body,
        jax.ShapeDtypeStruct((n, c2), f32),
        pall, ht2, dinv, W2, g2.reshape(1, c2), be2.reshape(1, c2),
    )

    pall = prop(ht3, c2)
    pool = np.zeros((c3, c3 // 4), np.float32)
    for i in range(c3):
        pool[i, i // 4] = 0.25
    out = _tc_call(
        _tcd_body,
        jax.ShapeDtypeStruct((n, c3 // 4), f32),
        pall, ht3, dinv, W3, g3.reshape(1, c3), be3.reshape(1, c3),
        jnp.asarray(pool),
    )
    return out

# --- scband reference (transcript-rebuilt; emitter-appended) ---
"""Pipeline reference for scband-gcnflaep-78391743087200 (READ-ONLY COPY).

The authoritative reference and input builder live on the scoring server;
editing this copy changes nothing except your own understanding.
"""

import jax, jax.numpy as jnp
import numpy as np


def gcn_conv(x, src, dst, W, b, n):
    h = x @ W
    sl = jnp.arange(n, dtype=src.dtype)
    src2 = jnp.concatenate([src, sl])
    dst2 = jnp.concatenate([dst, sl])
    deg = jax.ops.segment_sum(jnp.ones(src2.shape[0], x.dtype), dst2, num_segments=n)
    dinv = jnp.where(deg > 0, 1.0 / jnp.sqrt(deg), 0.0)
    norm = dinv[src2] * dinv[dst2]
    msg = h[src2] * norm[:, None]
    out = jax.ops.segment_sum(msg, dst2, num_segments=n)
    return out + b


def batch_norm(h, g, be, eps=1e-5):
    m = h.mean(axis=0)
    v = h.var(axis=0)
    return (h - m) / jnp.sqrt(v + eps) * g + be


def setup_inputs(seed: int = 0):
    key = jax.random.key(seed)
    ks = jax.random.split(key, 8)
    N, E, Cin = 10000, 320000, 128
    x = jax.random.normal(ks[0], (N, Cin), jnp.float32)
    edge_index = jax.random.randint(ks[1], (2, E), 0, N)
    W1 = jax.random.normal(ks[2], (Cin, 16), jnp.float32) / np.sqrt(Cin)
    b1 = jnp.zeros((16,), jnp.float32)
    g1 = jnp.ones((16,), jnp.float32)
    be1 = jnp.zeros((16,), jnp.float32)
    W2 = jax.random.normal(ks[3], (16, 32), jnp.float32) / np.sqrt(16)
    b2 = jnp.zeros((32,), jnp.float32)
    g2 = jnp.ones((32,), jnp.float32)
    be2 = jnp.zeros((32,), jnp.float32)
    W3 = jax.random.normal(ks[4], (32, 64), jnp.float32) / np.sqrt(32)
    b3 = jnp.zeros((64,), jnp.float32)
    g3 = jnp.ones((64,), jnp.float32)
    be3 = jnp.zeros((64,), jnp.float32)
    return {"x": x, "edge_index": edge_index, "W1": W1, "b1": b1, "g1": g1, "be1": be1, "W2": W2, "b2": b2, "g2": g2, "be2": be2, "W3": W3, "b3": b3, "g3": g3, "be3": be3}


def reference(x, edge_index, W1, b1, g1, be1, W2, b2, g2, be2, W3, b3, g3, be3):
    n = x.shape[0]
    src, dst = edge_index[0], edge_index[1]
    h = gcn_conv(x, src, dst, W1, b1, n)
    h = jax.nn.leaky_relu(batch_norm(h, g1, be1), 0.01)
    h = gcn_conv(h, src, dst, W2, b2, n)
    h = jax.nn.leaky_relu(batch_norm(h, g2, be2), 0.01)
    # dropout: identity in eval mode
    h = gcn_conv(h, src, dst, W3, b3, n)
    h = jax.nn.relu(batch_norm(h, g3, be3))
    # dropout: identity in eval mode
    # AvgPool(4) over feature dim, then flatten
    h = h.reshape(n, -1, 4).mean(axis=-1)
    return h.reshape(n, -1)

if __name__ == "__main__":
    import jax
    _d = setup_inputs()
    print(jax.jit(kernel)(*tuple(_d.values())))

</pallas_src>

<mosaic_0001>
#map = affine_map<(d0, d1) -> (0, 0, 0)>
module attributes {stable_mosaic.version = 14 : i64} {
  func.func @deg_k(%arg0: i32, %arg1: i32, %arg2: memref<32x80x125xi32, #tpu.memory_space<hbm>>, %arg3: memref<2x16x640xf32, #tpu.memory_space<hbm>>, %arg4: memref<80x125xi32, #tpu.memory_space<vmem>>, %arg5: memref<128xf32, #tpu.memory_space<vmem>>, %arg6: memref<640xf32, #tpu.memory_space<vmem>>, %arg7: memref<10240xf32, #tpu.memory_space<vmem_shared>>) attributes {dimension_semantics = [#tpu.dimension_semantics<core_parallel>, #tpu.dimension_semantics<subcore_parallel>], iteration_bounds = array<i64: 2, 16>, scalar_prefetch = 0 : i64, scratch_operands = 4 : i64, tpu.core_type = #tpu.core_type<sc_vector_subcore>, window_params = [{transform_indices = #map}, {transform_indices = #map}]} {
    %mul3A = arith.constant 16 : i32
    %mul3A_0 = arith.muli %arg0, %mul3A : i32
    %add3A = arith.addi %mul3A_0, %arg1 : i32
    "tpu.region"() ({
      %run_scoped3A = tpu.sem_alloc : memref<!tpu.dma_semaphore, #tpu.memory_space<semaphore_mem>>
      %dma_start3A = arith.constant 0 : i32
      %dma_start3A_23 = arith.constant 0 : i32
      %dma_start3A_24 = tpu.memref_slice %arg2[%add3A, %dma_start3A, %dma_start3A_23] : memref<32x80x125xi32, #tpu.memory_space<hbm>> -> memref<1x80x125xi32, #tpu.memory_space<hbm>>
      %dma_start3A_25 = tpu.memref_squeeze %dma_start3A_24 : memref<1x80x125xi32, #tpu.memory_space<hbm>> -> memref<80x125xi32, #tpu.memory_space<hbm>>
      %dma_start3A_26 = arith.constant 0 : i32
      %dma_start3A_27 = arith.constant 0 : i32
      %dma_start3A_28 = tpu.memref_slice %arg2[%add3A, %dma_start3A_26, %dma_start3A_27] : memref<32x80x125xi32, #tpu.memory_space<hbm>> -> memref<1x80x125xi32, #tpu.memory_space<hbm>>
      %dma_start3A_29 = tpu.memref_squeeze %dma_start3A_28 : memref<1x80x125xi32, #tpu.memory_space<hbm>> -> memref<80x125xi32, #tpu.memory_space<hbm>>
      tpu.enqueue_dma source(%dma_start3A_29 : memref<80x125xi32, #tpu.memory_space<hbm>>) target(%arg4 : memref<80x125xi32, #tpu.memory_space<vmem>>) target_semaphore(%run_scoped3A : memref<!tpu.dma_semaphore, #tpu.memory_space<semaphore_mem>>)
      %dma_wait3A = arith.constant 0 : i32
      %dma_wait3A_30 = arith.constant 0 : i32
      %dma_wait3A_31 = tpu.memref_slice %arg2[%add3A, %dma_wait3A, %dma_wait3A_30] : memref<32x80x125xi32, #tpu.memory_space<hbm>> -> memref<1x80x125xi32, #tpu.memory_space<hbm>>
      %dma_wait3A_32 = tpu.memref_squeeze %dma_wait3A_31 : memref<1x80x125xi32, #tpu.memory_space<hbm>> -> memref<80x125xi32, #tpu.memory_space<hbm>>
      %dma_wait3A_33 = arith.constant 0 : i32
      %dma_wait3A_34 = arith.constant 0 : i32
      %dma_wait3A_35 = tpu.memref_slice %arg2[%add3A, %dma_wait3A_33, %dma_wait3A_34] : memref<32x80x125xi32, #tpu.memory_space<hbm>> -> memref<1x80x125xi32, #tpu.memory_space<hbm>>
      %dma_wait3A_36 = tpu.memref_squeeze %dma_wait3A_35 : memref<1x80x125xi32, #tpu.memory_space<hbm>> -> memref<80x125xi32, #tpu.memory_space<hbm>>
      tpu.wait_dma2 semaphore(%run_scoped3A : memref<!tpu.dma_semaphore, #tpu.memory_space<semaphore_mem>>) src(%dma_wait3A_36 : memref<80x125xi32, #tpu.memory_space<hbm>>) dst(%arg4 : memref<80x125xi32, #tpu.memory_space<vmem>>)
      tpu.yield
    }) : () -> ()
    %broadcast_in_dim3A = arith.constant 1.000000e+00 : f32
    %broadcast_in_dim3A_1 = vector.broadcast %broadcast_in_dim3A : f32 to vector<16xf32>
    %broadcast_in_dim3A_2 = arith.constant 0.000000e+00 : f32
    %broadcast_in_dim3A_3 = vector.broadcast %broadcast_in_dim3A_2 : f32 to vector<16xf32>
    %scan3A = arith.constant 0 : i32
    %scan3A_4 = arith.constant 8 : i32
    %scan3A_5 = arith.addi %scan3A, %scan3A_4 : i32
    %scan3A_6 = arith.constant 1 : i32
    scf.for %scan3A_23 = %scan3A to %scan3A_5 step %scan3A_6  : i32 {
      %mul3A_24 = arith.constant 1 : i32
      %mul3A_25 = arith.muli %scan3A_23, %mul3A_24 : i32
      %add3A_26 = arith.constant 0 : i32
      %add3A_27 = arith.addi %add3A_26, %mul3A_25 : i32
      %mul3A_28 = arith.constant 16 : i32
      %mul3A_29 = arith.muli %add3A_27, %mul3A_28 : i32
      %swap3A = arith.index_cast %mul3A_29 : i32 to index
      %swap3A_30 = tpu.vector_load %arg5[%swap3A] {strides = array<i32>} : memref<128xf32, #tpu.memory_space<vmem>>, vector<16xf32>,
      %swap3A_31 = vector.shape_cast %swap3A_30 : vector<16xf32> to vector<16xf32>
      %swap3A_32 = vector.shape_cast %broadcast_in_dim3A_1 : vector<16xf32> to vector<16xf32>
      tpu.vector_store %arg5[%swap3A], %swap3A_32 {strides = array<i32>} : memref<128xf32, #tpu.memory_space<vmem>>, vector<16xf32>,
    }
    %scan3A_7 = arith.constant 8 : i32
    %scan3A_8 = arith.constant 0 : i32
    %scan3A_9 = arith.constant 40 : i32
    %scan3A_10 = arith.addi %scan3A_8, %scan3A_9 : i32
    %scan3A_11 = arith.constant 1 : i32
    scf.for %scan3A_23 = %scan3A_8 to %scan3A_10 step %scan3A_11  : i32 {
      %mul3A_24 = arith.constant 1 : i32
      %mul3A_25 = arith.muli %scan3A_23, %mul3A_24 : i32
      %add3A_26 = arith.constant 0 : i32
      %add3A_27 = arith.addi %add3A_26, %mul3A_25 : i32
      %mul3A_28 = arith.constant 16 : i32
      %mul3A_29 = arith.muli %add3A_27, %mul3A_28 : i32
      %swap3A = arith.index_cast %mul3A_29 : i32 to index
      %swap3A_30 = tpu.vector_load %arg6[%swap3A] {strides = array<i32>} : memref<640xf32, #tpu.memory_space<vmem>>, vector<16xf32>,
      %swap3A_31 = vector.shape_cast %swap3A_30 : vector<16xf32> to vector<16xf32>
      %swap3A_32 = vector.shape_cast %broadcast_in_dim3A_3 : vector<16xf32> to vector<16xf32>
      tpu.vector_store %arg6[%swap3A], %swap3A_32 {strides = array<i32>} : memref<640xf32, #tpu.memory_space<vmem>>, vector<16xf32>,
    }
    %scan3A_12 = arith.constant 40 : i32
    %mul3A_13 = arith.constant 640 : i32
    %mul3A_14 = arith.muli %arg1, %mul3A_13 : i32
    "tpu.region"() ({
      %run_scoped3A = tpu.sem_alloc : memref<!tpu.dma_semaphore, #tpu.memory_space<semaphore_mem>>
      %dma_start3A = tpu.memref_slice %arg7[%mul3A_14] : memref<10240xf32, #tpu.memory_space<vmem_shared>> -> memref<640xf32, #tpu.memory_space<vmem_shared>>
      %dma_start3A_23 = tpu.memref_slice %arg7[%mul3A_14] : memref<10240xf32, #tpu.memory_space<vmem_shared>> -> memref<640xf32, #tpu.memory_space<vmem_shared>>
      tpu.enqueue_dma source(%arg6 : memref<640xf32, #tpu.memory_space<vmem>>) target(%dma_start3A_23 : memref<640xf32, #tpu.memory_space<vmem_shared>>) target_semaphore(%run_scoped3A : memref<!tpu.dma_semaphore, #tpu.memory_space<semaphore_mem>>)
      %dma_wait3A = tpu.memref_slice %arg7[%mul3A_14] : memref<10240xf32, #tpu.memory_space<vmem_shared>> -> memref<640xf32, #tpu.memory_space<vmem_shared>>
      %dma_wait3A_24 = tpu.memref_slice %arg7[%mul3A_14] : memref<10240xf32, #tpu.memory_space<vmem_shared>> -> memref<640xf32, #tpu.memory_space<vmem_shared>>
      tpu.wait_dma2 semaphore(%run_scoped3A : memref<!tpu.dma_semaphore, #tpu.memory_space<semaphore_mem>>) src(%arg6 : memref<640xf32, #tpu.memory_space<vmem>>) dst(%dma_wait3A_24 : memref<640xf32, #tpu.memory_space<vmem_shared>>)
      tpu.yield
    }) : () -> ()
    %barrier3A = arith.constant 0 : index
    tpu.barrier barrier_id(%barrier3A)
    %scan3A_15 = arith.constant 0 : i32
    %scan3A_16 = arith.constant 80 : i32
    %scan3A_17 = arith.addi %scan3A_15, %scan3A_16 : i32
    %scan3A_18 = arith.constant 1 : i32
    scf.for %scan3A_23 = %scan3A_15 to %scan3A_17 step %scan3A_18  : i32 {
      %mul3A_24 = arith.constant 1 : i32
      %mul3A_25 = arith.muli %scan3A_23, %mul3A_24 : i32
      %add3A_26 = arith.constant 0 : i32
      %add3A_27 = arith.addi %add3A_26, %mul3A_25 : i32
      "tpu.region"() ({
        %run_scoped3A = tpu.sem_alloc : memref<!tpu.dma_semaphore, #tpu.memory_space<semaphore_mem>>
        %dma_start3A = arith.constant 0 : i32
        %dma_start3A_28 = tpu.memref_slice %arg5[%dma_start3A] : memref<128xf32, #tpu.memory_space<vmem>> -> memref<125xf32, #tpu.memory_space<vmem>>
        %dma_start3A_29 = arith.constant 0 : i32
        %dma_start3A_30 = tpu.memref_slice %arg4[%add3A_27, %dma_start3A_29] : memref<80x125xi32, #tpu.memory_space<vmem>> -> memref<1x125xi32, #tpu.memory_space<vmem>>
        %dma_start3A_31 = tpu.memref_squeeze %dma_start3A_30 : memref<1x125xi32, #tpu.memory_space<vmem>> -> memref<125xi32, #tpu.memory_space<vmem>>
        %dma_start3A_32 = arith.constant 0 : i32
        %dma_start3A_33 = tpu.memref_slice %arg7[%dma_start3A_32] : memref<10240xf32, #tpu.memory_space<vmem_shared>> -> memref<10240xf32, #tpu.memory_space<vmem_shared>>
        tpu.enqueue_indirect_dma source(%dma_start3A_28 : memref<125xf32, #tpu.memory_space<vmem>>) target(%dma_start3A_33 : memref<10240xf32, #tpu.memory_space<vmem_shared>>) offsets(%dma_start3A_31 : memref<125xi32, #tpu.memory_space<vmem>>) semaphore(%run_scoped3A : memref<!tpu.dma_semaphore, #tpu.memory_space<semaphore_mem>>) {add = true}
        %dma_wait3A = arith.constant 0 : i32
        %dma_wait3A_34 = tpu.memref_slice %arg5[%dma_wait3A] : memref<128xf32, #tpu.memory_space<vmem>> -> memref<125xf32, #tpu.memory_space<vmem>>
        %dma_wait3A_35 = arith.constant 0 : i32
        %dma_wait3A_36 = tpu.memref_slice %arg4[%add3A_27, %dma_wait3A_35] : memref<80x125xi32, #tpu.memory_space<vmem>> -> memref<1x125xi32, #tpu.memory_space<vmem>>
        %dma_wait3A_37 = tpu.memref_squeeze %dma_wait3A_36 : memref<1x125xi32, #tpu.memory_space<vmem>> -> memref<125xi32, #tpu.memory_space<vmem>>
        %dma_wait3A_38 = arith.constant 0 : i32
        %dma_wait3A_39 = tpu.memref_slice %arg7[%dma_wait3A_38] : memref<10240xf32, #tpu.memory_space<vmem_shared>> -> memref<10240xf32, #tpu.memory_space<vmem_shared>>
        tpu.wait_indirect_dma semaphore(%run_scoped3A : memref<!tpu.dma_semaphore, #tpu.memory_space<semaphore_mem>>) src(%dma_wait3A_34 : memref<125xf32, #tpu.memory_space<vmem>>) dst(%dma_wait3A_39 : memref<10240xf32, #tpu.memory_space<vmem_shared>>)
        tpu.yield
      }) : () -> ()
    }
    %scan3A_19 = arith.constant 80 : i32
    %barrier3A_20 = arith.constant 0 : index
    tpu.barrier barrier_id(%barrier3A_20)
    %mul3A_21 = arith.constant 640 : i32
    %mul3A_22 = arith.muli %arg1, %mul3A_21 : i32
    "tpu.region"() ({
      %run_scoped3A = tpu.sem_alloc : memref<!tpu.dma_semaphore, #tpu.memory_space<semaphore_mem>>
      %dma_start3A = tpu.memref_slice %arg7[%mul3A_22] : memref<10240xf32, #tpu.memory_space<vmem_shared>> -> memref<640xf32, #tpu.memory_space<vmem_shared>>
      %dma_start3A_23 = tpu.memref_slice %arg7[%mul3A_22] : memref<10240xf32, #tpu.memory_space<vmem_shared>> -> memref<640xf32, #tpu.memory_space<vmem_shared>>
      tpu.enqueue_dma source(%dma_start3A_23 : memref<640xf32, #tpu.memory_space<vmem_shared>>) target(%arg6 : memref<640xf32, #tpu.memory_space<vmem>>) target_semaphore(%run_scoped3A : memref<!tpu.dma_semaphore, #tpu.memory_space<semaphore_mem>>)
      %dma_wait3A = tpu.memref_slice %arg7[%mul3A_22] : memref<10240xf32, #tpu.memory_space<vmem_shared>> -> memref<640xf32, #tpu.memory_space<vmem_shared>>
      %dma_wait3A_24 = tpu.memref_slice %arg7[%mul3A_22] : memref<10240xf32, #tpu.memory_space<vmem_shared>> -> memref<640xf32, #tpu.memory_space<vmem_shared>>
      tpu.wait_dma2 semaphore(%run_scoped3A : memref<!tpu.dma_semaphore, #tpu.memory_space<semaphore_mem>>) src(%dma_wait3A_24 : memref<640xf32, #tpu.memory_space<vmem_shared>>) dst(%arg6 : memref<640xf32, #tpu.memory_space<vmem>>)
      tpu.yield
    }) : () -> ()
    "tpu.region"() ({
      %run_scoped3A = tpu.sem_alloc : memref<!tpu.dma_semaphore, #tpu.memory_space<semaphore_mem>>
      %dma_start3A = arith.constant 0 : i32
      %dma_start3A_23 = tpu.memref_slice %arg3[%arg0, %arg1, %dma_start3A] : memref<2x16x640xf32, #tpu.memory_space<hbm>> -> memref<1x1x640xf32, #tpu.memory_space<hbm>>
      %dma_start3A_24 = tpu.memref_squeeze %dma_start3A_23 : memref<1x1x640xf32, #tpu.memory_space<hbm>> -> memref<640xf32, #tpu.memory_space<hbm>>
      %dma_start3A_25 = arith.constant 0 : i32
      %dma_start3A_26 = tpu.memref_slice %arg3[%arg0, %arg1, %dma_start3A_25] : memref<2x16x640xf32, #tpu.memory_space<hbm>> -> memref<1x1x640xf32, #tpu.memory_space<hbm>>
      %dma_start3A_27 = tpu.memref_squeeze %dma_start3A_26 : memref<1x1x640xf32, #tpu.memory_space<hbm>> -> memref<640xf32, #tpu.memory_space<hbm>>
      tpu.enqueue_dma source(%arg6 : memref<640xf32, #tpu.memory_space<vmem>>) target(%dma_start3A_27 : memref<640xf32, #tpu.memory_space<hbm>>) target_semaphore(%run_scoped3A : memref<!tpu.dma_semaphore, #tpu.memory_space<semaphore_mem>>)
      %dma_wait3A = arith.constant 0 : i32
      %dma_wait3A_28 = tpu.memref_slice %arg3[%arg0, %arg1, %dma_wait3A] : memref<2x16x640xf32, #tpu.memory_space<hbm>> -> memref<1x1x640xf32, #tpu.memory_space<hbm>>
      %dma_wait3A_29 = tpu.memref_squeeze %dma_wait3A_28 : memref<1x1x640xf32, #tpu.memory_space<hbm>> -> memref<640xf32, #tpu.memory_space<hbm>>
      %dma_wait3A_30 = arith.constant 0 : i32
      %dma_wait3A_31 = tpu.memref_slice %arg3[%arg0, %arg1, %dma_wait3A_30] : memref<2x16x640xf32, #tpu.memory_space<hbm>> -> memref<1x1x640xf32, #tpu.memory_space<hbm>>
      %dma_wait3A_32 = tpu.memref_squeeze %dma_wait3A_31 : memref<1x1x640xf32, #tpu.memory_space<hbm>> -> memref<640xf32, #tpu.memory_space<hbm>>
      tpu.wait_dma2 semaphore(%run_scoped3A : memref<!tpu.dma_semaphore, #tpu.memory_space<semaphore_mem>>) src(%arg6 : memref<640xf32, #tpu.memory_space<vmem>>) dst(%dma_wait3A_32 : memref<640xf32, #tpu.memory_space<hbm>>)
      tpu.yield
    }) : () -> ()
    return
  }
}

#map = affine_map<(d0, d1) -> (0, 0)>
#map1 = affine_map<(d0, d1) -> (0, 0, 0)>
#map2 = affine_map<(d0, d1) -> (0, 0, 0, 0)>
module attributes {stable_mosaic.version = 14 : i64} {
  func.func @prop_k(%arg0: i32, %arg1: i32, %arg2: memref<10000x16xf32, #tpu.memory_space<hbm>>, %arg3: memref<32x80x125xi32, #tpu.memory_space<hbm>>, %arg4: memref<32x80x125xi32, #tpu.memory_space<hbm>>, %arg5: memref<2x16x640x16xf32, #tpu.memory_space<hbm>>, %arg6: memref<80x125xi32, #tpu.memory_space<vmem>>, %arg7: memref<80x125xi32, #tpu.memory_space<vmem>>, %arg8: memref<8x125x16xf32, #tpu.memory_space<vmem>>, %arg9: memref<640x16xf32, #tpu.memory_space<vmem>>, %arg10: memref<10240x16xf32, #tpu.memory_space<vmem_shared>>, %arg11: memref<!tpu.dma_semaphore, #tpu.memory_space<semaphore_mem>>, %arg12: memref<!tpu.dma_semaphore, #tpu.memory_space<semaphore_mem>>, %arg13: memref<!tpu.dma_semaphore, #tpu.memory_space<semaphore_mem>>, %arg14: memref<!tpu.dma_semaphore, #tpu.memory_space<semaphore_mem>>, %arg15: memref<!tpu.dma_semaphore, #tpu.memory_space<semaphore_mem>>, %arg16: memref<!tpu.dma_semaphore, #tpu.memory_space<semaphore_mem>>, %arg17: memref<!tpu.dma_semaphore, #tpu.memory_space<semaphore_mem>>, %arg18: memref<!tpu.dma_semaphore, #tpu.memory_space<semaphore_mem>>) attributes {dimension_semantics = [#tpu.dimension_semantics<core_parallel>, #tpu.dimension_semantics<subcore_parallel>], iteration_bounds = array<i64: 2, 16>, scalar_prefetch = 0 : i64, scratch_operands = 13 : i64, tpu.core_type = #tpu.core_type<sc_vector_subcore>, window_params = [{transform_indices = #map}, {transform_indices = #map1}, {transform_indices = #map1}, {transform_indices = #map2}]} {
    %mul3A = arith.constant 16 : i32
    %mul3A_0 = arith.muli %arg0, %mul3A : i32
    %add3A = arith.addi %mul3A_0, %arg1 : i32
    "tpu.region"() ({
      %run_scoped3A_221 = tpu.sem_alloc : memref<!tpu.dma_semaphore, #tpu.memory_space<semaphore_mem>>
      %dma_start3A_222 = arith.constant 0 : i32
      %dma_start3A_223 = arith.constant 0 : i32
      %dma_start3A_224 = tpu.memref_slice %arg3[%add3A, %dma_start3A_222, %dma_start3A_223] : memref<32x80x125xi32, #tpu.memory_space<hbm>> -> memref<1x80x125xi32, #tpu.memory_space<hbm>>
      %dma_start3A_225 = tpu.memref_squeeze %dma_start3A_224 : memref<1x80x125xi32, #tpu.memory_space<hbm>> -> memref<80x125xi32, #tpu.memory_space<hbm>>
      %dma_start3A_226 = arith.constant 0 : i32
      %dma_start3A_227 = arith.constant 0 : i32
      %dma_start3A_228 = tpu.memref_slice %arg3[%add3A, %dma_start3A_226, %dma_start3A_227] : memref<32x80x125xi32, #tpu.memory_space<hbm>> -> memref<1x80x125xi32, #tpu.memory_space<hbm>>
      %dma_start3A_229 = tpu.memref_squeeze %dma_start3A_228 : memref<1x80x125xi32, #tpu.memory_space<hbm>> -> memref<80x125xi32, #tpu.memory_space<hbm>>
      tpu.enqueue_dma source(%dma_start3A_229 : memref<80x125xi32, #tpu.memory_space<hbm>>) target(%arg6 : memref<80x125xi32, #tpu.memory_space<vmem>>) target_semaphore(%run_scoped3A_221 : memref<!tpu.dma_semaphore, #tpu.memory_space<semaphore_mem>>)
      %dma_wait3A_230 = arith.constant 0 : i32
      %dma_wait3A_231 = arith.constant 0 : i32
      %dma_wait3A_232 = tpu.memref_slice %arg3[%add3A, %dma_wait3A_230, %dma_wait3A_231] : memref<32x80x125xi32, #tpu.memory_space<hbm>> -> memref<1x80x125xi32, #tpu.memory_space<hbm>>
      %dma_wait3A_233 = tpu.memref_squeeze %dma_wait3A_232 : memref<1x80x125xi32, #tpu.memory_space<hbm>> -> memref<80x125xi32, #tpu.memory_space<hbm>>
      %dma_wait3A_234 = arith.constant 0 : i32
      %dma_wait3A_235 = arith.constant 0 : i32
      %dma_wait3A_236 = tpu.memref_slice %arg3[%add3A, %dma_wait3A_234, %dma_wait3A_235] : memref<32x80x125xi32, #tpu.memory_space<hbm>> -> memref<1x80x125xi32, #tpu.memory_space<hbm>>
      %dma_wait3A_237 = tpu.memref_squeeze %dma_wait3A_236 : memref<1x80x125xi32, #tpu.memory_space<hbm>> -> memref<80x125xi32, #tpu.memory_space<hbm>>
      tpu.wait_dma2 semaphore(%run_scoped3A_221 : memref<!tpu.dma_semaphore, #tpu.memory_space<semaphore_mem>>) src(%dma_wait3A_237 : memref<80x125xi32, #tpu.memory_space<hbm>>) dst(%arg6 : memref<80x125xi32, #tpu.memory_space<vmem>>)
      tpu.yield
    }) : () -> ()
    "tpu.region"() ({
      %run_scoped3A_221 = tpu.sem_alloc : memref<!tpu.dma_semaphore, #tpu.memory_space<semaphore_mem>>
      %dma_start3A_222 = arith.constant 0 : i32
      %dma_start3A_223 = arith.constant 0 : i32
      %dma_start3A_224 = tpu.memref_slice %arg4[%add3A, %dma_start3A_222, %dma_start3A_223] : memref<32x80x125xi32, #tpu.memory_space<hbm>> -> memref<1x80x125xi32, #tpu.memory_space<hbm>>
      %dma_start3A_225 = tpu.memref_squeeze %dma_start3A_224 : memref<1x80x125xi32, #tpu.memory_space<hbm>> -> memref<80x125xi32, #tpu.memory_space<hbm>>
      %dma_start3A_226 = arith.constant 0 : i32
      %dma_start3A_227 = arith.constant 0 : i32
      %dma_start3A_228 = tpu.memref_slice %arg4[%add3A, %dma_start3A_226, %dma_start3A_227] : memref<32x80x125xi32, #tpu.memory_space<hbm>> -> memref<1x80x125xi32, #tpu.memory_space<hbm>>
      %dma_start3A_229 = tpu.memref_squeeze %dma_start3A_228 : memref<1x80x125xi32, #tpu.memory_space<hbm>> -> memref<80x125xi32, #tpu.memory_space<hbm>>
      tpu.enqueue_dma source(%dma_start3A_229 : memref<80x125xi32, #tpu.memory_space<hbm>>) target(%arg7 : memref<80x125xi32, #tpu.memory_space<vmem>>) target_semaphore(%run_scoped3A_221 : memref<!tpu.dma_semaphore, #tpu.memory_space<semaphore_mem>>)
      %dma_wait3A_230 = arith.constant 0 : i32
      %dma_wait3A_231 = arith.constant 0 : i32
      %dma_wait3A_232 = tpu.memref_slice %arg4[%add3A, %dma_wait3A_230, %dma_wait3A_231] : memref<32x80x125xi32, #tpu.memory_space<hbm>> -> memref<1x80x125xi32, #tpu.memory_space<hbm>>
      %dma_wait3A_233 = tpu.memref_squeeze %dma_wait3A_232 : memref<1x80x125xi32, #tpu.memory_space<hbm>> -> memref<80x125xi32, #tpu.memory_space<hbm>>
      %dma_wait3A_234 = arith.constant 0 : i32
      %dma_wait3A_235 = arith.constant 0 : i32
      %dma_wait3A_236 = tpu.memref_slice %arg4[%add3A, %dma_wait3A_234, %dma_wait3A_235] : memref<32x80x125xi32, #tpu.memory_space<hbm>> -> memref<1x80x125xi32, #tpu.memory_space<hbm>>
      %dma_wait3A_237 = tpu.memref_squeeze %dma_wait3A_236 : memref<1x80x125xi32, #tpu.memory_space<hbm>> -> memref<80x125xi32, #tpu.memory_space<hbm>>
      tpu.wait_dma2 semaphore(%run_scoped3A_221 : memref<!tpu.dma_semaphore, #tpu.memory_space<semaphore_mem>>) src(%dma_wait3A_237 : memref<80x125xi32, #tpu.memory_space<hbm>>) dst(%arg7 : memref<80x125xi32, #tpu.memory_space<vmem>>)
      tpu.yield
    }) : () -> ()
    %broadcast_in_dim3A = arith.constant 0.000000e+00 : f32
    %broadcast_in_dim3A_1 = vector.broadcast %broadcast_in_dim3A : f32 to vector<16xf32>
    %scan3A = arith.constant 0 : i32
    %scan3A_2 = arith.constant 640 : i32
    %scan3A_3 = arith.addi %scan3A, %scan3A_2 : i32
    %scan3A_4 = arith.constant 1 : i32
    scf.for %scan3A_221 = %scan3A to %scan3A_3 step %scan3A_4  : i32 {
      %mul3A_222 = arith.constant 1 : i32
      %mul3A_223 = arith.muli %scan3A_221, %mul3A_222 : i32
      %add3A_224 = arith.constant 0 : i32
      %add3A_225 = arith.addi %add3A_224, %mul3A_223 : i32
      %swap3A = arith.index_cast %add3A_225 : i32 to index
      %swap3A_226 = arith.constant 0 : index
      %swap3A_227 = tpu.vector_load %arg9[%swap3A, %swap3A_226] {strides = array<i32>} : memref<640x16xf32, #tpu.memory_space<vmem>>, vector<1x16xf32>,
      %swap3A_228 = vector.shape_cast %swap3A_227 : vector<1x16xf32> to vector<16xf32>
      %swap3A_229 = vector.shape_cast %broadcast_in_dim3A_1 : vector<16xf32> to vector<1x16xf32>
      tpu.vector_store %arg9[%swap3A, %swap3A_226], %swap3A_229 {strides = array<i32>} : memref<640x16xf32, #tpu.memory_space<vmem>>, vector<1x16xf32>,
    }
    %scan3A_5 = arith.constant 640 : i32
    %mul3A_6 = arith.constant 640 : i32
    %mul3A_7 = arith.muli %arg1, %mul3A_6 : i32
    "tpu.region"() ({
      %run_scoped3A_221 = tpu.sem_alloc : memref<!tpu.dma_semaphore, #tpu.memory_space<semaphore_mem>>
      %dma_start3A_222 = arith.constant 0 : i32
      %dma_start3A_223 = tpu.memref_slice %arg10[%mul3A_7, %dma_start3A_222] : memref<10240x16xf32, #tpu.memory_space<vmem_shared>> -> memref<640x16xf32, #tpu.memory_space<vmem_shared>>
      %dma_start3A_224 = arith.constant 0 : i32
      %dma_start3A_225 = tpu.memref_slice %arg10[%mul3A_7, %dma_start3A_224] : memref<10240x16xf32, #tpu.memory_space<vmem_shared>> -> memref<640x16xf32, #tpu.memory_space<vmem_shared>>
      tpu.enqueue_dma source(%arg9 : memref<640x16xf32, #tpu.memory_space<vmem>>) target(%dma_start3A_225 : memref<640x16xf32, #tpu.memory_space<vmem_shared>>) target_semaphore(%run_scoped3A_221 : memref<!tpu.dma_semaphore, #tpu.memory_space<semaphore_mem>>)
      %dma_wait3A_226 = arith.constant 0 : i32
      %dma_wait3A_227 = tpu.memref_slice %arg10[%mul3A_7, %dma_wait3A_226] : memref<10240x16xf32, #tpu.memory_space<vmem_shared>> -> memref<640x16xf32, #tpu.memory_space<vmem_shared>>
      %dma_wait3A_228 = arith.constant 0 : i32
      %dma_wait3A_229 = tpu.memref_slice %arg10[%mul3A_7, %dma_wait3A_228] : memref<10240x16xf32, #tpu.memory_space<vmem_shared>> -> memref<640x16xf32, #tpu.memory_space<vmem_shared>>
      tpu.wait_dma2 semaphore(%run_scoped3A_221 : memref<!tpu.dma_semaphore, #tpu.memory_space<semaphore_mem>>) src(%arg9 : memref<640x16xf32, #tpu.memory_space<vmem>>) dst(%dma_wait3A_229 : memref<640x16xf32, #tpu.memory_space<vmem_shared>>)
      tpu.yield
    }) : () -> ()
    %barrier3A = arith.constant 0 : index
    tpu.barrier barrier_id(%barrier3A)
    %dma_start3A = arith.constant 0 : i32
    %dma_start3A_8 = arith.constant 0 : i32
    %dma_start3A_9 = arith.constant 0 : i32
    %dma_start3A_10 = arith.constant 0 : i32
    %dma_start3A_11 = tpu.memref_slice %arg8[%dma_start3A_8, %dma_start3A_9, %dma_start3A_10] : memref<8x125x16xf32, #tpu.memory_space<vmem>> -> memref<1x125x16xf32, #tpu.memory_space<vmem>>
    %dma_start3A_12 = tpu.memref_squeeze %dma_start3A_11 : memref<1x125x16xf32, #tpu.memory_space<vmem>> -> memref<125x16xf32, #tpu.memory_space<vmem>>
    %dma_start3A_13 = arith.constant 0 : i32
    %dma_start3A_14 = tpu.memref_slice %arg6[%dma_start3A, %dma_start3A_13] : memref<80x125xi32, #tpu.memory_space<vmem>> -> memref<1x125xi32, #tpu.memory_space<vmem>>
    %dma_start3A_15 = tpu.memref_squeeze %dma_start3A_14 : memref<1x125xi32, #tpu.memory_space<vmem>> -> memref<125xi32, #tpu.memory_space<vmem>>
    %dma_start3A_16 = arith.constant 0 : i32
    %dma_start3A_17 = arith.constant 0 : i32
    %dma_start3A_18 = tpu.memref_slice %arg2[%dma_start3A_16, %dma_start3A_17] : memref<10000x16xf32, #tpu.memory_space<hbm>> -> memref<10000x16xf32, #tpu.memory_space<hbm>>
    tpu.enqueue_indirect_dma source(%dma_start3A_18 : memref<10000x16xf32, #tpu.memory_space<hbm>>) target(%dma_start3A_12 : memref<125x16xf32, #tpu.memory_space<vmem>>) offsets(%dma_start3A_15 : memref<125xi32, #tpu.memory_space<vmem>>) semaphore(%arg11 : memref<!tpu.dma_semaphore, #tpu.memory_space<semaphore_mem>>)
    %dma_start3A_19 = arith.constant 1 : i32
    %dma_start3A_20 = arith.constant 1 : i32
    %dma_start3A_21 = arith.constant 0 : i32
    %dma_start3A_22 = arith.constant 0 : i32
    %dma_start3A_23 = tpu.memref_slice %arg8[%dma_start3A_20, %dma_start3A_21, %dma_start3A_22] : memref<8x125x16xf32, #tpu.memory_space<vmem>> -> memref<1x125x16xf32, #tpu.memory_space<vmem>>
    %dma_start3A_24 = tpu.memref_squeeze %dma_start3A_23 : memref<1x125x16xf32, #tpu.memory_space<vmem>> -> memref<125x16xf32, #tpu.memory_space<vmem>>
    %dma_start3A_25 = arith.constant 0 : i32
    %dma_start3A_26 = tpu.memref_slice %arg6[%dma_start3A_19, %dma_start3A_25] : memref<80x125xi32, #tpu.memory_space<vmem>> -> memref<1x125xi32, #tpu.memory_space<vmem>>
    %dma_start3A_27 = tpu.memref_squeeze %dma_start3A_26 : memref<1x125xi32, #tpu.memory_space<vmem>> -> memref<125xi32, #tpu.memory_space<vmem>>
    %dma_start3A_28 = arith.constant 0 : i32
    %dma_start3A_29 = arith.constant 0 : i32
    %dma_start3A_30 = tpu.memref_slice %arg2[%dma_start3A_28, %dma_start3A_29] : memref<10000x16xf32, #tpu.memory_space<hbm>> -> memref<10000x16xf32, #tpu.memory_space<hbm>>
    tpu.enqueue_indirect_dma source(%dma_start3A_30 : memref<10000x16xf32, #tpu.memory_space<hbm>>) target(%dma_start3A_24 : memref<125x16xf32, #tpu.memory_space<vmem>>) offsets(%dma_start3A_27 : memref<125xi32, #tpu.memory_space<vmem>>) semaphore(%arg12 : memref<!tpu.dma_semaphore, #tpu.memory_space<semaphore_mem>>)
    %dma_start3A_31 = arith.constant 2 : i32
    %dma_start3A_32 = arith.constant 2 : i32
    %dma_start3A_33 = arith.constant 0 : i32
    %dma_start3A_34 = arith.constant 0 : i32
    %dma_start3A_35 = tpu.memref_slice %arg8[%dma_start3A_32, %dma_start3A_33, %dma_start3A_34] : memref<8x125x16xf32, #tpu.memory_space<vmem>> -> memref<1x125x16xf32, #tpu.memory_space<vmem>>
    %dma_start3A_36 = tpu.memref_squeeze %dma_start3A_35 : memref<1x125x16xf32, #tpu.memory_space<vmem>> -> memref<125x16xf32, #tpu.memory_space<vmem>>
    %dma_start3A_37 = arith.constant 0 : i32
    %dma_start3A_38 = tpu.memref_slice %arg6[%dma_start3A_31, %dma_start3A_37] : memref<80x125xi32, #tpu.memory_space<vmem>> -> memref<1x125xi32, #tpu.memory_space<vmem>>
    %dma_start3A_39 = tpu.memref_squeeze %dma_start3A_38 : memref<1x125xi32, #tpu.memory_space<vmem>> -> memref<125xi32, #tpu.memory_space<vmem>>
    %dma_start3A_40 = arith.constant 0 : i32
    %dma_start3A_41 = arith.constant 0 : i32
    %dma_start3A_42 = tpu.memref_slice %arg2[%dma_start3A_40, %dma_start3A_41] : memref<10000x16xf32, #tpu.memory_space<hbm>> -> memref<10000x16xf32, #tpu.memory_space<hbm>>
    tpu.enqueue_indirect_dma source(%dma_start3A_42 : memref<10000x16xf32, #tpu.memory_space<hbm>>) target(%dma_start3A_36 : memref<125x16xf32, #tpu.memory_space<vmem>>) offsets(%dma_start3A_39 : memref<125xi32, #tpu.memory_space<vmem>>) semaphore(%arg13 : memref<!tpu.dma_semaphore, #tpu.memory_space<semaphore_mem>>)
    %dma_start3A_43 = arith.constant 3 : i32
    %dma_start3A_44 = arith.constant 3 : i32
    %dma_start3A_45 = arith.constant 0 : i32
    %dma_start3A_46 = arith.constant 0 : i32
    %dma_start3A_47 = tpu.memref_slice %arg8[%dma_start3A_44, %dma_start3A_45, %dma_start3A_46] : memref<8x125x16xf32, #tpu.memory_space<vmem>> -> memref<1x125x16xf32, #tpu.memory_space<vmem>>
    %dma_start3A_48 = tpu.memref_squeeze %dma_start3A_47 : memref<1x125x16xf32, #tpu.memory_space<vmem>> -> memref<125x16xf32, #tpu.memory_space<vmem>>
    %dma_start3A_49 = arith.constant 0 : i32
    %dma_start3A_50 = tpu.memref_slice %arg6[%dma_start3A_43, %dma_start3A_49] : memref<80x125xi32, #tpu.memory_space<vmem>> -> memref<1x125xi32, #tpu.memory_space<vmem>>
    %dma_start3A_51 = tpu.memref_squeeze %dma_start3A_50 : memref<1x125xi32, #tpu.memory_space<vmem>> -> memref<125xi32, #tpu.memory_space<vmem>>
    %dma_start3A_52 = arith.constant 0 : i32
    %dma_start3A_53 = arith.constant 0 : i32
    %dma_start3A_54 = tpu.memref_slice %arg2[%dma_start3A_52, %dma_start3A_53] : memref<10000x16xf32, #tpu.memory_space<hbm>> -> memref<10000x16xf32, #tpu.memory_space<hbm>>
    tpu.enqueue_indirect_dma source(%dma_start3A_54 : memref<10000x16xf32, #tpu.memory_space<hbm>>) target(%dma_start3A_48 : memref<125x16xf32, #tpu.memory_space<vmem>>) offsets(%dma_start3A_51 : memref<125xi32, #tpu.memory_space<vmem>>) semaphore(%arg14 : memref<!tpu.dma_semaphore, #tpu.memory_space<semaphore_mem>>)
    %dma_start3A_55 = arith.constant 4 : i32
    %dma_start3A_56 = arith.constant 4 : i32
    %dma_start3A_57 = arith.constant 0 : i32
    %dma_start3A_58 = arith.constant 0 : i32
    %dma_start3A_59 = tpu.memref_slice %arg8[%dma_start3A_56, %dma_start3A_57, %dma_start3A_58] : memref<8x125x16xf32, #tpu.memory_space<vmem>> -> memref<1x125x16xf32, #tpu.memory_space<vmem>>
    %dma_start3A_60 = tpu.memref_squeeze %dma_start3A_59 : memref<1x125x16xf32, #tpu.memory_space<vmem>> -> memref<125x16xf32, #tpu.memory_space<vmem>>
    %dma_start3A_61 = arith.constant 0 : i32
    %dma_start3A_62 = tpu.memref_slice %arg6[%dma_start3A_55, %dma_start3A_61] : memref<80x125xi32, #tpu.memory_space<vmem>> -> memref<1x125xi32, #tpu.memory_space<vmem>>
    %dma_start3A_63 = tpu.memref_squeeze %dma_start3A_62 : memref<1x125xi32, #tpu.memory_space<vmem>> -> memref<125xi32, #tpu.memory_space<vmem>>
    %dma_start3A_64 = arith.constant 0 : i32
    %dma_start3A_65 = arith.constant 0 : i32
    %dma_start3A_66 = tpu.memref_slice %arg2[%dma_start3A_64, %dma_start3A_65] : memref<10000x16xf32, #tpu.memory_space<hbm>> -> memref<10000x16xf32, #tpu.memory_space<hbm>>
    tpu.enqueue_indirect_dma source(%dma_start3A_66 : memref<10000x16xf32, #tpu.memory_space<hbm>>) target(%dma_start3A_60 : memref<125x16xf32, #tpu.memory_space<vmem>>) offsets(%dma_start3A_63 : memref<125xi32, #tpu.memory_space<vmem>>) semaphore(%arg15 : memref<!tpu.dma_semaphore, #tpu.memory_space<semaphore_mem>>)
    %dma_start3A_67 = arith.constant 5 : i32
    %dma_start3A_68 = arith.constant 5 : i32
    %dma_start3A_69 = arith.constant 0 : i32
    %dma_start3A_70 = arith.constant 0 : i32
    %dma_start3A_71 = tpu.memref_slice %arg8[%dma_start3A_68, %dma_start3A_69, %dma_start3A_70] : memref<8x125x16xf32, #tpu.memory_space<vmem>> -> memref<1x125x16xf32, #tpu.memory_space<vmem>>
    %dma_start3A_72 = tpu.memref_squeeze %dma_start3A_71 : memref<1x125x16xf32, #tpu.memory_space<vmem>> -> memref<125x16xf32, #tpu.memory_space<vmem>>
    %dma_start3A_73 = arith.constant 0 : i32
    %dma_start3A_74 = tpu.memref_slice %arg6[%dma_start3A_67, %dma_start3A_73] : memref<80x125xi32, #tpu.memory_space<vmem>> -> memref<1x125xi32, #tpu.memory_space<vmem>>
    %dma_start3A_75 = tpu.memref_squeeze %dma_start3A_74 : memref<1x125xi32, #tpu.memory_space<vmem>> -> memref<125xi32, #tpu.memory_space<vmem>>
    %dma_start3A_76 = arith.constant 0 : i32
    %dma_start3A_77 = arith.constant 0 : i32
    %dma_start3A_78 = tpu.memref_slice %arg2[%dma_start3A_76, %dma_start3A_77] : memref<10000x16xf32, #tpu.memory_space<hbm>> -> memref<10000x16xf32, #tpu.memory_space<hbm>>
    tpu.enqueue_indirect_dma source(%dma_start3A_78 : memref<10000x16xf32, #tpu.memory_space<hbm>>) target(%dma_start3A_72 : memref<125x16xf32, #tpu.memory_space<vmem>>) offsets(%dma_start3A_75 : memref<125xi32, #tpu.memory_space<vmem>>) semaphore(%arg16 : memref<!tpu.dma_semaphore, #tpu.memory_space<semaphore_mem>>)
    %dma_start3A_79 = arith.constant 6 : i32
    %dma_start3A_80 = arith.constant 6 : i32
    %dma_start3A_81 = arith.constant 0 : i32
    %dma_start3A_82 = arith.constant 0 : i32
    %dma_start3A_83 = tpu.memref_slice %arg8[%dma_start3A_80, %dma_start3A_81, %dma_start3A_82] : memref<8x125x16xf32, #tpu.memory_space<vmem>> -> memref<1x125x16xf32, #tpu.memory_space<vmem>>
    %dma_start3A_84 = tpu.memref_squeeze %dma_start3A_83 : memref<1x125x16xf32, #tpu.memory_space<vmem>> -> memref<125x16xf32, #tpu.memory_space<vmem>>
    %dma_start3A_85 = arith.constant 0 : i32
    %dma_start3A_86 = tpu.memref_slice %arg6[%dma_start3A_79, %dma_start3A_85] : memref<80x125xi32, #tpu.memory_space<vmem>> -> memref<1x125xi32, #tpu.memory_space<vmem>>
    %dma_start3A_87 = tpu.memref_squeeze %dma_start3A_86 : memref<1x125xi32, #tpu.memory_space<vmem>> -> memref<125xi32, #tpu.memory_space<vmem>>
    %dma_start3A_88 = arith.constant 0 : i32
    %dma_start3A_89 = arith.constant 0 : i32
    %dma_start3A_90 = tpu.memref_slice %arg2[%dma_start3A_88, %dma_start3A_89] : memref<10000x16xf32, #tpu.memory_space<hbm>> -> memref<10000x16xf32, #tpu.memory_space<hbm>>
    tpu.enqueue_indirect_dma source(%dma_start3A_90 : memref<10000x16xf32, #tpu.memory_space<hbm>>) target(%dma_start3A_84 : memref<125x16xf32, #tpu.memory_space<vmem>>) offsets(%dma_start3A_87 : memref<125xi32, #tpu.memory_space<vmem>>) semaphore(%arg17 : memref<!tpu.dma_semaphore, #tpu.memory_space<semaphore_mem>>)
    %dma_start3A_91 = arith.constant 7 : i32
    %dma_start3A_92 = arith.constant 7 : i32
    %dma_start3A_93 = arith.constant 0 : i32
    %dma_start3A_94 = arith.constant 0 : i32
    %dma_start3A_95 = tpu.memref_slice %arg8[%dma_start3A_92, %dma_start3A_93, %dma_start3A_94] : memref<8x125x16xf32, #tpu.memory_space<vmem>> -> memref<1x125x16xf32, #tpu.memory_space<vmem>>
    %dma_start3A_96 = tpu.memref_squeeze %dma_start3A_95 : memref<1x125x16xf32, #tpu.memory_space<vmem>> -> memref<125x16xf32, #tpu.memory_space<vmem>>
    %dma_start3A_97 = arith.constant 0 : i32
    %dma_start3A_98 = tpu.memref_slice %arg6[%dma_start3A_91, %dma_start3A_97] : memref<80x125xi32, #tpu.memory_space<vmem>> -> memref<1x125xi32, #tpu.memory_space<vmem>>
    %dma_start3A_99 = tpu.memref_squeeze %dma_start3A_98 : memref<1x125xi32, #tpu.memory_space<vmem>> -> memref<125xi32, #tpu.memory_space<vmem>>
    %dma_start3A_100 = arith.constant 0 : i32
    %dma_start3A_101 = arith.constant 0 : i32
    %dma_start3A_102 = tpu.memref_slice %arg2[%dma_start3A_100, %dma_start3A_101] : memref<10000x16xf32, #tpu.memory_space<hbm>> -> memref<10000x16xf32, #tpu.memory_space<hbm>>
    tpu.enqueue_indirect_dma source(%dma_start3A_102 : memref<10000x16xf32, #tpu.memory_space<hbm>>) target(%dma_start3A_96 : memref<125x16xf32, #tpu.memory_space<vmem>>) offsets(%dma_start3A_99 : memref<125xi32, #tpu.memory_space<vmem>>) semaphore(%arg18 : memref<!tpu.dma_semaphore, #tpu.memory_space<semaphore_mem>>)
    %scan3A_103 = arith.constant 0 : i32
    %scan3A_104 = arith.constant 9 : i32
    %scan3A_105 = arith.addi %scan3A_103, %scan3A_104 : i32
    %scan3A_106 = arith.constant 1 : i32
    scf.for %scan3A_221 = %scan3A_103 to %scan3A_105 step %scan3A_106  : i32 {
      %mul3A_222 = arith.constant 1 : i32
      %mul3A_223 = arith.muli %scan3A_221, %mul3A_222 : i32
      %add3A_224 = arith.constant 0 : i32
      %add3A_225 = arith.addi %add3A_224, %mul3A_223 : i32
      %mul3A_226 = arith.constant 8 : i32
      %mul3A_227 = arith.muli %add3A_225, %mul3A_226 : i32
      %add3A_228 = arith.constant 0 : i32
      %add3A_229 = arith.addi %mul3A_227, %add3A_228 : i32
      %dma_wait3A_230 = arith.constant 0 : i32
      %dma_wait3A_231 = arith.constant 0 : i32
      %dma_wait3A_232 = arith.constant 0 : i32
      %dma_wait3A_233 = tpu.memref_slice %arg8[%dma_wait3A_230, %dma_wait3A_231, %dma_wait3A_232] : memref<8x125x16xf32, #tpu.memory_space<vmem>> -> memref<1x125x16xf32, #tpu.memory_space<vmem>>
      %dma_wait3A_234 = tpu.memref_squeeze %dma_wait3A_233 : memref<1x125x16xf32, #tpu.memory_space<vmem>> -> memref<125x16xf32, #tpu.memory_space<vmem>>
      %dma_wait3A_235 = arith.constant 0 : i32
      %dma_wait3A_236 = tpu.memref_slice %arg6[%add3A_229, %dma_wait3A_235] : memref<80x125xi32, #tpu.memory_space<vmem>> -> memref<1x125xi32, #tpu.memory_space<vmem>>
      %dma_wait3A_237 = tpu.memref_squeeze %dma_wait3A_236 : memref<1x125xi32, #tpu.memory_space<vmem>> -> memref<125xi32, #tpu.memory_space<vmem>>
      %dma_wait3A_238 = arith.constant 0 : i32
      %dma_wait3A_239 = arith.constant 0 : i32
      %dma_wait3A_240 = tpu.memref_slice %arg2[%dma_wait3A_238, %dma_wait3A_239] : memref<10000x16xf32, #tpu.memory_space<hbm>> -> memref<10000x16xf32, #tpu.memory_space<hbm>>
      tpu.wait_indirect_dma semaphore(%arg11 : memref<!tpu.dma_semaphore, #tpu.memory_space<semaphore_mem>>) src(%dma_wait3A_240 : memref<10000x16xf32, #tpu.memory_space<hbm>>) dst(%dma_wait3A_234 : memref<125x16xf32, #tpu.memory_space<vmem>>)
      %run_scoped3A_241 = arith.constant 0 : i32
      "tpu.region"() ({
        %run_scoped3A_444 = tpu.sem_alloc : memref<!tpu.dma_semaphore, #tpu.memory_space<semaphore_mem>>
        %dma_start3A_445 = arith.constant 0 : i32
        %dma_start3A_446 = arith.constant 0 : i32
        %dma_start3A_447 = tpu.memref_slice %arg8[%run_scoped3A_241, %dma_start3A_445, %dma_start3A_446] : memref<8x125x16xf32, #tpu.memory_space<vmem>> -> memref<1x125x16xf32, #tpu.memory_space<vmem>>
        %dma_start3A_448 = tpu.memref_squeeze %dma_start3A_447 : memref<1x125x16xf32, #tpu.memory_space<vmem>> -> memref<125x16xf32, #tpu.memory_space<vmem>>
        %dma_start3A_449 = arith.constant 0 : i32
        %dma_start3A_450 = tpu.memref_slice %arg7[%add3A_229, %dma_start3A_449] : memref<80x125xi32, #tpu.memory_space<vmem>> -> memref<1x125xi32, #tpu.memory_space<vmem>>
        %dma_start3A_451 = tpu.memref_squeeze %dma_start3A_450 : memref<1x125xi32, #tpu.memory_space<vmem>> -> memref<125xi32, #tpu.memory_space<vmem>>
        %dma_start3A_452 = arith.constant 0 : i32
        %dma_start3A_453 = arith.constant 0 : i32
        %dma_start3A_454 = tpu.memref_slice %arg10[%dma_start3A_452, %dma_start3A_453] : memref<10240x16xf32, #tpu.memory_space<vmem_shared>> -> memref<10240x16xf32, #tpu.memory_space<vmem_shared>>
        tpu.enqueue_indirect_dma source(%dma_start3A_448 : memref<125x16xf32, #tpu.memory_space<vmem>>) target(%dma_start3A_454 : memref<10240x16xf32, #tpu.memory_space<vmem_shared>>) offsets(%dma_start3A_451 : memref<125xi32, #tpu.memory_space<vmem>>) semaphore(%run_scoped3A_444 : memref<!tpu.dma_semaphore, #tpu.memory_space<semaphore_mem>>) {add = true}
        %dma_wait3A_455 = arith.constant 0 : i32
        %dma_wait3A_456 = arith.constant 0 : i32
        %dma_wait3A_457 = tpu.memref_slice %arg8[%run_scoped3A_241, %dma_wait3A_455, %dma_wait3A_456] : memref<8x125x16xf32, #tpu.memory_space<vmem>> -> memref<1x125x16xf32, #tpu.memory_space<vmem>>
        %dma_wait3A_458 = tpu.memref_squeeze %dma_wait3A_457 : memref<1x125x16xf32, #tpu.memory_space<vmem>> -> memref<125x16xf32, #tpu.memory_space<vmem>>
        %dma_wait3A_459 = arith.constant 0 : i32
        %dma_wait3A_460 = tpu.memref_slice %arg7[%add3A_229, %dma_wait3A_459] : memref<80x125xi32, #tpu.memory_space<vmem>> -> memref<1x125xi32, #tpu.memory_space<vmem>>
        %dma_wait3A_461 = tpu.memref_squeeze %dma_wait3A_460 : memref<1x125xi32, #tpu.memory_space<vmem>> -> memref<125xi32, #tpu.memory_space<vmem>>
        %dma_wait3A_462 = arith.constant 0 : i32
        %dma_wait3A_463 = arith.constant 0 : i32
        %dma_wait3A_464 = tpu.memref_slice %arg10[%dma_wait3A_462, %dma_wait3A_463] : memref<10240x16xf32, #tpu.memory_space<vmem_shared>> -> memref<10240x16xf32, #tpu.memory_space<vmem_shared>>
        tpu.wait_indirect_dma semaphore(%run_scoped3A_444 : memref<!tpu.dma_semaphore, #tpu.memory_space<semaphore_mem>>) src(%dma_wait3A_458 : memref<125x16xf32, #tpu.memory_space<vmem>>) dst(%dma_wait3A_464 : memref<10240x16xf32, #tpu.memory_space<vmem_shared>>)
        tpu.yield
      }) : () -> ()
      %add3A_242 = arith.constant 8 : i32
      %add3A_243 = arith.addi %add3A_229, %add3A_242 : i32
      %dma_start3A_244 = arith.constant 0 : i32
      %dma_start3A_245 = arith.constant 0 : i32
      %dma_start3A_246 = arith.constant 0 : i32
      %dma_start3A_247 = tpu.memref_slice %arg8[%dma_start3A_244, %dma_start3A_245, %dma_start3A_246] : memref<8x125x16xf32, #tpu.memory_space<vmem>> -> memref<1x125x16xf32, #tpu.memory_space<vmem>>
      %dma_start3A_248 = tpu.memref_squeeze %dma_start3A_247 : memref<1x125x16xf32, #tpu.memory_space<vmem>> -> memref<125x16xf32, #tpu.memory_space<vmem>>
      %dma_start3A_249 = arith.constant 0 : i32
      %dma_start3A_250 = tpu.memref_slice %arg6[%add3A_243, %dma_start3A_249] : memref<80x125xi32, #tpu.memory_space<vmem>> -> memref<1x125xi32, #tpu.memory_space<vmem>>
      %dma_start3A_251 = tpu.memref_squeeze %dma_start3A_250 : memref<1x125xi32, #tpu.memory_space<vmem>> -> memref<125xi32, #tpu.memory_space<vmem>>
      %dma_start3A_252 = arith.constant 0 : i32
      %dma_start3A_253 = arith.constant 0 : i32
      %dma_start3A_254 = tpu.memref_slice %arg2[%dma_start3A_252, %dma_start3A_253] : memref<10000x16xf32, #tpu.memory_space<hbm>> -> memref<10000x16xf32, #tpu.memory_space<hbm>>
      tpu.enqueue_indirect_dma source(%dma_start3A_254 : memref<10000x16xf32, #tpu.memory_space<hbm>>) target(%dma_start3A_248 : memref<125x16xf32, #tpu.memory_space<vmem>>) offsets(%dma_start3A_251 : memref<125xi32, #tpu.memory_space<vmem>>) semaphore(%arg11 : memref<!tpu.dma_semaphore, #tpu.memory_space<semaphore_mem>>)
      %add3A_255 = arith.constant 1 : i32
      %add3A_256 = arith.addi %mul3A_227, %add3A_255 : i32
      %dma_wait3A_257 = arith.constant 1 : i32
      %dma_wait3A_258 = arith.constant 0 : i32
      %dma_wait3A_259 = arith.constant 0 : i32
      %dma_wait3A_260 = tpu.memref_slice %arg8[%dma_wait3A_257, %dma_wait3A_258, %dma_wait3A_259] : memref<8x125x16xf32, #tpu.memory_space<vmem>> -> memref<1x125x16xf32, #tpu.memory_space<vmem>>
      %dma_wait3A_261 = tpu.memref_squeeze %dma_wait3A_260 : memref<1x125x16xf32, #tpu.memory_space<vmem>> -> memref<125x16xf32, #tpu.memory_space<vmem>>
      %dma_wait3A_262 = arith.constant 0 : i32
      %dma_wait3A_263 = tpu.memref_slice %arg6[%add3A_256, %dma_wait3A_262] : memref<80x125xi32, #tpu.memory_space<vmem>> -> memref<1x125xi32, #tpu.memory_space<vmem>>
      %dma_wait3A_264 = tpu.memref_squeeze %dma_wait3A_263 : memref<1x125xi32, #tpu.memory_space<vmem>> -> memref<125xi32, #tpu.memory_space<vmem>>
      %dma_wait3A_265 = arith.constant 0 : i32
      %dma_wait3A_266 = arith.constant 0 : i32
      %dma_wait3A_267 = tpu.memref_slice %arg2[%dma_wait3A_265, %dma_wait3A_266] : memref<10000x16xf32, #tpu.memory_space<hbm>> -> memref<10000x16xf32, #tpu.memory_space<hbm>>
      tpu.wait_indirect_dma semaphore(%arg12 : memref<!tpu.dma_semaphore, #tpu.memory_space<semaphore_mem>>) src(%dma_wait3A_267 : memref<10000x16xf32, #tpu.memory_space<hbm>>) dst(%dma_wait3A_261 : memref<125x16xf32, #tpu.memory_space<vmem>>)
      %run_scoped3A_268 = arith.constant 1 : i32
      "tpu.region"() ({
        %run_scoped3A_444 = tpu.sem_alloc : memref<!tpu.dma_semaphore, #tpu.memory_space<semaphore_mem>>
        %dma_start3A_445 = arith.constant 0 : i32
        %dma_start3A_446 = arith.constant 0 : i32
        %dma_start3A_447 = tpu.memref_slice %arg8[%run_scoped3A_268, %dma_start3A_445, %dma_start3A_446] : memref<8x125x16xf32, #tpu.memory_space<vmem>> -> memref<1x125x16xf32, #tpu.memory_space<vmem>>
        %dma_start3A_448 = tpu.memref_squeeze %dma_start3A_447 : memref<1x125x16xf32, #tpu.memory_space<vmem>> -> memref<125x16xf32, #tpu.memory_space<vmem>>
        %dma_start3A_449 = arith.constant 0 : i32
        %dma_start3A_450 = tpu.memref_slice %arg7[%add3A_256, %dma_start3A_449] : memref<80x125xi32, #tpu.memory_space<vmem>> -> memref<1x125xi32, #tpu.memory_space<vmem>>
        %dma_start3A_451 = tpu.memref_squeeze %dma_start3A_450 : memref<1x125xi32, #tpu.memory_space<vmem>> -> memref<125xi32, #tpu.memory_space<vmem>>
        %dma_start3A_452 = arith.constant 0 : i32
        %dma_start3A_453 = arith.constant 0 : i32
        %dma_start3A_454 = tpu.memref_slice %arg10[%dma_start3A_452, %dma_start3A_453] : memref<10240x16xf32, #tpu.memory_space<vmem_shared>> -> memref<10240x16xf32, #tpu.memory_space<vmem_shared>>
        tpu.enqueue_indirect_dma source(%dma_start3A_448 : memref<125x16xf32, #tpu.memory_space<vmem>>) target(%dma_start3A_454 : memref<10240x16xf32, #tpu.memory_space<vmem_shared>>) offsets(%dma_start3A_451 : memref<125xi32, #tpu.memory_space<vmem>>) semaphore(%run_scoped3A_444 : memref<!tpu.dma_semaphore, #tpu.memory_space<semaphore_mem>>) {add = true}
        %dma_wait3A_455 = arith.constant 0 : i32
        %dma_wait3A_456 = arith.constant 0 : i32
        %dma_wait3A_457 = tpu.memref_slice %arg8[%run_scoped3A_268, %dma_wait3A_455, %dma_wait3A_456] : memref<8x125x16xf32, #tpu.memory_space<vmem>> -> memref<1x125x16xf32, #tpu.memory_space<vmem>>
        %dma_wait3A_458 = tpu.memref_squeeze %dma_wait3A_457 : memref<1x125x16xf32, #tpu.memory_space<vmem>> -> memref<125x16xf32, #tpu.memory_space<vmem>>
        %dma_wait3A_459 = arith.constant 0 : i32
        %dma_wait3A_460 = tpu.memref_slice %arg7[%add3A_256, %dma_wait3A_459] : memref<80x125xi32, #tpu.memory_space<vmem>> -> memref<1x125xi32, #tpu.memory_space<vmem>>
        %dma_wait3A_461 = tpu.memref_squeeze %dma_wait3A_460 : memref<1x125xi32, #tpu.memory_space<vmem>> -> memref<125xi32, #tpu.memory_space<vmem>>
        %dma_wait3A_462 = arith.constant 0 : i32
        %dma_wait3A_463 = arith.constant 0 : i32
        %dma_wait3A_464 = tpu.memref_slice %arg10[%dma_wait3A_462, %dma_wait3A_463] : memref<10240x16xf32, #tpu.memory_space<vmem_shared>> -> memref<10240x16xf32, #tpu.memory_space<vmem_shared>>
        tpu.wait_indirect_dma semaphore(%run_scoped3A_444 : memref<!tpu.dma_semaphore, #tpu.memory_space<semaphore_mem>>) src(%dma_wait3A_458 : memref<125x16xf32, #tpu.memory_space<vmem>>) dst(%dma_wait3A_464 : memref<10240x16xf32, #tpu.memory_space<vmem_shared>>)
        tpu.yield
      }) : () -> ()
      %add3A_269 = arith.constant 8 : i32
      %add3A_270 = arith.addi %add3A_256, %add3A_269 : i32
      %dma_start3A_271 = arith.constant 1 : i32
      %dma_start3A_272 = arith.constant 0 : i32
      %dma_start3A_273 = arith.constant 0 : i32
      %dma_start3A_274 = tpu.memref_slice %arg8[%dma_start3A_271, %dma_start3A_272, %dma_start3A_273] : memref<8x125x16xf32, #tpu.memory_space<vmem>> -> memref<1x125x16xf32, #tpu.memory_space<vmem>>
      %dma_start3A_275 = tpu.memref_squeeze %dma_start3A_274 : memref<1x125x16xf32, #tpu.memory_space<vmem>> -> memref<125x16xf32, #tpu.memory_space<vmem>>
      %dma_start3A_276 = arith.constant 0 : i32
      %dma_start3A_277 = tpu.memref_slice %arg6[%add3A_270, %dma_start3A_276] : memref<80x125xi32, #tpu.memory_space<vmem>> -> memref<1x125xi32, #tpu.memory_space<vmem>>
      %dma_start3A_278 = tpu.memref_squeeze %dma_start3A_277 : memref<1x125xi32, #tpu.memory_space<vmem>> -> memref<125xi32, #tpu.memory_space<vmem>>
      %dma_start3A_279 = arith.constant 0 : i32
      %dma_start3A_280 = arith.constant 0 : i32
      %dma_start3A_281 = tpu.memref_slice %arg2[%dma_start3A_279, %dma_start3A_280] : memref<10000x16xf32, #tpu.memory_space<hbm>> -> memref<10000x16xf32, #tpu.memory_space<hbm>>
      tpu.enqueue_indirect_dma source(%dma_start3A_281 : memref<10000x16xf32, #tpu.memory_space<hbm>>) target(%dma_start3A_275 : memref<125x16xf32, #tpu.memory_space<vmem>>) offsets(%dma_start3A_278 : memref<125xi32, #tpu.memory_space<vmem>>) semaphore(%arg12 : memref<!tpu.dma_semaphore, #tpu.memory_space<semaphore_mem>>)
      %add3A_282 = arith.constant 2 : i32
      %add3A_283 = arith.addi %mul3A_227, %add3A_282 : i32
      %dma_wait3A_284 = arith.constant 2 : i32
      %dma_wait3A_285 = arith.constant 0 : i32
      %dma_wait3A_286 = arith.constant 0 : i32
      %dma_wait3A_287 = tpu.memref_slice %arg8[%dma_wait3A_284, %dma_wait3A_285, %dma_wait3A_286] : memref<8x125x16xf32, #tpu.memory_space<vmem>> -> memref<1x125x16xf32, #tpu.memory_space<vmem>>
      %dma_wait3A_288 = tpu.memref_squeeze %dma_wait3A_287 : memref<1x125x16xf32, #tpu.memory_space<vmem>> -> memref<125x16xf32, #tpu.memory_space<vmem>>
      %dma_wait3A_289 = arith.constant 0 : i32
      %dma_wait3A_290 = tpu.memref_slice %arg6[%add3A_283, %dma_wait3A_289] : memref<80x125xi32, #tpu.memory_space<vmem>> -> memref<1x125xi32, #tpu.memory_space<vmem>>
      %dma_wait3A_291 = tpu.memref_squeeze %dma_wait3A_290 : memref<1x125xi32, #tpu.memory_space<vmem>> -> memref<125xi32, #tpu.memory_space<vmem>>
      %dma_wait3A_292 = arith.constant 0 : i32
      %dma_wait3A_293 = arith.constant 0 : i32
      %dma_wait3A_294 = tpu.memref_slice %arg2[%dma_wait3A_292, %dma_wait3A_293] : memref<10000x16xf32, #tpu.memory_space<hbm>> -> memref<10000x16xf32, #tpu.memory_space<hbm>>
      tpu.wait_indirect_dma semaphore(%arg13 : memref<!tpu.dma_semaphore, #tpu.memory_space<semaphore_mem>>) src(%dma_wait3A_294 : memref<10000x16xf32, #tpu.memory_space<hbm>>) dst(%dma_wait3A_288 : memref<125x16xf32, #tpu.memory_space<vmem>>)
      %run_scoped3A_295 = arith.constant 2 : i32
      "tpu.region"() ({
        %run_scoped3A_444 = tpu.sem_alloc : memref<!tpu.dma_semaphore, #tpu.memory_space<semaphore_mem>>
        %dma_start3A_445 = arith.constant 0 : i32
        %dma_start3A_446 = arith.constant 0 : i32
        %dma_start3A_447 = tpu.memref_slice %arg8[%run_scoped3A_295, %dma_start3A_445, %dma_start3A_446] : memref<8x125x16xf32, #tpu.memory_space<vmem>> -> memref<1x125x16xf32, #tpu.memory_space<vmem>>
        %dma_start3A_448 = tpu.memref_squeeze %dma_start3A_447 : memref<1x125x16xf32, #tpu.memory_space<vmem>> -> memref<125x16xf32, #tpu.memory_space<vmem>>
        %dma_start3A_449 = arith.constant 0 : i32
        %dma_start3A_450 = tpu.memref_slice %arg7[%add3A_283, %dma_start3A_449] : memref<80x125xi32, #tpu.memory_space<vmem>> -> memref<1x125xi32, #tpu.memory_space<vmem>>
        %dma_start3A_451 = tpu.memref_squeeze %dma_start3A_450 : memref<1x125xi32, #tpu.memory_space<vmem>> -> memref<125xi32, #tpu.memory_space<vmem>>
        %dma_start3A_452 = arith.constant 0 : i32
        %dma_start3A_453 = arith.constant 0 : i32
        %dma_start3A_454 = tpu.memref_slice %arg10[%dma_start3A_452, %dma_start3A_453] : memref<10240x16xf32, #tpu.memory_space<vmem_shared>> -> memref<10240x16xf32, #tpu.memory_space<vmem_shared>>
        tpu.enqueue_indirect_dma source(%dma_start3A_448 : memref<125x16xf32, #tpu.memory_space<vmem>>) target(%dma_start3A_454 : memref<10240x16xf32, #tpu.memory_space<vmem_shared>>) offsets(%dma_start3A_451 : memref<125xi32, #tpu.memory_space<vmem>>) semaphore(%run_scoped3A_444 : memref<!tpu.dma_semaphore, #tpu.memory_space<semaphore_mem>>) {add = true}
        %dma_wait3A_455 = arith.constant 0 : i32
        %dma_wait3A_456 = arith.constant 0 : i32
        %dma_wait3A_457 = tpu.memref_slice %arg8[%run_scoped3A_295, %dma_wait3A_455, %dma_wait3A_456] : memref<8x125x16xf32, #tpu.memory_space<vmem>> -> memref<1x125x16xf32, #tpu.memory_space<vmem>>
        %dma_wait3A_458 = tpu.memref_squeeze %dma_wait3A_457 : memref<1x125x16xf32, #tpu.memory_space<vmem>> -> memref<125x16xf32, #tpu.memory_space<vmem>>
        %dma_wait3A_459 = arith.constant 0 : i32
        %dma_wait3A_460 = tpu.memref_slice %arg7[%add3A_283, %dma_wait3A_459] : memref<80x125xi32, #tpu.memory_space<vmem>> -> memref<1x125xi32, #tpu.memory_space<vmem>>
        %dma_wait3A_461 = tpu.memref_squeeze %dma_wait3A_460 : memref<1x125xi32, #tpu.memory_space<vmem>> -> memref<125xi32, #tpu.memory_space<vmem>>
        %dma_wait3A_462 = arith.constant 0 : i32
        %dma_wait3A_463 = arith.constant 0 : i32
        %dma_wait3A_464 = tpu.memref_slice %arg10[%dma_wait3A_462, %dma_wait3A_463] : memref<10240x16xf32, #tpu.memory_space<vmem_shared>> -> memref<10240x16xf32, #tpu.memory_space<vmem_shared>>
        tpu.wait_indirect_dma semaphore(%run_scoped3A_444 : memref<!tpu.dma_semaphore, #tpu.memory_space<semaphore_mem>>) src(%dma_wait3A_458 : memref<125x16xf32, #tpu.memory_space<vmem>>) dst(%dma_wait3A_464 : memref<10240x16xf32, #tpu.memory_space<vmem_shared>>)
        tpu.yield
      }) : () -> ()
      %add3A_296 = arith.constant 8 : i32
      %add3A_297 = arith.addi %add3A_283, %add3A_296 : i32
      %dma_start3A_298 = arith.constant 2 : i32
      %dma_start3A_299 = arith.constant 0 : i32
      %dma_start3A_300 = arith.constant 0 : i32
      %dma_start3A_301 = tpu.memref_slice %arg8[%dma_start3A_298, %dma_start3A_299, %dma_start3A_300] : memref<8x125x16xf32, #tpu.memory_space<vmem>> -> memref<1x125x16xf32, #tpu.memory_space<vmem>>
      %dma_start3A_302 = tpu.memref_squeeze %dma_start3A_301 : memref<1x125x16xf32, #tpu.memory_space<vmem>> -> memref<125x16xf32, #tpu.memory_space<vmem>>
      %dma_start3A_303 = arith.constant 0 : i32
      %dma_start3A_304 = tpu.memref_slice %arg6[%add3A_297, %dma_start3A_303] : memref<80x125xi32, #tpu.memory_space<vmem>> -> memref<1x125xi32, #tpu.memory_space<vmem>>
      %dma_start3A_305 = tpu.memref_squeeze %dma_start3A_304 : memref<1x125xi32, #tpu.memory_space<vmem>> -> memref<125xi32, #tpu.memory_space<vmem>>
      %dma_start3A_306 = arith.constant 0 : i32
      %dma_start3A_307 = arith.constant 0 : i32
      %dma_start3A_308 = tpu.memref_slice %arg2[%dma_start3A_306, %dma_start3A_307] : memref<10000x16xf32, #tpu.memory_space<hbm>> -> memref<10000x16xf32, #tpu.memory_space<hbm>>
      tpu.enqueue_indirect_dma source(%dma_start3A_308 : memref<10000x16xf32, #tpu.memory_space<hbm>>) target(%dma_start3A_302 : memref<125x16xf32, #tpu.memory_space<vmem>>) offsets(%dma_start3A_305 : memref<125xi32, #tpu.memory_space<vmem>>) semaphore(%arg13 : memref<!tpu.dma_semaphore, #tpu.memory_space<semaphore_mem>>)
      %add3A_309 = arith.constant 3 : i32
      %add3A_310 = arith.addi %mul3A_227, %add3A_309 : i32
      %dma_wait3A_311 = arith.constant 3 : i32
      %dma_wait3A_312 = arith.constant 0 : i32
      %dma_wait3A_313 = arith.constant 0 : i32
      %dma_wait3A_314 = tpu.memref_slice %arg8[%dma_wait3A_311, %dma_wait3A_312, %dma_wait3A_313] : memref<8x125x16xf32, #tpu.memory_space<vmem>> -> memref<1x125x16xf32, #tpu.memory_space<vmem>>
      %dma_wait3A_315 = tpu.memref_squeeze %dma_wait3A_314 : memref<1x125x16xf32, #tpu.memory_space<vmem>> -> memref<125x16xf32, #tpu.memory_space<vmem>>
      %dma_wait3A_316 = arith.constant 0 : i32
      %dma_wait3A_317 = tpu.memref_slice %arg6[%add3A_310, %dma_wait3A_316] : memref<80x125xi32, #tpu.memory_space<vmem>> -> memref<1x125xi32, #tpu.memory_space<vmem>>
      %dma_wait3A_318 = tpu.memref_squeeze %dma_wait3A_317 : memref<1x125xi32, #tpu.memory_space<vmem>> -> memref<125xi32, #tpu.memory_space<vmem>>
      %dma_wait3A_319 = arith.constant 0 : i32
      %dma_wait3A_320 = arith.constant 0 : i32
      %dma_wait3A_321 = tpu.memref_slice %arg2[%dma_wait3A_319, %dma_wait3A_320] : memref<10000x16xf32, #tpu.memory_space<hbm>> -> memref<10000x16xf32, #tpu.memory_space<hbm>>
      tpu.wait_indirect_dma semaphore(%arg14 : memref<!tpu.dma_semaphore, #tpu.memory_space<semaphore_mem>>) src(%dma_wait3A_321 : memref<10000x16xf32, #tpu.memory_space<hbm>>) dst(%dma_wait3A_315 : memref<125x16xf32, #tpu.memory_space<vmem>>)
      %run_scoped3A_322 = arith.constant 3 : i32
      "tpu.region"() ({
        %run_scoped3A_444 = tpu.sem_alloc : memref<!tpu.dma_semaphore, #tpu.memory_space<semaphore_mem>>
        %dma_start3A_445 = arith.constant 0 : i32
        %dma_start3A_446 = arith.constant 0 : i32
        %dma_start3A_447 = tpu.memref_slice %arg8[%run_scoped3A_322, %dma_start3A_445, %dma_start3A_446] : memref<8x125x16xf32, #tpu.memory_space<vmem>> -> memref<1x125x16xf32, #tpu.memory_space<vmem>>
        %dma_start3A_448 = tpu.memref_squeeze %dma_start3A_447 : memref<1x125x16xf32, #tpu.memory_space<vmem>> -> memref<125x16xf32, #tpu.memory_space<vmem>>
        %dma_start3A_449 = arith.constant 0 : i32
        %dma_start3A_450 = tpu.memref_slice %arg7[%add3A_310, %dma_start3A_449] : memref<80x125xi32, #tpu.memory_space<vmem>> -> memref<1x125xi32, #tpu.memory_space<vmem>>
        %dma_start3A_451 = tpu.memref_squeeze %dma_start3A_450 : memref<1x125xi32, #tpu.memory_space<vmem>> -> memref<125xi32, #tpu.memory_space<vmem>>
        %dma_start3A_452 = arith.constant 0 : i32
        %dma_start3A_453 = arith.constant 0 : i32
        %dma_start3A_454 = tpu.memref_slice %arg10[%dma_start3A_452, %dma_start3A_453] : memref<10240x16xf32, #tpu.memory_space<vmem_shared>> -> memref<10240x16xf32, #tpu.memory_space<vmem_shared>>
        tpu.enqueue_indirect_dma source(%dma_start3A_448 : memref<125x16xf32, #tpu.memory_space<vmem>>) target(%dma_start3A_454 : memref<10240x16xf32, #tpu.memory_space<vmem_shared>>) offsets(%dma_start3A_451 : memref<125xi32, #tpu.memory_space<vmem>>) semaphore(%run_scoped3A_444 : memref<!tpu.dma_semaphore, #tpu.memory_space<semaphore_mem>>) {add = true}
        %dma_wait3A_455 = arith.constant 0 : i32
        %dma_wait3A_456 = arith.constant 0 : i32
        %dma_wait3A_457 = tpu.memref_slice %arg8[%run_scoped3A_322, %dma_wait3A_455, %dma_wait3A_456] : memref<8x125x16xf32, #tpu.memory_space<vmem>> -> memref<1x125x16xf32, #tpu.memory_space<vmem>>
        %dma_wait3A_458 = tpu.memref_squeeze %dma_wait3A_457 : memref<1x125x16xf32, #tpu.memory_space<vmem>> -> memref<125x16xf32, #tpu.memory_space<vmem>>
        %dma_wait3A_459 = arith.constant 0 : i32
        %dma_wait3A_460 = tpu.memref_slice %arg7[%add3A_310, %dma_wait3A_459] : memref<80x125xi32, #tpu.memory_space<vmem>> -> memref<1x125xi32, #tpu.memory_space<vmem>>
        %dma_wait3A_461 = tpu.memref_squeeze %dma_wait3A_460 : memref<1x125xi32, #tpu.memory_space<vmem>> -> memref<125xi32, #tpu.memory_space<vmem>>
        %dma_wait3A_462 = arith.constant 0 : i32
        %dma_wait3A_463 = arith.constant 0 : i32
        %dma_wait3A_464 = tpu.memref_slice %arg10[%dma_wait3A_462, %dma_wait3A_463] : memref<10240x16xf32, #tpu.memory_space<vmem_shared>> -> memref<10240x16xf32, #tpu.memory_space<vmem_shared>>
        tpu.wait_indirect_dma semaphore(%run_scoped3A_444 : memref<!tpu.dma_semaphore, #tpu.memory_space<semaphore_mem>>) src(%dma_wait3A_458 : memref<125x16xf32, #tpu.memory_space<vmem>>) dst(%dma_wait3A_464 : memref<10240x16xf32, #tpu.memory_space<vmem_shared>>)
        tpu.yield
      }) : () -> ()
      %add3A_323 = arith.constant 8 : i32
      %add3A_324 = arith.addi %add3A_310, %add3A_323 : i32
      %dma_start3A_325 = arith.constant 3 : i32
      %dma_start3A_326 = arith.constant 0 : i32
      %dma_start3A_327 = arith.constant 0 : i32
      %dma_start3A_328 = tpu.memref_slice %arg8[%dma_start3A_325, %dma_start3A_326, %dma_start3A_327] : memref<8x125x16xf32, #tpu.memory_space<vmem>> -> memref<1x125x16xf32, #tpu.memory_space<vmem>>
      %dma_start3A_329 = tpu.memref_squeeze %dma_start3A_328 : memref<1x125x16xf32, #tpu.memory_space<vmem>> -> memref<125x16xf32, #tpu.memory_space<vmem>>
      %dma_start3A_330 = arith.constant 0 : i32
      %dma_start3A_331 = tpu.memref_slice %arg6[%add3A_324, %dma_start3A_330] : memref<80x125xi32, #tpu.memory_space<vmem>> -> memref<1x125xi32, #tpu.memory_space<vmem>>
      %dma_start3A_332 = tpu.memref_squeeze %dma_start3A_331 : memref<1x125xi32, #tpu.memory_space<vmem>> -> memref<125xi32, #tpu.memory_space<vmem>>
      %dma_start3A_333 = arith.constant 0 : i32
      %dma_start3A_334 = arith.constant 0 : i32
      %dma_start3A_335 = tpu.memref_slice %arg2[%dma_start3A_333, %dma_start3A_334] : memref<10000x16xf32, #tpu.memory_space<hbm>> -> memref<10000x16xf32, #tpu.memory_space<hbm>>
      tpu.enqueue_indirect_dma source(%dma_start3A_335 : memref<10000x16xf32, #tpu.memory_space<hbm>>) target(%dma_start3A_329 : memref<125x16xf32, #tpu.memory_space<vmem>>) offsets(%dma_start3A_332 : memref<125xi32, #tpu.memory_space<vmem>>) semaphore(%arg14 : memref<!tpu.dma_semaphore, #tpu.memory_space<semaphore_mem>>)
      %add3A_336 = arith.constant 4 : i32
      %add3A_337 = arith.addi %mul3A_227, %add3A_336 : i32
      %dma_wait3A_338 = arith.constant 4 : i32
      %dma_wait3A_339 = arith.constant 0 : i32
      %dma_wait3A_340 = arith.constant 0 : i32
      %dma_wait3A_341 = tpu.memref_slice %arg8[%dma_wait3A_338, %dma_wait3A_339, %dma_wait3A_340] : memref<8x125x16xf32, #tpu.memory_space<vmem>> -> memref<1x125x16xf32, #tpu.memory_space<vmem>>
      %dma_wait3A_342 = tpu.memref_squeeze %dma_wait3A_341 : memref<1x125x16xf32, #tpu.memory_space<vmem>> -> memref<125x16xf32, #tpu.memory_space<vmem>>
      %dma_wait3A_343 = arith.constant 0 : i32
      %dma_wait3A_344 = tpu.memref_slice %arg6[%add3A_337, %dma_wait3A_343] : memref<80x125xi32, #tpu.memory_space<vmem>> -> memref<1x125xi32, #tpu.memory_space<vmem>>
      %dma_wait3A_345 = tpu.memref_squeeze %dma_wait3A_344 : memref<1x125xi32, #tpu.memory_space<vmem>> -> memref<125xi32, #tpu.memory_space<vmem>>
      %dma_wait3A_346 = arith.constant 0 : i32
      %dma_wait3A_347 = arith.constant 0 : i32
      %dma_wait3A_348 = tpu.memref_slice %arg2[%dma_wait3A_346, %dma_wait3A_347] : memref<10000x16xf32, #tpu.memory_space<hbm>> -> memref<10000x16xf32, #tpu.memory_space<hbm>>
      tpu.wait_indirect_dma semaphore(%arg15 : memref<!tpu.dma_semaphore, #tpu.memory_space<semaphore_mem>>) src(%dma_wait3A_348 : memref<10000x16xf32, #tpu.memory_space<hbm>>) dst(%dma_wait3A_342 : memref<125x16xf32, #tpu.memory_space<vmem>>)
      %run_scoped3A_349 = arith.constant 4 : i32
      "tpu.region"() ({
        %run_scoped3A_444 = tpu.sem_alloc : memref<!tpu.dma_semaphore, #tpu.memory_space<semaphore_mem>>
        %dma_start3A_445 = arith.constant 0 : i32
        %dma_start3A_446 = arith.constant 0 : i32
        %dma_start3A_447 = tpu.memref_slice %arg8[%run_scoped3A_349, %dma_start3A_445, %dma_start3A_446] : memref<8x125x16xf32, #tpu.memory_space<vmem>> -> memref<1x125x16xf32, #tpu.memory_space<vmem>>
        %dma_start3A_448 = tpu.memref_squeeze %dma_start3A_447 : memref<1x125x16xf32, #tpu.memory_space<vmem>> -> memref<125x16xf32, #tpu.memory_space<vmem>>
        %dma_start3A_449 = arith.constant 0 : i32
        %dma_start3A_450 = tpu.memref_slice %arg7[%add3A_337, %dma_start3A_449] : memref<80x125xi32, #tpu.memory_space<vmem>> -> memref<1x125xi32, #tpu.memory_space<vmem>>
        %dma_start3A_451 = tpu.memref_squeeze %dma_start3A_450 : memref<1x125xi32, #tpu.memory_space<vmem>> -> memref<125xi32, #tpu.memory_space<vmem>>
        %dma_start3A_452 = arith.constant 0 : i32
        %dma_start3A_453 = arith.constant 0 : i32
        %dma_start3A_454 = tpu.memref_slice %arg10[%dma_start3A_452, %dma_start3A_453] : memref<10240x16xf32, #tpu.memory_space<vmem_shared>> -> memref<10240x16xf32, #tpu.memory_space<vmem_shared>>
        tpu.enqueue_indirect_dma source(%dma_start3A_448 : memref<125x16xf32, #tpu.memory_space<vmem>>) target(%dma_start3A_454 : memref<10240x16xf32, #tpu.memory_space<vmem_shared>>) offsets(%dma_start3A_451 : memref<125xi32, #tpu.memory_space<vmem>>) semaphore(%run_scoped3A_444 : memref<!tpu.dma_semaphore, #tpu.memory_space<semaphore_mem>>) {add = true}
        %dma_wait3A_455 = arith.constant 0 : i32
        %dma_wait3A_456 = arith.constant 0 : i32
        %dma_wait3A_457 = tpu.memref_slice %arg8[%run_scoped3A_349, %dma_wait3A_455, %dma_wait3A_456] : memref<8x125x16xf32, #tpu.memory_space<vmem>> -> memref<1x125x16xf32, #tpu.memory_space<vmem>>
        %dma_wait3A_458 = tpu.memref_squeeze %dma_wait3A_457 : memref<1x125x16xf32, #tpu.memory_space<vmem>> -> memref<125x16xf32, #tpu.memory_space<vmem>>
        %dma_wait3A_459 = arith.constant 0 : i32
        %dma_wait3A_460 = tpu.memref_slice %arg7[%add3A_337, %dma_wait3A_459] : memref<80x125xi32, #tpu.memory_space<vmem>> -> memref<1x125xi32, #tpu.memory_space<vmem>>
        %dma_wait3A_461 = tpu.memref_squeeze %dma_wait3A_460 : memref<1x125xi32, #tpu.memory_space<vmem>> -> memref<125xi32, #tpu.memory_space<vmem>>
        %dma_wait3A_462 = arith.constant 0 : i32
        %dma_wait3A_463 = arith.constant 0 : i32
        %dma_wait3A_464 = tpu.memref_slice %arg10[%dma_wait3A_462, %dma_wait3A_463] : memref<10240x16xf32, #tpu.memory_space<vmem_shared>> -> memref<10240x16xf32, #tpu.memory_space<vmem_shared>>
        tpu.wait_indirect_dma semaphore(%run_scoped3A_444 : memref<!tpu.dma_semaphore, #tpu.memory_space<semaphore_mem>>) src(%dma_wait3A_458 : memref<125x16xf32, #tpu.memory_space<vmem>>) dst(%dma_wait3A_464 : memref<10240x16xf32, #tpu.memory_space<vmem_shared>>)
        tpu.yield
      }) : () -> ()
      %add3A_350 = arith.constant 8 : i32
      %add3A_351 = arith.addi %add3A_337, %add3A_350 : i32
      %dma_start3A_352 = arith.constant 4 : i32
      %dma_start3A_353 = arith.constant 0 : i32
      %dma_start3A_354 = arith.constant 0 : i32
      %dma_start3A_355 = tpu.memref_slice %arg8[%dma_start3A_352, %dma_start3A_353, %dma_start3A_354] : memref<8x125x16xf32, #tpu.memory_space<vmem>> -> memref<1x125x16xf32, #tpu.memory_space<vmem>>
      %dma_start3A_356 = tpu.memref_squeeze %dma_start3A_355 : memref<1x125x16xf32, #tpu.memory_space<vmem>> -> memref<125x16xf32, #tpu.memory_space<vmem>>
      %dma_start3A_357 = arith.constant 0 : i32
      %dma_start3A_358 = tpu.memref_slice %arg6[%add3A_351, %dma_start3A_357] : memref<80x125xi32, #tpu.memory_space<vmem>> -> memref<1x125xi32, #tpu.memory_space<vmem>>
      %dma_start3A_359 = tpu.memref_squeeze %dma_start3A_358 : memref<1x125xi32, #tpu.memory_space<vmem>> -> memref<125xi32, #tpu.memory_space<vmem>>
      %dma_start3A_360 = arith.constant 0 : i32
      %dma_start3A_361 = arith.constant 0 : i32
      %dma_start3A_362 = tpu.memref_slice %arg2[%dma_start3A_360, %dma_start3A_361] : memref<10000x16xf32, #tpu.memory_space<hbm>> -> memref<10000x16xf32, #tpu.memory_space<hbm>>
      tpu.enqueue_indirect_dma source(%dma_start3A_362 : memref<10000x16xf32, #tpu.memory_space<hbm>>) target(%dma_start3A_356 : memref<125x16xf32, #tpu.memory_space<vmem>>) offsets(%dma_start3A_359 : memref<125xi32, #tpu.memory_space<vmem>>) semaphore(%arg15 : memref<!tpu.dma_semaphore, #tpu.memory_space<semaphore_mem>>)
      %add3A_363 = arith.constant 5 : i32
      %add3A_364 = arith.addi %mul3A_227, %add3A_363 : i32
      %dma_wait3A_365 = arith.constant 5 : i32
      %dma_wait3A_366 = arith.constant 0 : i32
      %dma_wait3A_367 = arith.constant 0 : i32
      %dma_wait3A_368 = tpu.memref_slice %arg8[%dma_wait3A_365, %dma_wait3A_366, %dma_wait3A_367] : memref<8x125x16xf32, #tpu.memory_space<vmem>> -> memref<1x125x16xf32, #tpu.memory_space<vmem>>
      %dma_wait3A_369 = tpu.memref_squeeze %dma_wait3A_368 : memref<1x125x16xf32, #tpu.memory_space<vmem>> -> memref<125x16xf32, #tpu.memory_space<vmem>>
      %dma_wait3A_370 = arith.constant 0 : i32
      %dma_wait3A_371 = tpu.memref_slice %arg6[%add3A_364, %dma_wait3A_370] : memref<80x125xi32, #tpu.memory_space<vmem>> -> memref<1x125xi32, #tpu.memory_space<vmem>>
      %dma_wait3A_372 = tpu.memref_squeeze %dma_wait3A_371 : memref<1x125xi32, #tpu.memory_space<vmem>> -> memref<125xi32, #tpu.memory_space<vmem>>
      %dma_wait3A_373 = arith.constant 0 : i32
      %dma_wait3A_374 = arith.constant 0 : i32
      %dma_wait3A_375 = tpu.memref_slice %arg2[%dma_wait3A_373, %dma_wait3A_374] : memref<10000x16xf32, #tpu.memory_space<hbm>> -> memref<10000x16xf32, #tpu.memory_space<hbm>>
      tpu.wait_indirect_dma semaphore(%arg16 : memref<!tpu.dma_semaphore, #tpu.memory_space<semaphore_mem>>) src(%dma_wait3A_375 : memref<10000x16xf32, #tpu.memory_space<hbm>>) dst(%dma_wait3A_369 : memref<125x16xf32, #tpu.memory_space<vmem>>)
      %run_scoped3A_376 = arith.constant 5 : i32
      "tpu.region"() ({
        %run_scoped3A_444 = tpu.sem_alloc : memref<!tpu.dma_semaphore, #tpu.memory_space<semaphore_mem>>
        %dma_start3A_445 = arith.constant 0 : i32
        %dma_start3A_446 = arith.constant 0 : i32
        %dma_start3A_447 = tpu.memref_slice %arg8[%run_scoped3A_376, %dma_start3A_445, %dma_start3A_446] : memref<8x125x16xf32, #tpu.memory_space<vmem>> -> memref<1x125x16xf32, #tpu.memory_space<vmem>>
        %dma_start3A_448 = tpu.memref_squeeze %dma_start3A_447 : memref<1x125x16xf32, #tpu.memory_space<vmem>> -> memref<125x16xf32, #tpu.memory_space<vmem>>
        %dma_start3A_449 = arith.constant 0 : i32
        %dma_start3A_450 = tpu.memref_slice %arg7[%add3A_364, %dma_start3A_449] : memref<80x125xi32, #tpu.memory_space<vmem>> -> memref<1x125xi32, #tpu.memory_space<vmem>>
        %dma_start3A_451 = tpu.memref_squeeze %dma_start3A_450 : memref<1x125xi32, #tpu.memory_space<vmem>> -> memref<125xi32, #tpu.memory_space<vmem>>
        %dma_start3A_452 = arith.constant 0 : i32
        %dma_start3A_453 = arith.constant 0 : i32
        %dma_start3A_454 = tpu.memref_slice %arg10[%dma_start3A_452, %dma_start3A_453] : memref<10240x16xf32, #tpu.memory_space<vmem_shared>> -> memref<10240x16xf32, #tpu.memory_space<vmem_shared>>
        tpu.enqueue_indirect_dma source(%dma_start3A_448 : memref<125x16xf32, #tpu.memory_space<vmem>>) target(%dma_start3A_454 : memref<10240x16xf32, #tpu.memory_space<vmem_shared>>) offsets(%dma_start3A_451 : memref<125xi32, #tpu.memory_space<vmem>>) semaphore(%run_scoped3A_444 : memref<!tpu.dma_semaphore, #tpu.memory_space<semaphore_mem>>) {add = true}
        %dma_wait3A_455 = arith.constant 0 : i32
        %dma_wait3A_456 = arith.constant 0 : i32
        %dma_wait3A_457 = tpu.memref_slice %arg8[%run_scoped3A_376, %dma_wait3A_455, %dma_wait3A_456] : memref<8x125x16xf32, #tpu.memory_space<vmem>> -> memref<1x125x16xf32, #tpu.memory_space<vmem>>
        %dma_wait3A_458 = tpu.memref_squeeze %dma_wait3A_457 : memref<1x125x16xf32, #tpu.memory_space<vmem>> -> memref<125x16xf32, #tpu.memory_space<vmem>>
        %dma_wait3A_459 = arith.constant 0 : i32
        %dma_wait3A_460 = tpu.memref_slice %arg7[%add3A_364, %dma_wait3A_459] : memref<80x125xi32, #tpu.memory_space<vmem>> -> memref<1x125xi32, #tpu.memory_space<vmem>>
        %dma_wait3A_461 = tpu.memref_squeeze %dma_wait3A_460 : memref<1x125xi32, #tpu.memory_space<vmem>> -> memref<125xi32, #tpu.memory_space<vmem>>
        %dma_wait3A_462 = arith.constant 0 : i32
        %dma_wait3A_463 = arith.constant 0 : i32
        %dma_wait3A_464 = tpu.memref_slice %arg10[%dma_wait3A_462, %dma_wait3A_463] : memref<10240x16xf32, #tpu.memory_space<vmem_shared>> -> memref<10240x16xf32, #tpu.memory_space<vmem_shared>>
        tpu.wait_indirect_dma semaphore(%run_scoped3A_444 : memref<!tpu.dma_semaphore, #tpu.memory_space<semaphore_mem>>) src(%dma_wait3A_458 : memref<125x16xf32, #tpu.memory_space<vmem>>) dst(%dma_wait3A_464 : memref<10240x16xf32, #tpu.memory_space<vmem_shared>>)
        tpu.yield
      }) : () -> ()
      %add3A_377 = arith.constant 8 : i32
      %add3A_378 = arith.addi %add3A_364, %add3A_377 : i32
      %dma_start3A_379 = arith.constant 5 : i32
      %dma_start3A_380 = arith.constant 0 : i32
      %dma_start3A_381 = arith.constant 0 : i32
      %dma_start3A_382 = tpu.memref_slice %arg8[%dma_start3A_379, %dma_start3A_380, %dma_start3A_381] : memref<8x125x16xf32, #tpu.memory_space<vmem>> -> memref<1x125x16xf32, #tpu.memory_space<vmem>>
      %dma_start3A_383 = tpu.memref_squeeze %dma_start3A_382 : memref<1x125x16xf32, #tpu.memory_space<vmem>> -> memref<125x16xf32, #tpu.memory_space<vmem>>
      %dma_start3A_384 = arith.constant 0 : i32
      %dma_start3A_385 = tpu.memref_slice %arg6[%add3A_378, %dma_start3A_384] : memref<80x125xi32, #tpu.memory_space<vmem>> -> memref<1x125xi32, #tpu.memory_space<vmem>>
      %dma_start3A_386 = tpu.memref_squeeze %dma_start3A_385 : memref<1x125xi32, #tpu.memory_space<vmem>> -> memref<125xi32, #tpu.memory_space<vmem>>
      %dma_start3A_387 = arith.constant 0 : i32
      %dma_start3A_388 = arith.constant 0 : i32
      %dma_start3A_389 = tpu.memref_slice %arg2[%dma_start3A_387, %dma_start3A_388] : memref<10000x16xf32, #tpu.memory_space<hbm>> -> memref<10000x16xf32, #tpu.memory_space<hbm>>
      tpu.enqueue_indirect_dma source(%dma_start3A_389 : memref<10000x16xf32, #tpu.memory_space<hbm>>) target(%dma_start3A_383 : memref<125x16xf32, #tpu.memory_space<vmem>>) offsets(%dma_start3A_386 : memref<125xi32, #tpu.memory_space<vmem>>) semaphore(%arg16 : memref<!tpu.dma_semaphore, #tpu.memory_space<semaphore_mem>>)
      %add3A_390 = arith.constant 6 : i32
      %add3A_391 = arith.addi %mul3A_227, %add3A_390 : i32
      %dma_wait3A_392 = arith.constant 6 : i32
      %dma_wait3A_393 = arith.constant 0 : i32
      %dma_wait3A_394 = arith.constant 0 : i32
      %dma_wait3A_395 = tpu.memref_slice %arg8[%dma_wait3A_392, %dma_wait3A_393, %dma_wait3A_394] : memref<8x125x16xf32, #tpu.memory_space<vmem>> -> memref<1x125x16xf32, #tpu.memory_space<vmem>>
      %dma_wait3A_396 = tpu.memref_squeeze %dma_wait3A_395 : memref<1x125x16xf32, #tpu.memory_space<vmem>> -> memref<125x16xf32, #tpu.memory_space<vmem>>
      %dma_wait3A_397 = arith.constant 0 : i32
      %dma_wait3A_398 = tpu.memref_slice %arg6[%add3A_391, %dma_wait3A_397] : memref<80x125xi32, #tpu.memory_space<vmem>> -> memref<1x125xi32, #tpu.memory_space<vmem>>
      %dma_wait3A_399 = tpu.memref_squeeze %dma_wait3A_398 : memref<1x125xi32, #tpu.memory_space<vmem>> -> memref<125xi32, #tpu.memory_space<vmem>>
      %dma_wait3A_400 = arith.constant 0 : i32
      %dma_wait3A_401 = arith.constant 0 : i32
      %dma_wait3A_402 = tpu.memref_slice %arg2[%dma_wait3A_400, %dma_wait3A_401] : memref<10000x16xf32, #tpu.memory_space<hbm>> -> memref<10000x16xf32, #tpu.memory_space<hbm>>
      tpu.wait_indirect_dma semaphore(%arg17 : memref<!tpu.dma_semaphore, #tpu.memory_space<semaphore_mem>>) src(%dma_wait3A_402 : memref<10000x16xf32, #tpu.memory_space<hbm>>) dst(%dma_wait3A_396 : memref<125x16xf32, #tpu.memory_space<vmem>>)
      %run_scoped3A_403 = arith.constant 6 : i32
      "tpu.region"() ({
        %run_scoped3A_444 = tpu.sem_alloc : memref<!tpu.dma_semaphore, #tpu.memory_space<semaphore_mem>>
        %dma_start3A_445 = arith.constant 0 : i32
        %dma_start3A_446 = arith.constant 0 : i32
        %dma_start3A_447 = tpu.memref_slice %arg8[%run_scoped3A_403, %dma_start3A_445, %dma_start3A_446] : memref<8x125x16xf32, #tpu.memory_space<vmem>> -> memref<1x125x16xf32, #tpu.memory_space<vmem>>
        %dma_start3A_448 = tpu.memref_squeeze %dma_start3A_447 : memref<1x125x16xf32, #tpu.memory_space<vmem>> -> memref<125x16xf32, #tpu.memory_space<vmem>>
        %dma_start3A_449 = arith.constant 0 : i32
        %dma_start3A_450 = tpu.memref_slice %arg7[%add3A_391, %dma_start3A_449] : memref<80x125xi32, #tpu.memory_space<vmem>> -> memref<1x125xi32, #tpu.memory_space<vmem>>
        %dma_start3A_451 = tpu.memref_squeeze %dma_start3A_450 : memref<1x125xi32, #tpu.memory_space<vmem>> -> memref<125xi32, #tpu.memory_space<vmem>>
        %dma_start3A_452 = arith.constant 0 : i32
        %dma_start3A_453 = arith.constant 0 : i32
        %dma_start3A_454 = tpu.memref_slice %arg10[%dma_start3A_452, %dma_start3A_453] : memref<10240x16xf32, #tpu.memory_space<vmem_shared>> -> memref<10240x16xf32, #tpu.memory_space<vmem_shared>>
        tpu.enqueue_indirect_dma source(%dma_start3A_448 : memref<125x16xf32, #tpu.memory_space<vmem>>) target(%dma_start3A_454 : memref<10240x16xf32, #tpu.memory_space<vmem_shared>>) offsets(%dma_start3A_451 : memref<125xi32, #tpu.memory_space<vmem>>) semaphore(%run_scoped3A_444 : memref<!tpu.dma_semaphore, #tpu.memory_space<semaphore_mem>>) {add = true}
        %dma_wait3A_455 = arith.constant 0 : i32
        %dma_wait3A_456 = arith.constant 0 : i32
        %dma_wait3A_457 = tpu.memref_slice %arg8[%run_scoped3A_403, %dma_wait3A_455, %dma_wait3A_456] : memref<8x125x16xf32, #tpu.memory_space<vmem>> -> memref<1x125x16xf32, #tpu.memory_space<vmem>>
        %dma_wait3A_458 = tpu.memref_squeeze %dma_wait3A_457 : memref<1x125x16xf32, #tpu.memory_space<vmem>> -> memref<125x16xf32, #tpu.memory_space<vmem>>
        %dma_wait3A_459 = arith.constant 0 : i32
        %dma_wait3A_460 = tpu.memref_slice %arg7[%add3A_391, %dma_wait3A_459] : memref<80x125xi32, #tpu.memory_space<vmem>> -> memref<1x125xi32, #tpu.memory_space<vmem>>
        %dma_wait3A_461 = tpu.memref_squeeze %dma_wait3A_460 : memref<1x125xi32, #tpu.memory_space<vmem>> -> memref<125xi32, #tpu.memory_space<vmem>>
        %dma_wait3A_462 = arith.constant 0 : i32
        %dma_wait3A_463 = arith.constant 0 : i32
        %dma_wait3A_464 = tpu.memref_slice %arg10[%dma_wait3A_462, %dma_wait3A_463] : memref<10240x16xf32, #tpu.memory_space<vmem_shared>> -> memref<10240x16xf32, #tpu.memory_space<vmem_shared>>
        tpu.wait_indirect_dma semaphore(%run_scoped3A_444 : memref<!tpu.dma_semaphore, #tpu.memory_space<semaphore_mem>>) src(%dma_wait3A_458 : memref<125x16xf32, #tpu.memory_space<vmem>>) dst(%dma_wait3A_464 : memref<10240x16xf32, #tpu.memory_space<vmem_shared>>)
        tpu.yield
      }) : () -> ()
      %add3A_404 = arith.constant 8 : i32
      %add3A_405 = arith.addi %add3A_391, %add3A_404 : i32
      %dma_start3A_406 = arith.constant 6 : i32
      %dma_start3A_407 = arith.constant 0 : i32
      %dma_start3A_408 = arith.constant 0 : i32
      %dma_start3A_409 = tpu.memref_slice %arg8[%dma_start3A_406, %dma_start3A_407, %dma_start3A_408] : memref<8x125x16xf32, #tpu.memory_space<vmem>> -> memref<1x125x16xf32, #tpu.memory_space<vmem>>
      %dma_start3A_410 = tpu.memref_squeeze %dma_start3A_409 : memref<1x125x16xf32, #tpu.memory_space<vmem>> -> memref<125x16xf32, #tpu.memory_space<vmem>>
      %dma_start3A_411 = arith.constant 0 : i32
      %dma_start3A_412 = tpu.memref_slice %arg6[%add3A_405, %dma_start3A_411] : memref<80x125xi32, #tpu.memory_space<vmem>> -> memref<1x125xi32, #tpu.memory_space<vmem>>
      %dma_start3A_413 = tpu.memref_squeeze %dma_start3A_412 : memref<1x125xi32, #tpu.memory_space<vmem>> -> memref<125xi32, #tpu.memory_space<vmem>>
      %dma_start3A_414 = arith.constant 0 : i32
      %dma_start3A_415 = arith.constant 0 : i32
      %dma_start3A_416 = tpu.memref_slice %arg2[%dma_start3A_414, %dma_start3A_415] : memref<10000x16xf32, #tpu.memory_space<hbm>> -> memref<10000x16xf32, #tpu.memory_space<hbm>>
      tpu.enqueue_indirect_dma source(%dma_start3A_416 : memref<10000x16xf32, #tpu.memory_space<hbm>>) target(%dma_start3A_410 : memref<125x16xf32, #tpu.memory_space<vmem>>) offsets(%dma_start3A_413 : memref<125xi32, #tpu.memory_space<vmem>>) semaphore(%arg17 : memref<!tpu.dma_semaphore, #tpu.memory_space<semaphore_mem>>)
      %add3A_417 = arith.constant 7 : i32
      %add3A_418 = arith.addi %mul3A_227, %add3A_417 : i32
      %dma_wait3A_419 = arith.constant 7 : i32
      %dma_wait3A_420 = arith.constant 0 : i32
      %dma_wait3A_421 = arith.constant 0 : i32
      %dma_wait3A_422 = tpu.memref_slice %arg8[%dma_wait3A_419, %dma_wait3A_420, %dma_wait3A_421] : memref<8x125x16xf32, #tpu.memory_space<vmem>> -> memref<1x125x16xf32, #tpu.memory_space<vmem>>
      %dma_wait3A_423 = tpu.memref_squeeze %dma_wait3A_422 : memref<1x125x16xf32, #tpu.memory_space<vmem>> -> memref<125x16xf32, #tpu.memory_space<vmem>>
      %dma_wait3A_424 = arith.constant 0 : i32
      %dma_wait3A_425 = tpu.memref_slice %arg6[%add3A_418, %dma_wait3A_424] : memref<80x125xi32, #tpu.memory_space<vmem>> -> memref<1x125xi32, #tpu.memory_space<vmem>>
      %dma_wait3A_426 = tpu.memref_squeeze %dma_wait3A_425 : memref<1x125xi32, #tpu.memory_space<vmem>> -> memref<125xi32, #tpu.memory_space<vmem>>
      %dma_wait3A_427 = arith.constant 0 : i32
      %dma_wait3A_428 = arith.constant 0 : i32
      %dma_wait3A_429 = tpu.memref_slice %arg2[%dma_wait3A_427, %dma_wait3A_428] : memref<10000x16xf32, #tpu.memory_space<hbm>> -> memref<10000x16xf32, #tpu.memory_space<hbm>>
      tpu.wait_indirect_dma semaphore(%arg18 : memref<!tpu.dma_semaphore, #tpu.memory_space<semaphore_mem>>) src(%dma_wait3A_429 : memref<10000x16xf32, #tpu.memory_space<hbm>>) dst(%dma_wait3A_423 : memref<125x16xf32, #tpu.memory_space<vmem>>)
      %run_scoped3A_430 = arith.constant 7 : i32
      "tpu.region"() ({
        %run_scoped3A_444 = tpu.sem_alloc : memref<!tpu.dma_semaphore, #tpu.memory_space<semaphore_mem>>
        %dma_start3A_445 = arith.constant 0 : i32
        %dma_start3A_446 = arith.constant 0 : i32
        %dma_start3A_447 = tpu.memref_slice %arg8[%run_scoped3A_430, %dma_start3A_445, %dma_start3A_446] : memref<8x125x16xf32, #tpu.memory_space<vmem>> -> memref<1x125x16xf32, #tpu.memory_space<vmem>>
        %dma_start3A_448 = tpu.memref_squeeze %dma_start3A_447 : memref<1x125x16xf32, #tpu.memory_space<vmem>> -> memref<125x16xf32, #tpu.memory_space<vmem>>
        %dma_start3A_449 = arith.constant 0 : i32
        %dma_start3A_450 = tpu.memref_slice %arg7[%add3A_418, %dma_start3A_449] : memref<80x125xi32, #tpu.memory_space<vmem>> -> memref<1x125xi32, #tpu.memory_space<vmem>>
        %dma_start3A_451 = tpu.memref_squeeze %dma_start3A_450 : memref<1x125xi32, #tpu.memory_space<vmem>> -> memref<125xi32, #tpu.memory_space<vmem>>
        %dma_start3A_452 = arith.constant 0 : i32
        %dma_start3A_453 = arith.constant 0 : i32
        %dma_start3A_454 = tpu.memref_slice %arg10[%dma_start3A_452, %dma_start3A_453] : memref<10240x16xf32, #tpu.memory_space<vmem_shared>> -> memref<10240x16xf32, #tpu.memory_space<vmem_shared>>
        tpu.enqueue_indirect_dma source(%dma_start3A_448 : memref<125x16xf32, #tpu.memory_space<vmem>>) target(%dma_start3A_454 : memref<10240x16xf32, #tpu.memory_space<vmem_shared>>) offsets(%dma_start3A_451 : memref<125xi32, #tpu.memory_space<vmem>>) semaphore(%run_scoped3A_444 : memref<!tpu.dma_semaphore, #tpu.memory_space<semaphore_mem>>) {add = true}
        %dma_wait3A_455 = arith.constant 0 : i32
        %dma_wait3A_456 = arith.constant 0 : i32
        %dma_wait3A_457 = tpu.memref_slice %arg8[%run_scoped3A_430, %dma_wait3A_455, %dma_wait3A_456] : memref<8x125x16xf32, #tpu.memory_space<vmem>> -> memref<1x125x16xf32, #tpu.memory_space<vmem>>
        %dma_wait3A_458 = tpu.memref_squeeze %dma_wait3A_457 : memref<1x125x16xf32, #tpu.memory_space<vmem>> -> memref<125x16xf32, #tpu.memory_space<vmem>>
        %dma_wait3A_459 = arith.constant 0 : i32
        %dma_wait3A_460 = tpu.memref_slice %arg7[%add3A_418, %dma_wait3A_459] : memref<80x125xi32, #tpu.memory_space<vmem>> -> memref<1x125xi32, #tpu.memory_space<vmem>>
        %dma_wait3A_461 = tpu.memref_squeeze %dma_wait3A_460 : memref<1x125xi32, #tpu.memory_space<vmem>> -> memref<125xi32, #tpu.memory_space<vmem>>
        %dma_wait3A_462 = arith.constant 0 : i32
        %dma_wait3A_463 = arith.constant 0 : i32
        %dma_wait3A_464 = tpu.memref_slice %arg10[%dma_wait3A_462, %dma_wait3A_463] : memref<10240x16xf32, #tpu.memory_space<vmem_shared>> -> memref<10240x16xf32, #tpu.memory_space<vmem_shared>>
        tpu.wait_indirect_dma semaphore(%run_scoped3A_444 : memref<!tpu.dma_semaphore, #tpu.memory_space<semaphore_mem>>) src(%dma_wait3A_458 : memref<125x16xf32, #tpu.memory_space<vmem>>) dst(%dma_wait3A_464 : memref<10240x16xf32, #tpu.memory_space<vmem_shared>>)
        tpu.yield
      }) : () -> ()
      %add3A_431 = arith.constant 8 : i32
      %add3A_432 = arith.addi %add3A_418, %add3A_431 : i32
      %dma_start3A_433 = arith.constant 7 : i32
      %dma_start3A_434 = arith.constant 0 : i32
      %dma_start3A_435 = arith.constant 0 : i32
      %dma_start3A_436 = tpu.memref_slice %arg8[%dma_start3A_433, %dma_start3A_434, %dma_start3A_435] : memref<8x125x16xf32, #tpu.memory_space<vmem>> -> memref<1x125x16xf32, #tpu.memory_space<vmem>>
      %dma_start3A_437 = tpu.memref_squeeze %dma_start3A_436 : memref<1x125x16xf32, #tpu.memory_space<vmem>> -> memref<125x16xf32, #tpu.memory_space<vmem>>
      %dma_start3A_438 = arith.constant 0 : i32
      %dma_start3A_439 = tpu.memref_slice %arg6[%add3A_432, %dma_start3A_438] : memref<80x125xi32, #tpu.memory_space<vmem>> -> memref<1x125xi32, #tpu.memory_space<vmem>>
      %dma_start3A_440 = tpu.memref_squeeze %dma_start3A_439 : memref<1x125xi32, #tpu.memory_space<vmem>> -> memref<125xi32, #tpu.memory_space<vmem>>
      %dma_start3A_441 = arith.constant 0 : i32
      %dma_start3A_442 = arith.constant 0 : i32
      %dma_start3A_443 = tpu.memref_slice %arg2[%dma_start3A_441, %dma_start3A_442] : memref<10000x16xf32, #tpu.memory_space<hbm>> -> memref<10000x16xf32, #tpu.memory_space<hbm>>
      tpu.enqueue_indirect_dma source(%dma_start3A_443 : memref<10000x16xf32, #tpu.memory_space<hbm>>) target(%dma_start3A_437 : memref<125x16xf32, #tpu.memory_space<vmem>>) offsets(%dma_start3A_440 : memref<125xi32, #tpu.memory_space<vmem>>) semaphore(%arg18 : memref<!tpu.dma_semaphore, #tpu.memory_space<semaphore_mem>>)
    }
    %scan3A_107 = arith.constant 9 : i32
    %dma_wait3A = arith.constant 72 : i32
    %dma_wait3A_108 = arith.constant 0 : i32
    %dma_wait3A_109 = arith.constant 0 : i32
    %dma_wait3A_110 = arith.constant 0 : i32
    %dma_wait3A_111 = tpu.memref_slice %arg8[%dma_wait3A_108, %dma_wait3A_109, %dma_wait3A_110] : memref<8x125x16xf32, #tpu.memory_space<vmem>> -> memref<1x125x16xf32, #tpu.memory_space<vmem>>
    %dma_wait3A_112 = tpu.memref_squeeze %dma_wait3A_111 : memref<1x125x16xf32, #tpu.memory_space<vmem>> -> memref<125x16xf32, #tpu.memory_space<vmem>>
    %dma_wait3A_113 = arith.constant 0 : i32
    %dma_wait3A_114 = tpu.memref_slice %arg6[%dma_wait3A, %dma_wait3A_113] : memref<80x125xi32, #tpu.memory_space<vmem>> -> memref<1x125xi32, #tpu.memory_space<vmem>>
    %dma_wait3A_115 = tpu.memref_squeeze %dma_wait3A_114 : memref<1x125xi32, #tpu.memory_space<vmem>> -> memref<125xi32, #tpu.memory_space<vmem>>
    %dma_wait3A_116 = arith.constant 0 : i32
    %dma_wait3A_117 = arith.constant 0 : i32
    %dma_wait3A_118 = tpu.memref_slice %arg2[%dma_wait3A_116, %dma_wait3A_117] : memref<10000x16xf32, #tpu.memory_space<hbm>> -> memref<10000x16xf32, #tpu.memory_space<hbm>>
    tpu.wait_indirect_dma semaphore(%arg11 : memref<!tpu.dma_semaphore, #tpu.memory_space<semaphore_mem>>) src(%dma_wait3A_118 : memref<10000x16xf32, #tpu.memory_space<hbm>>) dst(%dma_wait3A_112 : memref<125x16xf32, #tpu.memory_space<vmem>>)
    %run_scoped3A = arith.constant 0 : i32
    %run_scoped3A_119 = arith.constant 72 : i32
    "tpu.region"() ({
      %run_scoped3A_221 = tpu.sem_alloc : memref<!tpu.dma_semaphore, #tpu.memory_space<semaphore_mem>>
      %dma_start3A_222 = arith.constant 0 : i32
      %dma_start3A_223 = arith.constant 0 : i32
      %dma_start3A_224 = tpu.memref_slice %arg8[%run_scoped3A, %dma_start3A_222, %dma_start3A_223] : memref<8x125x16xf32, #tpu.memory_space<vmem>> -> memref<1x125x16xf32, #tpu.memory_space<vmem>>
      %dma_start3A_225 = tpu.memref_squeeze %dma_start3A_224 : memref<1x125x16xf32, #tpu.memory_space<vmem>> -> memref<125x16xf32, #tpu.memory_space<vmem>>
      %dma_start3A_226 = arith.constant 0 : i32
      %dma_start3A_227 = tpu.memref_slice %arg7[%run_scoped3A_119, %dma_start3A_226] : memref<80x125xi32, #tpu.memory_space<vmem>> -> memref<1x125xi32, #tpu.memory_space<vmem>>
      %dma_start3A_228 = tpu.memref_squeeze %dma_start3A_227 : memref<1x125xi32, #tpu.memory_space<vmem>> -> memref<125xi32, #tpu.memory_space<vmem>>
      %dma_start3A_229 = arith.constant 0 : i32
      %dma_start3A_230 = arith.constant 0 : i32
      %dma_start3A_231 = tpu.memref_slice %arg10[%dma_start3A_229, %dma_start3A_230] : memref<10240x16xf32, #tpu.memory_space<vmem_shared>> -> memref<10240x16xf32, #tpu.memory_space<vmem_shared>>
      tpu.enqueue_indirect_dma source(%dma_start3A_225 : memref<125x16xf32, #tpu.memory_space<vmem>>) target(%dma_start3A_231 : memref<10240x16xf32, #tpu.memory_space<vmem_shared>>) offsets(%dma_start3A_228 : memref<125xi32, #tpu.memory_space<vmem>>) semaphore(%run_scoped3A_221 : memref<!tpu.dma_semaphore, #tpu.memory_space<semaphore_mem>>) {add = true}
      %dma_wait3A_232 = arith.constant 0 : i32
      %dma_wait3A_233 = arith.constant 0 : i32
      %dma_wait3A_234 = tpu.memref_slice %arg8[%run_scoped3A, %dma_wait3A_232, %dma_wait3A_233] : memref<8x125x16xf32, #tpu.memory_space<vmem>> -> memref<1x125x16xf32, #tpu.memory_space<vmem>>
      %dma_wait3A_235 = tpu.memref_squeeze %dma_wait3A_234 : memref<1x125x16xf32, #tpu.memory_space<vmem>> -> memref<125x16xf32, #tpu.memory_space<vmem>>
      %dma_wait3A_236 = arith.constant 0 : i32
      %dma_wait3A_237 = tpu.memref_slice %arg7[%run_scoped3A_119, %dma_wait3A_236] : memref<80x125xi32, #tpu.memory_space<vmem>> -> memref<1x125xi32, #tpu.memory_space<vmem>>
      %dma_wait3A_238 = tpu.memref_squeeze %dma_wait3A_237 : memref<1x125xi32, #tpu.memory_space<vmem>> -> memref<125xi32, #tpu.memory_space<vmem>>
      %dma_wait3A_239 = arith.constant 0 : i32
      %dma_wait3A_240 = arith.constant 0 : i32
      %dma_wait3A_241 = tpu.memref_slice %arg10[%dma_wait3A_239, %dma_wait3A_240] : memref<10240x16xf32, #tpu.memory_space<vmem_shared>> -> memref<10240x16xf32, #tpu.memory_space<vmem_shared>>
      tpu.wait_indirect_dma semaphore(%run_scoped3A_221 : memref<!tpu.dma_semaphore, #tpu.memory_space<semaphore_mem>>) src(%dma_wait3A_235 : memref<125x16xf32, #tpu.memory_space<vmem>>) dst(%dma_wait3A_241 : memref<10240x16xf32, #tpu.memory_space<vmem_shared>>)
      tpu.yield
    }) : () -> ()
    %dma_wait3A_120 = arith.constant 73 : i32
    %dma_wait3A_121 = arith.constant 1 : i32
    %dma_wait3A_122 = arith.constant 0 : i32
    %dma_wait3A_123 = arith.constant 0 : i32
    %dma_wait3A_124 = tpu.memref_slice %arg8[%dma_wait3A_121, %dma_wait3A_122, %dma_wait3A_123] : memref<8x125x16xf32, #tpu.memory_space<vmem>> -> memref<1x125x16xf32, #tpu.memory_space<vmem>>
    %dma_wait3A_125 = tpu.memref_squeeze %dma_wait3A_124 : memref<1x125x16xf32, #tpu.memory_space<vmem>> -> memref<125x16xf32, #tpu.memory_space<vmem>>
    %dma_wait3A_126 = arith.constant 0 : i32
    %dma_wait3A_127 = tpu.memref_slice %arg6[%dma_wait3A_120, %dma_wait3A_126] : memref<80x125xi32, #tpu.memory_space<vmem>> -> memref<1x125xi32, #tpu.memory_space<vmem>>
    %dma_wait3A_128 = tpu.memref_squeeze %dma_wait3A_127 : memref<1x125xi32, #tpu.memory_space<vmem>> -> memref<125xi32, #tpu.memory_space<vmem>>
    %dma_wait3A_129 = arith.constant 0 : i32
    %dma_wait3A_130 = arith.constant 0 : i32
    %dma_wait3A_131 = tpu.memref_slice %arg2[%dma_wait3A_129, %dma_wait3A_130] : memref<10000x16xf32, #tpu.memory_space<hbm>> -> memref<10000x16xf32, #tpu.memory_space<hbm>>
    tpu.wait_indirect_dma semaphore(%arg12 : memref<!tpu.dma_semaphore, #tpu.memory_space<semaphore_mem>>) src(%dma_wait3A_131 : memref<10000x16xf32, #tpu.memory_space<hbm>>) dst(%dma_wait3A_125 : memref<125x16xf32, #tpu.memory_space<vmem>>)
    %run_scoped3A_132 = arith.constant 1 : i32
    %run_scoped3A_133 = arith.constant 73 : i32
    "tpu.region"() ({
      %run_scoped3A_221 = tpu.sem_alloc : memref<!tpu.dma_semaphore, #tpu.memory_space<semaphore_mem>>
      %dma_start3A_222 = arith.constant 0 : i32
      %dma_start3A_223 = arith.constant 0 : i32
      %dma_start3A_224 = tpu.memref_slice %arg8[%run_scoped3A_132, %dma_start3A_222, %dma_start3A_223] : memref<8x125x16xf32, #tpu.memory_space<vmem>> -> memref<1x125x16xf32, #tpu.memory_space<vmem>>
      %dma_start3A_225 = tpu.memref_squeeze %dma_start3A_224 : memref<1x125x16xf32, #tpu.memory_space<vmem>> -> memref<125x16xf32, #tpu.memory_space<vmem>>
      %dma_start3A_226 = arith.constant 0 : i32
      %dma_start3A_227 = tpu.memref_slice %arg7[%run_scoped3A_133, %dma_start3A_226] : memref<80x125xi32, #tpu.memory_space<vmem>> -> memref<1x125xi32, #tpu.memory_space<vmem>>
      %dma_start3A_228 = tpu.memref_squeeze %dma_start3A_227 : memref<1x125xi32, #tpu.memory_space<vmem>> -> memref<125xi32, #tpu.memory_space<vmem>>
      %dma_start3A_229 = arith.constant 0 : i32
      %dma_start3A_230 = arith.constant 0 : i32
      %dma_start3A_231 = tpu.memref_slice %arg10[%dma_start3A_229, %dma_start3A_230] : memref<10240x16xf32, #tpu.memory_space<vmem_shared>> -> memref<10240x16xf32, #tpu.memory_space<vmem_shared>>
      tpu.enqueue_indirect_dma source(%dma_start3A_225 : memref<125x16xf32, #tpu.memory_space<vmem>>) target(%dma_start3A_231 : memref<10240x16xf32, #tpu.memory_space<vmem_shared>>) offsets(%dma_start3A_228 : memref<125xi32, #tpu.memory_space<vmem>>) semaphore(%run_scoped3A_221 : memref<!tpu.dma_semaphore, #tpu.memory_space<semaphore_mem>>) {add = true}
      %dma_wait3A_232 = arith.constant 0 : i32
      %dma_wait3A_233 = arith.constant 0 : i32
      %dma_wait3A_234 = tpu.memref_slice %arg8[%run_scoped3A_132, %dma_wait3A_232, %dma_wait3A_233] : memref<8x125x16xf32, #tpu.memory_space<vmem>> -> memref<1x125x16xf32, #tpu.memory_space<vmem>>
      %dma_wait3A_235 = tpu.memref_squeeze %dma_wait3A_234 : memref<1x125x16xf32, #tpu.memory_space<vmem>> -> memref<125x16xf32, #tpu.memory_space<vmem>>
      %dma_wait3A_236 = arith.constant 0 : i32
      %dma_wait3A_237 = tpu.memref_slice %arg7[%run_scoped3A_133, %dma_wait3A_236] : memref<80x125xi32, #tpu.memory_space<vmem>> -> memref<1x125xi32, #tpu.memory_space<vmem>>
      %dma_wait3A_238 = tpu.memref_squeeze %dma_wait3A_237 : memref<1x125xi32, #tpu.memory_space<vmem>> -> memref<125xi32, #tpu.memory_space<vmem>>
      %dma_wait3A_239 = arith.constant 0 : i32
      %dma_wait3A_240 = arith.constant 0 : i32
      %dma_wait3A_241 = tpu.memref_slice %arg10[%dma_wait3A_239, %dma_wait3A_240] : memref<10240x16xf32, #tpu.memory_space<vmem_shared>> -> memref<10240x16xf32, #tpu.memory_space<vmem_shared>>
      tpu.wait_indirect_dma semaphore(%run_scoped3A_221 : memref<!tpu.dma_semaphore, #tpu.memory_space<semaphore_mem>>) src(%dma_wait3A_235 : memref<125x16xf32, #tpu.memory_space<vmem>>) dst(%dma_wait3A_241 : memref<10240x16xf32, #tpu.memory_space<vmem_shared>>)
      tpu.yield
    }) : () -> ()
    %dma_wait3A_134 = arith.constant 74 : i32
    %dma_wait3A_135 = arith.constant 2 : i32
    %dma_wait3A_136 = arith.constant 0 : i32
    %dma_wait3A_137 = arith.constant 0 : i32
    %dma_wait3A_138 = tpu.memref_slice %arg8[%dma_wait3A_135, %dma_wait3A_136, %dma_wait3A_137] : memref<8x125x16xf32, #tpu.memory_space<vmem>> -> memref<1x125x16xf32, #tpu.memory_space<vmem>>
    %dma_wait3A_139 = tpu.memref_squeeze %dma_wait3A_138 : memref<1x125x16xf32, #tpu.memory_space<vmem>> -> memref<125x16xf32, #tpu.memory_space<vmem>>
    %dma_wait3A_140 = arith.constant 0 : i32
    %dma_wait3A_141 = tpu.memref_slice %arg6[%dma_wait3A_134, %dma_wait3A_140] : memref<80x125xi32, #tpu.memory_space<vmem>> -> memref<1x125xi32, #tpu.memory_space<vmem>>
    %dma_wait3A_142 = tpu.memref_squeeze %dma_wait3A_141 : memref<1x125xi32, #tpu.memory_space<vmem>> -> memref<125xi32, #tpu.memory_space<vmem>>
    %dma_wait3A_143 = arith.constant 0 : i32
    %dma_wait3A_144 = arith.constant 0 : i32
    %dma_wait3A_145 = tpu.memref_slice %arg2[%dma_wait3A_143, %dma_wait3A_144] : memref<10000x16xf32, #tpu.memory_space<hbm>> -> memref<10000x16xf32, #tpu.memory_space<hbm>>
    tpu.wait_indirect_dma semaphore(%arg13 : memref<!tpu.dma_semaphore, #tpu.memory_space<semaphore_mem>>) src(%dma_wait3A_145 : memref<10000x16xf32, #tpu.memory_space<hbm>>) dst(%dma_wait3A_139 : memref<125x16xf32, #tpu.memory_space<vmem>>)
    %run_scoped3A_146 = arith.constant 2 : i32
    %run_scoped3A_147 = arith.constant 74 : i32
    "tpu.region"() ({
      %run_scoped3A_221 = tpu.sem_alloc : memref<!tpu.dma_semaphore, #tpu.memory_space<semaphore_mem>>
      %dma_start3A_222 = arith.constant 0 : i32
      %dma_start3A_223 = arith.constant 0 : i32
      %dma_start3A_224 = tpu.memref_slice %arg8[%run_scoped3A_146, %dma_start3A_222, %dma_start3A_223] : memref<8x125x16xf32, #tpu.memory_space<vmem>> -> memref<1x125x16xf32, #tpu.memory_space<vmem>>
      %dma_start3A_225 = tpu.memref_squeeze %dma_start3A_224 : memref<1x125x16xf32, #tpu.memory_space<vmem>> -> memref<125x16xf32, #tpu.memory_space<vmem>>
      %dma_start3A_226 = arith.constant 0 : i32
      %dma_start3A_227 = tpu.memref_slice %arg7[%run_scoped3A_147, %dma_start3A_226] : memref<80x125xi32, #tpu.memory_space<vmem>> -> memref<1x125xi32, #tpu.memory_space<vmem>>
      %dma_start3A_228 = tpu.memref_squeeze %dma_start3A_227 : memref<1x125xi32, #tpu.memory_space<vmem>> -> memref<125xi32, #tpu.memory_space<vmem>>
      %dma_start3A_229 = arith.constant 0 : i32
      %dma_start3A_230 = arith.constant 0 : i32
      %dma_start3A_231 = tpu.memref_slice %arg10[%dma_start3A_229, %dma_start3A_230] : memref<10240x16xf32, #tpu.memory_space<vmem_shared>> -> memref<10240x16xf32, #tpu.memory_space<vmem_shared>>
      tpu.enqueue_indirect_dma source(%dma_start3A_225 : memref<125x16xf32, #tpu.memory_space<vmem>>) target(%dma_start3A_231 : memref<10240x16xf32, #tpu.memory_space<vmem_shared>>) offsets(%dma_start3A_228 : memref<125xi32, #tpu.memory_space<vmem>>) semaphore(%run_scoped3A_221 : memref<!tpu.dma_semaphore, #tpu.memory_space<semaphore_mem>>) {add = true}
      %dma_wait3A_232 = arith.constant 0 : i32
      %dma_wait3A_233 = arith.constant 0 : i32
      %dma_wait3A_234 = tpu.memref_slice %arg8[%run_scoped3A_146, %dma_wait3A_232, %dma_wait3A_233] : memref<8x125x16xf32, #tpu.memory_space<vmem>> -> memref<1x125x16xf32, #tpu.memory_space<vmem>>
      %dma_wait3A_235 = tpu.memref_squeeze %dma_wait3A_234 : memref<1x125x16xf32, #tpu.memory_space<vmem>> -> memref<125x16xf32, #tpu.memory_space<vmem>>
      %dma_wait3A_236 = arith.constant 0 : i32
      %dma_wait3A_237 = tpu.memref_slice %arg7[%run_scoped3A_147, %dma_wait3A_236] : memref<80x125xi32, #tpu.memory_space<vmem>> -> memref<1x125xi32, #tpu.memory_space<vmem>>
      %dma_wait3A_238 = tpu.memref_squeeze %dma_wait3A_237 : memref<1x125xi32, #tpu.memory_space<vmem>> -> memref<125xi32, #tpu.memory_space<vmem>>
      %dma_wait3A_239 = arith.constant 0 : i32
      %dma_wait3A_240 = arith.constant 0 : i32
      %dma_wait3A_241 = tpu.memref_slice %arg10[%dma_wait3A_239, %dma_wait3A_240] : memref<10240x16xf32, #tpu.memory_space<vmem_shared>> -> memref<10240x16xf32, #tpu.memory_space<vmem_shared>>
      tpu.wait_indirect_dma semaphore(%run_scoped3A_221 : memref<!tpu.dma_semaphore, #tpu.memory_space<semaphore_mem>>) src(%dma_wait3A_235 : memref<125x16xf32, #tpu.memory_space<vmem>>) dst(%dma_wait3A_241 : memref<10240x16xf32, #tpu.memory_space<vmem_shared>>)
      tpu.yield
    }) : () -> ()
    %dma_wait3A_148 = arith.constant 75 : i32
    %dma_wait3A_149 = arith.constant 3 : i32
    %dma_wait3A_150 = arith.constant 0 : i32
    %dma_wait3A_151 = arith.constant 0 : i32
    %dma_wait3A_152 = tpu.memref_slice %arg8[%dma_wait3A_149, %dma_wait3A_150, %dma_wait3A_151] : memref<8x125x16xf32, #tpu.memory_space<vmem>> -> memref<1x125x16xf32, #tpu.memory_space<vmem>>
    %dma_wait3A_153 = tpu.memref_squeeze %dma_wait3A_152 : memref<1x125x16xf32, #tpu.memory_space<vmem>> -> memref<125x16xf32, #tpu.memory_space<vmem>>
    %dma_wait3A_154 = arith.constant 0 : i32
    %dma_wait3A_155 = tpu.memref_slice %arg6[%dma_wait3A_148, %dma_wait3A_154] : memref<80x125xi32, #tpu.memory_space<vmem>> -> memref<1x125xi32, #tpu.memory_space<vmem>>
    %dma_wait3A_156 = tpu.memref_squeeze %dma_wait3A_155 : memref<1x125xi32, #tpu.memory_space<vmem>> -> memref<125xi32, #tpu.memory_space<vmem>>
    %dma_wait3A_157 = arith.constant 0 : i32
    %dma_wait3A_158 = arith.constant 0 : i32
    %dma_wait3A_159 = tpu.memref_slice %arg2[%dma_wait3A_157, %dma_wait3A_158] : memref<10000x16xf32, #tpu.memory_space<hbm>> -> memref<10000x16xf32, #tpu.memory_space<hbm>>
    tpu.wait_indirect_dma semaphore(%arg14 : memref<!tpu.dma_semaphore, #tpu.memory_space<semaphore_mem>>) src(%dma_wait3A_159 : memref<10000x16xf32, #tpu.memory_space<hbm>>) dst(%dma_wait3A_153 : memref<125x16xf32, #tpu.memory_space<vmem>>)
    %run_scoped3A_160 = arith.constant 3 : i32
    %run_scoped3A_161 = arith.constant 75 : i32
    "tpu.region"() ({
      %run_scoped3A_221 = tpu.sem_alloc : memref<!tpu.dma_semaphore, #tpu.memory_space<semaphore_mem>>
      %dma_start3A_222 = arith.constant 0 : i32
      %dma_start3A_223 = arith.constant 0 : i32
      %dma_start3A_224 = tpu.memref_slice %arg8[%run_scoped3A_160, %dma_start3A_222, %dma_start3A_223] : memref<8x125x16xf32, #tpu.memory_space<vmem>> -> memref<1x125x16xf32, #tpu.memory_space<vmem>>
      %dma_start3A_225 = tpu.memref_squeeze %dma_start3A_224 : memref<1x125x16xf32, #tpu.memory_space<vmem>> -> memref<125x16xf32, #tpu.memory_space<vmem>>
      %dma_start3A_226 = arith.constant 0 : i32
      %dma_start3A_227 = tpu.memref_slice %arg7[%run_scoped3A_161, %dma_start3A_226] : memref<80x125xi32, #tpu.memory_space<vmem>> -> memref<1x125xi32, #tpu.memory_space<vmem>>
      %dma_start3A_228 = tpu.memref_squeeze %dma_start3A_227 : memref<1x125xi32, #tpu.memory_space<vmem>> -> memref<125xi32, #tpu.memory_space<vmem>>
      %dma_start3A_229 = arith.constant 0 : i32
      %dma_start3A_230 = arith.constant 0 : i32
      %dma_start3A_231 = tpu.memref_slice %arg10[%dma_start3A_229, %dma_start3A_230] : memref<10240x16xf32, #tpu.memory_space<vmem_shared>> -> memref<10240x16xf32, #tpu.memory_space<vmem_shared>>
      tpu.enqueue_indirect_dma source(%dma_start3A_225 : memref<125x16xf32, #tpu.memory_space<vmem>>) target(%dma_start3A_231 : memref<10240x16xf32, #tpu.memory_space<vmem_shared>>) offsets(%dma_start3A_228 : memref<125xi32, #tpu.memory_space<vmem>>) semaphore(%run_scoped3A_221 : memref<!tpu.dma_semaphore, #tpu.memory_space<semaphore_mem>>) {add = true}
      %dma_wait3A_232 = arith.constant 0 : i32
      %dma_wait3A_233 = arith.constant 0 : i32
      %dma_wait3A_234 = tpu.memref_slice %arg8[%run_scoped3A_160, %dma_wait3A_232, %dma_wait3A_233] : memref<8x125x16xf32, #tpu.memory_space<vmem>> -> memref<1x125x16xf32, #tpu.memory_space<vmem>>
      %dma_wait3A_235 = tpu.memref_squeeze %dma_wait3A_234 : memref<1x125x16xf32, #tpu.memory_space<vmem>> -> memref<125x16xf32, #tpu.memory_space<vmem>>
      %dma_wait3A_236 = arith.constant 0 : i32
      %dma_wait3A_237 = tpu.memref_slice %arg7[%run_scoped3A_161, %dma_wait3A_236] : memref<80x125xi32, #tpu.memory_space<vmem>> -> memref<1x125xi32, #tpu.memory_space<vmem>>
      %dma_wait3A_238 = tpu.memref_squeeze %dma_wait3A_237 : memref<1x125xi32, #tpu.memory_space<vmem>> -> memref<125xi32, #tpu.memory_space<vmem>>
      %dma_wait3A_239 = arith.constant 0 : i32
      %dma_wait3A_240 = arith.constant 0 : i32
      %dma_wait3A_241 = tpu.memref_slice %arg10[%dma_wait3A_239, %dma_wait3A_240] : memref<10240x16xf32, #tpu.memory_space<vmem_shared>> -> memref<10240x16xf32, #tpu.memory_space<vmem_shared>>
      tpu.wait_indirect_dma semaphore(%run_scoped3A_221 : memref<!tpu.dma_semaphore, #tpu.memory_space<semaphore_mem>>) src(%dma_wait3A_235 : memref<125x16xf32, #tpu.memory_space<vmem>>) dst(%dma_wait3A_241 : memref<10240x16xf32, #tpu.memory_space<vmem_shared>>)
      tpu.yield
    }) : () -> ()
    %dma_wait3A_162 = arith.constant 76 : i32
    %dma_wait3A_163 = arith.constant 4 : i32
    %dma_wait3A_164 = arith.constant 0 : i32
    %dma_wait3A_165 = arith.constant 0 : i32
    %dma_wait3A_166 = tpu.memref_slice %arg8[%dma_wait3A_163, %dma_wait3A_164, %dma_wait3A_165] : memref<8x125x16xf32, #tpu.memory_space<vmem>> -> memref<1x125x16xf32, #tpu.memory_space<vmem>>
    %dma_wait3A_167 = tpu.memref_squeeze %dma_wait3A_166 : memref<1x125x16xf32, #tpu.memory_space<vmem>> -> memref<125x16xf32, #tpu.memory_space<vmem>>
    %dma_wait3A_168 = arith.constant 0 : i32
    %dma_wait3A_169 = tpu.memref_slice %arg6[%dma_wait3A_162, %dma_wait3A_168] : memref<80x125xi32, #tpu.memory_space<vmem>> -> memref<1x125xi32, #tpu.memory_space<vmem>>
    %dma_wait3A_170 = tpu.memref_squeeze %dma_wait3A_169 : memref<1x125xi32, #tpu.memory_space<vmem>> -> memref<125xi32, #tpu.memory_space<vmem>>
    %dma_wait3A_171 = arith.constant 0 : i32
    %dma_wait3A_172 = arith.constant 0 : i32
    %dma_wait3A_173 = tpu.memref_slice %arg2[%dma_wait3A_171, %dma_wait3A_172] : memref<10000x16xf32, #tpu.memory_space<hbm>> -> memref<10000x16xf32, #tpu.memory_space<hbm>>
    tpu.wait_indirect_dma semaphore(%arg15 : memref<!tpu.dma_semaphore, #tpu.memory_space<semaphore_mem>>) src(%dma_wait3A_173 : memref<10000x16xf32, #tpu.memory_space<hbm>>) dst(%dma_wait3A_167 : memref<125x16xf32, #tpu.memory_space<vmem>>)
    %run_scoped3A_174 = arith.constant 4 : i32
    %run_scoped3A_175 = arith.constant 76 : i32
    "tpu.region"() ({
      %run_scoped3A_221 = tpu.sem_alloc : memref<!tpu.dma_semaphore, #tpu.memory_space<semaphore_mem>>
      %dma_start3A_222 = arith.constant 0 : i32
      %dma_start3A_223 = arith.constant 0 : i32
      %dma_start3A_224 = tpu.memref_slice %arg8[%run_scoped3A_174, %dma_start3A_222, %dma_start3A_223] : memref<8x125x16xf32, #tpu.memory_space<vmem>> -> memref<1x125x16xf32, #tpu.memory_space<vmem>>
      %dma_start3A_225 = tpu.memref_squeeze %dma_start3A_224 : memref<1x125x16xf32, #tpu.memory_space<vmem>> -> memref<125x16xf32, #tpu.memory_space<vmem>>
      %dma_start3A_226 = arith.constant 0 : i32
      %dma_start3A_227 = tpu.memref_slice %arg7[%run_scoped3A_175, %dma_start3A_226] : memref<80x125xi32, #tpu.memory_space<vmem>> -> memref<1x125xi32, #tpu.memory_space<vmem>>
      %dma_start3A_228 = tpu.memref_squeeze %dma_start3A_227 : memref<1x125xi32, #tpu.memory_space<vmem>> -> memref<125xi32, #tpu.memory_space<vmem>>
      %dma_start3A_229 = arith.constant 0 : i32
      %dma_start3A_230 = arith.constant 0 : i32
      %dma_start3A_231 = tpu.memref_slice %arg10[%dma_start3A_229, %dma_start3A_230] : memref<10240x16xf32, #tpu.memory_space<vmem_shared>> -> memref<10240x16xf32, #tpu.memory_space<vmem_shared>>
      tpu.enqueue_indirect_dma source(%dma_start3A_225 : memref<125x16xf32, #tpu.memory_space<vmem>>) target(%dma_start3A_231 : memref<10240x16xf32, #tpu.memory_space<vmem_shared>>) offsets(%dma_start3A_228 : memref<125xi32, #tpu.memory_space<vmem>>) semaphore(%run_scoped3A_221 : memref<!tpu.dma_semaphore, #tpu.memory_space<semaphore_mem>>) {add = true}
      %dma_wait3A_232 = arith.constant 0 : i32
      %dma_wait3A_233 = arith.constant 0 : i32
      %dma_wait3A_234 = tpu.memref_slice %arg8[%run_scoped3A_174, %dma_wait3A_232, %dma_wait3A_233] : memref<8x125x16xf32, #tpu.memory_space<vmem>> -> memref<1x125x16xf32, #tpu.memory_space<vmem>>
      %dma_wait3A_235 = tpu.memref_squeeze %dma_wait3A_234 : memref<1x125x16xf32, #tpu.memory_space<vmem>> -> memref<125x16xf32, #tpu.memory_space<vmem>>
      %dma_wait3A_236 = arith.constant 0 : i32
      %dma_wait3A_237 = tpu.memref_slice %arg7[%run_scoped3A_175, %dma_wait3A_236] : memref<80x125xi32, #tpu.memory_space<vmem>> -> memref<1x125xi32, #tpu.memory_space<vmem>>
      %dma_wait3A_238 = tpu.memref_squeeze %dma_wait3A_237 : memref<1x125xi32, #tpu.memory_space<vmem>> -> memref<125xi32, #tpu.memory_space<vmem>>
      %dma_wait3A_239 = arith.constant 0 : i32
      %dma_wait3A_240 = arith.constant 0 : i32
      %dma_wait3A_241 = tpu.memref_slice %arg10[%dma_wait3A_239, %dma_wait3A_240] : memref<10240x16xf32, #tpu.memory_space<vmem_shared>> -> memref<10240x16xf32, #tpu.memory_space<vmem_shared>>
      tpu.wait_indirect_dma semaphore(%run_scoped3A_221 : memref<!tpu.dma_semaphore, #tpu.memory_space<semaphore_mem>>) src(%dma_wait3A_235 : memref<125x16xf32, #tpu.memory_space<vmem>>) dst(%dma_wait3A_241 : memref<10240x16xf32, #tpu.memory_space<vmem_shared>>)
      tpu.yield
    }) : () -> ()
    %dma_wait3A_176 = arith.constant 77 : i32
    %dma_wait3A_177 = arith.constant 5 : i32
    %dma_wait3A_178 = arith.constant 0 : i32
    %dma_wait3A_179 = arith.constant 0 : i32
    %dma_wait3A_180 = tpu.memref_slice %arg8[%dma_wait3A_177, %dma_wait3A_178, %dma_wait3A_179] : memref<8x125x16xf32, #tpu.memory_space<vmem>> -> memref<1x125x16xf32, #tpu.memory_space<vmem>>
    %dma_wait3A_181 = tpu.memref_squeeze %dma_wait3A_180 : memref<1x125x16xf32, #tpu.memory_space<vmem>> -> memref<125x16xf32, #tpu.memory_space<vmem>>
    %dma_wait3A_182 = arith.constant 0 : i32
    %dma_wait3A_183 = tpu.memref_slice %arg6[%dma_wait3A_176, %dma_wait3A_182] : memref<80x125xi32, #tpu.memory_space<vmem>> -> memref<1x125xi32, #tpu.memory_space<vmem>>
    %dma_wait3A_184 = tpu.memref_squeeze %dma_wait3A_183 : memref<1x125xi32, #tpu.memory_space<vmem>> -> memref<125xi32, #tpu.memory_space<vmem>>
    %dma_wait3A_185 = arith.constant 0 : i32
    %dma_wait3A_186 = arith.constant 0 : i32
    %dma_wait3A_187 = tpu.memref_slice %arg2[%dma_wait3A_185, %dma_wait3A_186] : memref<10000x16xf32, #tpu.memory_space<hbm>> -> memref<10000x16xf32, #tpu.memory_space<hbm>>
    tpu.wait_indirect_dma semaphore(%arg16 : memref<!tpu.dma_semaphore, #tpu.memory_space<semaphore_mem>>) src(%dma_wait3A_187 : memref<10000x16xf32, #tpu.memory_space<hbm>>) dst(%dma_wait3A_181 : memref<125x16xf32, #tpu.memory_space<vmem>>)
    %run_scoped3A_188 = arith.constant 5 : i32
    %run_scoped3A_189 = arith.constant 77 : i32
    "tpu.region"() ({
      %run_scoped3A_221 = tpu.sem_alloc : memref<!tpu.dma_semaphore, #tpu.memory_space<semaphore_mem>>
      %dma_start3A_222 = arith.constant 0 : i32
      %dma_start3A_223 = arith.constant 0 : i32
      %dma_start3A_224 = tpu.memref_slice %arg8[%run_scoped3A_188, %dma_start3A_222, %dma_start3A_223] : memref<8x125x16xf32, #tpu.memory_space<vmem>> -> memref<1x125x16xf32, #tpu.memory_space<vmem>>
      %dma_start3A_225 = tpu.memref_squeeze %dma_start3A_224 : memref<1x125x16xf32, #tpu.memory_space<vmem>> -> memref<125x16xf32, #tpu.memory_space<vmem>>
      %dma_start3A_226 = arith.constant 0 : i32
      %dma_start3A_227 = tpu.memref_slice %arg7[%run_scoped3A_189, %dma_start3A_226] : memref<80x125xi32, #tpu.memory_space<vmem>> -> memref<1x125xi32, #tpu.memory_space<vmem>>
      %dma_start3A_228 = tpu.memref_squeeze %dma_start3A_227 : memref<1x125xi32, #tpu.memory_space<vmem>> -> memref<125xi32, #tpu.memory_space<vmem>>
      %dma_start3A_229 = arith.constant 0 : i32
      %dma_start3A_230 = arith.constant 0 : i32
      %dma_start3A_231 = tpu.memref_slice %arg10[%dma_start3A_229, %dma_start3A_230] : memref<10240x16xf32, #tpu.memory_space<vmem_shared>> -> memref<10240x16xf32, #tpu.memory_space<vmem_shared>>
      tpu.enqueue_indirect_dma source(%dma_start3A_225 : memref<125x16xf32, #tpu.memory_space<vmem>>) target(%dma_start3A_231 : memref<10240x16xf32, #tpu.memory_space<vmem_shared>>) offsets(%dma_start3A_228 : memref<125xi32, #tpu.memory_space<vmem>>) semaphore(%run_scoped3A_221 : memref<!tpu.dma_semaphore, #tpu.memory_space<semaphore_mem>>) {add = true}
      %dma_wait3A_232 = arith.constant 0 : i32
      %dma_wait3A_233 = arith.constant 0 : i32
      %dma_wait3A_234 = tpu.memref_slice %arg8[%run_scoped3A_188, %dma_wait3A_232, %dma_wait3A_233] : memref<8x125x16xf32, #tpu.memory_space<vmem>> -> memref<1x125x16xf32, #tpu.memory_space<vmem>>
      %dma_wait3A_235 = tpu.memref_squeeze %dma_wait3A_234 : memref<1x125x16xf32, #tpu.memory_space<vmem>> -> memref<125x16xf32, #tpu.memory_space<vmem>>
      %dma_wait3A_236 = arith.constant 0 : i32
      %dma_wait3A_237 = tpu.memref_slice %arg7[%run_scoped3A_189, %dma_wait3A_236] : memref<80x125xi32, #tpu.memory_space<vmem>> -> memref<1x125xi32, #tpu.memory_space<vmem>>
      %dma_wait3A_238 = tpu.memref_squeeze %dma_wait3A_237 : memref<1x125xi32, #tpu.memory_space<vmem>> -> memref<125xi32, #tpu.memory_space<vmem>>
      %dma_wait3A_239 = arith.constant 0 : i32
      %dma_wait3A_240 = arith.constant 0 : i32
      %dma_wait3A_241 = tpu.memref_slice %arg10[%dma_wait3A_239, %dma_wait3A_240] : memref<10240x16xf32, #tpu.memory_space<vmem_shared>> -> memref<10240x16xf32, #tpu.memory_space<vmem_shared>>
      tpu.wait_indirect_dma semaphore(%run_scoped3A_221 : memref<!tpu.dma_semaphore, #tpu.memory_space<semaphore_mem>>) src(%dma_wait3A_235 : memref<125x16xf32, #tpu.memory_space<vmem>>) dst(%dma_wait3A_241 : memref<10240x16xf32, #tpu.memory_space<vmem_shared>>)
      tpu.yield
    }) : () -> ()
    %dma_wait3A_190 = arith.constant 78 : i32
    %dma_wait3A_191 = arith.constant 6 : i32
    %dma_wait3A_192 = arith.constant 0 : i32
    %dma_wait3A_193 = arith.constant 0 : i32
    %dma_wait3A_194 = tpu.memref_slice %arg8[%dma_wait3A_191, %dma_wait3A_192, %dma_wait3A_193] : memref<8x125x16xf32, #tpu.memory_space<vmem>> -> memref<1x125x16xf32, #tpu.memory_space<vmem>>
    %dma_wait3A_195 = tpu.memref_squeeze %dma_wait3A_194 : memref<1x125x16xf32, #tpu.memory_space<vmem>> -> memref<125x16xf32, #tpu.memory_space<vmem>>
    %dma_wait3A_196 = arith.constant 0 : i32
    %dma_wait3A_197 = tpu.memref_slice %arg6[%dma_wait3A_190, %dma_wait3A_196] : memref<80x125xi32, #tpu.memory_space<vmem>> -> memref<1x125xi32, #tpu.memory_space<vmem>>
    %dma_wait3A_198 = tpu.memref_squeeze %dma_wait3A_197 : memref<1x125xi32, #tpu.memory_space<vmem>> -> memref<125xi32, #tpu.memory_space<vmem>>
    %dma_wait3A_199 = arith.constant 0 : i32
    %dma_wait3A_200 = arith.constant 0 : i32
    %dma_wait3A_201 = tpu.memref_slice %arg2[%dma_wait3A_199, %dma_wait3A_200] : memref<10000x16xf32, #tpu.memory_space<hbm>> -> memref<10000x16xf32, #tpu.memory_space<hbm>>
    tpu.wait_indirect_dma semaphore(%arg17 : memref<!tpu.dma_semaphore, #tpu.memory_space<semaphore_mem>>) src(%dma_wait3A_201 : memref<10000x16xf32, #tpu.memory_space<hbm>>) dst(%dma_wait3A_195 : memref<125x16xf32, #tpu.memory_space<vmem>>)
    %run_scoped3A_202 = arith.constant 6 : i32
    %run_scoped3A_203 = arith.constant 78 : i32
    "tpu.region"() ({
      %run_scoped3A_221 = tpu.sem_alloc : memref<!tpu.dma_semaphore, #tpu.memory_space<semaphore_mem>>
      %dma_start3A_222 = arith.constant 0 : i32
      %dma_start3A_223 = arith.constant 0 : i32
      %dma_start3A_224 = tpu.memref_slice %arg8[%run_scoped3A_202, %dma_start3A_222, %dma_start3A_223] : memref<8x125x16xf32, #tpu.memory_space<vmem>> -> memref<1x125x16xf32, #tpu.memory_space<vmem>>
      %dma_start3A_225 = tpu.memref_squeeze %dma_start3A_224 : memref<1x125x16xf32, #tpu.memory_space<vmem>> -> memref<125x16xf32, #tpu.memory_space<vmem>>
      %dma_start3A_226 = arith.constant 0 : i32
      %dma_start3A_227 = tpu.memref_slice %arg7[%run_scoped3A_203, %dma_start3A_226] : memref<80x125xi32, #tpu.memory_space<vmem>> -> memref<1x125xi32, #tpu.memory_space<vmem>>
      %dma_start3A_228 = tpu.memref_squeeze %dma_start3A_227 : memref<1x125xi32, #tpu.memory_space<vmem>> -> memref<125xi32, #tpu.memory_space<vmem>>
      %dma_start3A_229 = arith.constant 0 : i32
      %dma_start3A_230 = arith.constant 0 : i32
      %dma_start3A_231 = tpu.memref_slice %arg10[%dma_start3A_229, %dma_start3A_230] : memref<10240x16xf32, #tpu.memory_space<vmem_shared>> -> memref<10240x16xf32, #tpu.memory_space<vmem_shared>>
      tpu.enqueue_indirect_dma source(%dma_start3A_225 : memref<125x16xf32, #tpu.memory_space<vmem>>) target(%dma_start3A_231 : memref<10240x16xf32, #tpu.memory_space<vmem_shared>>) offsets(%dma_start3A_228 : memref<125xi32, #tpu.memory_space<vmem>>) semaphore(%run_scoped3A_221 : memref<!tpu.dma_semaphore, #tpu.memory_space<semaphore_mem>>) {add = true}
      %dma_wait3A_232 = arith.constant 0 : i32
      %dma_wait3A_233 = arith.constant 0 : i32
      %dma_wait3A_234 = tpu.memref_slice %arg8[%run_scoped3A_202, %dma_wait3A_232, %dma_wait3A_233] : memref<8x125x16xf32, #tpu.memory_space<vmem>> -> memref<1x125x16xf32, #tpu.memory_space<vmem>>
      %dma_wait3A_235 = tpu.memref_squeeze %dma_wait3A_234 : memref<1x125x16xf32, #tpu.memory_space<vmem>> -> memref<125x16xf32, #tpu.memory_space<vmem>>
      %dma_wait3A_236 = arith.constant 0 : i32
      %dma_wait3A_237 = tpu.memref_slice %arg7[%run_scoped3A_203, %dma_wait3A_236] : memref<80x125xi32, #tpu.memory_space<vmem>> -> memref<1x125xi32, #tpu.memory_space<vmem>>
      %dma_wait3A_238 = tpu.memref_squeeze %dma_wait3A_237 : memref<1x125xi32, #tpu.memory_space<vmem>> -> memref<125xi32, #tpu.memory_space<vmem>>
      %dma_wait3A_239 = arith.constant 0 : i32
      %dma_wait3A_240 = arith.constant 0 : i32
      %dma_wait3A_241 = tpu.memref_slice %arg10[%dma_wait3A_239, %dma_wait3A_240] : memref<10240x16xf32, #tpu.memory_space<vmem_shared>> -> memref<10240x16xf32, #tpu.memory_space<vmem_shared>>
      tpu.wait_indirect_dma semaphore(%run_scoped3A_221 : memref<!tpu.dma_semaphore, #tpu.memory_space<semaphore_mem>>) src(%dma_wait3A_235 : memref<125x16xf32, #tpu.memory_space<vmem>>) dst(%dma_wait3A_241 : memref<10240x16xf32, #tpu.memory_space<vmem_shared>>)
      tpu.yield
    }) : () -> ()
    %dma_wait3A_204 = arith.constant 79 : i32
    %dma_wait3A_205 = arith.constant 7 : i32
    %dma_wait3A_206 = arith.constant 0 : i32
    %dma_wait3A_207 = arith.constant 0 : i32
    %dma_wait3A_208 = tpu.memref_slice %arg8[%dma_wait3A_205, %dma_wait3A_206, %dma_wait3A_207] : memref<8x125x16xf32, #tpu.memory_space<vmem>> -> memref<1x125x16xf32, #tpu.memory_space<vmem>>
    %dma_wait3A_209 = tpu.memref_squeeze %dma_wait3A_208 : memref<1x125x16xf32, #tpu.memory_space<vmem>> -> memref<125x16xf32, #tpu.memory_space<vmem>>
    %dma_wait3A_210 = arith.constant 0 : i32
    %dma_wait3A_211 = tpu.memref_slice %arg6[%dma_wait3A_204, %dma_wait3A_210] : memref<80x125xi32, #tpu.memory_space<vmem>> -> memref<1x125xi32, #tpu.memory_space<vmem>>
    %dma_wait3A_212 = tpu.memref_squeeze %dma_wait3A_211 : memref<1x125xi32, #tpu.memory_space<vmem>> -> memref<125xi32, #tpu.memory_space<vmem>>
    %dma_wait3A_213 = arith.constant 0 : i32
    %dma_wait3A_214 = arith.constant 0 : i32
    %dma_wait3A_215 = tpu.memref_slice %arg2[%dma_wait3A_213, %dma_wait3A_214] : memref<10000x16xf32, #tpu.memory_space<hbm>> -> memref<10000x16xf32, #tpu.memory_space<hbm>>
    tpu.wait_indirect_dma semaphore(%arg18 : memref<!tpu.dma_semaphore, #tpu.memory_space<semaphore_mem>>) src(%dma_wait3A_215 : memref<10000x16xf32, #tpu.memory_space<hbm>>) dst(%dma_wait3A_209 : memref<125x16xf32, #tpu.memory_space<vmem>>)
    %run_scoped3A_216 = arith.constant 7 : i32
    %run_scoped3A_217 = arith.constant 79 : i32
    "tpu.region"() ({
      %run_scoped3A_221 = tpu.sem_alloc : memref<!tpu.dma_semaphore, #tpu.memory_space<semaphore_mem>>
      %dma_start3A_222 = arith.constant 0 : i32
      %dma_start3A_223 = arith.constant 0 : i32
      %dma_start3A_224 = tpu.memref_slice %arg8[%run_scoped3A_216, %dma_start3A_222, %dma_start3A_223] : memref<8x125x16xf32, #tpu.memory_space<vmem>> -> memref<1x125x16xf32, #tpu.memory_space<vmem>>
      %dma_start3A_225 = tpu.memref_squeeze %dma_start3A_224 : memref<1x125x16xf32, #tpu.memory_space<vmem>> -> memref<125x16xf32, #tpu.memory_space<vmem>>
      %dma_start3A_226 = arith.constant 0 : i32
      %dma_start3A_227 = tpu.memref_slice %arg7[%run_scoped3A_217, %dma_start3A_226] : memref<80x125xi32, #tpu.memory_space<vmem>> -> memref<1x125xi32, #tpu.memory_space<vmem>>
      %dma_start3A_228 = tpu.memref_squeeze %dma_start3A_227 : memref<1x125xi32, #tpu.memory_space<vmem>> -> memref<125xi32, #tpu.memory_space<vmem>>
      %dma_start3A_229 = arith.constant 0 : i32
      %dma_start3A_230 = arith.constant 0 : i32
      %dma_start3A_231 = tpu.memref_slice %arg10[%dma_start3A_229, %dma_start3A_230] : memref<10240x16xf32, #tpu.memory_space<vmem_shared>> -> memref<10240x16xf32, #tpu.memory_space<vmem_shared>>
      tpu.enqueue_indirect_dma source(%dma_start3A_225 : memref<125x16xf32, #tpu.memory_space<vmem>>) target(%dma_start3A_231 : memref<10240x16xf32, #tpu.memory_space<vmem_shared>>) offsets(%dma_start3A_228 : memref<125xi32, #tpu.memory_space<vmem>>) semaphore(%run_scoped3A_221 : memref<!tpu.dma_semaphore, #tpu.memory_space<semaphore_mem>>) {add = true}
      %dma_wait3A_232 = arith.constant 0 : i32
      %dma_wait3A_233 = arith.constant 0 : i32
      %dma_wait3A_234 = tpu.memref_slice %arg8[%run_scoped3A_216, %dma_wait3A_232, %dma_wait3A_233] : memref<8x125x16xf32, #tpu.memory_space<vmem>> -> memref<1x125x16xf32, #tpu.memory_space<vmem>>
      %dma_wait3A_235 = tpu.memref_squeeze %dma_wait3A_234 : memref<1x125x16xf32, #tpu.memory_space<vmem>> -> memref<125x16xf32, #tpu.memory_space<vmem>>
      %dma_wait3A_236 = arith.constant 0 : i32
      %dma_wait3A_237 = tpu.memref_slice %arg7[%run_scoped3A_217, %dma_wait3A_236] : memref<80x125xi32, #tpu.memory_space<vmem>> -> memref<1x125xi32, #tpu.memory_space<vmem>>
      %dma_wait3A_238 = tpu.memref_squeeze %dma_wait3A_237 : memref<1x125xi32, #tpu.memory_space<vmem>> -> memref<125xi32, #tpu.memory_space<vmem>>
      %dma_wait3A_239 = arith.constant 0 : i32
      %dma_wait3A_240 = arith.constant 0 : i32
      %dma_wait3A_241 = tpu.memref_slice %arg10[%dma_wait3A_239, %dma_wait3A_240] : memref<10240x16xf32, #tpu.memory_space<vmem_shared>> -> memref<10240x16xf32, #tpu.memory_space<vmem_shared>>
      tpu.wait_indirect_dma semaphore(%run_scoped3A_221 : memref<!tpu.dma_semaphore, #tpu.memory_space<semaphore_mem>>) src(%dma_wait3A_235 : memref<125x16xf32, #tpu.memory_space<vmem>>) dst(%dma_wait3A_241 : memref<10240x16xf32, #tpu.memory_space<vmem_shared>>)
      tpu.yield
    }) : () -> ()
    %barrier3A_218 = arith.constant 0 : index
    tpu.barrier barrier_id(%barrier3A_218)
    %mul3A_219 = arith.constant 640 : i32
    %mul3A_220 = arith.muli %arg1, %mul3A_219 : i32
    "tpu.region"() ({
      %run_scoped3A_221 = tpu.sem_alloc : memref<!tpu.dma_semaphore, #tpu.memory_space<semaphore_mem>>
      %dma_start3A_222 = arith.constant 0 : i32
      %dma_start3A_223 = tpu.memref_slice %arg10[%mul3A_220, %dma_start3A_222] : memref<10240x16xf32, #tpu.memory_space<vmem_shared>> -> memref<640x16xf32, #tpu.memory_space<vmem_shared>>
      %dma_start3A_224 = arith.constant 0 : i32
      %dma_start3A_225 = tpu.memref_slice %arg10[%mul3A_220, %dma_start3A_224] : memref<10240x16xf32, #tpu.memory_space<vmem_shared>> -> memref<640x16xf32, #tpu.memory_space<vmem_shared>>
      tpu.enqueue_dma source(%dma_start3A_225 : memref<640x16xf32, #tpu.memory_space<vmem_shared>>) target(%arg9 : memref<640x16xf32, #tpu.memory_space<vmem>>) target_semaphore(%run_scoped3A_221 : memref<!tpu.dma_semaphore, #tpu.memory_space<semaphore_mem>>)
      %dma_wait3A_226 = arith.constant 0 : i32
      %dma_wait3A_227 = tpu.memref_slice %arg10[%mul3A_220, %dma_wait3A_226] : memref<10240x16xf32, #tpu.memory_space<vmem_shared>> -> memref<640x16xf32, #tpu.memory_space<vmem_shared>>
      %dma_wait3A_228 = arith.constant 0 : i32
      %dma_wait3A_229 = tpu.memref_slice %arg10[%mul3A_220, %dma_wait3A_228] : memref<10240x16xf32, #tpu.memory_space<vmem_shared>> -> memref<640x16xf32, #tpu.memory_space<vmem_shared>>
      tpu.wait_dma2 semaphore(%run_scoped3A_221 : memref<!tpu.dma_semaphore, #tpu.memory_space<semaphore_mem>>) src(%dma_wait3A_229 : memref<640x16xf32, #tpu.memory_space<vmem_shared>>) dst(%arg9 : memref<640x16xf32, #tpu.memory_space<vmem>>)
      tpu.yield
    }) : () -> ()
    "tpu.region"() ({
      %run_scoped3A_221 = tpu.sem_alloc : memref<!tpu.dma_semaphore, #tpu.memory_space<semaphore_mem>>
      %dma_start3A_222 = arith.constant 0 : i32
      %dma_start3A_223 = arith.constant 0 : i32
      %dma_start3A_224 = tpu.memref_slice %arg5[%arg0, %arg1, %dma_start3A_222, %dma_start3A_223] : memref<2x16x640x16xf32, #tpu.memory_space<hbm>> -> memref<1x1x640x16xf32, #tpu.memory_space<hbm>>
      %dma_start3A_225 = tpu.memref_squeeze %dma_start3A_224 : memref<1x1x640x16xf32, #tpu.memory_space<hbm>> -> memref<640x16xf32, #tpu.memory_space<hbm>>
      %dma_start3A_226 = arith.constant 0 : i32
      %dma_start3A_227 = arith.constant 0 : i32
      %dma_start3A_228 = tpu.memref_slice %arg5[%arg0, %arg1, %dma_start3A_226, %dma_start3A_227] : memref<2x16x640x16xf32, #tpu.memory_space<hbm>> -> memref<1x1x640x16xf32, #tpu.memory_space<hbm>>
      %dma_start3A_229 = tpu.memref_squeeze %dma_start3A_228 : memref<1x1x640x16xf32, #tpu.memory_space<hbm>> -> memref<640x16xf32, #tpu.memory_space<hbm>>
      tpu.enqueue_dma source(%arg9 : memref<640x16xf32, #tpu.memory_space<vmem>>) target(%dma_start3A_229 : memref<640x16xf32, #tpu.memory_space<hbm>>) target_semaphore(%run_scoped3A_221 : memref<!tpu.dma_semaphore, #tpu.memory_space<semaphore_mem>>)
      %dma_wait3A_230 = arith.constant 0 : i32
      %dma_wait3A_231 = arith.constant 0 : i32
      %dma_wait3A_232 = tpu.memref_slice %arg5[%arg0, %arg1, %dma_wait3A_230, %dma_wait3A_231] : memref<2x16x640x16xf32, #tpu.memory_space<hbm>> -> memref<1x1x640x16xf32, #tpu.memory_space<hbm>>
      %dma_wait3A_233 = tpu.memref_squeeze %dma_wait3A_232 : memref<1x1x640x16xf32, #tpu.memory_space<hbm>> -> memref<640x16xf32, #tpu.memory_space<hbm>>
      %dma_wait3A_234 = arith.constant 0 : i32
      %dma_wait3A_235 = arith.constant 0 : i32
      %dma_wait3A_236 = tpu.memref_slice %arg5[%arg0, %arg1, %dma_wait3A_234, %dma_wait3A_235] : memref<2x16x640x16xf32, #tpu.memory_space<hbm>> -> memref<1x1x640x16xf32, #tpu.memory_space<hbm>>
      %dma_wait3A_237 = tpu.memref_squeeze %dma_wait3A_236 : memref<1x1x640x16xf32, #tpu.memory_space<hbm>> -> memref<640x16xf32, #tpu.memory_space<hbm>>
      tpu.wait_dma2 semaphore(%run_scoped3A_221 : memref<!tpu.dma_semaphore, #tpu.memory_space<semaphore_mem>>) src(%arg9 : memref<640x16xf32, #tpu.memory_space<vmem>>) dst(%dma_wait3A_237 : memref<640x16xf32, #tpu.memory_space<hbm>>)
      tpu.yield
    }) : () -> ()
    return
  }
}

#map = affine_map<(d0, d1) -> (0, 0)>
#map1 = affine_map<(d0, d1) -> (0, 0, 0)>
#map2 = affine_map<(d0, d1) -> (0, 0, 0, 0)>
module attributes {stable_mosaic.version = 14 : i64} {
  func.func @prop_k(%arg0: i32, %arg1: i32, %arg2: memref<10000x16xf32, #tpu.memory_space<hbm>>, %arg3: memref<32x80x125xi32, #tpu.memory_space<hbm>>, %arg4: memref<32x80x125xi32, #tpu.memory_space<hbm>>, %arg5: memref<2x16x640x16xf32, #tpu.memory_space<hbm>>, %arg6: memref<80x125xi32, #tpu.memory_space<vmem>>, %arg7: memref<80x125xi32, #tpu.memory_space<vmem>>, %arg8: memref<8x125x16xf32, #tpu.memory_space<vmem>>, %arg9: memref<640x16xf32, #tpu.memory_space<vmem>>, %arg10: memref<10240x16xf32, #tpu.memory_space<vmem_shared>>, %arg11: memref<!tpu.dma_semaphore, #tpu.memory_space<semaphore_mem>>, %arg12: memref<!tpu.dma_semaphore, #tpu.memory_space<semaphore_mem>>, %arg13: memref<!tpu.dma_semaphore, #tpu.memory_space<semaphore_mem>>, %arg14: memref<!tpu.dma_semaphore, #tpu.memory_space<semaphore_mem>>, %arg15: memref<!tpu.dma_semaphore, #tpu.memory_space<semaphore_mem>>, %arg16: memref<!tpu.dma_semaphore, #tpu.memory_space<semaphore_mem>>, %arg17: memref<!tpu.dma_semaphore, #tpu.memory_space<semaphore_mem>>, %arg18: memref<!tpu.dma_semaphore, #tpu.memory_space<semaphore_mem>>) attributes {dimension_semantics = [#tpu.dimension_semantics<core_parallel>, #tpu.dimension_semantics<subcore_parallel>], iteration_bounds = array<i64: 2, 16>, scalar_prefetch = 0 : i64, scratch_operands = 13 : i64, tpu.core_type = #tpu.core_type<sc_vector_subcore>, window_params = [{transform_indices = #map}, {transform_indices = #map1}, {transform_indices = #map1}, {transform_indices = #map2}]} {
    %mul3A = arith.constant 16 : i32
    %mul3A_0 = arith.muli %arg0, %mul3A : i32
    %add3A = arith.addi %mul3A_0, %arg1 : i32
    "tpu.region"() ({
      %run_scoped3A_221 = tpu.sem_alloc : memref<!tpu.dma_semaphore, #tpu.memory_space<semaphore_mem>>
      %dma_start3A_222 = arith.constant 0 : i32
      %dma_start3A_223 = arith.constant 0 : i32
      %dma_start3A_224 = tpu.memref_slice %arg3[%add3A, %dma_start3A_222, %dma_start3A_223] : memref<32x80x125xi32, #tpu.memory_space<hbm>> -> memref<1x80x125xi32, #tpu.memory_space<hbm>>
      %dma_start3A_225 = tpu.memref_squeeze %dma_start3A_224 : memref<1x80x125xi32, #tpu.memory_space<hbm>> -> memref<80x125xi32, #tpu.memory_space<hbm>>
      %dma_start3A_226 = arith.constant 0 : i32
      %dma_start3A_227 = arith.constant 0 : i32
      %dma_start3A_228 = tpu.memref_slice %arg3[%add3A, %dma_start3A_226, %dma_start3A_227] : memref<32x80x125xi32, #tpu.memory_space<hbm>> -> memref<1x80x125xi32, #tpu.memory_space<hbm>>
      %dma_start3A_229 = tpu.memref_squeeze %dma_start3A_228 : memref<1x80x125xi32, #tpu.memory_space<hbm>> -> memref<80x125xi32, #tpu.memory_space<hbm>>
      tpu.enqueue_dma source(%dma_start3A_229 : memref<80x125xi32, #tpu.memory_space<hbm>>) target(%arg6 : memref<80x125xi32, #tpu.memory_space<vmem>>) target_semaphore(%run_scoped3A_221 : memref<!tpu.dma_semaphore, #tpu.memory_space<semaphore_mem>>)
      %dma_wait3A_230 = arith.constant 0 : i32
      %dma_wait3A_231 = arith.constant 0 : i32
      %dma_wait3A_232 = tpu.memref_slice %arg3[%add3A, %dma_wait3A_230, %dma_wait3A_231] : memref<32x80x125xi32, #tpu.memory_space<hbm>> -> memref<1x80x125xi32, #tpu.memory_space<hbm>>
      %dma_wait3A_233 = tpu.memref_squeeze %dma_wait3A_232 : memref<1x80x125xi32, #tpu.memory_space<hbm>> -> memref<80x125xi32, #tpu.memory_space<hbm>>
      %dma_wait3A_234 = arith.constant 0 : i32
      %dma_wait3A_235 = arith.constant 0 : i32
      %dma_wait3A_236 = tpu.memref_slice %arg3[%add3A, %dma_wait3A_234, %dma_wait3A_235] : memref<32x80x125xi32, #tpu.memory_space<hbm>> -> memref<1x80x125xi32, #tpu.memory_space<hbm>>
      %dma_wait3A_237 = tpu.memref_squeeze %dma_wait3A_236 : memref<1x80x125xi32, #tpu.memory_space<hbm>> -> memref<80x125xi32, #tpu.memory_space<hbm>>
      tpu.wait_dma2 semaphore(%run_scoped3A_221 : memref<!tpu.dma_semaphore, #tpu.memory_space<semaphore_mem>>) src(%dma_wait3A_237 : memref<80x125xi32, #tpu.memory_space<hbm>>) dst(%arg6 : memref<80x125xi32, #tpu.memory_space<vmem>>)
      tpu.yield
    }) : () -> ()
    "tpu.region"() ({
      %run_scoped3A_221 = tpu.sem_alloc : memref<!tpu.dma_semaphore, #tpu.memory_space<semaphore_mem>>
      %dma_start3A_222 = arith.constant 0 : i32
      %dma_start3A_223 = arith.constant 0 : i32
      %dma_start3A_224 = tpu.memref_slice %arg4[%add3A, %dma_start3A_222, %dma_start3A_223] : memref<32x80x125xi32, #tpu.memory_space<hbm>> -> memref<1x80x125xi32, #tpu.memory_space<hbm>>
      %dma_start3A_225 = tpu.memref_squeeze %dma_start3A_224 : memref<1x80x125xi32, #tpu.memory_space<hbm>> -> memref<80x125xi32, #tpu.memory_space<hbm>>
      %dma_start3A_226 = arith.constant 0 : i32
      %dma_start3A_227 = arith.constant 0 : i32
      %dma_start3A_228 = tpu.memref_slice %arg4[%add3A, %dma_start3A_226, %dma_start3A_227] : memref<32x80x125xi32, #tpu.memory_space<hbm>> -> memref<1x80x125xi32, #tpu.memory_space<hbm>>
      %dma_start3A_229 = tpu.memref_squeeze %dma_start3A_228 : memref<1x80x125xi32, #tpu.memory_space<hbm>> -> memref<80x125xi32, #tpu.memory_space<hbm>>
      tpu.enqueue_dma source(%dma_start3A_229 : memref<80x125xi32, #tpu.memory_space<hbm>>) target(%arg7 : memref<80x125xi32, #tpu.memory_space<vmem>>) target_semaphore(%run_scoped3A_221 : memref<!tpu.dma_semaphore, #tpu.memory_space<semaphore_mem>>)
      %dma_wait3A_230 = arith.constant 0 : i32
      %dma_wait3A_231 = arith.constant 0 : i32
      %dma_wait3A_232 = tpu.memref_slice %arg4[%add3A, %dma_wait3A_230, %dma_wait3A_231] : memref<32x80x125xi32, #tpu.memory_space<hbm>> -> memref<1x80x125xi32, #tpu.memory_space<hbm>>
      %dma_wait3A_233 = tpu.memref_squeeze %dma_wait3A_232 : memref<1x80x125xi32, #tpu.memory_space<hbm>> -> memref<80x125xi32, #tpu.memory_space<hbm>>
      %dma_wait3A_234 = arith.constant 0 : i32
      %dma_wait3A_235 = arith.constant 0 : i32
      %dma_wait3A_236 = tpu.memref_slice %arg4[%add3A, %dma_wait3A_234, %dma_wait3A_235] : memref<32x80x125xi32, #tpu.memory_space<hbm>> -> memref<1x80x125xi32, #tpu.memory_space<hbm>>
      %dma_wait3A_237 = tpu.memref_squeeze %dma_wait3A_236 : memref<1x80x125xi32, #tpu.memory_space<hbm>> -> memref<80x125xi32, #tpu.memory_space<hbm>>
      tpu.wait_dma2 semaphore(%run_scoped3A_221 : memref<!tpu.dma_semaphore, #tpu.memory_space<semaphore_mem>>) src(%dma_wait3A_237 : memref<80x125xi32, #tpu.memory_space<hbm>>) dst(%arg7 : memref<80x125xi32, #tpu.memory_space<vmem>>)
      tpu.yield
    }) : () -> ()
    %broadcast_in_dim3A = arith.constant 0.000000e+00 : f32
    %broadcast_in_dim3A_1 = vector.broadcast %broadcast_in_dim3A : f32 to vector<16xf32>
    %scan3A = arith.constant 0 : i32
    %scan3A_2 = arith.constant 640 : i32
    %scan3A_3 = arith.addi %scan3A, %scan3A_2 : i32
    %scan3A_4 = arith.constant 1 : i32
    scf.for %scan3A_221 = %scan3A to %scan3A_3 step %scan3A_4  : i32 {
      %mul3A_222 = arith.constant 1 : i32
      %mul3A_223 = arith.muli %scan3A_221, %mul3A_222 : i32
      %add3A_224 = arith.constant 0 : i32
      %add3A_225 = arith.addi %add3A_224, %mul3A_223 : i32
      %swap3A = arith.index_cast %add3A_225 : i32 to index
      %swap3A_226 = arith.constant 0 : index
      %swap3A_227 = tpu.vector_load %arg9[%swap3A, %swap3A_226] {strides = array<i32>} : memref<640x16xf32, #tpu.memory_space<vmem>>, vector<1x16xf32>,
      %swap3A_228 = vector.shape_cast %swap3A_227 : vector<1x16xf32> to vector<16xf32>
      %swap3A_229 = vector.shape_cast %broadcast_in_dim3A_1 : vector<16xf32> to vector<1x16xf32>
      tpu.vector_store %arg9[%swap3A, %swap3A_226], %swap3A_229 {strides = array<i32>} : memref<640x16xf32, #tpu.memory_space<vmem>>, vector<1x16xf32>,
    }
    %scan3A_5 = arith.constant 640 : i32
    %mul3A_6 = arith.constant 640 : i32
    %mul3A_7 = arith.muli %arg1, %mul3A_6 : i32
    "tpu.region"() ({
      %run_scoped3A_221 = tpu.sem_alloc : memref<!tpu.dma_semaphore, #tpu.memory_space<semaphore_mem>>
      %dma_start3A_222 = arith.constant 0 : i32
      %dma_start3A_223 = tpu.memref_slice %arg10[%mul3A_7, %dma_start3A_222] : memref<10240x16xf32, #tpu.memory_space<vmem_shared>> -> memref<640x16xf32, #tpu.memory_space<vmem_shared>>
      %dma_start3A_224 = arith.constant 0 : i32
      %dma_start3A_225 = tpu.memref_slice %arg10[%mul3A_7, %dma_start3A_224] : memref<10240x16xf32, #tpu.memory_space<vmem_shared>> -> memref<640x16xf32, #tpu.memory_space<vmem_shared>>
      tpu.enqueue_dma source(%arg9 : memref<640x16xf32, #tpu.memory_space<vmem>>) target(%dma_start3A_225 : memref<640x16xf32, #tpu.memory_space<vmem_shared>>) target_semaphore(%run_scoped3A_221 : memref<!tpu.dma_semaphore, #tpu.memory_space<semaphore_mem>>)
      %dma_wait3A_226 = arith.constant 0 : i32
      %dma_wait3A_227 = tpu.memref_slice %arg10[%mul3A_7, %dma_wait3A_226] : memref<10240x16xf32, #tpu.memory_space<vmem_shared>> -> memref<640x16xf32, #tpu.memory_space<vmem_shared>>
      %dma_wait3A_228 = arith.constant 0 : i32
      %dma_wait3A_229 = tpu.memref_slice %arg10[%mul3A_7, %dma_wait3A_228] : memref<10240x16xf32, #tpu.memory_space<vmem_shared>> -> memref<640x16xf32, #tpu.memory_space<vmem_shared>>
      tpu.wait_dma2 semaphore(%run_scoped3A_221 : memref<!tpu.dma_semaphore, #tpu.memory_space<semaphore_mem>>) src(%arg9 : memref<640x16xf32, #tpu.memory_space<vmem>>) dst(%dma_wait3A_229 : memref<640x16xf32, #tpu.memory_space<vmem_shared>>)
      tpu.yield
    }) : () -> ()
    %barrier3A = arith.constant 0 : index
    tpu.barrier barrier_id(%barrier3A)
    %dma_start3A = arith.constant 0 : i32
    %dma_start3A_8 = arith.constant 0 : i32
    %dma_start3A_9 = arith.constant 0 : i32
    %dma_start3A_10 = arith.constant 0 : i32
    %dma_start3A_11 = tpu.memref_slice %arg8[%dma_start3A_8, %dma_start3A_9, %dma_start3A_10] : memref<8x125x16xf32, #tpu.memory_space<vmem>> -> memref<1x125x16xf32, #tpu.memory_space<vmem>>
    %dma_start3A_12 = tpu.memref_squeeze %dma_start3A_11 : memref<1x125x16xf32, #tpu.memory_space<vmem>> -> memref<125x16xf32, #tpu.memory_space<vmem>>
    %dma_start3A_13 = arith.constant 0 : i32
    %dma_start3A_14 = tpu.memref_slice %arg6[%dma_start3A, %dma_start3A_13] : memref<80x125xi32, #tpu.memory_space<vmem>> -> memref<1x125xi32, #tpu.memory_space<vmem>>
    %dma_start3A_15 = tpu.memref_squeeze %dma_start3A_14 : memref<1x125xi32, #tpu.memory_space<vmem>> -> memref<125xi32, #tpu.memory_space<vmem>>
    %dma_start3A_16 = arith.constant 0 : i32
    %dma_start3A_17 = arith.constant 0 : i32
    %dma_start3A_18 = tpu.memref_slice %arg2[%dma_start3A_16, %dma_start3A_17] : memref<10000x16xf32, #tpu.memory_space<hbm>> -> memref<10000x16xf32, #tpu.memory_space<hbm>>
    tpu.enqueue_indirect_dma source(%dma_start3A_18 : memref<10000x16xf32, #tpu.memory_space<hbm>>) target(%dma_start3A_12 : memref<125x16xf32, #tpu.memory_space<vmem>>) offsets(%dma_start3A_15 : memref<125xi32, #tpu.memory_space<vmem>>) semaphore(%arg11 : memref<!tpu.dma_semaphore, #tpu.memory_space<semaphore_mem>>)
    %dma_start3A_19 = arith.constant 1 : i32
    %dma_start3A_20 = arith.constant 1 : i32
    %dma_start3A_21 = arith.constant 0 : i32
    %dma_start3A_22 = arith.constant 0 : i32
    %dma_start3A_23 = tpu.memref_slice %arg8[%dma_start3A_20, %dma_start3A_21, %dma_start3A_22] : memref<8x125x16xf32, #tpu.memory_space<vmem>> -> memref<1x125x16xf32, #tpu.memory_space<vmem>>
    %dma_start3A_24 = tpu.memref_squeeze %dma_start3A_23 : memref<1x125x16xf32, #tpu.memory_space<vmem>> -> memref<125x16xf32, #tpu.memory_space<vmem>>
    %dma_start3A_25 = arith.constant 0 : i32
    %dma_start3A_26 = tpu.memref_slice %arg6[%dma_start3A_19, %dma_start3A_25] : memref<80x125xi32, #tpu.memory_space<vmem>> -> memref<1x125xi32, #tpu.memory_space<vmem>>
    %dma_start3A_27 = tpu.memref_squeeze %dma_start3A_26 : memref<1x125xi32, #tpu.memory_space<vmem>> -> memref<125xi32, #tpu.memory_space<vmem>>
    %dma_start3A_28 = arith.constant 0 : i32
    %dma_start3A_29 = arith.constant 0 : i32
    %dma_start3A_30 = tpu.memref_slice %arg2[%dma_start3A_28, %dma_start3A_29] : memref<10000x16xf32, #tpu.memory_space<hbm>> -> memref<10000x16xf32, #tpu.memory_space<hbm>>
    tpu.enqueue_indirect_dma source(%dma_start3A_30 : memref<10000x16xf32, #tpu.memory_space<hbm>>) target(%dma_start3A_24 : memref<125x16xf32, #tpu.memory_space<vmem>>) offsets(%dma_start3A_27 : memref<125xi32, #tpu.memory_space<vmem>>) semaphore(%arg12 : memref<!tpu.dma_semaphore, #tpu.memory_space<semaphore_mem>>)
    %dma_start3A_31 = arith.constant 2 : i32
    %dma_start3A_32 = arith.constant 2 : i32
    %dma_start3A_33 = arith.constant 0 : i32
    %dma_start3A_34 = arith.constant 0 : i32
    %dma_start3A_35 = tpu.memref_slice %arg8[%dma_start3A_32, %dma_start3A_33, %dma_start3A_34] : memref<8x125x16xf32, #tpu.memory_space<vmem>> -> memref<1x125x16xf32, #tpu.memory_space<vmem>>
    %dma_start3A_36 = tpu.memref_squeeze %dma_start3A_35 : memref<1x125x16xf32, #tpu.memory_space<vmem>> -> memref<125x16xf32, #tpu.memory_space<vmem>>
    %dma_start3A_37 = arith.constant 0 : i32
    %dma_start3A_38 = tpu.memref_slice %arg6[%dma_start3A_31, %dma_start3A_37] : memref<80x125xi32, #tpu.memory_space<vmem>> -> memref<1x125xi32, #tpu.memory_space<vmem>>
    %dma_start3A_39 = tpu.memref_squeeze %dma_start3A_38 : memref<1x125xi32, #tpu.memory_space<vmem>> -> memref<125xi32, #tpu.memory_space<vmem>>
    %dma_start3A_40 = arith.constant 0 : i32
    %dma_start3A_41 = arith.constant 0 : i32
    %dma_start3A_42 = tpu.memref_slice %arg2[%dma_start3A_40, %dma_start3A_41] : memref<10000x16xf32, #tpu.memory_space<hbm>> -> memref<10000x16xf32, #tpu.memory_space<hbm>>
    tpu.enqueue_indirect_dma source(%dma_start3A_42 : memref<10000x16xf32, #tpu.memory_space<hbm>>) target(%dma_start3A_36 : memref<125x16xf32, #tpu.memory_space<vmem>>) offsets(%dma_start3A_39 : memref<125xi32, #tpu.memory_space<vmem>>) semaphore(%arg13 : memref<!tpu.dma_semaphore, #tpu.memory_space<semaphore_mem>>)
    %dma_start3A_43 = arith.constant 3 : i32
    %dma_start3A_44 = arith.constant 3 : i32
    %dma_start3A_45 = arith.constant 0 : i32
    %dma_start3A_46 = arith.constant 0 : i32
    %dma_start3A_47 = tpu.memref_slice %arg8[%dma_start3A_44, %dma_start3A_45, %dma_start3A_46] : memref<8x125x16xf32, #tpu.memory_space<vmem>> -> memref<1x125x16xf32, #tpu.memory_space<vmem>>
    %dma_start3A_48 = tpu.memref_squeeze %dma_start3A_47 : memref<1x125x16xf32, #tpu.memory_space<vmem>> -> memref<125x16xf32, #tpu.memory_space<vmem>>
    %dma_start3A_49 = arith.constant 0 : i32
    %dma_start3A_50 = tpu.memref_slice %arg6[%dma_start3A_43, %dma_start3A_49] : memref<80x125xi32, #tpu.memory_space<vmem>> -> memref<1x125xi32, #tpu.memory_space<vmem>>
    %dma_start3A_51 = tpu.memref_squeeze %dma_start3A_50 : memref<1x125xi32, #tpu.memory_space<vmem>> -> memref<125xi32, #tpu.memory_space<vmem>>
    %dma_start3A_52 = arith.constant 0 : i32
    %dma_start3A_53 = arith.constant 0 : i32
    %dma_start3A_54 = tpu.memref_slice %arg2[%dma_start3A_52, %dma_start3A_53] : memref<10000x16xf32, #tpu.memory_space<hbm>> -> memref<10000x16xf32, #tpu.memory_space<hbm>>
    tpu.enqueue_indirect_dma source(%dma_start3A_54 : memref<10000x16xf32, #tpu.memory_space<hbm>>) target(%dma_start3A_48 : memref<125x16xf32, #tpu.memory_space<vmem>>) offsets(%dma_start3A_51 : memref<125xi32, #tpu.memory_space<vmem>>) semaphore(%arg14 : memref<!tpu.dma_semaphore, #tpu.memory_space<semaphore_mem>>)
    %dma_start3A_55 = arith.constant 4 : i32
    %dma_start3A_56 = arith.constant 4 : i32
    %dma_start3A_57 = arith.constant 0 : i32
    %dma_start3A_58 = arith.constant 0 : i32
    %dma_start3A_59 = tpu.memref_slice %arg8[%dma_start3A_56, %dma_start3A_57, %dma_start3A_58] : memref<8x125x16xf32, #tpu.memory_space<vmem>> -> memref<1x125x16xf32, #tpu.memory_space<vmem>>
    %dma_start3A_60 = tpu.memref_squeeze %dma_start3A_59 : memref<1x125x16xf32, #tpu.memory_space<vmem>> -> memref<125x16xf32, #tpu.memory_space<vmem>>
    %dma_start3A_61 = arith.constant 0 : i32
    %dma_start3A_62 = tpu.memref_slice %arg6[%dma_start3A_55, %dma_start3A_61] : memref<80x125xi32, #tpu.memory_space<vmem>> -> memref<1x125xi32, #tpu.memory_space<vmem>>
    %dma_start3A_63 = tpu.memref_squeeze %dma_start3A_62 : memref<1x125xi32, #tpu.memory_space<vmem>> -> memref<125xi32, #tpu.memory_space<vmem>>
    %dma_start3A_64 = arith.constant 0 : i32
    %dma_start3A_65 = arith.constant 0 : i32
    %dma_start3A_66 = tpu.memref_slice %arg2[%dma_start3A_64, %dma_start3A_65] : memref<10000x16xf32, #tpu.memory_space<hbm>> -> memref<10000x16xf32, #tpu.memory_space<hbm>>
    tpu.enqueue_indirect_dma source(%dma_start3A_66 : memref<10000x16xf32, #tpu.memory_space<hbm>>) target(%dma_start3A_60 : memref<125x16xf32, #tpu.memory_space<vmem>>) offsets(%dma_start3A_63 : memref<125xi32, #tpu.memory_space<vmem>>) semaphore(%arg15 : memref<!tpu.dma_semaphore, #tpu.memory_space<semaphore_mem>>)
    %dma_start3A_67 = arith.constant 5 : i32
    %dma_start3A_68 = arith.constant 5 : i32
    %dma_start3A_69 = arith.constant 0 : i32
    %dma_start3A_70 = arith.constant 0 : i32
    %dma_start3A_71 = tpu.memref_slice %arg8[%dma_start3A_68, %dma_start3A_69, %dma_start3A_70] : memref<8x125x16xf32, #tpu.memory_space<vmem>> -> memref<1x125x16xf32, #tpu.memory_space<vmem>>
    %dma_start3A_72 = tpu.memref_squeeze %dma_start3A_71 : memref<1x125x16xf32, #tpu.memory_space<vmem>> -> memref<125x16xf32, #tpu.memory_space<vmem>>
    %dma_start3A_73 = arith.constant 0 : i32
    %dma_start3A_74 = tpu.memref_slice %arg6[%dma_start3A_67, %dma_start3A_73] : memref<80x125xi32, #tpu.memory_space<vmem>> -> memref<1x125xi32, #tpu.memory_space<vmem>>
    %dma_start3A_75 = tpu.memref_squeeze %dma_start3A_74 : memref<1x125xi32, #tpu.memory_space<vmem>> -> memref<125xi32, #tpu.memory_space<vmem>>
    %dma_start3A_76 = arith.constant 0 : i32
    %dma_start3A_77 = arith.constant 0 : i32
    %dma_start3A_78 = tpu.memref_slice %arg2[%dma_start3A_76, %dma_start3A_77] : memref<10000x16xf32, #tpu.memory_space<hbm>> -> memref<10000x16xf32, #tpu.memory_space<hbm>>
    tpu.enqueue_indirect_dma source(%dma_start3A_78 : memref<10000x16xf32, #tpu.memory_space<hbm>>) target(%dma_start3A_72 : memref<125x16xf32, #tpu.memory_space<vmem>>) offsets(%dma_start3A_75 : memref<125xi32, #tpu.memory_space<vmem>>) semaphore(%arg16 : memref<!tpu.dma_semaphore, #tpu.memory_space<semaphore_mem>>)
    %dma_start3A_79 = arith.constant 6 : i32
    %dma_start3A_80 = arith.constant 6 : i32
    %dma_start3A_81 = arith.constant 0 : i32
    %dma_start3A_82 = arith.constant 0 : i32
    %dma_start3A_83 = tpu.memref_slice %arg8[%dma_start3A_80, %dma_start3A_81, %dma_start3A_82] : memref<8x125x16xf32, #tpu.memory_space<vmem>> -> memref<1x125x16xf32, #tpu.memory_space<vmem>>
    %dma_start3A_84 = tpu.memref_squeeze %dma_start3A_83 : memref<1x125x16xf32, #tpu.memory_space<vmem>> -> memref<125x16xf32, #tpu.memory_space<vmem>>
    %dma_start3A_85 = arith.constant 0 : i32
    %dma_start3A_86 = tpu.memref_slice %arg6[%dma_start3A_79, %dma_start3A_85] : memref<80x125xi32, #tpu.memory_space<vmem>> -> memref<1x125xi32, #tpu.memory_space<vmem>>
    %dma_start3A_87 = tpu.memref_squeeze %dma_start3A_86 : memref<1x125xi32, #tpu.memory_space<vmem>> -> memref<125xi32, #tpu.memory_space<vmem>>
    %dma_start3A_88 = arith.constant 0 : i32
    %dma_start3A_89 = arith.constant 0 : i32
    %dma_start3A_90 = tpu.memref_slice %arg2[%dma_start3A_88, %dma_start3A_89] : memref<10000x16xf32, #tpu.memory_space<hbm>> -> memref<10000x16xf32, #tpu.memory_space<hbm>>
    tpu.enqueue_indirect_dma source(%dma_start3A_90 : memref<10000x16xf32, #tpu.memory_space<hbm>>) target(%dma_start3A_84 : memref<125x16xf32, #tpu.memory_space<vmem>>) offsets(%dma_start3A_87 : memref<125xi32, #tpu.memory_space<vmem>>) semaphore(%arg17 : memref<!tpu.dma_semaphore, #tpu.memory_space<semaphore_mem>>)
    %dma_start3A_91 = arith.constant 7 : i32
    %dma_start3A_92 = arith.constant 7 : i32
    %dma_start3A_93 = arith.constant 0 : i32
    %dma_start3A_94 = arith.constant 0 : i32
    %dma_start3A_95 = tpu.memref_slice %arg8[%dma_start3A_92, %dma_start3A_93, %dma_start3A_94] : memref<8x125x16xf32, #tpu.memory_space<vmem>> -> memref<1x125x16xf32, #tpu.memory_space<vmem>>
    %dma_start3A_96 = tpu.memref_squeeze %dma_start3A_95 : memref<1x125x16xf32, #tpu.memory_space<vmem>> -> memref<125x16xf32, #tpu.memory_space<vmem>>
    %dma_start3A_97 = arith.constant 0 : i32
    %dma_start3A_98 = tpu.memref_slice %arg6[%dma_start3A_91, %dma_start3A_97] : memref<80x125xi32, #tpu.memory_space<vmem>> -> memref<1x125xi32, #tpu.memory_space<vmem>>
    %dma_start3A_99 = tpu.memref_squeeze %dma_start3A_98 : memref<1x125xi32, #tpu.memory_space<vmem>> -> memref<125xi32, #tpu.memory_space<vmem>>
    %dma_start3A_100 = arith.constant 0 : i32
    %dma_start3A_101 = arith.constant 0 : i32
    %dma_start3A_102 = tpu.memref_slice %arg2[%dma_start3A_100, %dma_start3A_101] : memref<10000x16xf32, #tpu.memory_space<hbm>> -> memref<10000x16xf32, #tpu.memory_space<hbm>>
    tpu.enqueue_indirect_dma source(%dma_start3A_102 : memref<10000x16xf32, #tpu.memory_space<hbm>>) target(%dma_start3A_96 : memref<125x16xf32, #tpu.memory_space<vmem>>) offsets(%dma_start3A_99 : memref<125xi32, #tpu.memory_space<vmem>>) semaphore(%arg18 : memref<!tpu.dma_semaphore, #tpu.memory_space<semaphore_mem>>)
    %scan3A_103 = arith.constant 0 : i32
    %scan3A_104 = arith.constant 9 : i32
    %scan3A_105 = arith.addi %scan3A_103, %scan3A_104 : i32
    %scan3A_106 = arith.constant 1 : i32
    scf.for %scan3A_221 = %scan3A_103 to %scan3A_105 step %scan3A_106  : i32 {
      %mul3A_222 = arith.constant 1 : i32
      %mul3A_223 = arith.muli %scan3A_221, %mul3A_222 : i32
      %add3A_224 = arith.constant 0 : i32
      %add3A_225 = arith.addi %add3A_224, %mul3A_223 : i32
      %mul3A_226 = arith.constant 8 : i32
      %mul3A_227 = arith.muli %add3A_225, %mul3A_226 : i32
      %add3A_228 = arith.constant 0 : i32
      %add3A_229 = arith.addi %mul3A_227, %add3A_228 : i32
      %dma_wait3A_230 = arith.constant 0 : i32
      %dma_wait3A_231 = arith.constant 0 : i32
      %dma_wait3A_232 = arith.constant 0 : i32
      %dma_wait3A_233 = tpu.memref_slice %arg8[%dma_wait3A_230, %dma_wait3A_231, %dma_wait3A_232] : memref<8x125x16xf32, #tpu.memory_space<vmem>> -> memref<1x125x16xf32, #tpu.memory_space<vmem>>
      %dma_wait3A_234 = tpu.memref_squeeze %dma_wait3A_233 : memref<1x125x16xf32, #tpu.memory_space<vmem>> -> memref<125x16xf32, #tpu.memory_space<vmem>>
      %dma_wait3A_235 = arith.constant 0 : i32
      %dma_wait3A_236 = tpu.memref_slice %arg6[%add3A_229, %dma_wait3A_235] : memref<80x125xi32, #tpu.memory_space<vmem>> -> memref<1x125xi32, #tpu.memory_space<vmem>>
      %dma_wait3A_237 = tpu.memref_squeeze %dma_wait3A_236 : memref<1x125xi32, #tpu.memory_space<vmem>> -> memref<125xi32, #tpu.memory_space<vmem>>
      %dma_wait3A_238 = arith.constant 0 : i32
      %dma_wait3A_239 = arith.constant 0 : i32
      %dma_wait3A_240 = tpu.memref_slice %arg2[%dma_wait3A_238, %dma_wait3A_239] : memref<10000x16xf32, #tpu.memory_space<hbm>> -> memref<10000x16xf32, #tpu.memory_space<hbm>>
      tpu.wait_indirect_dma semaphore(%arg11 : memref<!tpu.dma_semaphore, #tpu.memory_space<semaphore_mem>>) src(%dma_wait3A_240 : memref<10000x16xf32, #tpu.memory_space<hbm>>) dst(%dma_wait3A_234 : memref<125x16xf32, #tpu.memory_space<vmem>>)
      %run_scoped3A_241 = arith.constant 0 : i32
      "tpu.region"() ({
        %run_scoped3A_444 = tpu.sem_alloc : memref<!tpu.dma_semaphore, #tpu.memory_space<semaphore_mem>>
        %dma_start3A_445 = arith.constant 0 : i32
        %dma_start3A_446 = arith.constant 0 : i32
        %dma_start3A_447 = tpu.memref_slice %arg8[%run_scoped3A_241, %dma_start3A_445, %dma_start3A_446] : memref<8x125x16xf32, #tpu.memory_space<vmem>> -> memref<1x125x16xf32, #tpu.memory_space<vmem>>
        %dma_start3A_448 = tpu.memref_squeeze %dma_start3A_447 : memref<1x125x16xf32, #tpu.memory_space<vmem>> -> memref<125x16xf32, #tpu.memory_space<vmem>>
        %dma_start3A_449 = arith.constant 0 : i32
        %dma_start3A_450 = tpu.memref_slice %arg7[%add3A_229, %dma_start3A_449] : memref<80x125xi32, #tpu.memory_space<vmem>> -> memref<1x125xi32, #tpu.memory_space<vmem>>
        %dma_start3A_451 = tpu.memref_squeeze %dma_start3A_450 : memref<1x125xi32, #tpu.memory_space<vmem>> -> memref<125xi32, #tpu.memory_space<vmem>>
        %dma_start3A_452 = arith.constant 0 : i32
        %dma_start3A_453 = arith.constant 0 : i32
        %dma_start3A_454 = tpu.memref_slice %arg10[%dma_start3A_452, %dma_start3A_453] : memref<10240x16xf32, #tpu.memory_space<vmem_shared>> -> memref<10240x16xf32, #tpu.memory_space<vmem_shared>>
        tpu.enqueue_indirect_dma source(%dma_start3A_448 : memref<125x16xf32, #tpu.memory_space<vmem>>) target(%dma_start3A_454 : memref<10240x16xf32, #tpu.memory_space<vmem_shared>>) offsets(%dma_start3A_451 : memref<125xi32, #tpu.memory_space<vmem>>) semaphore(%run_scoped3A_444 : memref<!tpu.dma_semaphore, #tpu.memory_space<semaphore_mem>>) {add = true}
        %dma_wait3A_455 = arith.constant 0 : i32
        %dma_wait3A_456 = arith.constant 0 : i32
        %dma_wait3A_457 = tpu.memref_slice %arg8[%run_scoped3A_241, %dma_wait3A_455, %dma_wait3A_456] : memref<8x125x16xf32, #tpu.memory_space<vmem>> -> memref<1x125x16xf32, #tpu.memory_space<vmem>>
        %dma_wait3A_458 = tpu.memref_squeeze %dma_wait3A_457 : memref<1x125x16xf32, #tpu.memory_space<vmem>> -> memref<125x16xf32, #tpu.memory_space<vmem>>
        %dma_wait3A_459 = arith.constant 0 : i32
        %dma_wait3A_460 = tpu.memref_slice %arg7[%add3A_229, %dma_wait3A_459] : memref<80x125xi32, #tpu.memory_space<vmem>> -> memref<1x125xi32, #tpu.memory_space<vmem>>
        %dma_wait3A_461 = tpu.memref_squeeze %dma_wait3A_460 : memref<1x125xi32, #tpu.memory_space<vmem>> -> memref<125xi32, #tpu.memory_space<vmem>>
        %dma_wait3A_462 = arith.constant 0 : i32
        %dma_wait3A_463 = arith.constant 0 : i32
        %dma_wait3A_464 = tpu.memref_slice %arg10[%dma_wait3A_462, %dma_wait3A_463] : memref<10240x16xf32, #tpu.memory_space<vmem_shared>> -> memref<10240x16xf32, #tpu.memory_space<vmem_shared>>
        tpu.wait_indirect_dma semaphore(%run_scoped3A_444 : memref<!tpu.dma_semaphore, #tpu.memory_space<semaphore_mem>>) src(%dma_wait3A_458 : memref<125x16xf32, #tpu.memory_space<vmem>>) dst(%dma_wait3A_464 : memref<10240x16xf32, #tpu.memory_space<vmem_shared>>)
        tpu.yield
      }) : () -> ()
      %add3A_242 = arith.constant 8 : i32
      %add3A_243 = arith.addi %add3A_229, %add3A_242 : i32
      %dma_start3A_244 = arith.constant 0 : i32
      %dma_start3A_245 = arith.constant 0 : i32
      %dma_start3A_246 = arith.constant 0 : i32
      %dma_start3A_247 = tpu.memref_slice %arg8[%dma_start3A_244, %dma_start3A_245, %dma_start3A_246] : memref<8x125x16xf32, #tpu.memory_space<vmem>> -> memref<1x125x16xf32, #tpu.memory_space<vmem>>
      %dma_start3A_248 = tpu.memref_squeeze %dma_start3A_247 : memref<1x125x16xf32, #tpu.memory_space<vmem>> -> memref<125x16xf32, #tpu.memory_space<vmem>>
      %dma_start3A_249 = arith.constant 0 : i32
      %dma_start3A_250 = tpu.memref_slice %arg6[%add3A_243, %dma_start3A_249] : memref<80x125xi32, #tpu.memory_space<vmem>> -> memref<1x125xi32, #tpu.memory_space<vmem>>
      %dma_start3A_251 = tpu.memref_squeeze %dma_start3A_250 : memref<1x125xi32, #tpu.memory_space<vmem>> -> memref<125xi32, #tpu.memory_space<vmem>>
      %dma_start3A_252 = arith.constant 0 : i32
      %dma_start3A_253 = arith.constant 0 : i32
      %dma_start3A_254 = tpu.memref_slice %arg2[%dma_start3A_252, %dma_start3A_253] : memref<10000x16xf32, #tpu.memory_space<hbm>> -> memref<10000x16xf32, #tpu.memory_space<hbm>>
      tpu.enqueue_indirect_dma source(%dma_start3A_254 : memref<10000x16xf32, #tpu.memory_space<hbm>>) target(%dma_start3A_248 : memref<125x16xf32, #tpu.memory_space<vmem>>) offsets(%dma_start3A_251 : memref<125xi32, #tpu.memory_space<vmem>>) semaphore(%arg11 : memref<!tpu.dma_semaphore, #tpu.memory_space<semaphore_mem>>)
      %add3A_255 = arith.constant 1 : i32
      %add3A_256 = arith.addi %mul3A_227, %add3A_255 : i32
      %dma_wait3A_257 = arith.constant 1 : i32
      %dma_wait3A_258 = arith.constant 0 : i32
      %dma_wait3A_259 = arith.constant 0 : i32
      %dma_wait3A_260 = tpu.memref_slice %arg8[%dma_wait3A_257, %dma_wait3A_258, %dma_wait3A_259] : memref<8x125x16xf32, #tpu.memory_space<vmem>> -> memref<1x125x16xf32, #tpu.memory_space<vmem>>
      %dma_wait3A_261 = tpu.memref_squeeze %dma_wait3A_260 : memref<1x125x16xf32, #tpu.memory_space<vmem>> -> memref<125x16xf32, #tpu.memory_space<vmem>>
      %dma_wait3A_262 = arith.constant 0 : i32
      %dma_wait3A_263 = tpu.memref_slice %arg6[%add3A_256, %dma_wait3A_262] : memref<80x125xi32, #tpu.memory_space<vmem>> -> memref<1x125xi32, #tpu.memory_space<vmem>>
      %dma_wait3A_264 = tpu.memref_squeeze %dma_wait3A_263 : memref<1x125xi32, #tpu.memory_space<vmem>> -> memref<125xi32, #tpu.memory_space<vmem>>
      %dma_wait3A_265 = arith.constant 0 : i32
      %dma_wait3A_266 = arith.constant 0 : i32
      %dma_wait3A_267 = tpu.memref_slice %arg2[%dma_wait3A_265, %dma_wait3A_266] : memref<10000x16xf32, #tpu.memory_space<hbm>> -> memref<10000x16xf32, #tpu.memory_space<hbm>>
      tpu.wait_indirect_dma semaphore(%arg12 : memref<!tpu.dma_semaphore, #tpu.memory_space<semaphore_mem>>) src(%dma_wait3A_267 : memref<10000x16xf32, #tpu.memory_space<hbm>>) dst(%dma_wait3A_261 : memref<125x16xf32, #tpu.memory_space<vmem>>)
      %run_scoped3A_268 = arith.constant 1 : i32
      "tpu.region"() ({
        %run_scoped3A_444 = tpu.sem_alloc : memref<!tpu.dma_semaphore, #tpu.memory_space<semaphore_mem>>
        %dma_start3A_445 = arith.constant 0 : i32
        %dma_start3A_446 = arith.constant 0 : i32
        %dma_start3A_447 = tpu.memref_slice %arg8[%run_scoped3A_268, %dma_start3A_445, %dma_start3A_446] : memref<8x125x16xf32, #tpu.memory_space<vmem>> -> memref<1x125x16xf32, #tpu.memory_space<vmem>>
        %dma_start3A_448 = tpu.memref_squeeze %dma_start3A_447 : memref<1x125x16xf32, #tpu.memory_space<vmem>> -> memref<125x16xf32, #tpu.memory_space<vmem>>
        %dma_start3A_449 = arith.constant 0 : i32
        %dma_start3A_450 = tpu.memref_slice %arg7[%add3A_256, %dma_start3A_449] : memref<80x125xi32, #tpu.memory_space<vmem>> -> memref<1x125xi32, #tpu.memory_space<vmem>>
        %dma_start3A_451 = tpu.memref_squeeze %dma_start3A_450 : memref<1x125xi32, #tpu.memory_space<vmem>> -> memref<125xi32, #tpu.memory_space<vmem>>
        %dma_start3A_452 = arith.constant 0 : i32
        %dma_start3A_453 = arith.constant 0 : i32
        %dma_start3A_454 = tpu.memref_slice %arg10[%dma_start3A_452, %dma_start3A_453] : memref<10240x16xf32, #tpu.memory_space<vmem_shared>> -> memref<10240x16xf32, #tpu.memory_space<vmem_shared>>
        tpu.enqueue_indirect_dma source(%dma_start3A_448 : memref<125x16xf32, #tpu.memory_space<vmem>>) target(%dma_start3A_454 : memref<10240x16xf32, #tpu.memory_space<vmem_shared>>) offsets(%dma_start3A_451 : memref<125xi32, #tpu.memory_space<vmem>>) semaphore(%run_scoped3A_444 : memref<!tpu.dma_semaphore, #tpu.memory_space<semaphore_mem>>) {add = true}
        %dma_wait3A_455 = arith.constant 0 : i32
        %dma_wait3A_456 = arith.constant 0 : i32
        %dma_wait3A_457 = tpu.memref_slice %arg8[%run_scoped3A_268, %dma_wait3A_455, %dma_wait3A_456] : memref<8x125x16xf32, #tpu.memory_space<vmem>> -> memref<1x125x16xf32, #tpu.memory_space<vmem>>
        %dma_wait3A_458 = tpu.memref_squeeze %dma_wait3A_457 : memref<1x125x16xf32, #tpu.memory_space<vmem>> -> memref<125x16xf32, #tpu.memory_space<vmem>>
        %dma_wait3A_459 = arith.constant 0 : i32
        %dma_wait3A_460 = tpu.memref_slice %arg7[%add3A_256, %dma_wait3A_459] : memref<80x125xi32, #tpu.memory_space<vmem>> -> memref<1x125xi32, #tpu.memory_space<vmem>>
        %dma_wait3A_461 = tpu.memref_squeeze %dma_wait3A_460 : memref<1x125xi32, #tpu.memory_space<vmem>> -> memref<125xi32, #tpu.memory_space<vmem>>
        %dma_wait3A_462 = arith.constant 0 : i32
        %dma_wait3A_463 = arith.constant 0 : i32
        %dma_wait3A_464 = tpu.memref_slice %arg10[%dma_wait3A_462, %dma_wait3A_463] : memref<10240x16xf32, #tpu.memory_space<vmem_shared>> -> memref<10240x16xf32, #tpu.memory_space<vmem_shared>>
        tpu.wait_indirect_dma semaphore(%run_scoped3A_444 : memref<!tpu.dma_semaphore, #tpu.memory_space<semaphore_mem>>) src(%dma_wait3A_458 : memref<125x16xf32, #tpu.memory_space<vmem>>) dst(%dma_wait3A_464 : memref<10240x16xf32, #tpu.memory_space<vmem_shared>>)
        tpu.yield
      }) : () -> ()
      %add3A_269 = arith.constant 8 : i32
      %add3A_270 = arith.addi %add3A_256, %add3A_269 : i32
      %dma_start3A_271 = arith.constant 1 : i32
      %dma_start3A_272 = arith.constant 0 : i32
      %dma_start3A_273 = arith.constant 0 : i32
      %dma_start3A_274 = tpu.memref_slice %arg8[%dma_start3A_271, %dma_start3A_272, %dma_start3A_273] : memref<8x125x16xf32, #tpu.memory_space<vmem>> -> memref<1x125x16xf32, #tpu.memory_space<vmem>>
      %dma_start3A_275 = tpu.memref_squeeze %dma_start3A_274 : memref<1x125x16xf32, #tpu.memory_space<vmem>> -> memref<125x16xf32, #tpu.memory_space<vmem>>
      %dma_start3A_276 = arith.constant 0 : i32
      %dma_start3A_277 = tpu.memref_slice %arg6[%add3A_270, %dma_start3A_276] : memref<80x125xi32, #tpu.memory_space<vmem>> -> memref<1x125xi32, #tpu.memory_space<vmem>>
      %dma_start3A_278 = tpu.memref_squeeze %dma_start3A_277 : memref<1x125xi32, #tpu.memory_space<vmem>> -> memref<125xi32, #tpu.memory_space<vmem>>
      %dma_start3A_279 = arith.constant 0 : i32
      %dma_start3A_280 = arith.constant 0 : i32
      %dma_start3A_281 = tpu.memref_slice %arg2[%dma_start3A_279, %dma_start3A_280] : memref<10000x16xf32, #tpu.memory_space<hbm>> -> memref<10000x16xf32, #tpu.memory_space<hbm>>
      tpu.enqueue_indirect_dma source(%dma_start3A_281 : memref<10000x16xf32, #tpu.memory_space<hbm>>) target(%dma_start3A_275 : memref<125x16xf32, #tpu.memory_space<vmem>>) offsets(%dma_start3A_278 : memref<125xi32, #tpu.memory_space<vmem>>) semaphore(%arg12 : memref<!tpu.dma_semaphore, #tpu.memory_space<semaphore_mem>>)
      %add3A_282 = arith.constant 2 : i32
      %add3A_283 = arith.addi %mul3A_227, %add3A_282 : i32
      %dma_wait3A_284 = arith.constant 2 : i32
      %dma_wait3A_285 = arith.constant 0 : i32
      %dma_wait3A_286 = arith.constant 0 : i32
      %dma_wait3A_287 = tpu.memref_slice %arg8[%dma_wait3A_284, %dma_wait3A_285, %dma_wait3A_286] : memref<8x125x16xf32, #tpu.memory_space<vmem>> -> memref<1x125x16xf32, #tpu.memory_space<vmem>>
      %dma_wait3A_288 = tpu.memref_squeeze %dma_wait3A_287 : memref<1x125x16xf32, #tpu.memory_space<vmem>> -> memref<125x16xf32, #tpu.memory_space<vmem>>
      %dma_wait3A_289 = arith.constant 0 : i32
      %dma_wait3A_290 = tpu.memref_slice %arg6[%add3A_283, %dma_wait3A_289] : memref<80x125xi32, #tpu.memory_space<vmem>> -> memref<1x125xi32, #tpu.memory_space<vmem>>
      %dma_wait3A_291 = tpu.memref_squeeze %dma_wait3A_290 : memref<1x125xi32, #tpu.memory_space<vmem>> -> memref<125xi32, #tpu.memory_space<vmem>>
      %dma_wait3A_292 = arith.constant 0 : i32
      %dma_wait3A_293 = arith.constant 0 : i32
      %dma_wait3A_294 = tpu.memref_slice %arg2[%dma_wait3A_292, %dma_wait3A_293] : memref<10000x16xf32, #tpu.memory_space<hbm>> -> memref<10000x16xf32, #tpu.memory_space<hbm>>
      tpu.wait_indirect_dma semaphore(%arg13 : memref<!tpu.dma_semaphore, #tpu.memory_space<semaphore_mem>>) src(%dma_wait3A_294 : memref<10000x16xf32, #tpu.memory_space<hbm>>) dst(%dma_wait3A_288 : memref<125x16xf32, #tpu.memory_space<vmem>>)
      %run_scoped3A_295 = arith.constant 2 : i32
      "tpu.region"() ({
        %run_scoped3A_444 = tpu.sem_alloc : memref<!tpu.dma_semaphore, #tpu.memory_space<semaphore_mem>>
        %dma_start3A_445 = arith.constant 0 : i32
        %dma_start3A_446 = arith.constant 0 : i32
        %dma_start3A_447 = tpu.memref_slice %arg8[%run_scoped3A_295, %dma_start3A_445, %dma_start3A_446] : memref<8x125x16xf32, #tpu.memory_space<vmem>> -> memref<1x125x16xf32, #tpu.memory_space<vmem>>
        %dma_start3A_448 = tpu.memref_squeeze %dma_start3A_447 : memref<1x125x16xf32, #tpu.memory_space<vmem>> -> memref<125x16xf32, #tpu.memory_space<vmem>>
        %dma_start3A_449 = arith.constant 0 : i32
        %dma_start3A_450 = tpu.memref_slice %arg7[%add3A_283, %dma_start3A_449] : memref<80x125xi32, #tpu.memory_space<vmem>> -> memref<1x125xi32, #tpu.memory_space<vmem>>
        %dma_start3A_451 = tpu.memref_squeeze %dma_start3A_450 : memref<1x125xi32, #tpu.memory_space<vmem>> -> memref<125xi32, #tpu.memory_space<vmem>>
        %dma_start3A_452 = arith.constant 0 : i32
        %dma_start3A_453 = arith.constant 0 : i32
        %dma_start3A_454 = tpu.memref_slice %arg10[%dma_start3A_452, %dma_start3A_453] : memref<10240x16xf32, #tpu.memory_space<vmem_shared>> -> memref<10240x16xf32, #tpu.memory_space<vmem_shared>>
        tpu.enqueue_indirect_dma source(%dma_start3A_448 : memref<125x16xf32, #tpu.memory_space<vmem>>) target(%dma_start3A_454 : memref<10240x16xf32, #tpu.memory_space<vmem_shared>>) offsets(%dma_start3A_451 : memref<125xi32, #tpu.memory_space<vmem>>) semaphore(%run_scoped3A_444 : memref<!tpu.dma_semaphore, #tpu.memory_space<semaphore_mem>>) {add = true}
        %dma_wait3A_455 = arith.constant 0 : i32
        %dma_wait3A_456 = arith.constant 0 : i32
        %dma_wait3A_457 = tpu.memref_slice %arg8[%run_scoped3A_295, %dma_wait3A_455, %dma_wait3A_456] : memref<8x125x16xf32, #tpu.memory_space<vmem>> -> memref<1x125x16xf32, #tpu.memory_space<vmem>>
        %dma_wait3A_458 = tpu.memref_squeeze %dma_wait3A_457 : memref<1x125x16xf32, #tpu.memory_space<vmem>> -> memref<125x16xf32, #tpu.memory_space<vmem>>
        %dma_wait3A_459 = arith.constant 0 : i32
        %dma_wait3A_460 = tpu.memref_slice %arg7[%add3A_283, %dma_wait3A_459] : memref<80x125xi32, #tpu.memory_space<vmem>> -> memref<1x125xi32, #tpu.memory_space<vmem>>
        %dma_wait3A_461 = tpu.memref_squeeze %dma_wait3A_460 : memref<1x125xi32, #tpu.memory_space<vmem>> -> memref<125xi32, #tpu.memory_space<vmem>>
        %dma_wait3A_462 = arith.constant 0 : i32
        %dma_wait3A_463 = arith.constant 0 : i32
        %dma_wait3A_464 = tpu.memref_slice %arg10[%dma_wait3A_462, %dma_wait3A_463] : memref<10240x16xf32, #tpu.memory_space<vmem_shared>> -> memref<10240x16xf32, #tpu.memory_space<vmem_shared>>
        tpu.wait_indirect_dma semaphore(%run_scoped3A_444 : memref<!tpu.dma_semaphore, #tpu.memory_space<semaphore_mem>>) src(%dma_wait3A_458 : memref<125x16xf32, #tpu.memory_space<vmem>>) dst(%dma_wait3A_464 : memref<10240x16xf32, #tpu.memory_space<vmem_shared>>)
        tpu.yield
      }) : () -> ()
      %add3A_296 = arith.constant 8 : i32
      %add3A_297 = arith.addi %add3A_283, %add3A_296 : i32
      %dma_start3A_298 = arith.constant 2 : i32
      %dma_start3A_299 = arith.constant 0 : i32
      %dma_start3A_300 = arith.constant 0 : i32
      %dma_start3A_301 = tpu.memref_slice %arg8[%dma_start3A_298, %dma_start3A_299, %dma_start3A_300] : memref<8x125x16xf32, #tpu.memory_space<vmem>> -> memref<1x125x16xf32, #tpu.memory_space<vmem>>
      %dma_start3A_302 = tpu.memref_squeeze %dma_start3A_301 : memref<1x125x16xf32, #tpu.memory_space<vmem>> -> memref<125x16xf32, #tpu.memory_space<vmem>>
      %dma_start3A_303 = arith.constant 0 : i32
      %dma_start3A_304 = tpu.memref_slice %arg6[%add3A_297, %dma_start3A_303] : memref<80x125xi32, #tpu.memory_space<vmem>> -> memref<1x125xi32, #tpu.memory_space<vmem>>
      %dma_start3A_305 = tpu.memref_squeeze %dma_start3A_304 : memref<1x125xi32, #tpu.memory_space<vmem>> -> memref<125xi32, #tpu.memory_space<vmem>>
      %dma_start3A_306 = arith.constant 0 : i32
      %dma_start3A_307 = arith.constant 0 : i32
      %dma_start3A_308 = tpu.memref_slice %arg2[%dma_start3A_306, %dma_start3A_307] : memref<10000x16xf32, #tpu.memory_space<hbm>> -> memref<10000x16xf32, #tpu.memory_space<hbm>>
      tpu.enqueue_indirect_dma source(%dma_start3A_308 : memref<10000x16xf32, #tpu.memory_space<hbm>>) target(%dma_start3A_302 : memref<125x16xf32, #tpu.memory_space<vmem>>) offsets(%dma_start3A_305 : memref<125xi32, #tpu.memory_space<vmem>>) semaphore(%arg13 : memref<!tpu.dma_semaphore, #tpu.memory_space<semaphore_mem>>)
      %add3A_309 = arith.constant 3 : i32
      %add3A_310 = arith.addi %mul3A_227, %add3A_309 : i32
      %dma_wait3A_311 = arith.constant 3 : i32
      %dma_wait3A_312 = arith.constant 0 : i32
      %dma_wait3A_313 = arith.constant 0 : i32
      %dma_wait3A_314 = tpu.memref_slice %arg8[%dma_wait3A_311, %dma_wait3A_312, %dma_wait3A_313] : memref<8x125x16xf32, #tpu.memory_space<vmem>> -> memref<1x125x16xf32, #tpu.memory_space<vmem>>
      %dma_wait3A_315 = tpu.memref_squeeze %dma_wait3A_314 : memref<1x125x16xf32, #tpu.memory_space<vmem>> -> memref<125x16xf32, #tpu.memory_space<vmem>>
      %dma_wait3A_316 = arith.constant 0 : i32
      %dma_wait3A_317 = tpu.memref_slice %arg6[%add3A_310, %dma_wait3A_316] : memref<80x125xi32, #tpu.memory_space<vmem>> -> memref<1x125xi32, #tpu.memory_space<vmem>>
      %dma_wait3A_318 = tpu.memref_squeeze %dma_wait3A_317 : memref<1x125xi32, #tpu.memory_space<vmem>> -> memref<125xi32, #tpu.memory_space<vmem>>
      %dma_wait3A_319 = arith.constant 0 : i32
      %dma_wait3A_320 = arith.constant 0 : i32
      %dma_wait3A_321 = tpu.memref_slice %arg2[%dma_wait3A_319, %dma_wait3A_320] : memref<10000x16xf32, #tpu.memory_space<hbm>> -> memref<10000x16xf32, #tpu.memory_space<hbm>>
      tpu.wait_indirect_dma semaphore(%arg14 : memref<!tpu.dma_semaphore, #tpu.memory_space<semaphore_mem>>) src(%dma_wait3A_321 : memref<10000x16xf32, #tpu.memory_space<hbm>>) dst(%dma_wait3A_315 : memref<125x16xf32, #tpu.memory_space<vmem>>)
      %run_scoped3A_322 = arith.constant 3 : i32
      "tpu.region"() ({
        %run_scoped3A_444 = tpu.sem_alloc : memref<!tpu.dma_semaphore, #tpu.memory_space<semaphore_mem>>
        %dma_start3A_445 = arith.constant 0 : i32
        %dma_start3A_446 = arith.constant 0 : i32
        %dma_start3A_447 = tpu.memref_slice %arg8[%run_scoped3A_322, %dma_start3A_445, %dma_start3A_446] : memref<8x125x16xf32, #tpu.memory_space<vmem>> -> memref<1x125x16xf32, #tpu.memory_space<vmem>>
        %dma_start3A_448 = tpu.memref_squeeze %dma_start3A_447 : memref<1x125x16xf32, #tpu.memory_space<vmem>> -> memref<125x16xf32, #tpu.memory_space<vmem>>
        %dma_start3A_449 = arith.constant 0 : i32
        %dma_start3A_450 = tpu.memref_slice %arg7[%add3A_310, %dma_start3A_449] : memref<80x125xi32, #tpu.memory_space<vmem>> -> memref<1x125xi32, #tpu.memory_space<vmem>>
        %dma_start3A_451 = tpu.memref_squeeze %dma_start3A_450 : memref<1x125xi32, #tpu.memory_space<vmem>> -> memref<125xi32, #tpu.memory_space<vmem>>
        %dma_start3A_452 = arith.constant 0 : i32
        %dma_start3A_453 = arith.constant 0 : i32
        %dma_start3A_454 = tpu.memref_slice %arg10[%dma_start3A_452, %dma_start3A_453] : memref<10240x16xf32, #tpu.memory_space<vmem_shared>> -> memref<10240x16xf32, #tpu.memory_space<vmem_shared>>
        tpu.enqueue_indirect_dma source(%dma_start3A_448 : memref<125x16xf32, #tpu.memory_space<vmem>>) target(%dma_start3A_454 : memref<10240x16xf32, #tpu.memory_space<vmem_shared>>) offsets(%dma_start3A_451 : memref<125xi32, #tpu.memory_space<vmem>>) semaphore(%run_scoped3A_444 : memref<!tpu.dma_semaphore, #tpu.memory_space<semaphore_mem>>) {add = true}
        %dma_wait3A_455 = arith.constant 0 : i32
        %dma_wait3A_456 = arith.constant 0 : i32
        %dma_wait3A_457 = tpu.memref_slice %arg8[%run_scoped3A_322, %dma_wait3A_455, %dma_wait3A_456] : memref<8x125x16xf32, #tpu.memory_space<vmem>> -> memref<1x125x16xf32, #tpu.memory_space<vmem>>
        %dma_wait3A_458 = tpu.memref_squeeze %dma_wait3A_457 : memref<1x125x16xf32, #tpu.memory_space<vmem>> -> memref<125x16xf32, #tpu.memory_space<vmem>>
        %dma_wait3A_459 = arith.constant 0 : i32
        %dma_wait3A_460 = tpu.memref_slice %arg7[%add3A_310, %dma_wait3A_459] : memref<80x125xi32, #tpu.memory_space<vmem>> -> memref<1x125xi32, #tpu.memory_space<vmem>>
        %dma_wait3A_461 = tpu.memref_squeeze %dma_wait3A_460 : memref<1x125xi32, #tpu.memory_space<vmem>> -> memref<125xi32, #tpu.memory_space<vmem>>
        %dma_wait3A_462 = arith.constant 0 : i32
        %dma_wait3A_463 = arith.constant 0 : i32
        %dma_wait3A_464 = tpu.memref_slice %arg10[%dma_wait3A_462, %dma_wait3A_463] : memref<10240x16xf32, #tpu.memory_space<vmem_shared>> -> memref<10240x16xf32, #tpu.memory_space<vmem_shared>>
        tpu.wait_indirect_dma semaphore(%run_scoped3A_444 : memref<!tpu.dma_semaphore, #tpu.memory_space<semaphore_mem>>) src(%dma_wait3A_458 : memref<125x16xf32, #tpu.memory_space<vmem>>) dst(%dma_wait3A_464 : memref<10240x16xf32, #tpu.memory_space<vmem_shared>>)
        tpu.yield
      }) : () -> ()
      %add3A_323 = arith.constant 8 : i32
      %add3A_324 = arith.addi %add3A_310, %add3A_323 : i32
      %dma_start3A_325 = arith.constant 3 : i32
      %dma_start3A_326 = arith.constant 0 : i32
      %dma_start3A_327 = arith.constant 0 : i32
      %dma_start3A_328 = tpu.memref_slice %arg8[%dma_start3A_325, %dma_start3A_326, %dma_start3A_327] : memref<8x125x16xf32, #tpu.memory_space<vmem>> -> memref<1x125x16xf32, #tpu.memory_space<vmem>>
      %dma_start3A_329 = tpu.memref_squeeze %dma_start3A_328 : memref<1x125x16xf32, #tpu.memory_space<vmem>> -> memref<125x16xf32, #tpu.memory_space<vmem>>
      %dma_start3A_330 = arith.constant 0 : i32
      %dma_start3A_331 = tpu.memref_slice %arg6[%add3A_324, %dma_start3A_330] : memref<80x125xi32, #tpu.memory_space<vmem>> -> memref<1x125xi32, #tpu.memory_space<vmem>>
      %dma_start3A_332 = tpu.memref_squeeze %dma_start3A_331 : memref<1x125xi32, #tpu.memory_space<vmem>> -> memref<125xi32, #tpu.memory_space<vmem>>
      %dma_start3A_333 = arith.constant 0 : i32
      %dma_start3A_334 = arith.constant 0 : i32
      %dma_start3A_335 = tpu.memref_slice %arg2[%dma_start3A_333, %dma_start3A_334] : memref<10000x16xf32, #tpu.memory_space<hbm>> -> memref<10000x16xf32, #tpu.memory_space<hbm>>
      tpu.enqueue_indirect_dma source(%dma_start3A_335 : memref<10000x16xf32, #tpu.memory_space<hbm>>) target(%dma_start3A_329 : memref<125x16xf32, #tpu.memory_space<vmem>>) offsets(%dma_start3A_332 : memref<125xi32, #tpu.memory_space<vmem>>) semaphore(%arg14 : memref<!tpu.dma_semaphore, #tpu.memory_space<semaphore_mem>>)
      %add3A_336 = arith.constant 4 : i32
      %add3A_337 = arith.addi %mul3A_227, %add3A_336 : i32
      %dma_wait3A_338 = arith.constant 4 : i32
      %dma_wait3A_339 = arith.constant 0 : i32
      %dma_wait3A_340 = arith.constant 0 : i32
      %dma_wait3A_341 = tpu.memref_slice %arg8[%dma_wait3A_338, %dma_wait3A_339, %dma_wait3A_340] : memref<8x125x16xf32, #tpu.memory_space<vmem>> -> memref<1x125x16xf32, #tpu.memory_space<vmem>>
      %dma_wait3A_342 = tpu.memref_squeeze %dma_wait3A_341 : memref<1x125x16xf32, #tpu.memory_space<vmem>> -> memref<125x16xf32, #tpu.memory_space<vmem>>
      %dma_wait3A_343 = arith.constant 0 : i32
      %dma_wait3A_344 = tpu.memref_slice %arg6[%add3A_337, %dma_wait3A_343] : memref<80x125xi32, #tpu.memory_space<vmem>> -> memref<1x125xi32, #tpu.memory_space<vmem>>
      %dma_wait3A_345 = tpu.memref_squeeze %dma_wait3A_344 : memref<1x125xi32, #tpu.memory_space<vmem>> -> memref<125xi32, #tpu.memory_space<vmem>>
      %dma_wait3A_346 = arith.constant 0 : i32
      %dma_wait3A_347 = arith.constant 0 : i32
      %dma_wait3A_348 = tpu.memref_slice %arg2[%dma_wait3A_346, %dma_wait3A_347] : memref<10000x16xf32, #tpu.memory_space<hbm>> -> memref<10000x16xf32, #tpu.memory_space<hbm>>
      tpu.wait_indirect_dma semaphore(%arg15 : memref<!tpu.dma_semaphore, #tpu.memory_space<semaphore_mem>>) src(%dma_wait3A_348 : memref<10000x16xf32, #tpu.memory_space<hbm>>) dst(%dma_wait3A_342 : memref<125x16xf32, #tpu.memory_space<vmem>>)
      %run_scoped3A_349 = arith.constant 4 : i32
      "tpu.region"() ({
        %run_scoped3A_444 = tpu.sem_alloc : memref<!tpu.dma_semaphore, #tpu.memory_space<semaphore_mem>>
        %dma_start3A_445 = arith.constant 0 : i32
        %dma_start3A_446 = arith.constant 0 : i32
        %dma_start3A_447 = tpu.memref_slice %arg8[%run_scoped3A_349, %dma_start3A_445, %dma_start3A_446] : memref<8x125x16xf32, #tpu.memory_space<vmem>> -> memref<1x125x16xf32, #tpu.memory_space<vmem>>
        %dma_start3A_448 = tpu.memref_squeeze %dma_start3A_447 : memref<1x125x16xf32, #tpu.memory_space<vmem>> -> memref<125x16xf32, #tpu.memory_space<vmem>>
        %dma_start3A_449 = arith.constant 0 : i32
        %dma_start3A_450 = tpu.memref_slice %arg7[%add3A_337, %dma_start3A_449] : memref<80x125xi32, #tpu.memory_space<vmem>> -> memref<1x125xi32, #tpu.memory_space<vmem>>
        %dma_start3A_451 = tpu.memref_squeeze %dma_start3A_450 : memref<1x125xi32, #tpu.memory_space<vmem>> -> memref<125xi32, #tpu.memory_space<vmem>>
        %dma_start3A_452 = arith.constant 0 : i32
        %dma_start3A_453 = arith.constant 0 : i32
        %dma_start3A_454 = tpu.memref_slice %arg10[%dma_start3A_452, %dma_start3A_453] : memref<10240x16xf32, #tpu.memory_space<vmem_shared>> -> memref<10240x16xf32, #tpu.memory_space<vmem_shared>>
        tpu.enqueue_indirect_dma source(%dma_start3A_448 : memref<125x16xf32, #tpu.memory_space<vmem>>) target(%dma_start3A_454 : memref<10240x16xf32, #tpu.memory_space<vmem_shared>>) offsets(%dma_start3A_451 : memref<125xi32, #tpu.memory_space<vmem>>) semaphore(%run_scoped3A_444 : memref<!tpu.dma_semaphore, #tpu.memory_space<semaphore_mem>>) {add = true}
        %dma_wait3A_455 = arith.constant 0 : i32
        %dma_wait3A_456 = arith.constant 0 : i32
        %dma_wait3A_457 = tpu.memref_slice %arg8[%run_scoped3A_349, %dma_wait3A_455, %dma_wait3A_456] : memref<8x125x16xf32, #tpu.memory_space<vmem>> -> memref<1x125x16xf32, #tpu.memory_space<vmem>>
        %dma_wait3A_458 = tpu.memref_squeeze %dma_wait3A_457 : memref<1x125x16xf32, #tpu.memory_space<vmem>> -> memref<125x16xf32, #tpu.memory_space<vmem>>
        %dma_wait3A_459 = arith.constant 0 : i32
        %dma_wait3A_460 = tpu.memref_slice %arg7[%add3A_337, %dma_wait3A_459] : memref<80x125xi32, #tpu.memory_space<vmem>> -> memref<1x125xi32, #tpu.memory_space<vmem>>
        %dma_wait3A_461 = tpu.memref_squeeze %dma_wait3A_460 : memref<1x125xi32, #tpu.memory_space<vmem>> -> memref<125xi32, #tpu.memory_space<vmem>>
        %dma_wait3A_462 = arith.constant 0 : i32
        %dma_wait3A_463 = arith.constant 0 : i32
        %dma_wait3A_464 = tpu.memref_slice %arg10[%dma_wait3A_462, %dma_wait3A_463] : memref<10240x16xf32, #tpu.memory_space<vmem_shared>> -> memref<10240x16xf32, #tpu.memory_space<vmem_shared>>
        tpu.wait_indirect_dma semaphore(%run_scoped3A_444 : memref<!tpu.dma_semaphore, #tpu.memory_space<semaphore_mem>>) src(%dma_wait3A_458 : memref<125x16xf32, #tpu.memory_space<vmem>>) dst(%dma_wait3A_464 : memref<10240x16xf32, #tpu.memory_space<vmem_shared>>)
        tpu.yield
      }) : () -> ()
      %add3A_350 = arith.constant 8 : i32
      %add3A_351 = arith.addi %add3A_337, %add3A_350 : i32
      %dma_start3A_352 = arith.constant 4 : i32
      %dma_start3A_353 = arith.constant 0 : i32
      %dma_start3A_354 = arith.constant 0 : i32
      %dma_start3A_355 = tpu.memref_slice %arg8[%dma_start3A_352, %dma_start3A_353, %dma_start3A_354] : memref<8x125x16xf32, #tpu.memory_space<vmem>> -> memref<1x125x16xf32, #tpu.memory_space<vmem>>
      %dma_start3A_356 = tpu.memref_squeeze %dma_start3A_355 : memref<1x125x16xf32, #tpu.memory_space<vmem>> -> memref<125x16xf32, #tpu.memory_space<vmem>>
      %dma_start3A_357 = arith.constant 0 : i32
      %dma_start3A_358 = tpu.memref_slice %arg6[%add3A_351, %dma_start3A_357] : memref<80x125xi32, #tpu.memory_space<vmem>> -> memref<1x125xi32, #tpu.memory_space<vmem>>
      %dma_start3A_359 = tpu.memref_squeeze %dma_start3A_358 : memref<1x125xi32, #tpu.memory_space<vmem>> -> memref<125xi32, #tpu.memory_space<vmem>>
      %dma_start3A_360 = arith.constant 0 : i32
      %dma_start3A_361 = arith.constant 0 : i32
      %dma_start3A_362 = tpu.memref_slice %arg2[%dma_start3A_360, %dma_start3A_361] : memref<10000x16xf32, #tpu.memory_space<hbm>> -> memref<10000x16xf32, #tpu.memory_space<hbm>>
      tpu.enqueue_indirect_dma source(%dma_start3A_362 : memref<10000x16xf32, #tpu.memory_space<hbm>>) target(%dma_start3A_356 : memref<125x16xf32, #tpu.memory_space<vmem>>) offsets(%dma_start3A_359 : memref<125xi32, #tpu.memory_space<vmem>>) semaphore(%arg15 : memref<!tpu.dma_semaphore, #tpu.memory_space<semaphore_mem>>)
      %add3A_363 = arith.constant 5 : i32
      %add3A_364 = arith.addi %mul3A_227, %add3A_363 : i32
      %dma_wait3A_365 = arith.constant 5 : i32
      %dma_wait3A_366 = arith.constant 0 : i32
      %dma_wait3A_367 = arith.constant 0 : i32
      %dma_wait3A_368 = tpu.memref_slice %arg8[%dma_wait3A_365, %dma_wait3A_366, %dma_wait3A_367] : memref<8x125x16xf32, #tpu.memory_space<vmem>> -> memref<1x125x16xf32, #tpu.memory_space<vmem>>
      %dma_wait3A_369 = tpu.memref_squeeze %dma_wait3A_368 : memref<1x125x16xf32, #tpu.memory_space<vmem>> -> memref<125x16xf32, #tpu.memory_space<vmem>>
      %dma_wait3A_370 = arith.constant 0 : i32
      %dma_wait3A_371 = tpu.memref_slice %arg6[%add3A_364, %dma_wait3A_370] : memref<80x125xi32, #tpu.memory_space<vmem>> -> memref<1x125xi32, #tpu.memory_space<vmem>>
      %dma_wait3A_372 = tpu.memref_squeeze %dma_wait3A_371 : memref<1x125xi32, #tpu.memory_space<vmem>> -> memref<125xi32, #tpu.memory_space<vmem>>
      %dma_wait3A_373 = arith.constant 0 : i32
      %dma_wait3A_374 = arith.constant 0 : i32
      %dma_wait3A_375 = tpu.memref_slice %arg2[%dma_wait3A_373, %dma_wait3A_374] : memref<10000x16xf32, #tpu.memory_space<hbm>> -> memref<10000x16xf32, #tpu.memory_space<hbm>>
      tpu.wait_indirect_dma semaphore(%arg16 : memref<!tpu.dma_semaphore, #tpu.memory_space<semaphore_mem>>) src(%dma_wait3A_375 : memref<10000x16xf32, #tpu.memory_space<hbm>>) dst(%dma_wait3A_369 : memref<125x16xf32, #tpu.memory_space<vmem>>)
      %run_scoped3A_376 = arith.constant 5 : i32
      "tpu.region"() ({
        %run_scoped3A_444 = tpu.sem_alloc : memref<!tpu.dma_semaphore, #tpu.memory_space<semaphore_mem>>
        %dma_start3A_445 = arith.constant 0 : i32
        %dma_start3A_446 = arith.constant 0 : i32
        %dma_start3A_447 = tpu.memref_slice %arg8[%run_scoped3A_376, %dma_start3A_445, %dma_start3A_446] : memref<8x125x16xf32, #tpu.memory_space<vmem>> -> memref<1x125x16xf32, #tpu.memory_space<vmem>>
        %dma_start3A_448 = tpu.memref_squeeze %dma_start3A_447 : memref<1x125x16xf32, #tpu.memory_space<vmem>> -> memref<125x16xf32, #tpu.memory_space<vmem>>
        %dma_start3A_449 = arith.constant 0 : i32
        %dma_start3A_450 = tpu.memref_slice %arg7[%add3A_364, %dma_start3A_449] : memref<80x125xi32, #tpu.memory_space<vmem>> -> memref<1x125xi32, #tpu.memory_space<vmem>>
        %dma_start3A_451 = tpu.memref_squeeze %dma_start3A_450 : memref<1x125xi32, #tpu.memory_space<vmem>> -> memref<125xi32, #tpu.memory_space<vmem>>
        %dma_start3A_452 = arith.constant 0 : i32
        %dma_start3A_453 = arith.constant 0 : i32
        %dma_start3A_454 = tpu.memref_slice %arg10[%dma_start3A_452, %dma_start3A_453] : memref<10240x16xf32, #tpu.memory_space<vmem_shared>> -> memref<10240x16xf32, #tpu.memory_space<vmem_shared>>
        tpu.enqueue_indirect_dma source(%dma_start3A_448 : memref<125x16xf32, #tpu.memory_space<vmem>>) target(%dma_start3A_454 : memref<10240x16xf32, #tpu.memory_space<vmem_shared>>) offsets(%dma_start3A_451 : memref<125xi32, #tpu.memory_space<vmem>>) semaphore(%run_scoped3A_444 : memref<!tpu.dma_semaphore, #tpu.memory_space<semaphore_mem>>) {add = true}
        %dma_wait3A_455 = arith.constant 0 : i32
        %dma_wait3A_456 = arith.constant 0 : i32
        %dma_wait3A_457 = tpu.memref_slice %arg8[%run_scoped3A_376, %dma_wait3A_455, %dma_wait3A_456] : memref<8x125x16xf32, #tpu.memory_space<vmem>> -> memref<1x125x16xf32, #tpu.memory_space<vmem>>
        %dma_wait3A_458 = tpu.memref_squeeze %dma_wait3A_457 : memref<1x125x16xf32, #tpu.memory_space<vmem>> -> memref<125x16xf32, #tpu.memory_space<vmem>>
        %dma_wait3A_459 = arith.constant 0 : i32
        %dma_wait3A_460 = tpu.memref_slice %arg7[%add3A_364, %dma_wait3A_459] : memref<80x125xi32, #tpu.memory_space<vmem>> -> memref<1x125xi32, #tpu.memory_space<vmem>>
        %dma_wait3A_461 = tpu.memref_squeeze %dma_wait3A_460 : memref<1x125xi32, #tpu.memory_space<vmem>> -> memref<125xi32, #tpu.memory_space<vmem>>
        %dma_wait3A_462 = arith.constant 0 : i32
        %dma_wait3A_463 = arith.constant 0 : i32
        %dma_wait3A_464 = tpu.memref_slice %arg10[%dma_wait3A_462, %dma_wait3A_463] : memref<10240x16xf32, #tpu.memory_space<vmem_shared>> -> memref<10240x16xf32, #tpu.memory_space<vmem_shared>>
        tpu.wait_indirect_dma semaphore(%run_scoped3A_444 : memref<!tpu.dma_semaphore, #tpu.memory_space<semaphore_mem>>) src(%dma_wait3A_458 : memref<125x16xf32, #tpu.memory_space<vmem>>) dst(%dma_wait3A_464 : memref<10240x16xf32, #tpu.memory_space<vmem_shared>>)
        tpu.yield
      }) : () -> ()
      %add3A_377 = arith.constant 8 : i32
      %add3A_378 = arith.addi %add3A_364, %add3A_377 : i32
      %dma_start3A_379 = arith.constant 5 : i32
      %dma_start3A_380 = arith.constant 0 : i32
      %dma_start3A_381 = arith.constant 0 : i32
      %dma_start3A_382 = tpu.memref_slice %arg8[%dma_start3A_379, %dma_start3A_380, %dma_start3A_381] : memref<8x125x16xf32, #tpu.memory_space<vmem>> -> memref<1x125x16xf32, #tpu.memory_space<vmem>>
      %dma_start3A_383 = tpu.memref_squeeze %dma_start3A_382 : memref<1x125x16xf32, #tpu.memory_space<vmem>> -> memref<125x16xf32, #tpu.memory_space<vmem>>
      %dma_start3A_384 = arith.constant 0 : i32
      %dma_start3A_385 = tpu.memref_slice %arg6[%add3A_378, %dma_start3A_384] : memref<80x125xi32, #tpu.memory_space<vmem>> -> memref<1x125xi32, #tpu.memory_space<vmem>>
      %dma_start3A_386 = tpu.memref_squeeze %dma_start3A_385 : memref<1x125xi32, #tpu.memory_space<vmem>> -> memref<125xi32, #tpu.memory_space<vmem>>
      %dma_start3A_387 = arith.constant 0 : i32
      %dma_start3A_388 = arith.constant 0 : i32
      %dma_start3A_389 = tpu.memref_slice %arg2[%dma_start3A_387, %dma_start3A_388] : memref<10000x16xf32, #tpu.memory_space<hbm>> -> memref<10000x16xf32, #tpu.memory_space<hbm>>
      tpu.enqueue_indirect_dma source(%dma_start3A_389 : memref<10000x16xf32, #tpu.memory_space<hbm>>) target(%dma_start3A_383 : memref<125x16xf32, #tpu.memory_space<vmem>>) offsets(%dma_start3A_386 : memref<125xi32, #tpu.memory_space<vmem>>) semaphore(%arg16 : memref<!tpu.dma_semaphore, #tpu.memory_space<semaphore_mem>>)
      %add3A_390 = arith.constant 6 : i32
      %add3A_391 = arith.addi %mul3A_227, %add3A_390 : i32
      %dma_wait3A_392 = arith.constant 6 : i32
      %dma_wait3A_393 = arith.constant 0 : i32
      %dma_wait3A_394 = arith.constant 0 : i32
      %dma_wait3A_395 = tpu.memref_slice %arg8[%dma_wait3A_392, %dma_wait3A_393, %dma_wait3A_394] : memref<8x125x16xf32, #tpu.memory_space<vmem>> -> memref<1x125x16xf32, #tpu.memory_space<vmem>>
      %dma_wait3A_396 = tpu.memref_squeeze %dma_wait3A_395 : memref<1x125x16xf32, #tpu.memory_space<vmem>> -> memref<125x16xf32, #tpu.memory_space<vmem>>
      %dma_wait3A_397 = arith.constant 0 : i32
      %dma_wait3A_398 = tpu.memref_slice %arg6[%add3A_391, %dma_wait3A_397] : memref<80x125xi32, #tpu.memory_space<vmem>> -> memref<1x125xi32, #tpu.memory_space<vmem>>
      %dma_wait3A_399 = tpu.memref_squeeze %dma_wait3A_398 : memref<1x125xi32, #tpu.memory_space<vmem>> -> memref<125xi32, #tpu.memory_space<vmem>>
      %dma_wait3A_400 = arith.constant 0 : i32
      %dma_wait3A_401 = arith.constant 0 : i32
      %dma_wait3A_402 = tpu.memref_slice %arg2[%dma_wait3A_400, %dma_wait3A_401] : memref<10000x16xf32, #tpu.memory_space<hbm>> -> memref<10000x16xf32, #tpu.memory_space<hbm>>
      tpu.wait_indirect_dma semaphore(%arg17 : memref<!tpu.dma_semaphore, #tpu.memory_space<semaphore_mem>>) src(%dma_wait3A_402 : memref<10000x16xf32, #tpu.memory_space<hbm>>) dst(%dma_wait3A_396 : memref<125x16xf32, #tpu.memory_space<vmem>>)
      %run_scoped3A_403 = arith.constant 6 : i32
      "tpu.region"() ({
        %run_scoped3A_444 = tpu.sem_alloc : memref<!tpu.dma_semaphore, #tpu.memory_space<semaphore_mem>>
        %dma_start3A_445 = arith.constant 0 : i32
        %dma_start3A_446 = arith.constant 0 : i32
        %dma_start3A_447 = tpu.memref_slice %arg8[%run_scoped3A_403, %dma_start3A_445, %dma_start3A_446] : memref<8x125x16xf32, #tpu.memory_space<vmem>> -> memref<1x125x16xf32, #tpu.memory_space<vmem>>
        %dma_start3A_448 = tpu.memref_squeeze %dma_start3A_447 : memref<1x125x16xf32, #tpu.memory_space<vmem>> -> memref<125x16xf32, #tpu.memory_space<vmem>>
        %dma_start3A_449 = arith.constant 0 : i32
        %dma_start3A_450 = tpu.memref_slice %arg7[%add3A_391, %dma_start3A_449] : memref<80x125xi32, #tpu.memory_space<vmem>> -> memref<1x125xi32, #tpu.memory_space<vmem>>
        %dma_start3A_451 = tpu.memref_squeeze %dma_start3A_450 : memref<1x125xi32, #tpu.memory_space<vmem>> -> memref<125xi32, #tpu.memory_space<vmem>>
        %dma_start3A_452 = arith.constant 0 : i32
        %dma_start3A_453 = arith.constant 0 : i32
        %dma_start3A_454 = tpu.memref_slice %arg10[%dma_start3A_452, %dma_start3A_453] : memref<10240x16xf32, #tpu.memory_space<vmem_shared>> -> memref<10240x16xf32, #tpu.memory_space<vmem_shared>>
        tpu.enqueue_indirect_dma source(%dma_start3A_448 : memref<125x16xf32, #tpu.memory_space<vmem>>) target(%dma_start3A_454 : memref<10240x16xf32, #tpu.memory_space<vmem_shared>>) offsets(%dma_start3A_451 : memref<125xi32, #tpu.memory_space<vmem>>) semaphore(%run_scoped3A_444 : memref<!tpu.dma_semaphore, #tpu.memory_space<semaphore_mem>>) {add = true}
        %dma_wait3A_455 = arith.constant 0 : i32
        %dma_wait3A_456 = arith.constant 0 : i32
        %dma_wait3A_457 = tpu.memref_slice %arg8[%run_scoped3A_403, %dma_wait3A_455, %dma_wait3A_456] : memref<8x125x16xf32, #tpu.memory_space<vmem>> -> memref<1x125x16xf32, #tpu.memory_space<vmem>>
        %dma_wait3A_458 = tpu.memref_squeeze %dma_wait3A_457 : memref<1x125x16xf32, #tpu.memory_space<vmem>> -> memref<125x16xf32, #tpu.memory_space<vmem>>
        %dma_wait3A_459 = arith.constant 0 : i32
        %dma_wait3A_460 = tpu.memref_slice %arg7[%add3A_391, %dma_wait3A_459] : memref<80x125xi32, #tpu.memory_space<vmem>> -> memref<1x125xi32, #tpu.memory_space<vmem>>
        %dma_wait3A_461 = tpu.memref_squeeze %dma_wait3A_460 : memref<1x125xi32, #tpu.memory_space<vmem>> -> memref<125xi32, #tpu.memory_space<vmem>>
        %dma_wait3A_462 = arith.constant 0 : i32
        %dma_wait3A_463 = arith.constant 0 : i32
        %dma_wait3A_464 = tpu.memref_slice %arg10[%dma_wait3A_462, %dma_wait3A_463] : memref<10240x16xf32, #tpu.memory_space<vmem_shared>> -> memref<10240x16xf32, #tpu.memory_space<vmem_shared>>
        tpu.wait_indirect_dma semaphore(%run_scoped3A_444 : memref<!tpu.dma_semaphore, #tpu.memory_space<semaphore_mem>>) src(%dma_wait3A_458 : memref<125x16xf32, #tpu.memory_space<vmem>>) dst(%dma_wait3A_464 : memref<10240x16xf32, #tpu.memory_space<vmem_shared>>)
        tpu.yield
      }) : () -> ()
      %add3A_404 = arith.constant 8 : i32
      %add3A_405 = arith.addi %add3A_391, %add3A_404 : i32
      %dma_start3A_406 = arith.constant 6 : i32
      %dma_start3A_407 = arith.constant 0 : i32
      %dma_start3A_408 = arith.constant 0 : i32
      %dma_start3A_409 = tpu.memref_slice %arg8[%dma_start3A_406, %dma_start3A_407, %dma_start3A_408] : memref<8x125x16xf32, #tpu.memory_space<vmem>> -> memref<1x125x16xf32, #tpu.memory_space<vmem>>
      %dma_start3A_410 = tpu.memref_squeeze %dma_start3A_409 : memref<1x125x16xf32, #tpu.memory_space<vmem>> -> memref<125x16xf32, #tpu.memory_space<vmem>>
      %dma_start3A_411 = arith.constant 0 : i32
      %dma_start3A_412 = tpu.memref_slice %arg6[%add3A_405, %dma_start3A_411] : memref<80x125xi32, #tpu.memory_space<vmem>> -> memref<1x125xi32, #tpu.memory_space<vmem>>
      %dma_start3A_413 = tpu.memref_squeeze %dma_start3A_412 : memref<1x125xi32, #tpu.memory_space<vmem>> -> memref<125xi32, #tpu.memory_space<vmem>>
      %dma_start3A_414 = arith.constant 0 : i32
      %dma_start3A_415 = arith.constant 0 : i32
      %dma_start3A_416 = tpu.memref_slice %arg2[%dma_start3A_414, %dma_start3A_415] : memref<10000x16xf32, #tpu.memory_space<hbm>> -> memref<10000x16xf32, #tpu.memory_space<hbm>>
      tpu.enqueue_indirect_dma source(%dma_start3A_416 : memref<10000x16xf32, #tpu.memory_space<hbm>>) target(%dma_start3A_410 : memref<125x16xf32, #tpu.memory_space<vmem>>) offsets(%dma_start3A_413 : memref<125xi32, #tpu.memory_space<vmem>>) semaphore(%arg17 : memref<!tpu.dma_semaphore, #tpu.memory_space<semaphore_mem>>)
      %add3A_417 = arith.constant 7 : i32
      %add3A_418 = arith.addi %mul3A_227, %add3A_417 : i32
      %dma_wait3A_419 = arith.constant 7 : i32
      %dma_wait3A_420 = arith.constant 0 : i32
      %dma_wait3A_421 = arith.constant 0 : i32
      %dma_wait3A_422 = tpu.memref_slice %arg8[%dma_wait3A_419, %dma_wait3A_420, %dma_wait3A_421] : memref<8x125x16xf32, #tpu.memory_space<vmem>> -> memref<1x125x16xf32, #tpu.memory_space<vmem>>
      %dma_wait3A_423 = tpu.memref_squeeze %dma_wait3A_422 : memref<1x125x16xf32, #tpu.memory_space<vmem>> -> memref<125x16xf32, #tpu.memory_space<vmem>>
      %dma_wait3A_424 = arith.constant 0 : i32
      %dma_wait3A_425 = tpu.memref_slice %arg6[%add3A_418, %dma_wait3A_424] : memref<80x125xi32, #tpu.memory_space<vmem>> -> memref<1x125xi32, #tpu.memory_space<vmem>>
      %dma_wait3A_426 = tpu.memref_squeeze %dma_wait3A_425 : memref<1x125xi32, #tpu.memory_space<vmem>> -> memref<125xi32, #tpu.memory_space<vmem>>
      %dma_wait3A_427 = arith.constant 0 : i32
      %dma_wait3A_428 = arith.constant 0 : i32
      %dma_wait3A_429 = tpu.memref_slice %arg2[%dma_wait3A_427, %dma_wait3A_428] : memref<10000x16xf32, #tpu.memory_space<hbm>> -> memref<10000x16xf32, #tpu.memory_space<hbm>>
      tpu.wait_indirect_dma semaphore(%arg18 : memref<!tpu.dma_semaphore, #tpu.memory_space<semaphore_mem>>) src(%dma_wait3A_429 : memref<10000x16xf32, #tpu.memory_space<hbm>>) dst(%dma_wait3A_423 : memref<125x16xf32, #tpu.memory_space<vmem>>)
      %run_scoped3A_430 = arith.constant 7 : i32
      "tpu.region"() ({
        %run_scoped3A_444 = tpu.sem_alloc : memref<!tpu.dma_semaphore, #tpu.memory_space<semaphore_mem>>
        %dma_start3A_445 = arith.constant 0 : i32
        %dma_start3A_446 = arith.constant 0 : i32
        %dma_start3A_447 = tpu.memref_slice %arg8[%run_scoped3A_430, %dma_start3A_445, %dma_start3A_446] : memref<8x125x16xf32, #tpu.memory_space<vmem>> -> memref<1x125x16xf32, #tpu.memory_space<vmem>>
        %dma_start3A_448 = tpu.memref_squeeze %dma_start3A_447 : memref<1x125x16xf32, #tpu.memory_space<vmem>> -> memref<125x16xf32, #tpu.memory_space<vmem>>
        %dma_start3A_449 = arith.constant 0 : i32
        %dma_start3A_450 = tpu.memref_slice %arg7[%add3A_418, %dma_start3A_449] : memref<80x125xi32, #tpu.memory_space<vmem>> -> memref<1x125xi32, #tpu.memory_space<vmem>>
        %dma_start3A_451 = tpu.memref_squeeze %dma_start3A_450 : memref<1x125xi32, #tpu.memory_space<vmem>> -> memref<125xi32, #tpu.memory_space<vmem>>
        %dma_start3A_452 = arith.constant 0 : i32
        %dma_start3A_453 = arith.constant 0 : i32
        %dma_start3A_454 = tpu.memref_slice %arg10[%dma_start3A_452, %dma_start3A_453] : memref<10240x16xf32, #tpu.memory_space<vmem_shared>> -> memref<10240x16xf32, #tpu.memory_space<vmem_shared>>
        tpu.enqueue_indirect_dma source(%dma_start3A_448 : memref<125x16xf32, #tpu.memory_space<vmem>>) target(%dma_start3A_454 : memref<10240x16xf32, #tpu.memory_space<vmem_shared>>) offsets(%dma_start3A_451 : memref<125xi32, #tpu.memory_space<vmem>>) semaphore(%run_scoped3A_444 : memref<!tpu.dma_semaphore, #tpu.memory_space<semaphore_mem>>) {add = true}
        %dma_wait3A_455 = arith.constant 0 : i32
        %dma_wait3A_456 = arith.constant 0 : i32
        %dma_wait3A_457 = tpu.memref_slice %arg8[%run_scoped3A_430, %dma_wait3A_455, %dma_wait3A_456] : memref<8x125x16xf32, #tpu.memory_space<vmem>> -> memref<1x125x16xf32, #tpu.memory_space<vmem>>
        %dma_wait3A_458 = tpu.memref_squeeze %dma_wait3A_457 : memref<1x125x16xf32, #tpu.memory_space<vmem>> -> memref<125x16xf32, #tpu.memory_space<vmem>>
        %dma_wait3A_459 = arith.constant 0 : i32
        %dma_wait3A_460 = tpu.memref_slice %arg7[%add3A_418, %dma_wait3A_459] : memref<80x125xi32, #tpu.memory_space<vmem>> -> memref<1x125xi32, #tpu.memory_space<vmem>>
        %dma_wait3A_461 = tpu.memref_squeeze %dma_wait3A_460 : memref<1x125xi32, #tpu.memory_space<vmem>> -> memref<125xi32, #tpu.memory_space<vmem>>
        %dma_wait3A_462 = arith.constant 0 : i32
        %dma_wait3A_463 = arith.constant 0 : i32
        %dma_wait3A_464 = tpu.memref_slice %arg10[%dma_wait3A_462, %dma_wait3A_463] : memref<10240x16xf32, #tpu.memory_space<vmem_shared>> -> memref<10240x16xf32, #tpu.memory_space<vmem_shared>>
        tpu.wait_indirect_dma semaphore(%run_scoped3A_444 : memref<!tpu.dma_semaphore, #tpu.memory_space<semaphore_mem>>) src(%dma_wait3A_458 : memref<125x16xf32, #tpu.memory_space<vmem>>) dst(%dma_wait3A_464 : memref<10240x16xf32, #tpu.memory_space<vmem_shared>>)
        tpu.yield
      }) : () -> ()
      %add3A_431 = arith.constant 8 : i32
      %add3A_432 = arith.addi %add3A_418, %add3A_431 : i32
      %dma_start3A_433 = arith.constant 7 : i32
      %dma_start3A_434 = arith.constant 0 : i32
      %dma_start3A_435 = arith.constant 0 : i32
      %dma_start3A_436 = tpu.memref_slice %arg8[%dma_start3A_433, %dma_start3A_434, %dma_start3A_435] : memref<8x125x16xf32, #tpu.memory_space<vmem>> -> memref<1x125x16xf32, #tpu.memory_space<vmem>>
      %dma_start3A_437 = tpu.memref_squeeze %dma_start3A_436 : memref<1x125x16xf32, #tpu.memory_space<vmem>> -> memref<125x16xf32, #tpu.memory_space<vmem>>
      %dma_start3A_438 = arith.constant 0 : i32
      %dma_start3A_439 = tpu.memref_slice %arg6[%add3A_432, %dma_start3A_438] : memref<80x125xi32, #tpu.memory_space<vmem>> -> memref<1x125xi32, #tpu.memory_space<vmem>>
      %dma_start3A_440 = tpu.memref_squeeze %dma_start3A_439 : memref<1x125xi32, #tpu.memory_space<vmem>> -> memref<125xi32, #tpu.memory_space<vmem>>
      %dma_start3A_441 = arith.constant 0 : i32
      %dma_start3A_442 = arith.constant 0 : i32
      %dma_start3A_443 = tpu.memref_slice %arg2[%dma_start3A_441, %dma_start3A_442] : memref<10000x16xf32, #tpu.memory_space<hbm>> -> memref<10000x16xf32, #tpu.memory_space<hbm>>
      tpu.enqueue_indirect_dma source(%dma_start3A_443 : memref<10000x16xf32, #tpu.memory_space<hbm>>) target(%dma_start3A_437 : memref<125x16xf32, #tpu.memory_space<vmem>>) offsets(%dma_start3A_440 : memref<125xi32, #tpu.memory_space<vmem>>) semaphore(%arg18 : memref<!tpu.dma_semaphore, #tpu.memory_space<semaphore_mem>>)
    }
    %scan3A_107 = arith.constant 9 : i32
    %dma_wait3A = arith.constant 72 : i32
    %dma_wait3A_108 = arith.constant 0 : i32
    %dma_wait3A_109 = arith.constant 0 : i32
    %dma_wait3A_110 = arith.constant 0 : i32
    %dma_wait3A_111 = tpu.memref_slice %arg8[%dma_wait3A_108, %dma_wait3A_109, %dma_wait3A_110] : memref<8x125x16xf32, #tpu.memory_space<vmem>> -> memref<1x125x16xf32, #tpu.memory_space<vmem>>
    %dma_wait3A_112 = tpu.memref_squeeze %dma_wait3A_111 : memref<1x125x16xf32, #tpu.memory_space<vmem>> -> memref<125x16xf32, #tpu.memory_space<vmem>>
    %dma_wait3A_113 = arith.constant 0 : i32
    %dma_wait3A_114 = tpu.memref_slice %arg6[%dma_wait3A, %dma_wait3A_113] : memref<80x125xi32, #tpu.memory_space<vmem>> -> memref<1x125xi32, #tpu.memory_space<vmem>>
    %dma_wait3A_115 = tpu.memref_squeeze %dma_wait3A_114 : memref<1x125xi32, #tpu.memory_space<vmem>> -> memref<125xi32, #tpu.memory_space<vmem>>
    %dma_wait3A_116 = arith.constant 0 : i32
    %dma_wait3A_117 = arith.constant 0 : i32
    %dma_wait3A_118 = tpu.memref_slice %arg2[%dma_wait3A_116, %dma_wait3A_117] : memref<10000x16xf32, #tpu.memory_space<hbm>> -> memref<10000x16xf32, #tpu.memory_space<hbm>>
    tpu.wait_indirect_dma semaphore(%arg11 : memref<!tpu.dma_semaphore, #tpu.memory_space<semaphore_mem>>) src(%dma_wait3A_118 : memref<10000x16xf32, #tpu.memory_space<hbm>>) dst(%dma_wait3A_112 : memref<125x16xf32, #tpu.memory_space<vmem>>)
    %run_scoped3A = arith.constant 0 : i32
    %run_scoped3A_119 = arith.constant 72 : i32
    "tpu.region"() ({
      %run_scoped3A_221 = tpu.sem_alloc : memref<!tpu.dma_semaphore, #tpu.memory_space<semaphore_mem>>
      %dma_start3A_222 = arith.constant 0 : i32
      %dma_start3A_223 = arith.constant 0 : i32
      %dma_start3A_224 = tpu.memref_slice %arg8[%run_scoped3A, %dma_start3A_222, %dma_start3A_223] : memref<8x125x16xf32, #tpu.memory_space<vmem>> -> memref<1x125x16xf32, #tpu.memory_space<vmem>>
      %dma_start3A_225 = tpu.memref_squeeze %dma_start3A_224 : memref<1x125x16xf32, #tpu.memory_space<vmem>> -> memref<125x16xf32, #tpu.memory_space<vmem>>
      %dma_start3A_226 = arith.constant 0 : i32
      %dma_start3A_227 = tpu.memref_slice %arg7[%run_scoped3A_119, %dma_start3A_226] : memref<80x125xi32, #tpu.memory_space<vmem>> -> memref<1x125xi32, #tpu.memory_space<vmem>>
      %dma_start3A_228 = tpu.memref_squeeze %dma_start3A_227 : memref<1x125xi32, #tpu.memory_space<vmem>> -> memref<125xi32, #tpu.memory_space<vmem>>
      %dma_start3A_229 = arith.constant 0 : i32
      %dma_start3A_230 = arith.constant 0 : i32
      %dma_start3A_231 = tpu.memref_slice %arg10[%dma_start3A_229, %dma_start3A_230] : memref<10240x16xf32, #tpu.memory_space<vmem_shared>> -> memref<10240x16xf32, #tpu.memory_space<vmem_shared>>
      tpu.enqueue_indirect_dma source(%dma_start3A_225 : memref<125x16xf32, #tpu.memory_space<vmem>>) target(%dma_start3A_231 : memref<10240x16xf32, #tpu.memory_space<vmem_shared>>) offsets(%dma_start3A_228 : memref<125xi32, #tpu.memory_space<vmem>>) semaphore(%run_scoped3A_221 : memref<!tpu.dma_semaphore, #tpu.memory_space<semaphore_mem>>) {add = true}
      %dma_wait3A_232 = arith.constant 0 : i32
      %dma_wait3A_233 = arith.constant 0 : i32
      %dma_wait3A_234 = tpu.memref_slice %arg8[%run_scoped3A, %dma_wait3A_232, %dma_wait3A_233] : memref<8x125x16xf32, #tpu.memory_space<vmem>> -> memref<1x125x16xf32, #tpu.memory_space<vmem>>
      %dma_wait3A_235 = tpu.memref_squeeze %dma_wait3A_234 : memref<1x125x16xf32, #tpu.memory_space<vmem>> -> memref<125x16xf32, #tpu.memory_space<vmem>>
      %dma_wait3A_236 = arith.constant 0 : i32
      %dma_wait3A_237 = tpu.memref_slice %arg7[%run_scoped3A_119, %dma_wait3A_236] : memref<80x125xi32, #tpu.memory_space<vmem>> -> memref<1x125xi32, #tpu.memory_space<vmem>>
      %dma_wait3A_238 = tpu.memref_squeeze %dma_wait3A_237 : memref<1x125xi32, #tpu.memory_space<vmem>> -> memref<125xi32, #tpu.memory_space<vmem>>
      %dma_wait3A_239 = arith.constant 0 : i32
      %dma_wait3A_240 = arith.constant 0 : i32
      %dma_wait3A_241 = tpu.memref_slice %arg10[%dma_wait3A_239, %dma_wait3A_240] : memref<10240x16xf32, #tpu.memory_space<vmem_shared>> -> memref<10240x16xf32, #tpu.memory_space<vmem_shared>>
      tpu.wait_indirect_dma semaphore(%run_scoped3A_221 : memref<!tpu.dma_semaphore, #tpu.memory_space<semaphore_mem>>) src(%dma_wait3A_235 : memref<125x16xf32, #tpu.memory_space<vmem>>) dst(%dma_wait3A_241 : memref<10240x16xf32, #tpu.memory_space<vmem_shared>>)
      tpu.yield
    }) : () -> ()
    %dma_wait3A_120 = arith.constant 73 : i32
    %dma_wait3A_121 = arith.constant 1 : i32
    %dma_wait3A_122 = arith.constant 0 : i32
    %dma_wait3A_123 = arith.constant 0 : i32
    %dma_wait3A_124 = tpu.memref_slice %arg8[%dma_wait3A_121, %dma_wait3A_122, %dma_wait3A_123] : memref<8x125x16xf32, #tpu.memory_space<vmem>> -> memref<1x125x16xf32, #tpu.memory_space<vmem>>
    %dma_wait3A_125 = tpu.memref_squeeze %dma_wait3A_124 : memref<1x125x16xf32, #tpu.memory_space<vmem>> -> memref<125x16xf32, #tpu.memory_space<vmem>>
    %dma_wait3A_126 = arith.constant 0 : i32
    %dma_wait3A_127 = tpu.memref_slice %arg6[%dma_wait3A_120, %dma_wait3A_126] : memref<80x125xi32, #tpu.memory_space<vmem>> -> memref<1x125xi32, #tpu.memory_space<vmem>>
    %dma_wait3A_128 = tpu.memref_squeeze %dma_wait3A_127 : memref<1x125xi32, #tpu.memory_space<vmem>> -> memref<125xi32, #tpu.memory_space<vmem>>
    %dma_wait3A_129 = arith.constant 0 : i32
    %dma_wait3A_130 = arith.constant 0 : i32
    %dma_wait3A_131 = tpu.memref_slice %arg2[%dma_wait3A_129, %dma_wait3A_130] : memref<10000x16xf32, #tpu.memory_space<hbm>> -> memref<10000x16xf32, #tpu.memory_space<hbm>>
    tpu.wait_indirect_dma semaphore(%arg12 : memref<!tpu.dma_semaphore, #tpu.memory_space<semaphore_mem>>) src(%dma_wait3A_131 : memref<10000x16xf32, #tpu.memory_space<hbm>>) dst(%dma_wait3A_125 : memref<125x16xf32, #tpu.memory_space<vmem>>)
    %run_scoped3A_132 = arith.constant 1 : i32
    %run_scoped3A_133 = arith.constant 73 : i32
    "tpu.region"() ({
      %run_scoped3A_221 = tpu.sem_alloc : memref<!tpu.dma_semaphore, #tpu.memory_space<semaphore_mem>>
      %dma_start3A_222 = arith.constant 0 : i32
      %dma_start3A_223 = arith.constant 0 : i32
      %dma_start3A_224 = tpu.memref_slice %arg8[%run_scoped3A_132, %dma_start3A_222, %dma_start3A_223] : memref<8x125x16xf32, #tpu.memory_space<vmem>> -> memref<1x125x16xf32, #tpu.memory_space<vmem>>
      %dma_start3A_225 = tpu.memref_squeeze %dma_start3A_224 : memref<1x125x16xf32, #tpu.memory_space<vmem>> -> memref<125x16xf32, #tpu.memory_space<vmem>>
      %dma_start3A_226 = arith.constant 0 : i32
      %dma_start3A_227 = tpu.memref_slice %arg7[%run_scoped3A_133, %dma_start3A_226] : memref<80x125xi32, #tpu.memory_space<vmem>> -> memref<1x125xi32, #tpu.memory_space<vmem>>
      %dma_start3A_228 = tpu.memref_squeeze %dma_start3A_227 : memref<1x125xi32, #tpu.memory_space<vmem>> -> memref<125xi32, #tpu.memory_space<vmem>>
      %dma_start3A_229 = arith.constant 0 : i32
      %dma_start3A_230 = arith.constant 0 : i32
      %dma_start3A_231 = tpu.memref_slice %arg10[%dma_start3A_229, %dma_start3A_230] : memref<10240x16xf32, #tpu.memory_space<vmem_shared>> -> memref<10240x16xf32, #tpu.memory_space<vmem_shared>>
      tpu.enqueue_indirect_dma source(%dma_start3A_225 : memref<125x16xf32, #tpu.memory_space<vmem>>) target(%dma_start3A_231 : memref<10240x16xf32, #tpu.memory_space<vmem_shared>>) offsets(%dma_start3A_228 : memref<125xi32, #tpu.memory_space<vmem>>) semaphore(%run_scoped3A_221 : memref<!tpu.dma_semaphore, #tpu.memory_space<semaphore_mem>>) {add = true}
      %dma_wait3A_232 = arith.constant 0 : i32
      %dma_wait3A_233 = arith.constant 0 : i32
      %dma_wait3A_234 = tpu.memref_slice %arg8[%run_scoped3A_132, %dma_wait3A_232, %dma_wait3A_233] : memref<8x125x16xf32, #tpu.memory_space<vmem>> -> memref<1x125x16xf32, #tpu.memory_space<vmem>>
      %dma_wait3A_235 = tpu.memref_squeeze %dma_wait3A_234 : memref<1x125x16xf32, #tpu.memory_space<vmem>> -> memref<125x16xf32, #tpu.memory_space<vmem>>
      %dma_wait3A_236 = arith.constant 0 : i32
      %dma_wait3A_237 = tpu.memref_slice %arg7[%run_scoped3A_133, %dma_wait3A_236] : memref<80x125xi32, #tpu.memory_space<vmem>> -> memref<1x125xi32, #tpu.memory_space<vmem>>
      %dma_wait3A_238 = tpu.memref_squeeze %dma_wait3A_237 : memref<1x125xi32, #tpu.memory_space<vmem>> -> memref<125xi32, #tpu.memory_space<vmem>>
      %dma_wait3A_239 = arith.constant 0 : i32
      %dma_wait3A_240 = arith.constant 0 : i32
      %dma_wait3A_241 = tpu.memref_slice %arg10[%dma_wait3A_239, %dma_wait3A_240] : memref<10240x16xf32, #tpu.memory_space<vmem_shared>> -> memref<10240x16xf32, #tpu.memory_space<vmem_shared>>
      tpu.wait_indirect_dma semaphore(%run_scoped3A_221 : memref<!tpu.dma_semaphore, #tpu.memory_space<semaphore_mem>>) src(%dma_wait3A_235 : memref<125x16xf32, #tpu.memory_space<vmem>>) dst(%dma_wait3A_241 : memref<10240x16xf32, #tpu.memory_space<vmem_shared>>)
      tpu.yield
    }) : () -> ()
    %dma_wait3A_134 = arith.constant 74 : i32
    %dma_wait3A_135 = arith.constant 2 : i32
    %dma_wait3A_136 = arith.constant 0 : i32
    %dma_wait3A_137 = arith.constant 0 : i32
    %dma_wait3A_138 = tpu.memref_slice %arg8[%dma_wait3A_135, %dma_wait3A_136, %dma_wait3A_137] : memref<8x125x16xf32, #tpu.memory_space<vmem>> -> memref<1x125x16xf32, #tpu.memory_space<vmem>>
    %dma_wait3A_139 = tpu.memref_squeeze %dma_wait3A_138 : memref<1x125x16xf32, #tpu.memory_space<vmem>> -> memref<125x16xf32, #tpu.memory_space<vmem>>
    %dma_wait3A_140 = arith.constant 0 : i32
    %dma_wait3A_141 = tpu.memref_slice %arg6[%dma_wait3A_134, %dma_wait3A_140] : memref<80x125xi32, #tpu.memory_space<vmem>> -> memref<1x125xi32, #tpu.memory_space<vmem>>
    %dma_wait3A_142 = tpu.memref_squeeze %dma_wait3A_141 : memref<1x125xi32, #tpu.memory_space<vmem>> -> memref<125xi32, #tpu.memory_space<vmem>>
    %dma_wait3A_143 = arith.constant 0 : i32
    %dma_wait3A_144 = arith.constant 0 : i32
    %dma_wait3A_145 = tpu.memref_slice %arg2[%dma_wait3A_143, %dma_wait3A_144] : memref<10000x16xf32, #tpu.memory_space<hbm>> -> memref<10000x16xf32, #tpu.memory_space<hbm>>
    tpu.wait_indirect_dma semaphore(%arg13 : memref<!tpu.dma_semaphore, #tpu.memory_space<semaphore_mem>>) src(%dma_wait3A_145 : memref<10000x16xf32, #tpu.memory_space<hbm>>) dst(%dma_wait3A_139 : memref<125x16xf32, #tpu.memory_space<vmem>>)
    %run_scoped3A_146 = arith.constant 2 : i32
    %run_scoped3A_147 = arith.constant 74 : i32
    "tpu.region"() ({
      %run_scoped3A_221 = tpu.sem_alloc : memref<!tpu.dma_semaphore, #tpu.memory_space<semaphore_mem>>
      %dma_start3A_222 = arith.constant 0 : i32
      %dma_start3A_223 = arith.constant 0 : i32
      %dma_start3A_224 = tpu.memref_slice %arg8[%run_scoped3A_146, %dma_start3A_222, %dma_start3A_223] : memref<8x125x16xf32, #tpu.memory_space<vmem>> -> memref<1x125x16xf32, #tpu.memory_space<vmem>>
      %dma_start3A_225 = tpu.memref_squeeze %dma_start3A_224 : memref<1x125x16xf32, #tpu.memory_space<vmem>> -> memref<125x16xf32, #tpu.memory_space<vmem>>
      %dma_start3A_226 = arith.constant 0 : i32
      %dma_start3A_227 = tpu.memref_slice %arg7[%run_scoped3A_147, %dma_start3A_226] : memref<80x125xi32, #tpu.memory_space<vmem>> -> memref<1x125xi32, #tpu.memory_space<vmem>>
      %dma_start3A_228 = tpu.memref_squeeze %dma_start3A_227 : memref<1x125xi32, #tpu.memory_space<vmem>> -> memref<125xi32, #tpu.memory_space<vmem>>
      %dma_start3A_229 = arith.constant 0 : i32
      %dma_start3A_230 = arith.constant 0 : i32
      %dma_start3A_231 = tpu.memref_slice %arg10[%dma_start3A_229, %dma_start3A_230] : memref<10240x16xf32, #tpu.memory_space<vmem_shared>> -> memref<10240x16xf32, #tpu.memory_space<vmem_shared>>
      tpu.enqueue_indirect_dma source(%dma_start3A_225 : memref<125x16xf32, #tpu.memory_space<vmem>>) target(%dma_start3A_231 : memref<10240x16xf32, #tpu.memory_space<vmem_shared>>) offsets(%dma_start3A_228 : memref<125xi32, #tpu.memory_space<vmem>>) semaphore(%run_scoped3A_221 : memref<!tpu.dma_semaphore, #tpu.memory_space<semaphore_mem>>) {add = true}
      %dma_wait3A_232 = arith.constant 0 : i32
      %dma_wait3A_233 = arith.constant 0 : i32
      %dma_wait3A_234 = tpu.memref_slice %arg8[%run_scoped3A_146, %dma_wait3A_232, %dma_wait3A_233] : memref<8x125x16xf32, #tpu.memory_space<vmem>> -> memref<1x125x16xf32, #tpu.memory_space<vmem>>
      %dma_wait3A_235 = tpu.memref_squeeze %dma_wait3A_234 : memref<1x125x16xf32, #tpu.memory_space<vmem>> -> memref<125x16xf32, #tpu.memory_space<vmem>>
      %dma_wait3A_236 = arith.constant 0 : i32
      %dma_wait3A_237 = tpu.memref_slice %arg7[%run_scoped3A_147, %dma_wait3A_236] : memref<80x125xi32, #tpu.memory_space<vmem>> -> memref<1x125xi32, #tpu.memory_space<vmem>>
      %dma_wait3A_238 = tpu.memref_squeeze %dma_wait3A_237 : memref<1x125xi32, #tpu.memory_space<vmem>> -> memref<125xi32, #tpu.memory_space<vmem>>
      %dma_wait3A_239 = arith.constant 0 : i32
      %dma_wait3A_240 = arith.constant 0 : i32
      %dma_wait3A_241 = tpu.memref_slice %arg10[%dma_wait3A_239, %dma_wait3A_240] : memref<10240x16xf32, #tpu.memory_space<vmem_shared>> -> memref<10240x16xf32, #tpu.memory_space<vmem_shared>>
      tpu.wait_indirect_dma semaphore(%run_scoped3A_221 : memref<!tpu.dma_semaphore, #tpu.memory_space<semaphore_mem>>) src(%dma_wait3A_235 : memref<125x16xf32, #tpu.memory_space<vmem>>) dst(%dma_wait3A_241 : memref<10240x16xf32, #tpu.memory_space<vmem_shared>>)
      tpu.yield
    }) : () -> ()
    %dma_wait3A_148 = arith.constant 75 : i32
    %dma_wait3A_149 = arith.constant 3 : i32
    %dma_wait3A_150 = arith.constant 0 : i32
    %dma_wait3A_151 = arith.constant 0 : i32
    %dma_wait3A_152 = tpu.memref_slice %arg8[%dma_wait3A_149, %dma_wait3A_150, %dma_wait3A_151] : memref<8x125x16xf32, #tpu.memory_space<vmem>> -> memref<1x125x16xf32, #tpu.memory_space<vmem>>
    %dma_wait3A_153 = tpu.memref_squeeze %dma_wait3A_152 : memref<1x125x16xf32, #tpu.memory_space<vmem>> -> memref<125x16xf32, #tpu.memory_space<vmem>>
    %dma_wait3A_154 = arith.constant 0 : i32
    %dma_wait3A_155 = tpu.memref_slice %arg6[%dma_wait3A_148, %dma_wait3A_154] : memref<80x125xi32, #tpu.memory_space<vmem>> -> memref<1x125xi32, #tpu.memory_space<vmem>>
    %dma_wait3A_156 = tpu.memref_squeeze %dma_wait3A_155 : memref<1x125xi32, #tpu.memory_space<vmem>> -> memref<125xi32, #tpu.memory_space<vmem>>
    %dma_wait3A_157 = arith.constant 0 : i32
    %dma_wait3A_158 = arith.constant 0 : i32
    %dma_wait3A_159 = tpu.memref_slice %arg2[%dma_wait3A_157, %dma_wait3A_158] : memref<10000x16xf32, #tpu.memory_space<hbm>> -> memref<10000x16xf32, #tpu.memory_space<hbm>>
    tpu.wait_indirect_dma semaphore(%arg14 : memref<!tpu.dma_semaphore, #tpu.memory_space<semaphore_mem>>) src(%dma_wait3A_159 : memref<10000x16xf32, #tpu.memory_space<hbm>>) dst(%dma_wait3A_153 : memref<125x16xf32, #tpu.memory_space<vmem>>)
    %run_scoped3A_160 = arith.constant 3 : i32
    %run_scoped3A_161 = arith.constant 75 : i32
    "tpu.region"() ({
      %run_scoped3A_221 = tpu.sem_alloc : memref<!tpu.dma_semaphore, #tpu.memory_space<semaphore_mem>>
      %dma_start3A_222 = arith.constant 0 : i32
      %dma_start3A_223 = arith.constant 0 : i32
      %dma_start3A_224 = tpu.memref_slice %arg8[%run_scoped3A_160, %dma_start3A_222, %dma_start3A_223] : memref<8x125x16xf32, #tpu.memory_space<vmem>> -> memref<1x125x16xf32, #tpu.memory_space<vmem>>
      %dma_start3A_225 = tpu.memref_squeeze %dma_start3A_224 : memref<1x125x16xf32, #tpu.memory_space<vmem>> -> memref<125x16xf32, #tpu.memory_space<vmem>>
      %dma_start3A_226 = arith.constant 0 : i32
      %dma_start3A_227 = tpu.memref_slice %arg7[%run_scoped3A_161, %dma_start3A_226] : memref<80x125xi32, #tpu.memory_space<vmem>> -> memref<1x125xi32, #tpu.memory_space<vmem>>
      %dma_start3A_228 = tpu.memref_squeeze %dma_start3A_227 : memref<1x125xi32, #tpu.memory_space<vmem>> -> memref<125xi32, #tpu.memory_space<vmem>>
      %dma_start3A_229 = arith.constant 0 : i32
      %dma_start3A_230 = arith.constant 0 : i32
      %dma_start3A_231 = tpu.memref_slice %arg10[%dma_start3A_229, %dma_start3A_230] : memref<10240x16xf32, #tpu.memory_space<vmem_shared>> -> memref<10240x16xf32, #tpu.memory_space<vmem_shared>>
      tpu.enqueue_indirect_dma source(%dma_start3A_225 : memref<125x16xf32, #tpu.memory_space<vmem>>) target(%dma_start3A_231 : memref<10240x16xf32, #tpu.memory_space<vmem_shared>>) offsets(%dma_start3A_228 : memref<125xi32, #tpu.memory_space<vmem>>) semaphore(%run_scoped3A_221 : memref<!tpu.dma_semaphore, #tpu.memory_space<semaphore_mem>>) {add = true}
      %dma_wait3A_232 = arith.constant 0 : i32
      %dma_wait3A_233 = arith.constant 0 : i32
      %dma_wait3A_234 = tpu.memref_slice %arg8[%run_scoped3A_160, %dma_wait3A_232, %dma_wait3A_233] : memref<8x125x16xf32, #tpu.memory_space<vmem>> -> memref<1x125x16xf32, #tpu.memory_space<vmem>>
      %dma_wait3A_235 = tpu.memref_squeeze %dma_wait3A_234 : memref<1x125x16xf32, #tpu.memory_space<vmem>> -> memref<125x16xf32, #tpu.memory_space<vmem>>
      %dma_wait3A_236 = arith.constant 0 : i32
      %dma_wait3A_237 = tpu.memref_slice %arg7[%run_scoped3A_161, %dma_wait3A_236] : memref<80x125xi32, #tpu.memory_space<vmem>> -> memref<1x125xi32, #tpu.memory_space<vmem>>
      %dma_wait3A_238 = tpu.memref_squeeze %dma_wait3A_237 : memref<1x125xi32, #tpu.memory_space<vmem>> -> memref<125xi32, #tpu.memory_space<vmem>>
      %dma_wait3A_239 = arith.constant 0 : i32
      %dma_wait3A_240 = arith.constant 0 : i32
      %dma_wait3A_241 = tpu.memref_slice %arg10[%dma_wait3A_239, %dma_wait3A_240] : memref<10240x16xf32, #tpu.memory_space<vmem_shared>> -> memref<10240x16xf32, #tpu.memory_space<vmem_shared>>
      tpu.wait_indirect_dma semaphore(%run_scoped3A_221 : memref<!tpu.dma_semaphore, #tpu.memory_space<semaphore_mem>>) src(%dma_wait3A_235 : memref<125x16xf32, #tpu.memory_space<vmem>>) dst(%dma_wait3A_241 : memref<10240x16xf32, #tpu.memory_space<vmem_shared>>)
      tpu.yield
    }) : () -> ()
    %dma_wait3A_162 = arith.constant 76 : i32
    %dma_wait3A_163 = arith.constant 4 : i32
    %dma_wait3A_164 = arith.constant 0 : i32
    %dma_wait3A_165 = arith.constant 0 : i32
    %dma_wait3A_166 = tpu.memref_slice %arg8[%dma_wait3A_163, %dma_wait3A_164, %dma_wait3A_165] : memref<8x125x16xf32, #tpu.memory_space<vmem>> -> memref<1x125x16xf32, #tpu.memory_space<vmem>>
    %dma_wait3A_167 = tpu.memref_squeeze %dma_wait3A_166 : memref<1x125x16xf32, #tpu.memory_space<vmem>> -> memref<125x16xf32, #tpu.memory_space<vmem>>
    %dma_wait3A_168 = arith.constant 0 : i32
    %dma_wait3A_169 = tpu.memref_slice %arg6[%dma_wait3A_162, %dma_wait3A_168] : memref<80x125xi32, #tpu.memory_space<vmem>> -> memref<1x125xi32, #tpu.memory_space<vmem>>
    %dma_wait3A_170 = tpu.memref_squeeze %dma_wait3A_169 : memref<1x125xi32, #tpu.memory_space<vmem>> -> memref<125xi32, #tpu.memory_space<vmem>>
    %dma_wait3A_171 = arith.constant 0 : i32
    %dma_wait3A_172 = arith.constant 0 : i32
    %dma_wait3A_173 = tpu.memref_slice %arg2[%dma_wait3A_171, %dma_wait3A_172] : memref<10000x16xf32, #tpu.memory_space<hbm>> -> memref<10000x16xf32, #tpu.memory_space<hbm>>
    tpu.wait_indirect_dma semaphore(%arg15 : memref<!tpu.dma_semaphore, #tpu.memory_space<semaphore_mem>>) src(%dma_wait3A_173 : memref<10000x16xf32, #tpu.memory_space<hbm>>) dst(%dma_wait3A_167 : memref<125x16xf32, #tpu.memory_space<vmem>>)
    %run_scoped3A_174 = arith.constant 4 : i32
    %run_scoped3A_175 = arith.constant 76 : i32
    "tpu.region"() ({
      %run_scoped3A_221 = tpu.sem_alloc : memref<!tpu.dma_semaphore, #tpu.memory_space<semaphore_mem>>
      %dma_start3A_222 = arith.constant 0 : i32
      %dma_start3A_223 = arith.constant 0 : i32
      %dma_start3A_224 = tpu.memref_slice %arg8[%run_scoped3A_174, %dma_start3A_222, %dma_start3A_223] : memref<8x125x16xf32, #tpu.memory_space<vmem>> -> memref<1x125x16xf32, #tpu.memory_space<vmem>>
      %dma_start3A_225 = tpu.memref_squeeze %dma_start3A_224 : memref<1x125x16xf32, #tpu.memory_space<vmem>> -> memref<125x16xf32, #tpu.memory_space<vmem>>
      %dma_start3A_226 = arith.constant 0 : i32
      %dma_start3A_227 = tpu.memref_slice %arg7[%run_scoped3A_175, %dma_start3A_226] : memref<80x125xi32, #tpu.memory_space<vmem>> -> memref<1x125xi32, #tpu.memory_space<vmem>>
      %dma_start3A_228 = tpu.memref_squeeze %dma_start3A_227 : memref<1x125xi32, #tpu.memory_space<vmem>> -> memref<125xi32, #tpu.memory_space<vmem>>
      %dma_start3A_229 = arith.constant 0 : i32
      %dma_start3A_230 = arith.constant 0 : i32
      %dma_start3A_231 = tpu.memref_slice %arg10[%dma_start3A_229, %dma_start3A_230] : memref<10240x16xf32, #tpu.memory_space<vmem_shared>> -> memref<10240x16xf32, #tpu.memory_space<vmem_shared>>
      tpu.enqueue_indirect_dma source(%dma_start3A_225 : memref<125x16xf32, #tpu.memory_space<vmem>>) target(%dma_start3A_231 : memref<10240x16xf32, #tpu.memory_space<vmem_shared>>) offsets(%dma_start3A_228 : memref<125xi32, #tpu.memory_space<vmem>>) semaphore(%run_scoped3A_221 : memref<!tpu.dma_semaphore, #tpu.memory_space<semaphore_mem>>) {add = true}
      %dma_wait3A_232 = arith.constant 0 : i32
      %dma_wait3A_233 = arith.constant 0 : i32
      %dma_wait3A_234 = tpu.memref_slice %arg8[%run_scoped3A_174, %dma_wait3A_232, %dma_wait3A_233] : memref<8x125x16xf32, #tpu.memory_space<vmem>> -> memref<1x125x16xf32, #tpu.memory_space<vmem>>
      %dma_wait3A_235 = tpu.memref_squeeze %dma_wait3A_234 : memref<1x125x16xf32, #tpu.memory_space<vmem>> -> memref<125x16xf32, #tpu.memory_space<vmem>>
      %dma_wait3A_236 = arith.constant 0 : i32
      %dma_wait3A_237 = tpu.memref_slice %arg7[%run_scoped3A_175, %dma_wait3A_236] : memref<80x125xi32, #tpu.memory_space<vmem>> -> memref<1x125xi32, #tpu.memory_space<vmem>>
      %dma_wait3A_238 = tpu.memref_squeeze %dma_wait3A_237 : memref<1x125xi32, #tpu.memory_space<vmem>> -> memref<125xi32, #tpu.memory_space<vmem>>
      %dma_wait3A_239 = arith.constant 0 : i32
      %dma_wait3A_240 = arith.constant 0 : i32
      %dma_wait3A_241 = tpu.memref_slice %arg10[%dma_wait3A_239, %dma_wait3A_240] : memref<10240x16xf32, #tpu.memory_space<vmem_shared>> -> memref<10240x16xf32, #tpu.memory_space<vmem_shared>>
      tpu.wait_indirect_dma semaphore(%run_scoped3A_221 : memref<!tpu.dma_semaphore, #tpu.memory_space<semaphore_mem>>) src(%dma_wait3A_235 : memref<125x16xf32, #tpu.memory_space<vmem>>) dst(%dma_wait3A_241 : memref<10240x16xf32, #tpu.memory_space<vmem_shared>>)
      tpu.yield
    }) : () -> ()
    %dma_wait3A_176 = arith.constant 77 : i32
    %dma_wait3A_177 = arith.constant 5 : i32
    %dma_wait3A_178 = arith.constant 0 : i32
    %dma_wait3A_179 = arith.constant 0 : i32
    %dma_wait3A_180 = tpu.memref_slice %arg8[%dma_wait3A_177, %dma_wait3A_178, %dma_wait3A_179] : memref<8x125x16xf32, #tpu.memory_space<vmem>> -> memref<1x125x16xf32, #tpu.memory_space<vmem>>
    %dma_wait3A_181 = tpu.memref_squeeze %dma_wait3A_180 : memref<1x125x16xf32, #tpu.memory_space<vmem>> -> memref<125x16xf32, #tpu.memory_space<vmem>>
    %dma_wait3A_182 = arith.constant 0 : i32
    %dma_wait3A_183 = tpu.memref_slice %arg6[%dma_wait3A_176, %dma_wait3A_182] : memref<80x125xi32, #tpu.memory_space<vmem>> -> memref<1x125xi32, #tpu.memory_space<vmem>>
    %dma_wait3A_184 = tpu.memref_squeeze %dma_wait3A_183 : memref<1x125xi32, #tpu.memory_space<vmem>> -> memref<125xi32, #tpu.memory_space<vmem>>
    %dma_wait3A_185 = arith.constant 0 : i32
    %dma_wait3A_186 = arith.constant 0 : i32
    %dma_wait3A_187 = tpu.memref_slice %arg2[%dma_wait3A_185, %dma_wait3A_186] : memref<10000x16xf32, #tpu.memory_space<hbm>> -> memref<10000x16xf32, #tpu.memory_space<hbm>>
    tpu.wait_indirect_dma semaphore(%arg16 : memref<!tpu.dma_semaphore, #tpu.memory_space<semaphore_mem>>) src(%dma_wait3A_187 : memref<10000x16xf32, #tpu.memory_space<hbm>>) dst(%dma_wait3A_181 : memref<125x16xf32, #tpu.memory_space<vmem>>)
    %run_scoped3A_188 = arith.constant 5 : i32
    %run_scoped3A_189 = arith.constant 77 : i32
    "tpu.region"() ({
      %run_scoped3A_221 = tpu.sem_alloc : memref<!tpu.dma_semaphore, #tpu.memory_space<semaphore_mem>>
      %dma_start3A_222 = arith.constant 0 : i32
      %dma_start3A_223 = arith.constant 0 : i32
      %dma_start3A_224 = tpu.memref_slice %arg8[%run_scoped3A_188, %dma_start3A_222, %dma_start3A_223] : memref<8x125x16xf32, #tpu.memory_space<vmem>> -> memref<1x125x16xf32, #tpu.memory_space<vmem>>
      %dma_start3A_225 = tpu.memref_squeeze %dma_start3A_224 : memref<1x125x16xf32, #tpu.memory_space<vmem>> -> memref<125x16xf32, #tpu.memory_space<vmem>>
      %dma_start3A_226 = arith.constant 0 : i32
      %dma_start3A_227 = tpu.memref_slice %arg7[%run_scoped3A_189, %dma_start3A_226] : memref<80x125xi32, #tpu.memory_space<vmem>> -> memref<1x125xi32, #tpu.memory_space<vmem>>
      %dma_start3A_228 = tpu.memref_squeeze %dma_start3A_227 : memref<1x125xi32, #tpu.memory_space<vmem>> -> memref<125xi32, #tpu.memory_space<vmem>>
      %dma_start3A_229 = arith.constant 0 : i32
      %dma_start3A_230 = arith.constant 0 : i32
      %dma_start3A_231 = tpu.memref_slice %arg10[%dma_start3A_229, %dma_start3A_230] : memref<10240x16xf32, #tpu.memory_space<vmem_shared>> -> memref<10240x16xf32, #tpu.memory_space<vmem_shared>>
      tpu.enqueue_indirect_dma source(%dma_start3A_225 : memref<125x16xf32, #tpu.memory_space<vmem>>) target(%dma_start3A_231 : memref<10240x16xf32, #tpu.memory_space<vmem_shared>>) offsets(%dma_start3A_228 : memref<125xi32, #tpu.memory_space<vmem>>) semaphore(%run_scoped3A_221 : memref<!tpu.dma_semaphore, #tpu.memory_space<semaphore_mem>>) {add = true}
      %dma_wait3A_232 = arith.constant 0 : i32
      %dma_wait3A_233 = arith.constant 0 : i32
      %dma_wait3A_234 = tpu.memref_slice %arg8[%run_scoped3A_188, %dma_wait3A_232, %dma_wait3A_233] : memref<8x125x16xf32, #tpu.memory_space<vmem>> -> memref<1x125x16xf32, #tpu.memory_space<vmem>>
      %dma_wait3A_235 = tpu.memref_squeeze %dma_wait3A_234 : memref<1x125x16xf32, #tpu.memory_space<vmem>> -> memref<125x16xf32, #tpu.memory_space<vmem>>
      %dma_wait3A_236 = arith.constant 0 : i32
      %dma_wait3A_237 = tpu.memref_slice %arg7[%run_scoped3A_189, %dma_wait3A_236] : memref<80x125xi32, #tpu.memory_space<vmem>> -> memref<1x125xi32, #tpu.memory_space<vmem>>
      %dma_wait3A_238 = tpu.memref_squeeze %dma_wait3A_237 : memref<1x125xi32, #tpu.memory_space<vmem>> -> memref<125xi32, #tpu.memory_space<vmem>>
      %dma_wait3A_239 = arith.constant 0 : i32
      %dma_wait3A_240 = arith.constant 0 : i32
      %dma_wait3A_241 = tpu.memref_slice %arg10[%dma_wait3A_239, %dma_wait3A_240] : memref<10240x16xf32, #tpu.memory_space<vmem_shared>> -> memref<10240x16xf32, #tpu.memory_space<vmem_shared>>
      tpu.wait_indirect_dma semaphore(%run_scoped3A_221 : memref<!tpu.dma_semaphore, #tpu.memory_space<semaphore_mem>>) src(%dma_wait3A_235 : memref<125x16xf32, #tpu.memory_space<vmem>>) dst(%dma_wait3A_241 : memref<10240x16xf32, #tpu.memory_space<vmem_shared>>)
      tpu.yield
    }) : () -> ()
    %dma_wait3A_190 = arith.constant 78 : i32
    %dma_wait3A_191 = arith.constant 6 : i32
    %dma_wait3A_192 = arith.constant 0 : i32
    %dma_wait3A_193 = arith.constant 0 : i32
    %dma_wait3A_194 = tpu.memref_slice %arg8[%dma_wait3A_191, %dma_wait3A_192, %dma_wait3A_193] : memref<8x125x16xf32, #tpu.memory_space<vmem>> -> memref<1x125x16xf32, #tpu.memory_space<vmem>>
    %dma_wait3A_195 = tpu.memref_squeeze %dma_wait3A_194 : memref<1x125x16xf32, #tpu.memory_space<vmem>> -> memref<125x16xf32, #tpu.memory_space<vmem>>
    %dma_wait3A_196 = arith.constant 0 : i32
    %dma_wait3A_197 = tpu.memref_slice %arg6[%dma_wait3A_190, %dma_wait3A_196] : memref<80x125xi32, #tpu.memory_space<vmem>> -> memref<1x125xi32, #tpu.memory_space<vmem>>
    %dma_wait3A_198 = tpu.memref_squeeze %dma_wait3A_197 : memref<1x125xi32, #tpu.memory_space<vmem>> -> memref<125xi32, #tpu.memory_space<vmem>>
    %dma_wait3A_199 = arith.constant 0 : i32
    %dma_wait3A_200 = arith.constant 0 : i32
    %dma_wait3A_201 = tpu.memref_slice %arg2[%dma_wait3A_199, %dma_wait3A_200] : memref<10000x16xf32, #tpu.memory_space<hbm>> -> memref<10000x16xf32, #tpu.memory_space<hbm>>
    tpu.wait_indirect_dma semaphore(%arg17 : memref<!tpu.dma_semaphore, #tpu.memory_space<semaphore_mem>>) src(%dma_wait3A_201 : memref<10000x16xf32, #tpu.memory_space<hbm>>) dst(%dma_wait3A_195 : memref<125x16xf32, #tpu.memory_space<vmem>>)
    %run_scoped3A_202 = arith.constant 6 : i32
    %run_scoped3A_203 = arith.constant 78 : i32
    "tpu.region"() ({
      %run_scoped3A_221 = tpu.sem_alloc : memref<!tpu.dma_semaphore, #tpu.memory_space<semaphore_mem>>
      %dma_start3A_222 = arith.constant 0 : i32
      %dma_start3A_223 = arith.constant 0 : i32
      %dma_start3A_224 = tpu.memref_slice %arg8[%run_scoped3A_202, %dma_start3A_222, %dma_start3A_223] : memref<8x125x16xf32, #tpu.memory_space<vmem>> -> memref<1x125x16xf32, #tpu.memory_space<vmem>>
      %dma_start3A_225 = tpu.memref_squeeze %dma_start3A_224 : memref<1x125x16xf32, #tpu.memory_space<vmem>> -> memref<125x16xf32, #tpu.memory_space<vmem>>
      %dma_start3A_226 = arith.constant 0 : i32
      %dma_start3A_227 = tpu.memref_slice %arg7[%run_scoped3A_203, %dma_start3A_226] : memref<80x125xi32, #tpu.memory_space<vmem>> -> memref<1x125xi32, #tpu.memory_space<vmem>>
      %dma_start3A_228 = tpu.memref_squeeze %dma_start3A_227 : memref<1x125xi32, #tpu.memory_space<vmem>> -> memref<125xi32, #tpu.memory_space<vmem>>
      %dma_start3A_229 = arith.constant 0 : i32
      %dma_start3A_230 = arith.constant 0 : i32
      %dma_start3A_231 = tpu.memref_slice %arg10[%dma_start3A_229, %dma_start3A_230] : memref<10240x16xf32, #tpu.memory_space<vmem_shared>> -> memref<10240x16xf32, #tpu.memory_space<vmem_shared>>
      tpu.enqueue_indirect_dma source(%dma_start3A_225 : memref<125x16xf32, #tpu.memory_space<vmem>>) target(%dma_start3A_231 : memref<10240x16xf32, #tpu.memory_space<vmem_shared>>) offsets(%dma_start3A_228 : memref<125xi32, #tpu.memory_space<vmem>>) semaphore(%run_scoped3A_221 : memref<!tpu.dma_semaphore, #tpu.memory_space<semaphore_mem>>) {add = true}
      %dma_wait3A_232 = arith.constant 0 : i32
      %dma_wait3A_233 = arith.constant 0 : i32
      %dma_wait3A_234 = tpu.memref_slice %arg8[%run_scoped3A_202, %dma_wait3A_232, %dma_wait3A_233] : memref<8x125x16xf32, #tpu.memory_space<vmem>> -> memref<1x125x16xf32, #tpu.memory_space<vmem>>
      %dma_wait3A_235 = tpu.memref_squeeze %dma_wait3A_234 : memref<1x125x16xf32, #tpu.memory_space<vmem>> -> memref<125x16xf32, #tpu.memory_space<vmem>>
      %dma_wait3A_236 = arith.constant 0 : i32
      %dma_wait3A_237 = tpu.memref_slice %arg7[%run_scoped3A_203, %dma_wait3A_236] : memref<80x125xi32, #tpu.memory_space<vmem>> -> memref<1x125xi32, #tpu.memory_space<vmem>>
      %dma_wait3A_238 = tpu.memref_squeeze %dma_wait3A_237 : memref<1x125xi32, #tpu.memory_space<vmem>> -> memref<125xi32, #tpu.memory_space<vmem>>
      %dma_wait3A_239 = arith.constant 0 : i32
      %dma_wait3A_240 = arith.constant 0 : i32
      %dma_wait3A_241 = tpu.memref_slice %arg10[%dma_wait3A_239, %dma_wait3A_240] : memref<10240x16xf32, #tpu.memory_space<vmem_shared>> -> memref<10240x16xf32, #tpu.memory_space<vmem_shared>>
      tpu.wait_indirect_dma semaphore(%run_scoped3A_221 : memref<!tpu.dma_semaphore, #tpu.memory_space<semaphore_mem>>) src(%dma_wait3A_235 : memref<125x16xf32, #tpu.memory_space<vmem>>) dst(%dma_wait3A_241 : memref<10240x16xf32, #tpu.memory_space<vmem_shared>>)
      tpu.yield
    }) : () -> ()
    %dma_wait3A_204 = arith.constant 79 : i32
    %dma_wait3A_205 = arith.constant 7 : i32
    %dma_wait3A_206 = arith.constant 0 : i32
    %dma_wait3A_207 = arith.constant 0 : i32
    %dma_wait3A_208 = tpu.memref_slice %arg8[%dma_wait3A_205, %dma_wait3A_206, %dma_wait3A_207] : memref<8x125x16xf32, #tpu.memory_space<vmem>> -> memref<1x125x16xf32, #tpu.memory_space<vmem>>
    %dma_wait3A_209 = tpu.memref_squeeze %dma_wait3A_208 : memref<1x125x16xf32, #tpu.memory_space<vmem>> -> memref<125x16xf32, #tpu.memory_space<vmem>>
    %dma_wait3A_210 = arith.constant 0 : i32
    %dma_wait3A_211 = tpu.memref_slice %arg6[%dma_wait3A_204, %dma_wait3A_210] : memref<80x125xi32, #tpu.memory_space<vmem>> -> memref<1x125xi32, #tpu.memory_space<vmem>>
    %dma_wait3A_212 = tpu.memref_squeeze %dma_wait3A_211 : memref<1x125xi32, #tpu.memory_space<vmem>> -> memref<125xi32, #tpu.memory_space<vmem>>
    %dma_wait3A_213 = arith.constant 0 : i32
    %dma_wait3A_214 = arith.constant 0 : i32
    %dma_wait3A_215 = tpu.memref_slice %arg2[%dma_wait3A_213, %dma_wait3A_214] : memref<10000x16xf32, #tpu.memory_space<hbm>> -> memref<10000x16xf32, #tpu.memory_space<hbm>>
    tpu.wait_indirect_dma semaphore(%arg18 : memref<!tpu.dma_semaphore, #tpu.memory_space<semaphore_mem>>) src(%dma_wait3A_215 : memref<10000x16xf32, #tpu.memory_space<hbm>>) dst(%dma_wait3A_209 : memref<125x16xf32, #tpu.memory_space<vmem>>)
    %run_scoped3A_216 = arith.constant 7 : i32
    %run_scoped3A_217 = arith.constant 79 : i32
    "tpu.region"() ({
      %run_scoped3A_221 = tpu.sem_alloc : memref<!tpu.dma_semaphore, #tpu.memory_space<semaphore_mem>>
      %dma_start3A_222 = arith.constant 0 : i32
      %dma_start3A_223 = arith.constant 0 : i32
      %dma_start3A_224 = tpu.memref_slice %arg8[%run_scoped3A_216, %dma_start3A_222, %dma_start3A_223] : memref<8x125x16xf32, #tpu.memory_space<vmem>> -> memref<1x125x16xf32, #tpu.memory_space<vmem>>
      %dma_start3A_225 = tpu.memref_squeeze %dma_start3A_224 : memref<1x125x16xf32, #tpu.memory_space<vmem>> -> memref<125x16xf32, #tpu.memory_space<vmem>>
      %dma_start3A_226 = arith.constant 0 : i32
      %dma_start3A_227 = tpu.memref_slice %arg7[%run_scoped3A_217, %dma_start3A_226] : memref<80x125xi32, #tpu.memory_space<vmem>> -> memref<1x125xi32, #tpu.memory_space<vmem>>
      %dma_start3A_228 = tpu.memref_squeeze %dma_start3A_227 : memref<1x125xi32, #tpu.memory_space<vmem>> -> memref<125xi32, #tpu.memory_space<vmem>>
      %dma_start3A_229 = arith.constant 0 : i32
      %dma_start3A_230 = arith.constant 0 : i32
      %dma_start3A_231 = tpu.memref_slice %arg10[%dma_start3A_229, %dma_start3A_230] : memref<10240x16xf32, #tpu.memory_space<vmem_shared>> -> memref<10240x16xf32, #tpu.memory_space<vmem_shared>>
      tpu.enqueue_indirect_dma source(%dma_start3A_225 : memref<125x16xf32, #tpu.memory_space<vmem>>) target(%dma_start3A_231 : memref<10240x16xf32, #tpu.memory_space<vmem_shared>>) offsets(%dma_start3A_228 : memref<125xi32, #tpu.memory_space<vmem>>) semaphore(%run_scoped3A_221 : memref<!tpu.dma_semaphore, #tpu.memory_space<semaphore_mem>>) {add = true}
      %dma_wait3A_232 = arith.constant 0 : i32
      %dma_wait3A_233 = arith.constant 0 : i32
      %dma_wait3A_234 = tpu.memref_slice %arg8[%run_scoped3A_216, %dma_wait3A_232, %dma_wait3A_233] : memref<8x125x16xf32, #tpu.memory_space<vmem>> -> memref<1x125x16xf32, #tpu.memory_space<vmem>>
      %dma_wait3A_235 = tpu.memref_squeeze %dma_wait3A_234 : memref<1x125x16xf32, #tpu.memory_space<vmem>> -> memref<125x16xf32, #tpu.memory_space<vmem>>
      %dma_wait3A_236 = arith.constant 0 : i32
      %dma_wait3A_237 = tpu.memref_slice %arg7[%run_scoped3A_217, %dma_wait3A_236] : memref<80x125xi32, #tpu.memory_space<vmem>> -> memref<1x125xi32, #tpu.memory_space<vmem>>
      %dma_wait3A_238 = tpu.memref_squeeze %dma_wait3A_237 : memref<1x125xi32, #tpu.memory_space<vmem>> -> memref<125xi32, #tpu.memory_space<vmem>>
      %dma_wait3A_239 = arith.constant 0 : i32
      %dma_wait3A_240 = arith.constant 0 : i32
      %dma_wait3A_241 = tpu.memref_slice %arg10[%dma_wait3A_239, %dma_wait3A_240] : memref<10240x16xf32, #tpu.memory_space<vmem_shared>> -> memref<10240x16xf32, #tpu.memory_space<vmem_shared>>
      tpu.wait_indirect_dma semaphore(%run_scoped3A_221 : memref<!tpu.dma_semaphore, #tpu.memory_space<semaphore_mem>>) src(%dma_wait3A_235 : memref<125x16xf32, #tpu.memory_space<vmem>>) dst(%dma_wait3A_241 : memref<10240x16xf32, #tpu.memory_space<vmem_shared>>)
      tpu.yield
    }) : () -> ()
    %barrier3A_218 = arith.constant 0 : index
    tpu.barrier barrier_id(%barrier3A_218)
    %mul3A_219 = arith.constant 640 : i32
    %mul3A_220 = arith.muli %arg1, %mul3A_219 : i32
    "tpu.region"() ({
      %run_scoped3A_221 = tpu.sem_alloc : memref<!tpu.dma_semaphore, #tpu.memory_space<semaphore_mem>>
      %dma_start3A_222 = arith.constant 0 : i32
      %dma_start3A_223 = tpu.memref_slice %arg10[%mul3A_220, %dma_start3A_222] : memref<10240x16xf32, #tpu.memory_space<vmem_shared>> -> memref<640x16xf32, #tpu.memory_space<vmem_shared>>
      %dma_start3A_224 = arith.constant 0 : i32
      %dma_start3A_225 = tpu.memref_slice %arg10[%mul3A_220, %dma_start3A_224] : memref<10240x16xf32, #tpu.memory_space<vmem_shared>> -> memref<640x16xf32, #tpu.memory_space<vmem_shared>>
      tpu.enqueue_dma source(%dma_start3A_225 : memref<640x16xf32, #tpu.memory_space<vmem_shared>>) target(%arg9 : memref<640x16xf32, #tpu.memory_space<vmem>>) target_semaphore(%run_scoped3A_221 : memref<!tpu.dma_semaphore, #tpu.memory_space<semaphore_mem>>)
      %dma_wait3A_226 = arith.constant 0 : i32
      %dma_wait3A_227 = tpu.memref_slice %arg10[%mul3A_220, %dma_wait3A_226] : memref<10240x16xf32, #tpu.memory_space<vmem_shared>> -> memref<640x16xf32, #tpu.memory_space<vmem_shared>>
      %dma_wait3A_228 = arith.constant 0 : i32
      %dma_wait3A_229 = tpu.memref_slice %arg10[%mul3A_220, %dma_wait3A_228] : memref<10240x16xf32, #tpu.memory_space<vmem_shared>> -> memref<640x16xf32, #tpu.memory_space<vmem_shared>>
      tpu.wait_dma2 semaphore(%run_scoped3A_221 : memref<!tpu.dma_semaphore, #tpu.memory_space<semaphore_mem>>) src(%dma_wait3A_229 : memref<640x16xf32, #tpu.memory_space<vmem_shared>>) dst(%arg9 : memref<640x16xf32, #tpu.memory_space<vmem>>)
      tpu.yield
    }) : () -> ()
    "tpu.region"() ({
      %run_scoped3A_221 = tpu.sem_alloc : memref<!tpu.dma_semaphore, #tpu.memory_space<semaphore_mem>>
      %dma_start3A_222 = arith.constant 0 : i32
      %dma_start3A_223 = arith.constant 0 : i32
      %dma_start3A_224 = tpu.memref_slice %arg5[%arg0, %arg1, %dma_start3A_222, %dma_start3A_223] : memref<2x16x640x16xf32, #tpu.memory_space<hbm>> -> memref<1x1x640x16xf32, #tpu.memory_space<hbm>>
      %dma_start3A_225 = tpu.memref_squeeze %dma_start3A_224 : memref<1x1x640x16xf32, #tpu.memory_space<hbm>> -> memref<640x16xf32, #tpu.memory_space<hbm>>
      %dma_start3A_226 = arith.constant 0 : i32
      %dma_start3A_227 = arith.constant 0 : i32
      %dma_start3A_228 = tpu.memref_slice %arg5[%arg0, %arg1, %dma_start3A_226, %dma_start3A_227] : memref<2x16x640x16xf32, #tpu.memory_space<hbm>> -> memref<1x1x640x16xf32, #tpu.memory_space<hbm>>
      %dma_start3A_229 = tpu.memref_squeeze %dma_start3A_228 : memref<1x1x640x16xf32, #tpu.memory_space<hbm>> -> memref<640x16xf32, #tpu.memory_space<hbm>>
      tpu.enqueue_dma source(%arg9 : memref<640x16xf32, #tpu.memory_space<vmem>>) target(%dma_start3A_229 : memref<640x16xf32, #tpu.memory_space<hbm>>) target_semaphore(%run_scoped3A_221 : memref<!tpu.dma_semaphore, #tpu.memory_space<semaphore_mem>>)
      %dma_wait3A_230 = arith.constant 0 : i32
      %dma_wait3A_231 = arith.constant 0 : i32
      %dma_wait3A_232 = tpu.memref_slice %arg5[%arg0, %arg1, %dma_wait3A_230, %dma_wait3A_231] : memref<2x16x640x16xf32, #tpu.memory_space<hbm>> -> memref<1x1x640x16xf32, #tpu.memory_space<hbm>>
      %dma_wait3A_233 = tpu.memref_squeeze %dma_wait3A_232 : memref<1x1x640x16xf32, #tpu.memory_space<hbm>> -> memref<640x16xf32, #tpu.memory_space<hbm>>
      %dma_wait3A_234 = arith.constant 0 : i32
      %dma_wait3A_235 = arith.constant 0 : i32
      %dma_wait3A_236 = tpu.memref_slice %arg5[%arg0, %arg1, %dma_wait3A_234, %dma_wait3A_235] : memref<2x16x640x16xf32, #tpu.memory_space<hbm>> -> memref<1x1x640x16xf32, #tpu.memory_space<hbm>>
      %dma_wait3A_237 = tpu.memref_squeeze %dma_wait3A_236 : memref<1x1x640x16xf32, #tpu.memory_space<hbm>> -> memref<640x16xf32, #tpu.memory_space<hbm>>
      tpu.wait_dma2 semaphore(%run_scoped3A_221 : memref<!tpu.dma_semaphore, #tpu.memory_space<semaphore_mem>>) src(%arg9 : memref<640x16xf32, #tpu.memory_space<vmem>>) dst(%dma_wait3A_237 : memref<640x16xf32, #tpu.memory_space<hbm>>)
      tpu.yield
    }) : () -> ()
    return
  }
}

#map = affine_map<(d0, d1) -> (0, 0)>
#map1 = affine_map<(d0, d1) -> (0, 0, 0)>
#map2 = affine_map<(d0, d1) -> (0, 0, 0, 0)>
module attributes {stable_mosaic.version = 14 : i64} {
  func.func @prop_k(%arg0: i32, %arg1: i32, %arg2: memref<10000x32xf32, #tpu.memory_space<hbm>>, %arg3: memref<32x80x125xi32, #tpu.memory_space<hbm>>, %arg4: memref<32x80x125xi32, #tpu.memory_space<hbm>>, %arg5: memref<2x16x640x32xf32, #tpu.memory_space<hbm>>, %arg6: memref<80x125xi32, #tpu.memory_space<vmem>>, %arg7: memref<80x125xi32, #tpu.memory_space<vmem>>, %arg8: memref<8x125x32xf32, #tpu.memory_space<vmem>>, %arg9: memref<640x32xf32, #tpu.memory_space<vmem>>, %arg10: memref<10240x32xf32, #tpu.memory_space<vmem_shared>>, %arg11: memref<!tpu.dma_semaphore, #tpu.memory_space<semaphore_mem>>, %arg12: memref<!tpu.dma_semaphore, #tpu.memory_space<semaphore_mem>>, %arg13: memref<!tpu.dma_semaphore, #tpu.memory_space<semaphore_mem>>, %arg14: memref<!tpu.dma_semaphore, #tpu.memory_space<semaphore_mem>>, %arg15: memref<!tpu.dma_semaphore, #tpu.memory_space<semaphore_mem>>, %arg16: memref<!tpu.dma_semaphore, #tpu.memory_space<semaphore_mem>>, %arg17: memref<!tpu.dma_semaphore, #tpu.memory_space<semaphore_mem>>, %arg18: memref<!tpu.dma_semaphore, #tpu.memory_space<semaphore_mem>>) attributes {dimension_semantics = [#tpu.dimension_semantics<core_parallel>, #tpu.dimension_semantics<subcore_parallel>], iteration_bounds = array<i64: 2, 16>, scalar_prefetch = 0 : i64, scratch_operands = 13 : i64, tpu.core_type = #tpu.core_type<sc_vector_subcore>, window_params = [{transform_indices = #map}, {transform_indices = #map1}, {transform_indices = #map1}, {transform_indices = #map2}]} {
    %mul3A = arith.constant 16 : i32
    %mul3A_0 = arith.muli %arg0, %mul3A : i32
    %add3A = arith.addi %mul3A_0, %arg1 : i32
    "tpu.region"() ({
      %run_scoped3A_221 = tpu.sem_alloc : memref<!tpu.dma_semaphore, #tpu.memory_space<semaphore_mem>>
      %dma_start3A_222 = arith.constant 0 : i32
      %dma_start3A_223 = arith.constant 0 : i32
      %dma_start3A_224 = tpu.memref_slice %arg3[%add3A, %dma_start3A_222, %dma_start3A_223] : memref<32x80x125xi32, #tpu.memory_space<hbm>> -> memref<1x80x125xi32, #tpu.memory_space<hbm>>
      %dma_start3A_225 = tpu.memref_squeeze %dma_start3A_224 : memref<1x80x125xi32, #tpu.memory_space<hbm>> -> memref<80x125xi32, #tpu.memory_space<hbm>>
      %dma_start3A_226 = arith.constant 0 : i32
      %dma_start3A_227 = arith.constant 0 : i32
      %dma_start3A_228 = tpu.memref_slice %arg3[%add3A, %dma_start3A_226, %dma_start3A_227] : memref<32x80x125xi32, #tpu.memory_space<hbm>> -> memref<1x80x125xi32, #tpu.memory_space<hbm>>
      %dma_start3A_229 = tpu.memref_squeeze %dma_start3A_228 : memref<1x80x125xi32, #tpu.memory_space<hbm>> -> memref<80x125xi32, #tpu.memory_space<hbm>>
      tpu.enqueue_dma source(%dma_start3A_229 : memref<80x125xi32, #tpu.memory_space<hbm>>) target(%arg6 : memref<80x125xi32, #tpu.memory_space<vmem>>) target_semaphore(%run_scoped3A_221 : memref<!tpu.dma_semaphore, #tpu.memory_space<semaphore_mem>>)
      %dma_wait3A_230 = arith.constant 0 : i32
      %dma_wait3A_231 = arith.constant 0 : i32
      %dma_wait3A_232 = tpu.memref_slice %arg3[%add3A, %dma_wait3A_230, %dma_wait3A_231] : memref<32x80x125xi32, #tpu.memory_space<hbm>> -> memref<1x80x125xi32, #tpu.memory_space<hbm>>
      %dma_wait3A_233 = tpu.memref_squeeze %dma_wait3A_232 : memref<1x80x125xi32, #tpu.memory_space<hbm>> -> memref<80x125xi32, #tpu.memory_space<hbm>>
      %dma_wait3A_234 = arith.constant 0 : i32
      %dma_wait3A_235 = arith.constant 0 : i32
      %dma_wait3A_236 = tpu.memref_slice %arg3[%add3A, %dma_wait3A_234, %dma_wait3A_235] : memref<32x80x125xi32, #tpu.memory_space<hbm>> -> memref<1x80x125xi32, #tpu.memory_space<hbm>>
      %dma_wait3A_237 = tpu.memref_squeeze %dma_wait3A_236 : memref<1x80x125xi32, #tpu.memory_space<hbm>> -> memref<80x125xi32, #tpu.memory_space<hbm>>
      tpu.wait_dma2 semaphore(%run_scoped3A_221 : memref<!tpu.dma_semaphore, #tpu.memory_space<semaphore_mem>>) src(%dma_wait3A_237 : memref<80x125xi32, #tpu.memory_space<hbm>>) dst(%arg6 : memref<80x125xi32, #tpu.memory_space<vmem>>)
      tpu.yield
    }) : () -> ()
    "tpu.region"() ({
      %run_scoped3A_221 = tpu.sem_alloc : memref<!tpu.dma_semaphore, #tpu.memory_space<semaphore_mem>>
      %dma_start3A_222 = arith.constant 0 : i32
      %dma_start3A_223 = arith.constant 0 : i32
      %dma_start3A_224 = tpu.memref_slice %arg4[%add3A, %dma_start3A_222, %dma_start3A_223] : memref<32x80x125xi32, #tpu.memory_space<hbm>> -> memref<1x80x125xi32, #tpu.memory_space<hbm>>
      %dma_start3A_225 = tpu.memref_squeeze %dma_start3A_224 : memref<1x80x125xi32, #tpu.memory_space<hbm>> -> memref<80x125xi32, #tpu.memory_space<hbm>>
      %dma_start3A_226 = arith.constant 0 : i32
      %dma_start3A_227 = arith.constant 0 : i32
      %dma_start3A_228 = tpu.memref_slice %arg4[%add3A, %dma_start3A_226, %dma_start3A_227] : memref<32x80x125xi32, #tpu.memory_space<hbm>> -> memref<1x80x125xi32, #tpu.memory_space<hbm>>
      %dma_start3A_229 = tpu.memref_squeeze %dma_start3A_228 : memref<1x80x125xi32, #tpu.memory_space<hbm>> -> memref<80x125xi32, #tpu.memory_space<hbm>>
      tpu.enqueue_dma source(%dma_start3A_229 : memref<80x125xi32, #tpu.memory_space<hbm>>) target(%arg7 : memref<80x125xi32, #tpu.memory_space<vmem>>) target_semaphore(%run_scoped3A_221 : memref<!tpu.dma_semaphore, #tpu.memory_space<semaphore_mem>>)
      %dma_wait3A_230 = arith.constant 0 : i32
      %dma_wait3A_231 = arith.constant 0 : i32
      %dma_wait3A_232 = tpu.memref_slice %arg4[%add3A, %dma_wait3A_230, %dma_wait3A_231] : memref<32x80x125xi32, #tpu.memory_space<hbm>> -> memref<1x80x125xi32, #tpu.memory_space<hbm>>
      %dma_wait3A_233 = tpu.memref_squeeze %dma_wait3A_232 : memref<1x80x125xi32, #tpu.memory_space<hbm>> -> memref<80x125xi32, #tpu.memory_space<hbm>>
      %dma_wait3A_234 = arith.constant 0 : i32
      %dma_wait3A_235 = arith.constant 0 : i32
      %dma_wait3A_236 = tpu.memref_slice %arg4[%add3A, %dma_wait3A_234, %dma_wait3A_235] : memref<32x80x125xi32, #tpu.memory_space<hbm>> -> memref<1x80x125xi32, #tpu.memory_space<hbm>>
      %dma_wait3A_237 = tpu.memref_squeeze %dma_wait3A_236 : memref<1x80x125xi32, #tpu.memory_space<hbm>> -> memref<80x125xi32, #tpu.memory_space<hbm>>
      tpu.wait_dma2 semaphore(%run_scoped3A_221 : memref<!tpu.dma_semaphore, #tpu.memory_space<semaphore_mem>>) src(%dma_wait3A_237 : memref<80x125xi32, #tpu.memory_space<hbm>>) dst(%arg7 : memref<80x125xi32, #tpu.memory_space<vmem>>)
      tpu.yield
    }) : () -> ()
    %broadcast_in_dim3A = arith.constant 0.000000e+00 : f32
    %broadcast_in_dim3A_1 = vector.broadcast %broadcast_in_dim3A : f32 to vector<16xf32>
    %scan3A = arith.constant 0 : i32
    %scan3A_2 = arith.constant 640 : i32
    %scan3A_3 = arith.addi %scan3A, %scan3A_2 : i32
    %scan3A_4 = arith.constant 1 : i32
    scf.for %scan3A_221 = %scan3A to %scan3A_3 step %scan3A_4  : i32 {
      %mul3A_222 = arith.constant 1 : i32
      %mul3A_223 = arith.muli %scan3A_221, %mul3A_222 : i32
      %add3A_224 = arith.constant 0 : i32
      %add3A_225 = arith.addi %add3A_224, %mul3A_223 : i32
      %swap3A = arith.index_cast %add3A_225 : i32 to index
      %swap3A_226 = arith.constant 0 : index
      %swap3A_227 = tpu.vector_load %arg9[%swap3A, %swap3A_226] {strides = array<i32>} : memref<640x32xf32, #tpu.memory_space<vmem>>, vector<1x16xf32>,
      %swap3A_228 = vector.shape_cast %swap3A_227 : vector<1x16xf32> to vector<16xf32>
      %swap3A_229 = vector.shape_cast %broadcast_in_dim3A_1 : vector<16xf32> to vector<1x16xf32>
      tpu.vector_store %arg9[%swap3A, %swap3A_226], %swap3A_229 {strides = array<i32>} : memref<640x32xf32, #tpu.memory_space<vmem>>, vector<1x16xf32>,
      %swap3A_230 = arith.index_cast %add3A_225 : i32 to index
      %swap3A_231 = arith.constant 16 : index
      %swap3A_232 = tpu.vector_load %arg9[%swap3A_230, %swap3A_231] {strides = array<i32>} : memref<640x32xf32, #tpu.memory_space<vmem>>, vector<1x16xf32>,
      %swap3A_233 = vector.shape_cast %swap3A_232 : vector<1x16xf32> to vector<16xf32>
      %swap3A_234 = vector.shape_cast %broadcast_in_dim3A_1 : vector<16xf32> to vector<1x16xf32>
      tpu.vector_store %arg9[%swap3A_230, %swap3A_231], %swap3A_234 {strides = array<i32>} : memref<640x32xf32, #tpu.memory_space<vmem>>, vector<1x16xf32>,
    }
    %scan3A_5 = arith.constant 640 : i32
    %mul3A_6 = arith.constant 640 : i32
    %mul3A_7 = arith.muli %arg1, %mul3A_6 : i32
    "tpu.region"() ({
      %run_scoped3A_221 = tpu.sem_alloc : memref<!tpu.dma_semaphore, #tpu.memory_space<semaphore_mem>>
      %dma_start3A_222 = arith.constant 0 : i32
      %dma_start3A_223 = tpu.memref_slice %arg10[%mul3A_7, %dma_start3A_222] : memref<10240x32xf32, #tpu.memory_space<vmem_shared>> -> memref<640x32xf32, #tpu.memory_space<vmem_shared>>
      %dma_start3A_224 = arith.constant 0 : i32
      %dma_start3A_225 = tpu.memref_slice %arg10[%mul3A_7, %dma_start3A_224] : memref<10240x32xf32, #tpu.memory_space<vmem_shared>> -> memref<640x32xf32, #tpu.memory_space<vmem_shared>>
      tpu.enqueue_dma source(%arg9 : memref<640x32xf32, #tpu.memory_space<vmem>>) target(%dma_start3A_225 : memref<640x32xf32, #tpu.memory_space<vmem_shared>>) target_semaphore(%run_scoped3A_221 : memref<!tpu.dma_semaphore, #tpu.memory_space<semaphore_mem>>)
      %dma_wait3A_226 = arith.constant 0 : i32
      %dma_wait3A_227 = tpu.memref_slice %arg10[%mul3A_7, %dma_wait3A_226] : memref<10240x32xf32, #tpu.memory_space<vmem_shared>> -> memref<640x32xf32, #tpu.memory_space<vmem_shared>>
      %dma_wait3A_228 = arith.constant 0 : i32
      %dma_wait3A_229 = tpu.memref_slice %arg10[%mul3A_7, %dma_wait3A_228] : memref<10240x32xf32, #tpu.memory_space<vmem_shared>> -> memref<640x32xf32, #tpu.memory_space<vmem_shared>>
      tpu.wait_dma2 semaphore(%run_scoped3A_221 : memref<!tpu.dma_semaphore, #tpu.memory_space<semaphore_mem>>) src(%arg9 : memref<640x32xf32, #tpu.memory_space<vmem>>) dst(%dma_wait3A_229 : memref<640x32xf32, #tpu.memory_space<vmem_shared>>)
      tpu.yield
    }) : () -> ()
    %barrier3A = arith.constant 0 : index
    tpu.barrier barrier_id(%barrier3A)
    %dma_start3A = arith.constant 0 : i32
    %dma_start3A_8 = arith.constant 0 : i32
    %dma_start3A_9 = arith.constant 0 : i32
    %dma_start3A_10 = arith.constant 0 : i32
    %dma_start3A_11 = tpu.memref_slice %arg8[%dma_start3A_8, %dma_start3A_9, %dma_start3A_10] : memref<8x125x32xf32, #tpu.memory_space<vmem>> -> memref<1x125x32xf32, #tpu.memory_space<vmem>>
    %dma_start3A_12 = tpu.memref_squeeze %dma_start3A_11 : memref<1x125x32xf32, #tpu.memory_space<vmem>> -> memref<125x32xf32, #tpu.memory_space<vmem>>
    %dma_start3A_13 = arith.constant 0 : i32
    %dma_start3A_14 = tpu.memref_slice %arg6[%dma_start3A, %dma_start3A_13] : memref<80x125xi32, #tpu.memory_space<vmem>> -> memref<1x125xi32, #tpu.memory_space<vmem>>
    %dma_start3A_15 = tpu.memref_squeeze %dma_start3A_14 : memref<1x125xi32, #tpu.memory_space<vmem>> -> memref<125xi32, #tpu.memory_space<vmem>>
    %dma_start3A_16 = arith.constant 0 : i32
    %dma_start3A_17 = arith.constant 0 : i32
    %dma_start3A_18 = tpu.memref_slice %arg2[%dma_start3A_16, %dma_start3A_17] : memref<10000x32xf32, #tpu.memory_space<hbm>> -> memref<10000x32xf32, #tpu.memory_space<hbm>>
    tpu.enqueue_indirect_dma source(%dma_start3A_18 : memref<10000x32xf32, #tpu.memory_space<hbm>>) target(%dma_start3A_12 : memref<125x32xf32, #tpu.memory_space<vmem>>) offsets(%dma_start3A_15 : memref<125xi32, #tpu.memory_space<vmem>>) semaphore(%arg11 : memref<!tpu.dma_semaphore, #tpu.memory_space<semaphore_mem>>)
    %dma_start3A_19 = arith.constant 1 : i32
    %dma_start3A_20 = arith.constant 1 : i32
    %dma_start3A_21 = arith.constant 0 : i32
    %dma_start3A_22 = arith.constant 0 : i32
    %dma_start3A_23 = tpu.memref_slice %arg8[%dma_start3A_20, %dma_start3A_21, %dma_start3A_22] : memref<8x125x32xf32, #tpu.memory_space<vmem>> -> memref<1x125x32xf32, #tpu.memory_space<vmem>>
    %dma_start3A_24 = tpu.memref_squeeze %dma_start3A_23 : memref<1x125x32xf32, #tpu.memory_space<vmem>> -> memref<125x32xf32, #tpu.memory_space<vmem>>
    %dma_start3A_25 = arith.constant 0 : i32
    %dma_start3A_26 = tpu.memref_slice %arg6[%dma_start3A_19, %dma_start3A_25] : memref<80x125xi32, #tpu.memory_space<vmem>> -> memref<1x125xi32, #tpu.memory_space<vmem>>
    %dma_start3A_27 = tpu.memref_squeeze %dma_start3A_26 : memref<1x125xi32, #tpu.memory_space<vmem>> -> memref<125xi32, #tpu.memory_space<vmem>>
    %dma_start3A_28 = arith.constant 0 : i32
    %dma_start3A_29 = arith.constant 0 : i32
    %dma_start3A_30 = tpu.memref_slice %arg2[%dma_start3A_28, %dma_start3A_29] : memref<10000x32xf32, #tpu.memory_space<hbm>> -> memref<10000x32xf32, #tpu.memory_space<hbm>>
    tpu.enqueue_indirect_dma source(%dma_start3A_30 : memref<10000x32xf32, #tpu.memory_space<hbm>>) target(%dma_start3A_24 : memref<125x32xf32, #tpu.memory_space<vmem>>) offsets(%dma_start3A_27 : memref<125xi32, #tpu.memory_space<vmem>>) semaphore(%arg12 : memref<!tpu.dma_semaphore, #tpu.memory_space<semaphore_mem>>)
    %dma_start3A_31 = arith.constant 2 : i32
    %dma_start3A_32 = arith.constant 2 : i32
    %dma_start3A_33 = arith.constant 0 : i32
    %dma_start3A_34 = arith.constant 0 : i32
    %dma_start3A_35 = tpu.memref_slice %arg8[%dma_start3A_32, %dma_start3A_33, %dma_start3A_34] : memref<8x125x32xf32, #tpu.memory_space<vmem>> -> memref<1x125x32xf32, #tpu.memory_space<vmem>>
    %dma_start3A_36 = tpu.memref_squeeze %dma_start3A_35 : memref<1x125x32xf32, #tpu.memory_space<vmem>> -> memref<125x32xf32, #tpu.memory_space<vmem>>
    %dma_start3A_37 = arith.constant 0 : i32
    %dma_start3A_38 = tpu.memref_slice %arg6[%dma_start3A_31, %dma_start3A_37] : memref<80x125xi32, #tpu.memory_space<vmem>> -> memref<1x125xi32, #tpu.memory_space<vmem>>
    %dma_start3A_39 = tpu.memref_squeeze %dma_start3A_38 : memref<1x125xi32, #tpu.memory_space<vmem>> -> memref<125xi32, #tpu.memory_space<vmem>>
    %dma_start3A_40 = arith.constant 0 : i32
    %dma_start3A_41 = arith.constant 0 : i32
    %dma_start3A_42 = tpu.memref_slice %arg2[%dma_start3A_40, %dma_start3A_41] : memref<10000x32xf32, #tpu.memory_space<hbm>> -> memref<10000x32xf32, #tpu.memory_space<hbm>>
    tpu.enqueue_indirect_dma source(%dma_start3A_42 : memref<10000x32xf32, #tpu.memory_space<hbm>>) target(%dma_start3A_36 : memref<125x32xf32, #tpu.memory_space<vmem>>) offsets(%dma_start3A_39 : memref<125xi32, #tpu.memory_space<vmem>>) semaphore(%arg13 : memref<!tpu.dma_semaphore, #tpu.memory_space<semaphore_mem>>)
    %dma_start3A_43 = arith.constant 3 : i32
    %dma_start3A_44 = arith.constant 3 : i32
    %dma_start3A_45 = arith.constant 0 : i32
    %dma_start3A_46 = arith.constant 0 : i32
    %dma_start3A_47 = tpu.memref_slice %arg8[%dma_start3A_44, %dma_start3A_45, %dma_start3A_46] : memref<8x125x32xf32, #tpu.memory_space<vmem>> -> memref<1x125x32xf32, #tpu.memory_space<vmem>>
    %dma_start3A_48 = tpu.memref_squeeze %dma_start3A_47 : memref<1x125x32xf32, #tpu.memory_space<vmem>> -> memref<125x32xf32, #tpu.memory_space<vmem>>
    %dma_start3A_49 = arith.constant 0 : i32
    %dma_start3A_50 = tpu.memref_slice %arg6[%dma_start3A_43, %dma_start3A_49] : memref<80x125xi32, #tpu.memory_space<vmem>> -> memref<1x125xi32, #tpu.memory_space<vmem>>
    %dma_start3A_51 = tpu.memref_squeeze %dma_start3A_50 : memref<1x125xi32, #tpu.memory_space<vmem>> -> memref<125xi32, #tpu.memory_space<vmem>>
    %dma_start3A_52 = arith.constant 0 : i32
    %dma_start3A_53 = arith.constant 0 : i32
    %dma_start3A_54 = tpu.memref_slice %arg2[%dma_start3A_52, %dma_start3A_53] : memref<10000x32xf32, #tpu.memory_space<hbm>> -> memref<10000x32xf32, #tpu.memory_space<hbm>>
    tpu.enqueue_indirect_dma source(%dma_start3A_54 : memref<10000x32xf32, #tpu.memory_space<hbm>>) target(%dma_start3A_48 : memref<125x32xf32, #tpu.memory_space<vmem>>) offsets(%dma_start3A_51 : memref<125xi32, #tpu.memory_space<vmem>>) semaphore(%arg14 : memref<!tpu.dma_semaphore, #tpu.memory_space<semaphore_mem>>)
    %dma_start3A_55 = arith.constant 4 : i32
    %dma_start3A_56 = arith.constant 4 : i32
    %dma_start3A_57 = arith.constant 0 : i32
    %dma_start3A_58 = arith.constant 0 : i32
    %dma_start3A_59 = tpu.memref_slice %arg8[%dma_start3A_56, %dma_start3A_57, %dma_start3A_58] : memref<8x125x32xf32, #tpu.memory_space<vmem>> -> memref<1x125x32xf32, #tpu.memory_space<vmem>>
    %dma_start3A_60 = tpu.memref_squeeze %dma_start3A_59 : memref<1x125x32xf32, #tpu.memory_space<vmem>> -> memref<125x32xf32, #tpu.memory_space<vmem>>
    %dma_start3A_61 = arith.constant 0 : i32
    %dma_start3A_62 = tpu.memref_slice %arg6[%dma_start3A_55, %dma_start3A_61] : memref<80x125xi32, #tpu.memory_space<vmem>> -> memref<1x125xi32, #tpu.memory_space<vmem>>
    %dma_start3A_63 = tpu.memref_squeeze %dma_start3A_62 : memref<1x125xi32, #tpu.memory_space<vmem>> -> memref<125xi32, #tpu.memory_space<vmem>>
    %dma_start3A_64 = arith.constant 0 : i32
    %dma_start3A_65 = arith.constant 0 : i32
    %dma_start3A_66 = tpu.memref_slice %arg2[%dma_start3A_64, %dma_start3A_65] : memref<10000x32xf32, #tpu.memory_space<hbm>> -> memref<10000x32xf32, #tpu.memory_space<hbm>>
    tpu.enqueue_indirect_dma source(%dma_start3A_66 : memref<10000x32xf32, #tpu.memory_space<hbm>>) target(%dma_start3A_60 : memref<125x32xf32, #tpu.memory_space<vmem>>) offsets(%dma_start3A_63 : memref<125xi32, #tpu.memory_space<vmem>>) semaphore(%arg15 : memref<!tpu.dma_semaphore, #tpu.memory_space<semaphore_mem>>)
    %dma_start3A_67 = arith.constant 5 : i32
    %dma_start3A_68 = arith.constant 5 : i32
    %dma_start3A_69 = arith.constant 0 : i32
    %dma_start3A_70 = arith.constant 0 : i32
    %dma_start3A_71 = tpu.memref_slice %arg8[%dma_start3A_68, %dma_start3A_69, %dma_start3A_70] : memref<8x125x32xf32, #tpu.memory_space<vmem>> -> memref<1x125x32xf32, #tpu.memory_space<vmem>>
    %dma_start3A_72 = tpu.memref_squeeze %dma_start3A_71 : memref<1x125x32xf32, #tpu.memory_space<vmem>> -> memref<125x32xf32, #tpu.memory_space<vmem>>
    %dma_start3A_73 = arith.constant 0 : i32
    %dma_start3A_74 = tpu.memref_slice %arg6[%dma_start3A_67, %dma_start3A_73] : memref<80x125xi32, #tpu.memory_space<vmem>> -> memref<1x125xi32, #tpu.memory_space<vmem>>
    %dma_start3A_75 = tpu.memref_squeeze %dma_start3A_74 : memref<1x125xi32, #tpu.memory_space<vmem>> -> memref<125xi32, #tpu.memory_space<vmem>>
    %dma_start3A_76 = arith.constant 0 : i32
    %dma_start3A_77 = arith.constant 0 : i32
    %dma_start3A_78 = tpu.memref_slice %arg2[%dma_start3A_76, %dma_start3A_77] : memref<10000x32xf32, #tpu.memory_space<hbm>> -> memref<10000x32xf32, #tpu.memory_space<hbm>>
    tpu.enqueue_indirect_dma source(%dma_start3A_78 : memref<10000x32xf32, #tpu.memory_space<hbm>>) target(%dma_start3A_72 : memref<125x32xf32, #tpu.memory_space<vmem>>) offsets(%dma_start3A_75 : memref<125xi32, #tpu.memory_space<vmem>>) semaphore(%arg16 : memref<!tpu.dma_semaphore, #tpu.memory_space<semaphore_mem>>)
    %dma_start3A_79 = arith.constant 6 : i32
    %dma_start3A_80 = arith.constant 6 : i32
    %dma_start3A_81 = arith.constant 0 : i32
    %dma_start3A_82 = arith.constant 0 : i32
    %dma_start3A_83 = tpu.memref_slice %arg8[%dma_start3A_80, %dma_start3A_81, %dma_start3A_82] : memref<8x125x32xf32, #tpu.memory_space<vmem>> -> memref<1x125x32xf32, #tpu.memory_space<vmem>>
    %dma_start3A_84 = tpu.memref_squeeze %dma_start3A_83 : memref<1x125x32xf32, #tpu.memory_space<vmem>> -> memref<125x32xf32, #tpu.memory_space<vmem>>
    %dma_start3A_85 = arith.constant 0 : i32
    %dma_start3A_86 = tpu.memref_slice %arg6[%dma_start3A_79, %dma_start3A_85] : memref<80x125xi32, #tpu.memory_space<vmem>> -> memref<1x125xi32, #tpu.memory_space<vmem>>
    %dma_start3A_87 = tpu.memref_squeeze %dma_start3A_86 : memref<1x125xi32, #tpu.memory_space<vmem>> -> memref<125xi32, #tpu.memory_space<vmem>>
    %dma_start3A_88 = arith.constant 0 : i32
    %dma_start3A_89 = arith.constant 0 : i32
    %dma_start3A_90 = tpu.memref_slice %arg2[%dma_start3A_88, %dma_start3A_89] : memref<10000x32xf32, #tpu.memory_space<hbm>> -> memref<10000x32xf32, #tpu.memory_space<hbm>>
    tpu.enqueue_indirect_dma source(%dma_start3A_90 : memref<10000x32xf32, #tpu.memory_space<hbm>>) target(%dma_start3A_84 : memref<125x32xf32, #tpu.memory_space<vmem>>) offsets(%dma_start3A_87 : memref<125xi32, #tpu.memory_space<vmem>>) semaphore(%arg17 : memref<!tpu.dma_semaphore, #tpu.memory_space<semaphore_mem>>)
    %dma_start3A_91 = arith.constant 7 : i32
    %dma_start3A_92 = arith.constant 7 : i32
    %dma_start3A_93 = arith.constant 0 : i32
    %dma_start3A_94 = arith.constant 0 : i32
    %dma_start3A_95 = tpu.memref_slice %arg8[%dma_start3A_92, %dma_start3A_93, %dma_start3A_94] : memref<8x125x32xf32, #tpu.memory_space<vmem>> -> memref<1x125x32xf32, #tpu.memory_space<vmem>>
    %dma_start3A_96 = tpu.memref_squeeze %dma_start3A_95 : memref<1x125x32xf32, #tpu.memory_space<vmem>> -> memref<125x32xf32, #tpu.memory_space<vmem>>
    %dma_start3A_97 = arith.constant 0 : i32
    %dma_start3A_98 = tpu.memref_slice %arg6[%dma_start3A_91, %dma_start3A_97] : memref<80x125xi32, #tpu.memory_space<vmem>> -> memref<1x125xi32, #tpu.memory_space<vmem>>
    %dma_start3A_99 = tpu.memref_squeeze %dma_start3A_98 : memref<1x125xi32, #tpu.memory_space<vmem>> -> memref<125xi32, #tpu.memory_space<vmem>>
    %dma_start3A_100 = arith.constant 0 : i32
    %dma_start3A_101 = arith.constant 0 : i32
    %dma_start3A_102 = tpu.memref_slice %arg2[%dma_start3A_100, %dma_start3A_101] : memref<10000x32xf32, #tpu.memory_space<hbm>> -> memref<10000x32xf32, #tpu.memory_space<hbm>>
    tpu.enqueue_indirect_dma source(%dma_start3A_102 : memref<10000x32xf32, #tpu.memory_space<hbm>>) target(%dma_start3A_96 : memref<125x32xf32, #tpu.memory_space<vmem>>) offsets(%dma_start3A_99 : memref<125xi32, #tpu.memory_space<vmem>>) semaphore(%arg18 : memref<!tpu.dma_semaphore, #tpu.memory_space<semaphore_mem>>)
    %scan3A_103 = arith.constant 0 : i32
    %scan3A_104 = arith.constant 9 : i32
    %scan3A_105 = arith.addi %scan3A_103, %scan3A_104 : i32
    %scan3A_106 = arith.constant 1 : i32
    scf.for %scan3A_221 = %scan3A_103 to %scan3A_105 step %scan3A_106  : i32 {
      %mul3A_222 = arith.constant 1 : i32
      %mul3A_223 = arith.muli %scan3A_221, %mul3A_222 : i32
      %add3A_224 = arith.constant 0 : i32
      %add3A_225 = arith.addi %add3A_224, %mul3A_223 : i32
      %mul3A_226 = arith.constant 8 : i32
      %mul3A_227 = arith.muli %add3A_225, %mul3A_226 : i32
      %add3A_228 = arith.constant 0 : i32
      %add3A_229 = arith.addi %mul3A_227, %add3A_228 : i32
      %dma_wait3A_230 = arith.constant 0 : i32
      %dma_wait3A_231 = arith.constant 0 : i32
      %dma_wait3A_232 = arith.constant 0 : i32
      %dma_wait3A_233 = tpu.memref_slice %arg8[%dma_wait3A_230, %dma_wait3A_231, %dma_wait3A_232] : memref<8x125x32xf32, #tpu.memory_space<vmem>> -> memref<1x125x32xf32, #tpu.memory_space<vmem>>
      %dma_wait3A_234 = tpu.memref_squeeze %dma_wait3A_233 : memref<1x125x32xf32, #tpu.memory_space<vmem>> -> memref<125x32xf32, #tpu.memory_space<vmem>>
      %dma_wait3A_235 = arith.constant 0 : i32
      %dma_wait3A_236 = tpu.memref_slice %arg6[%add3A_229, %dma_wait3A_235] : memref<80x125xi32, #tpu.memory_space<vmem>> -> memref<1x125xi32, #tpu.memory_space<vmem>>
      %dma_wait3A_237 = tpu.memref_squeeze %dma_wait3A_236 : memref<1x125xi32, #tpu.memory_space<vmem>> -> memref<125xi32, #tpu.memory_space<vmem>>
      %dma_wait3A_238 = arith.constant 0 : i32
      %dma_wait3A_239 = arith.constant 0 : i32
      %dma_wait3A_240 = tpu.memref_slice %arg2[%dma_wait3A_238, %dma_wait3A_239] : memref<10000x32xf32, #tpu.memory_space<hbm>> -> memref<10000x32xf32, #tpu.memory_space<hbm>>
      tpu.wait_indirect_dma semaphore(%arg11 : memref<!tpu.dma_semaphore, #tpu.memory_space<semaphore_mem>>) src(%dma_wait3A_240 : memref<10000x32xf32, #tpu.memory_space<hbm>>) dst(%dma_wait3A_234 : memref<125x32xf32, #tpu.memory_space<vmem>>)
      %run_scoped3A_241 = arith.constant 0 : i32
      "tpu.region"() ({
        %run_scoped3A_444 = tpu.sem_alloc : memref<!tpu.dma_semaphore, #tpu.memory_space<semaphore_mem>>
        %dma_start3A_445 = arith.constant 0 : i32
        %dma_start3A_446 = arith.constant 0 : i32
        %dma_start3A_447 = tpu.memref_slice %arg8[%run_scoped3A_241, %dma_start3A_445, %dma_start3A_446] : memref<8x125x32xf32, #tpu.memory_space<vmem>> -> memref<1x125x32xf32, #tpu.memory_space<vmem>>
        %dma_start3A_448 = tpu.memref_squeeze %dma_start3A_447 : memref<1x125x32xf32, #tpu.memory_space<vmem>> -> memref<125x32xf32, #tpu.memory_space<vmem>>
        %dma_start3A_449 = arith.constant 0 : i32
        %dma_start3A_450 = tpu.memref_slice %arg7[%add3A_229, %dma_start3A_449] : memref<80x125xi32, #tpu.memory_space<vmem>> -> memref<1x125xi32, #tpu.memory_space<vmem>>
        %dma_start3A_451 = tpu.memref_squeeze %dma_start3A_450 : memref<1x125xi32, #tpu.memory_space<vmem>> -> memref<125xi32, #tpu.memory_space<vmem>>
        %dma_start3A_452 = arith.constant 0 : i32
        %dma_start3A_453 = arith.constant 0 : i32
        %dma_start3A_454 = tpu.memref_slice %arg10[%dma_start3A_452, %dma_start3A_453] : memref<10240x32xf32, #tpu.memory_space<vmem_shared>> -> memref<10240x32xf32, #tpu.memory_space<vmem_shared>>
        tpu.enqueue_indirect_dma source(%dma_start3A_448 : memref<125x32xf32, #tpu.memory_space<vmem>>) target(%dma_start3A_454 : memref<10240x32xf32, #tpu.memory_space<vmem_shared>>) offsets(%dma_start3A_451 : memref<125xi32, #tpu.memory_space<vmem>>) semaphore(%run_scoped3A_444 : memref<!tpu.dma_semaphore, #tpu.memory_space<semaphore_mem>>) {add = true}
        %dma_wait3A_455 = arith.constant 0 : i32
        %dma_wait3A_456 = arith.constant 0 : i32
        %dma_wait3A_457 = tpu.memref_slice %arg8[%run_scoped3A_241, %dma_wait3A_455, %dma_wait3A_456] : memref<8x125x32xf32, #tpu.memory_space<vmem>> -> memref<1x125x32xf32, #tpu.memory_space<vmem>>
        %dma_wait3A_458 = tpu.memref_squeeze %dma_wait3A_457 : memref<1x125x32xf32, #tpu.memory_space<vmem>> -> memref<125x32xf32, #tpu.memory_space<vmem>>
        %dma_wait3A_459 = arith.constant 0 : i32
        %dma_wait3A_460 = tpu.memref_slice %arg7[%add3A_229, %dma_wait3A_459] : memref<80x125xi32, #tpu.memory_space<vmem>> -> memref<1x125xi32, #tpu.memory_space<vmem>>
        %dma_wait3A_461 = tpu.memref_squeeze %dma_wait3A_460 : memref<1x125xi32, #tpu.memory_space<vmem>> -> memref<125xi32, #tpu.memory_space<vmem>>
        %dma_wait3A_462 = arith.constant 0 : i32
        %dma_wait3A_463 = arith.constant 0 : i32
        %dma_wait3A_464 = tpu.memref_slice %arg10[%dma_wait3A_462, %dma_wait3A_463] : memref<10240x32xf32, #tpu.memory_space<vmem_shared>> -> memref<10240x32xf32, #tpu.memory_space<vmem_shared>>
        tpu.wait_indirect_dma semaphore(%run_scoped3A_444 : memref<!tpu.dma_semaphore, #tpu.memory_space<semaphore_mem>>) src(%dma_wait3A_458 : memref<125x32xf32, #tpu.memory_space<vmem>>) dst(%dma_wait3A_464 : memref<10240x32xf32, #tpu.memory_space<vmem_shared>>)
        tpu.yield
      }) : () -> ()
      %add3A_242 = arith.constant 8 : i32
      %add3A_243 = arith.addi %add3A_229, %add3A_242 : i32
      %dma_start3A_244 = arith.constant 0 : i32
      %dma_start3A_245 = arith.constant 0 : i32
      %dma_start3A_246 = arith.constant 0 : i32
      %dma_start3A_247 = tpu.memref_slice %arg8[%dma_start3A_244, %dma_start3A_245, %dma_start3A_246] : memref<8x125x32xf32, #tpu.memory_space<vmem>> -> memref<1x125x32xf32, #tpu.memory_space<vmem>>
      %dma_start3A_248 = tpu.memref_squeeze %dma_start3A_247 : memref<1x125x32xf32, #tpu.memory_space<vmem>> -> memref<125x32xf32, #tpu.memory_space<vmem>>
      %dma_start3A_249 = arith.constant 0 : i32
      %dma_start3A_250 = tpu.memref_slice %arg6[%add3A_243, %dma_start3A_249] : memref<80x125xi32, #tpu.memory_space<vmem>> -> memref<1x125xi32, #tpu.memory_space<vmem>>
      %dma_start3A_251 = tpu.memref_squeeze %dma_start3A_250 : memref<1x125xi32, #tpu.memory_space<vmem>> -> memref<125xi32, #tpu.memory_space<vmem>>
      %dma_start3A_252 = arith.constant 0 : i32
      %dma_start3A_253 = arith.constant 0 : i32
      %dma_start3A_254 = tpu.memref_slice %arg2[%dma_start3A_252, %dma_start3A_253] : memref<10000x32xf32, #tpu.memory_space<hbm>> -> memref<10000x32xf32, #tpu.memory_space<hbm>>
      tpu.enqueue_indirect_dma source(%dma_start3A_254 : memref<10000x32xf32, #tpu.memory_space<hbm>>) target(%dma_start3A_248 : memref<125x32xf32, #tpu.memory_space<vmem>>) offsets(%dma_start3A_251 : memref<125xi32, #tpu.memory_space<vmem>>) semaphore(%arg11 : memref<!tpu.dma_semaphore, #tpu.memory_space<semaphore_mem>>)
      %add3A_255 = arith.constant 1 : i32
      %add3A_256 = arith.addi %mul3A_227, %add3A_255 : i32
      %dma_wait3A_257 = arith.constant 1 : i32
      %dma_wait3A_258 = arith.constant 0 : i32
      %dma_wait3A_259 = arith.constant 0 : i32
      %dma_wait3A_260 = tpu.memref_slice %arg8[%dma_wait3A_257, %dma_wait3A_258, %dma_wait3A_259] : memref<8x125x32xf32, #tpu.memory_space<vmem>> -> memref<1x125x32xf32, #tpu.memory_space<vmem>>
      %dma_wait3A_261 = tpu.memref_squeeze %dma_wait3A_260 : memref<1x125x32xf32, #tpu.memory_space<vmem>> -> memref<125x32xf32, #tpu.memory_space<vmem>>
      %dma_wait3A_262 = arith.constant 0 : i32
      %dma_wait3A_263 = tpu.memref_slice %arg6[%add3A_256, %dma_wait3A_262] : memref<80x125xi32, #tpu.memory_space<vmem>> -> memref<1x125xi32, #tpu.memory_space<vmem>>
      %dma_wait3A_264 = tpu.memref_squeeze %dma_wait3A_263 : memref<1x125xi32, #tpu.memory_space<vmem>> -> memref<125xi32, #tpu.memory_space<vmem>>
      %dma_wait3A_265 = arith.constant 0 : i32
      %dma_wait3A_266 = arith.constant 0 : i32
      %dma_wait3A_267 = tpu.memref_slice %arg2[%dma_wait3A_265, %dma_wait3A_266] : memref<10000x32xf32, #tpu.memory_space<hbm>> -> memref<10000x32xf32, #tpu.memory_space<hbm>>
      tpu.wait_indirect_dma semaphore(%arg12 : memref<!tpu.dma_semaphore, #tpu.memory_space<semaphore_mem>>) src(%dma_wait3A_267 : memref<10000x32xf32, #tpu.memory_space<hbm>>) dst(%dma_wait3A_261 : memref<125x32xf32, #tpu.memory_space<vmem>>)
      %run_scoped3A_268 = arith.constant 1 : i32
      "tpu.region"() ({
        %run_scoped3A_444 = tpu.sem_alloc : memref<!tpu.dma_semaphore, #tpu.memory_space<semaphore_mem>>
        %dma_start3A_445 = arith.constant 0 : i32
        %dma_start3A_446 = arith.constant 0 : i32
        %dma_start3A_447 = tpu.memref_slice %arg8[%run_scoped3A_268, %dma_start3A_445, %dma_start3A_446] : memref<8x125x32xf32, #tpu.memory_space<vmem>> -> memref<1x125x32xf32, #tpu.memory_space<vmem>>
        %dma_start3A_448 = tpu.memref_squeeze %dma_start3A_447 : memref<1x125x32xf32, #tpu.memory_space<vmem>> -> memref<125x32xf32, #tpu.memory_space<vmem>>
        %dma_start3A_449 = arith.constant 0 : i32
        %dma_start3A_450 = tpu.memref_slice %arg7[%add3A_256, %dma_start3A_449] : memref<80x125xi32, #tpu.memory_space<vmem>> -> memref<1x125xi32, #tpu.memory_space<vmem>>
        %dma_start3A_451 = tpu.memref_squeeze %dma_start3A_450 : memref<1x125xi32, #tpu.memory_space<vmem>> -> memref<125xi32, #tpu.memory_space<vmem>>
        %dma_start3A_452 = arith.constant 0 : i32
        %dma_start3A_453 = arith.constant 0 : i32
        %dma_start3A_454 = tpu.memref_slice %arg10[%dma_start3A_452, %dma_start3A_453] : memref<10240x32xf32, #tpu.memory_space<vmem_shared>> -> memref<10240x32xf32, #tpu.memory_space<vmem_shared>>
        tpu.enqueue_indirect_dma source(%dma_start3A_448 : memref<125x32xf32, #tpu.memory_space<vmem>>) target(%dma_start3A_454 : memref<10240x32xf32, #tpu.memory_space<vmem_shared>>) offsets(%dma_start3A_451 : memref<125xi32, #tpu.memory_space<vmem>>) semaphore(%run_scoped3A_444 : memref<!tpu.dma_semaphore, #tpu.memory_space<semaphore_mem>>) {add = true}
        %dma_wait3A_455 = arith.constant 0 : i32
        %dma_wait3A_456 = arith.constant 0 : i32
        %dma_wait3A_457 = tpu.memref_slice %arg8[%run_scoped3A_268, %dma_wait3A_455, %dma_wait3A_456] : memref<8x125x32xf32, #tpu.memory_space<vmem>> -> memref<1x125x32xf32, #tpu.memory_space<vmem>>
        %dma_wait3A_458 = tpu.memref_squeeze %dma_wait3A_457 : memref<1x125x32xf32, #tpu.memory_space<vmem>> -> memref<125x32xf32, #tpu.memory_space<vmem>>
        %dma_wait3A_459 = arith.constant 0 : i32
        %dma_wait3A_460 = tpu.memref_slice %arg7[%add3A_256, %dma_wait3A_459] : memref<80x125xi32, #tpu.memory_space<vmem>> -> memref<1x125xi32, #tpu.memory_space<vmem>>
        %dma_wait3A_461 = tpu.memref_squeeze %dma_wait3A_460 : memref<1x125xi32, #tpu.memory_space<vmem>> -> memref<125xi32, #tpu.memory_space<vmem>>
        %dma_wait3A_462 = arith.constant 0 : i32
        %dma_wait3A_463 = arith.constant 0 : i32
        %dma_wait3A_464 = tpu.memref_slice %arg10[%dma_wait3A_462, %dma_wait3A_463] : memref<10240x32xf32, #tpu.memory_space<vmem_shared>> -> memref<10240x32xf32, #tpu.memory_space<vmem_shared>>
        tpu.wait_indirect_dma semaphore(%run_scoped3A_444 : memref<!tpu.dma_semaphore, #tpu.memory_space<semaphore_mem>>) src(%dma_wait3A_458 : memref<125x32xf32, #tpu.memory_space<vmem>>) dst(%dma_wait3A_464 : memref<10240x32xf32, #tpu.memory_space<vmem_shared>>)
        tpu.yield
      }) : () -> ()
      %add3A_269 = arith.constant 8 : i32
      %add3A_270 = arith.addi %add3A_256, %add3A_269 : i32
      %dma_start3A_271 = arith.constant 1 : i32
      %dma_start3A_272 = arith.constant 0 : i32
      %dma_start3A_273 = arith.constant 0 : i32
      %dma_start3A_274 = tpu.memref_slice %arg8[%dma_start3A_271, %dma_start3A_272, %dma_start3A_273] : memref<8x125x32xf32, #tpu.memory_space<vmem>> -> memref<1x125x32xf32, #tpu.memory_space<vmem>>
      %dma_start3A_275 = tpu.memref_squeeze %dma_start3A_274 : memref<1x125x32xf32, #tpu.memory_space<vmem>> -> memref<125x32xf32, #tpu.memory_space<vmem>>
      %dma_start3A_276 = arith.constant 0 : i32
      %dma_start3A_277 = tpu.memref_slice %arg6[%add3A_270, %dma_start3A_276] : memref<80x125xi32, #tpu.memory_space<vmem>> -> memref<1x125xi32, #tpu.memory_space<vmem>>
      %dma_start3A_278 = tpu.memref_squeeze %dma_start3A_277 : memref<1x125xi32, #tpu.memory_space<vmem>> -> memref<125xi32, #tpu.memory_space<vmem>>
      %dma_start3A_279 = arith.constant 0 : i32
      %dma_start3A_280 = arith.constant 0 : i32
      %dma_start3A_281 = tpu.memref_slice %arg2[%dma_start3A_279, %dma_start3A_280] : memref<10000x32xf32, #tpu.memory_space<hbm>> -> memref<10000x32xf32, #tpu.memory_space<hbm>>
      tpu.enqueue_indirect_dma source(%dma_start3A_281 : memref<10000x32xf32, #tpu.memory_space<hbm>>) target(%dma_start3A_275 : memref<125x32xf32, #tpu.memory_space<vmem>>) offsets(%dma_start3A_278 : memref<125xi32, #tpu.memory_space<vmem>>) semaphore(%arg12 : memref<!tpu.dma_semaphore, #tpu.memory_space<semaphore_mem>>)
      %add3A_282 = arith.constant 2 : i32
      %add3A_283 = arith.addi %mul3A_227, %add3A_282 : i32
      %dma_wait3A_284 = arith.constant 2 : i32
      %dma_wait3A_285 = arith.constant 0 : i32
      %dma_wait3A_286 = arith.constant 0 : i32
      %dma_wait3A_287 = tpu.memref_slice %arg8[%dma_wait3A_284, %dma_wait3A_285, %dma_wait3A_286] : memref<8x125x32xf32, #tpu.memory_space<vmem>> -> memref<1x125x32xf32, #tpu.memory_space<vmem>>
      %dma_wait3A_288 = tpu.memref_squeeze %dma_wait3A_287 : memref<1x125x32xf32, #tpu.memory_space<vmem>> -> memref<125x32xf32, #tpu.memory_space<vmem>>
      %dma_wait3A_289 = arith.constant 0 : i32
      %dma_wait3A_290 = tpu.memref_slice %arg6[%add3A_283, %dma_wait3A_289] : memref<80x125xi32, #tpu.memory_space<vmem>> -> memref<1x125xi32, #tpu.memory_space<vmem>>
      %dma_wait3A_291 = tpu.memref_squeeze %dma_wait3A_290 : memref<1x125xi32, #tpu.memory_space<vmem>> -> memref<125xi32, #tpu.memory_space<vmem>>
      %dma_wait3A_292 = arith.constant 0 : i32
      %dma_wait3A_293 = arith.constant 0 : i32
      %dma_wait3A_294 = tpu.memref_slice %arg2[%dma_wait3A_292, %dma_wait3A_293] : memref<10000x32xf32, #tpu.memory_space<hbm>> -> memref<10000x32xf32, #tpu.memory_space<hbm>>
      tpu.wait_indirect_dma semaphore(%arg13 : memref<!tpu.dma_semaphore, #tpu.memory_space<semaphore_mem>>) src(%dma_wait3A_294 : memref<10000x32xf32, #tpu.memory_space<hbm>>) dst(%dma_wait3A_288 : memref<125x32xf32, #tpu.memory_space<vmem>>)
      %run_scoped3A_295 = arith.constant 2 : i32
      "tpu.region"() ({
        %run_scoped3A_444 = tpu.sem_alloc : memref<!tpu.dma_semaphore, #tpu.memory_space<semaphore_mem>>
        %dma_start3A_445 = arith.constant 0 : i32
        %dma_start3A_446 = arith.constant 0 : i32
        %dma_start3A_447 = tpu.memref_slice %arg8[%run_scoped3A_295, %dma_start3A_445, %dma_start3A_446] : memref<8x125x32xf32, #tpu.memory_space<vmem>> -> memref<1x125x32xf32, #tpu.memory_space<vmem>>
        %dma_start3A_448 = tpu.memref_squeeze %dma_start3A_447 : memref<1x125x32xf32, #tpu.memory_space<vmem>> -> memref<125x32xf32, #tpu.memory_space<vmem>>
        %dma_start3A_449 = arith.constant 0 : i32
        %dma_start3A_450 = tpu.memref_slice %arg7[%add3A_283, %dma_start3A_449] : memref<80x125xi32, #tpu.memory_space<vmem>> -> memref<1x125xi32, #tpu.memory_space<vmem>>
        %dma_start3A_451 = tpu.memref_squeeze %dma_start3A_450 : memref<1x125xi32, #tpu.memory_space<vmem>> -> memref<125xi32, #tpu.memory_space<vmem>>
        %dma_start3A_452 = arith.constant 0 : i32
        %dma_start3A_453 = arith.constant 0 : i32
        %dma_start3A_454 = tpu.memref_slice %arg10[%dma_start3A_452, %dma_start3A_453] : memref<10240x32xf32, #tpu.memory_space<vmem_shared>> -> memref<10240x32xf32, #tpu.memory_space<vmem_shared>>
        tpu.enqueue_indirect_dma source(%dma_start3A_448 : memref<125x32xf32, #tpu.memory_space<vmem>>) target(%dma_start3A_454 : memref<10240x32xf32, #tpu.memory_space<vmem_shared>>) offsets(%dma_start3A_451 : memref<125xi32, #tpu.memory_space<vmem>>) semaphore(%run_scoped3A_444 : memref<!tpu.dma_semaphore, #tpu.memory_space<semaphore_mem>>) {add = true}
        %dma_wait3A_455 = arith.constant 0 : i32
        %dma_wait3A_456 = arith.constant 0 : i32
        %dma_wait3A_457 = tpu.memref_slice %arg8[%run_scoped3A_295, %dma_wait3A_455, %dma_wait3A_456] : memref<8x125x32xf32, #tpu.memory_space<vmem>> -> memref<1x125x32xf32, #tpu.memory_space<vmem>>
        %dma_wait3A_458 = tpu.memref_squeeze %dma_wait3A_457 : memref<1x125x32xf32, #tpu.memory_space<vmem>> -> memref<125x32xf32, #tpu.memory_space<vmem>>
        %dma_wait3A_459 = arith.constant 0 : i32
        %dma_wait3A_460 = tpu.memref_slice %arg7[%add3A_283, %dma_wait3A_459] : memref<80x125xi32, #tpu.memory_space<vmem>> -> memref<1x125xi32, #tpu.memory_space<vmem>>
        %dma_wait3A_461 = tpu.memref_squeeze %dma_wait3A_460 : memref<1x125xi32, #tpu.memory_space<vmem>> -> memref<125xi32, #tpu.memory_space<vmem>>
        %dma_wait3A_462 = arith.constant 0 : i32
        %dma_wait3A_463 = arith.constant 0 : i32
        %dma_wait3A_464 = tpu.memref_slice %arg10[%dma_wait3A_462, %dma_wait3A_463] : memref<10240x32xf32, #tpu.memory_space<vmem_shared>> -> memref<10240x32xf32, #tpu.memory_space<vmem_shared>>
        tpu.wait_indirect_dma semaphore(%run_scoped3A_444 : memref<!tpu.dma_semaphore, #tpu.memory_space<semaphore_mem>>) src(%dma_wait3A_458 : memref<125x32xf32, #tpu.memory_space<vmem>>) dst(%dma_wait3A_464 : memref<10240x32xf32, #tpu.memory_space<vmem_shared>>)
        tpu.yield
      }) : () -> ()
      %add3A_296 = arith.constant 8 : i32
      %add3A_297 = arith.addi %add3A_283, %add3A_296 : i32
      %dma_start3A_298 = arith.constant 2 : i32
      %dma_start3A_299 = arith.constant 0 : i32
      %dma_start3A_300 = arith.constant 0 : i32
      %dma_start3A_301 = tpu.memref_slice %arg8[%dma_start3A_298, %dma_start3A_299, %dma_start3A_300] : memref<8x125x32xf32, #tpu.memory_space<vmem>> -> memref<1x125x32xf32, #tpu.memory_space<vmem>>
      %dma_start3A_302 = tpu.memref_squeeze %dma_start3A_301 : memref<1x125x32xf32, #tpu.memory_space<vmem>> -> memref<125x32xf32, #tpu.memory_space<vmem>>
      %dma_start3A_303 = arith.constant 0 : i32
      %dma_start3A_304 = tpu.memref_slice %arg6[%add3A_297, %dma_start3A_303] : memref<80x125xi32, #tpu.memory_space<vmem>> -> memref<1x125xi32, #tpu.memory_space<vmem>>
      %dma_start3A_305 = tpu.memref_squeeze %dma_start3A_304 : memref<1x125xi32, #tpu.memory_space<vmem>> -> memref<125xi32, #tpu.memory_space<vmem>>
      %dma_start3A_306 = arith.constant 0 : i32
      %dma_start3A_307 = arith.constant 0 : i32
      %dma_start3A_308 = tpu.memref_slice %arg2[%dma_start3A_306, %dma_start3A_307] : memref<10000x32xf32, #tpu.memory_space<hbm>> -> memref<10000x32xf32, #tpu.memory_space<hbm>>
      tpu.enqueue_indirect_dma source(%dma_start3A_308 : memref<10000x32xf32, #tpu.memory_space<hbm>>) target(%dma_start3A_302 : memref<125x32xf32, #tpu.memory_space<vmem>>) offsets(%dma_start3A_305 : memref<125xi32, #tpu.memory_space<vmem>>) semaphore(%arg13 : memref<!tpu.dma_semaphore, #tpu.memory_space<semaphore_mem>>)
      %add3A_309 = arith.constant 3 : i32
      %add3A_310 = arith.addi %mul3A_227, %add3A_309 : i32
      %dma_wait3A_311 = arith.constant 3 : i32
      %dma_wait3A_312 = arith.constant 0 : i32
      %dma_wait3A_313 = arith.constant 0 : i32
      %dma_wait3A_314 = tpu.memref_slice %arg8[%dma_wait3A_311, %dma_wait3A_312, %dma_wait3A_313] : memref<8x125x32xf32, #tpu.memory_space<vmem>> -> memref<1x125x32xf32, #tpu.memory_space<vmem>>
      %dma_wait3A_315 = tpu.memref_squeeze %dma_wait3A_314 : memref<1x125x32xf32, #tpu.memory_space<vmem>> -> memref<125x32xf32, #tpu.memory_space<vmem>>
      %dma_wait3A_316 = arith.constant 0 : i32
      %dma_wait3A_317 = tpu.memref_slice %arg6[%add3A_310, %dma_wait3A_316] : memref<80x125xi32, #tpu.memory_space<vmem>> -> memref<1x125xi32, #tpu.memory_space<vmem>>
      %dma_wait3A_318 = tpu.memref_squeeze %dma_wait3A_317 : memref<1x125xi32, #tpu.memory_space<vmem>> -> memref<125xi32, #tpu.memory_space<vmem>>
      %dma_wait3A_319 = arith.constant 0 : i32
      %dma_wait3A_320 = arith.constant 0 : i32
      %dma_wait3A_321 = tpu.memref_slice %arg2[%dma_wait3A_319, %dma_wait3A_320] : memref<10000x32xf32, #tpu.memory_space<hbm>> -> memref<10000x32xf32, #tpu.memory_space<hbm>>
      tpu.wait_indirect_dma semaphore(%arg14 : memref<!tpu.dma_semaphore, #tpu.memory_space<semaphore_mem>>) src(%dma_wait3A_321 : memref<10000x32xf32, #tpu.memory_space<hbm>>) dst(%dma_wait3A_315 : memref<125x32xf32, #tpu.memory_space<vmem>>)
      %run_scoped3A_322 = arith.constant 3 : i32
      "tpu.region"() ({
        %run_scoped3A_444 = tpu.sem_alloc : memref<!tpu.dma_semaphore, #tpu.memory_space<semaphore_mem>>
        %dma_start3A_445 = arith.constant 0 : i32
        %dma_start3A_446 = arith.constant 0 : i32
        %dma_start3A_447 = tpu.memref_slice %arg8[%run_scoped3A_322, %dma_start3A_445, %dma_start3A_446] : memref<8x125x32xf32, #tpu.memory_space<vmem>> -> memref<1x125x32xf32, #tpu.memory_space<vmem>>
        %dma_start3A_448 = tpu.memref_squeeze %dma_start3A_447 : memref<1x125x32xf32, #tpu.memory_space<vmem>> -> memref<125x32xf32, #tpu.memory_space<vmem>>
        %dma_start3A_449 = arith.constant 0 : i32
        %dma_start3A_450 = tpu.memref_slice %arg7[%add3A_310, %dma_start3A_449] : memref<80x125xi32, #tpu.memory_space<vmem>> -> memref<1x125xi32, #tpu.memory_space<vmem>>
        %dma_start3A_451 = tpu.memref_squeeze %dma_start3A_450 : memref<1x125xi32, #tpu.memory_space<vmem>> -> memref<125xi32, #tpu.memory_space<vmem>>
        %dma_start3A_452 = arith.constant 0 : i32
        %dma_start3A_453 = arith.constant 0 : i32
        %dma_start3A_454 = tpu.memref_slice %arg10[%dma_start3A_452, %dma_start3A_453] : memref<10240x32xf32, #tpu.memory_space<vmem_shared>> -> memref<10240x32xf32, #tpu.memory_space<vmem_shared>>
        tpu.enqueue_indirect_dma source(%dma_start3A_448 : memref<125x32xf32, #tpu.memory_space<vmem>>) target(%dma_start3A_454 : memref<10240x32xf32, #tpu.memory_space<vmem_shared>>) offsets(%dma_start3A_451 : memref<125xi32, #tpu.memory_space<vmem>>) semaphore(%run_scoped3A_444 : memref<!tpu.dma_semaphore, #tpu.memory_space<semaphore_mem>>) {add = true}
        %dma_wait3A_455 = arith.constant 0 : i32
        %dma_wait3A_456 = arith.constant 0 : i32
        %dma_wait3A_457 = tpu.memref_slice %arg8[%run_scoped3A_322, %dma_wait3A_455, %dma_wait3A_456] : memref<8x125x32xf32, #tpu.memory_space<vmem>> -> memref<1x125x32xf32, #tpu.memory_space<vmem>>
        %dma_wait3A_458 = tpu.memref_squeeze %dma_wait3A_457 : memref<1x125x32xf32, #tpu.memory_space<vmem>> -> memref<125x32xf32, #tpu.memory_space<vmem>>
        %dma_wait3A_459 = arith.constant 0 : i32
        %dma_wait3A_460 = tpu.memref_slice %arg7[%add3A_310, %dma_wait3A_459] : memref<80x125xi32, #tpu.memory_space<vmem>> -> memref<1x125xi32, #tpu.memory_space<vmem>>
        %dma_wait3A_461 = tpu.memref_squeeze %dma_wait3A_460 : memref<1x125xi32, #tpu.memory_space<vmem>> -> memref<125xi32, #tpu.memory_space<vmem>>
        %dma_wait3A_462 = arith.constant 0 : i32
        %dma_wait3A_463 = arith.constant 0 : i32
        %dma_wait3A_464 = tpu.memref_slice %arg10[%dma_wait3A_462, %dma_wait3A_463] : memref<10240x32xf32, #tpu.memory_space<vmem_shared>> -> memref<10240x32xf32, #tpu.memory_space<vmem_shared>>
        tpu.wait_indirect_dma semaphore(%run_scoped3A_444 : memref<!tpu.dma_semaphore, #tpu.memory_space<semaphore_mem>>) src(%dma_wait3A_458 : memref<125x32xf32, #tpu.memory_space<vmem>>) dst(%dma_wait3A_464 : memref<10240x32xf32, #tpu.memory_space<vmem_shared>>)
        tpu.yield
      }) : () -> ()
      %add3A_323 = arith.constant 8 : i32
      %add3A_324 = arith.addi %add3A_310, %add3A_323 : i32
      %dma_start3A_325 = arith.constant 3 : i32
      %dma_start3A_326 = arith.constant 0 : i32
      %dma_start3A_327 = arith.constant 0 : i32
      %dma_start3A_328 = tpu.memref_slice %arg8[%dma_start3A_325, %dma_start3A_326, %dma_start3A_327] : memref<8x125x32xf32, #tpu.memory_space<vmem>> -> memref<1x125x32xf32, #tpu.memory_space<vmem>>
      %dma_start3A_329 = tpu.memref_squeeze %dma_start3A_328 : memref<1x125x32xf32, #tpu.memory_space<vmem>> -> memref<125x32xf32, #tpu.memory_space<vmem>>
      %dma_start3A_330 = arith.constant 0 : i32
      %dma_start3A_331 = tpu.memref_slice %arg6[%add3A_324, %dma_start3A_330] : memref<80x125xi32, #tpu.memory_space<vmem>> -> memref<1x125xi32, #tpu.memory_space<vmem>>
      %dma_start3A_332 = tpu.memref_squeeze %dma_start3A_331 : memref<1x125xi32, #tpu.memory_space<vmem>> -> memref<125xi32, #tpu.memory_space<vmem>>
      %dma_start3A_333 = arith.constant 0 : i32
      %dma_start3A_334 = arith.constant 0 : i32
      %dma_start3A_335 = tpu.memref_slice %arg2[%dma_start3A_333, %dma_start3A_334] : memref<10000x32xf32, #tpu.memory_space<hbm>> -> memref<10000x32xf32, #tpu.memory_space<hbm>>
      tpu.enqueue_indirect_dma source(%dma_start3A_335 : memref<10000x32xf32, #tpu.memory_space<hbm>>) target(%dma_start3A_329 : memref<125x32xf32, #tpu.memory_space<vmem>>) offsets(%dma_start3A_332 : memref<125xi32, #tpu.memory_space<vmem>>) semaphore(%arg14 : memref<!tpu.dma_semaphore, #tpu.memory_space<semaphore_mem>>)
      %add3A_336 = arith.constant 4 : i32
      %add3A_337 = arith.addi %mul3A_227, %add3A_336 : i32
      %dma_wait3A_338 = arith.constant 4 : i32
      %dma_wait3A_339 = arith.constant 0 : i32
      %dma_wait3A_340 = arith.constant 0 : i32
      %dma_wait3A_341 = tpu.memref_slice %arg8[%dma_wait3A_338, %dma_wait3A_339, %dma_wait3A_340] : memref<8x125x32xf32, #tpu.memory_space<vmem>> -> memref<1x125x32xf32, #tpu.memory_space<vmem>>
      %dma_wait3A_342 = tpu.memref_squeeze %dma_wait3A_341 : memref<1x125x32xf32, #tpu.memory_space<vmem>> -> memref<125x32xf32, #tpu.memory_space<vmem>>
      %dma_wait3A_343 = arith.constant 0 : i32
      %dma_wait3A_344 = tpu.memref_slice %arg6[%add3A_337, %dma_wait3A_343] : memref<80x125xi32, #tpu.memory_space<vmem>> -> memref<1x125xi32, #tpu.memory_space<vmem>>
      %dma_wait3A_345 = tpu.memref_squeeze %dma_wait3A_344 : memref<1x125xi32, #tpu.memory_space<vmem>> -> memref<125xi32, #tpu.memory_space<vmem>>
      %dma_wait3A_346 = arith.constant 0 : i32
      %dma_wait3A_347 = arith.constant 0 : i32
      %dma_wait3A_348 = tpu.memref_slice %arg2[%dma_wait3A_346, %dma_wait3A_347] : memref<10000x32xf32, #tpu.memory_space<hbm>> -> memref<10000x32xf32, #tpu.memory_space<hbm>>
      tpu.wait_indirect_dma semaphore(%arg15 : memref<!tpu.dma_semaphore, #tpu.memory_space<semaphore_mem>>) src(%dma_wait3A_348 : memref<10000x32xf32, #tpu.memory_space<hbm>>) dst(%dma_wait3A_342 : memref<125x32xf32, #tpu.memory_space<vmem>>)
      %run_scoped3A_349 = arith.constant 4 : i32
      "tpu.region"() ({
        %run_scoped3A_444 = tpu.sem_alloc : memref<!tpu.dma_semaphore, #tpu.memory_space<semaphore_mem>>
        %dma_start3A_445 = arith.constant 0 : i32
        %dma_start3A_446 = arith.constant 0 : i32
        %dma_start3A_447 = tpu.memref_slice %arg8[%run_scoped3A_349, %dma_start3A_445, %dma_start3A_446] : memref<8x125x32xf32, #tpu.memory_space<vmem>> -> memref<1x125x32xf32, #tpu.memory_space<vmem>>
        %dma_start3A_448 = tpu.memref_squeeze %dma_start3A_447 : memref<1x125x32xf32, #tpu.memory_space<vmem>> -> memref<125x32xf32, #tpu.memory_space<vmem>>
        %dma_start3A_449 = arith.constant 0 : i32
        %dma_start3A_450 = tpu.memref_slice %arg7[%add3A_337, %dma_start3A_449] : memref<80x125xi32, #tpu.memory_space<vmem>> -> memref<1x125xi32, #tpu.memory_space<vmem>>
        %dma_start3A_451 = tpu.memref_squeeze %dma_start3A_450 : memref<1x125xi32, #tpu.memory_space<vmem>> -> memref<125xi32, #tpu.memory_space<vmem>>
        %dma_start3A_452 = arith.constant 0 : i32
        %dma_start3A_453 = arith.constant 0 : i32
        %dma_start3A_454 = tpu.memref_slice %arg10[%dma_start3A_452, %dma_start3A_453] : memref<10240x32xf32, #tpu.memory_space<vmem_shared>> -> memref<10240x32xf32, #tpu.memory_space<vmem_shared>>
        tpu.enqueue_indirect_dma source(%dma_start3A_448 : memref<125x32xf32, #tpu.memory_space<vmem>>) target(%dma_start3A_454 : memref<10240x32xf32, #tpu.memory_space<vmem_shared>>) offsets(%dma_start3A_451 : memref<125xi32, #tpu.memory_space<vmem>>) semaphore(%run_scoped3A_444 : memref<!tpu.dma_semaphore, #tpu.memory_space<semaphore_mem>>) {add = true}
        %dma_wait3A_455 = arith.constant 0 : i32
        %dma_wait3A_456 = arith.constant 0 : i32
        %dma_wait3A_457 = tpu.memref_slice %arg8[%run_scoped3A_349, %dma_wait3A_455, %dma_wait3A_456] : memref<8x125x32xf32, #tpu.memory_space<vmem>> -> memref<1x125x32xf32, #tpu.memory_space<vmem>>
        %dma_wait3A_458 = tpu.memref_squeeze %dma_wait3A_457 : memref<1x125x32xf32, #tpu.memory_space<vmem>> -> memref<125x32xf32, #tpu.memory_space<vmem>>
        %dma_wait3A_459 = arith.constant 0 : i32
        %dma_wait3A_460 = tpu.memref_slice %arg7[%add3A_337, %dma_wait3A_459] : memref<80x125xi32, #tpu.memory_space<vmem>> -> memref<1x125xi32, #tpu.memory_space<vmem>>
        %dma_wait3A_461 = tpu.memref_squeeze %dma_wait3A_460 : memref<1x125xi32, #tpu.memory_space<vmem>> -> memref<125xi32, #tpu.memory_space<vmem>>
        %dma_wait3A_462 = arith.constant 0 : i32
        %dma_wait3A_463 = arith.constant 0 : i32
        %dma_wait3A_464 = tpu.memref_slice %arg10[%dma_wait3A_462, %dma_wait3A_463] : memref<10240x32xf32, #tpu.memory_space<vmem_shared>> -> memref<10240x32xf32, #tpu.memory_space<vmem_shared>>
        tpu.wait_indirect_dma semaphore(%run_scoped3A_444 : memref<!tpu.dma_semaphore, #tpu.memory_space<semaphore_mem>>) src(%dma_wait3A_458 : memref<125x32xf32, #tpu.memory_space<vmem>>) dst(%dma_wait3A_464 : memref<10240x32xf32, #tpu.memory_space<vmem_shared>>)
        tpu.yield
      }) : () -> ()
      %add3A_350 = arith.constant 8 : i32
      %add3A_351 = arith.addi %add3A_337, %add3A_350 : i32
      %dma_start3A_352 = arith.constant 4 : i32
      %dma_start3A_353 = arith.constant 0 : i32
      %dma_start3A_354 = arith.constant 0 : i32
      %dma_start3A_355 = tpu.memref_slice %arg8[%dma_start3A_352, %dma_start3A_353, %dma_start3A_354] : memref<8x125x32xf32, #tpu.memory_space<vmem>> -> memref<1x125x32xf32, #tpu.memory_space<vmem>>
      %dma_start3A_356 = tpu.memref_squeeze %dma_start3A_355 : memref<1x125x32xf32, #tpu.memory_space<vmem>> -> memref<125x32xf32, #tpu.memory_space<vmem>>
      %dma_start3A_357 = arith.constant 0 : i32
      %dma_start3A_358 = tpu.memref_slice %arg6[%add3A_351, %dma_start3A_357] : memref<80x125xi32, #tpu.memory_space<vmem>> -> memref<1x125xi32, #tpu.memory_space<vmem>>
      %dma_start3A_359 = tpu.memref_squeeze %dma_start3A_358 : memref<1x125xi32, #tpu.memory_space<vmem>> -> memref<125xi32, #tpu.memory_space<vmem>>
      %dma_start3A_360 = arith.constant 0 : i32
      %dma_start3A_361 = arith.constant 0 : i32
      %dma_start3A_362 = tpu.memref_slice %arg2[%dma_start3A_360, %dma_start3A_361] : memref<10000x32xf32, #tpu.memory_space<hbm>> -> memref<10000x32xf32, #tpu.memory_space<hbm>>
      tpu.enqueue_indirect_dma source(%dma_start3A_362 : memref<10000x32xf32, #tpu.memory_space<hbm>>) target(%dma_start3A_356 : memref<125x32xf32, #tpu.memory_space<vmem>>) offsets(%dma_start3A_359 : memref<125xi32, #tpu.memory_space<vmem>>) semaphore(%arg15 : memref<!tpu.dma_semaphore, #tpu.memory_space<semaphore_mem>>)
      %add3A_363 = arith.constant 5 : i32
      %add3A_364 = arith.addi %mul3A_227, %add3A_363 : i32
      %dma_wait3A_365 = arith.constant 5 : i32
      %dma_wait3A_366 = arith.constant 0 : i32
      %dma_wait3A_367 = arith.constant 0 : i32
      %dma_wait3A_368 = tpu.memref_slice %arg8[%dma_wait3A_365, %dma_wait3A_366, %dma_wait3A_367] : memref<8x125x32xf32, #tpu.memory_space<vmem>> -> memref<1x125x32xf32, #tpu.memory_space<vmem>>
      %dma_wait3A_369 = tpu.memref_squeeze %dma_wait3A_368 : memref<1x125x32xf32, #tpu.memory_space<vmem>> -> memref<125x32xf32, #tpu.memory_space<vmem>>
      %dma_wait3A_370 = arith.constant 0 : i32
      %dma_wait3A_371 = tpu.memref_slice %arg6[%add3A_364, %dma_wait3A_370] : memref<80x125xi32, #tpu.memory_space<vmem>> -> memref<1x125xi32, #tpu.memory_space<vmem>>
      %dma_wait3A_372 = tpu.memref_squeeze %dma_wait3A_371 : memref<1x125xi32, #tpu.memory_space<vmem>> -> memref<125xi32, #tpu.memory_space<vmem>>
      %dma_wait3A_373 = arith.constant 0 : i32
      %dma_wait3A_374 = arith.constant 0 : i32
      %dma_wait3A_375 = tpu.memref_slice %arg2[%dma_wait3A_373, %dma_wait3A_374] : memref<10000x32xf32, #tpu.memory_space<hbm>> -> memref<10000x32xf32, #tpu.memory_space<hbm>>
      tpu.wait_indirect_dma semaphore(%arg16 : memref<!tpu.dma_semaphore, #tpu.memory_space<semaphore_mem>>) src(%dma_wait3A_375 : memref<10000x32xf32, #tpu.memory_space<hbm>>) dst(%dma_wait3A_369 : memref<125x32xf32, #tpu.memory_space<vmem>>)
      %run_scoped3A_376 = arith.constant 5 : i32
      "tpu.region"() ({
        %run_scoped3A_444 = tpu.sem_alloc : memref<!tpu.dma_semaphore, #tpu.memory_space<semaphore_mem>>
        %dma_start3A_445 = arith.constant 0 : i32
        %dma_start3A_446 = arith.constant 0 : i32
        %dma_start3A_447 = tpu.memref_slice %arg8[%run_scoped3A_376, %dma_start3A_445, %dma_start3A_446] : memref<8x125x32xf32, #tpu.memory_space<vmem>> -> memref<1x125x32xf32, #tpu.memory_space<vmem>>
        %dma_start3A_448 = tpu.memref_squeeze %dma_start3A_447 : memref<1x125x32xf32, #tpu.memory_space<vmem>> -> memref<125x32xf32, #tpu.memory_space<vmem>>
        %dma_start3A_449 = arith.constant 0 : i32
        %dma_start3A_450 = tpu.memref_slice %arg7[%add3A_364, %dma_start3A_449] : memref<80x125xi32, #tpu.memory_space<vmem>> -> memref<1x125xi32, #tpu.memory_space<vmem>>
        %dma_start3A_451 = tpu.memref_squeeze %dma_start3A_450 : memref<1x125xi32, #tpu.memory_space<vmem>> -> memref<125xi32, #tpu.memory_space<vmem>>
        %dma_start3A_452 = arith.constant 0 : i32
        %dma_start3A_453 = arith.constant 0 : i32
        %dma_start3A_454 = tpu.memref_slice %arg10[%dma_start3A_452, %dma_start3A_453] : memref<10240x32xf32, #tpu.memory_space<vmem_shared>> -> memref<10240x32xf32, #tpu.memory_space<vmem_shared>>
        tpu.enqueue_indirect_dma source(%dma_start3A_448 : memref<125x32xf32, #tpu.memory_space<vmem>>) target(%dma_start3A_454 : memref<10240x32xf32, #tpu.memory_space<vmem_shared>>) offsets(%dma_start3A_451 : memref<125xi32, #tpu.memory_space<vmem>>) semaphore(%run_scoped3A_444 : memref<!tpu.dma_semaphore, #tpu.memory_space<semaphore_mem>>) {add = true}
        %dma_wait3A_455 = arith.constant 0 : i32
        %dma_wait3A_456 = arith.constant 0 : i32
        %dma_wait3A_457 = tpu.memref_slice %arg8[%run_scoped3A_376, %dma_wait3A_455, %dma_wait3A_456] : memref<8x125x32xf32, #tpu.memory_space<vmem>> -> memref<1x125x32xf32, #tpu.memory_space<vmem>>
        %dma_wait3A_458 = tpu.memref_squeeze %dma_wait3A_457 : memref<1x125x32xf32, #tpu.memory_space<vmem>> -> memref<125x32xf32, #tpu.memory_space<vmem>>
        %dma_wait3A_459 = arith.constant 0 : i32
        %dma_wait3A_460 = tpu.memref_slice %arg7[%add3A_364, %dma_wait3A_459] : memref<80x125xi32, #tpu.memory_space<vmem>> -> memref<1x125xi32, #tpu.memory_space<vmem>>
        %dma_wait3A_461 = tpu.memref_squeeze %dma_wait3A_460 : memref<1x125xi32, #tpu.memory_space<vmem>> -> memref<125xi32, #tpu.memory_space<vmem>>
        %dma_wait3A_462 = arith.constant 0 : i32
        %dma_wait3A_463 = arith.constant 0 : i32
        %dma_wait3A_464 = tpu.memref_slice %arg10[%dma_wait3A_462, %dma_wait3A_463] : memref<10240x32xf32, #tpu.memory_space<vmem_shared>> -> memref<10240x32xf32, #tpu.memory_space<vmem_shared>>
        tpu.wait_indirect_dma semaphore(%run_scoped3A_444 : memref<!tpu.dma_semaphore, #tpu.memory_space<semaphore_mem>>) src(%dma_wait3A_458 : memref<125x32xf32, #tpu.memory_space<vmem>>) dst(%dma_wait3A_464 : memref<10240x32xf32, #tpu.memory_space<vmem_shared>>)
        tpu.yield
      }) : () -> ()
      %add3A_377 = arith.constant 8 : i32
      %add3A_378 = arith.addi %add3A_364, %add3A_377 : i32
      %dma_start3A_379 = arith.constant 5 : i32
      %dma_start3A_380 = arith.constant 0 : i32
      %dma_start3A_381 = arith.constant 0 : i32
      %dma_start3A_382 = tpu.memref_slice %arg8[%dma_start3A_379, %dma_start3A_380, %dma_start3A_381] : memref<8x125x32xf32, #tpu.memory_space<vmem>> -> memref<1x125x32xf32, #tpu.memory_space<vmem>>
      %dma_start3A_383 = tpu.memref_squeeze %dma_start3A_382 : memref<1x125x32xf32, #tpu.memory_space<vmem>> -> memref<125x32xf32, #tpu.memory_space<vmem>>
      %dma_start3A_384 = arith.constant 0 : i32
      %dma_start3A_385 = tpu.memref_slice %arg6[%add3A_378, %dma_start3A_384] : memref<80x125xi32, #tpu.memory_space<vmem>> -> memref<1x125xi32, #tpu.memory_space<vmem>>
      %dma_start3A_386 = tpu.memref_squeeze %dma_start3A_385 : memref<1x125xi32, #tpu.memory_space<vmem>> -> memref<125xi32, #tpu.memory_space<vmem>>
      %dma_start3A_387 = arith.constant 0 : i32
      %dma_start3A_388 = arith.constant 0 : i32
      %dma_start3A_389 = tpu.memref_slice %arg2[%dma_start3A_387, %dma_start3A_388] : memref<10000x32xf32, #tpu.memory_space<hbm>> -> memref<10000x32xf32, #tpu.memory_space<hbm>>
      tpu.enqueue_indirect_dma source(%dma_start3A_389 : memref<10000x32xf32, #tpu.memory_space<hbm>>) target(%dma_start3A_383 : memref<125x32xf32, #tpu.memory_space<vmem>>) offsets(%dma_start3A_386 : memref<125xi32, #tpu.memory_space<vmem>>) semaphore(%arg16 : memref<!tpu.dma_semaphore, #tpu.memory_space<semaphore_mem>>)
      %add3A_390 = arith.constant 6 : i32
      %add3A_391 = arith.addi %mul3A_227, %add3A_390 : i32
      %dma_wait3A_392 = arith.constant 6 : i32
      %dma_wait3A_393 = arith.constant 0 : i32
      %dma_wait3A_394 = arith.constant 0 : i32
      %dma_wait3A_395 = tpu.memref_slice %arg8[%dma_wait3A_392, %dma_wait3A_393, %dma_wait3A_394] : memref<8x125x32xf32, #tpu.memory_space<vmem>> -> memref<1x125x32xf32, #tpu.memory_space<vmem>>
      %dma_wait3A_396 = tpu.memref_squeeze %dma_wait3A_395 : memref<1x125x32xf32, #tpu.memory_space<vmem>> -> memref<125x32xf32, #tpu.memory_space<vmem>>
      %dma_wait3A_397 = arith.constant 0 : i32
      %dma_wait3A_398 = tpu.memref_slice %arg6[%add3A_391, %dma_wait3A_397] : memref<80x125xi32, #tpu.memory_space<vmem>> -> memref<1x125xi32, #tpu.memory_space<vmem>>
      %dma_wait3A_399 = tpu.memref_squeeze %dma_wait3A_398 : memref<1x125xi32, #tpu.memory_space<vmem>> -> memref<125xi32, #tpu.memory_space<vmem>>
      %dma_wait3A_400 = arith.constant 0 : i32
      %dma_wait3A_401 = arith.constant 0 : i32
      %dma_wait3A_402 = tpu.memref_slice %arg2[%dma_wait3A_400, %dma_wait3A_401] : memref<10000x32xf32, #tpu.memory_space<hbm>> -> memref<10000x32xf32, #tpu.memory_space<hbm>>
      tpu.wait_indirect_dma semaphore(%arg17 : memref<!tpu.dma_semaphore, #tpu.memory_space<semaphore_mem>>) src(%dma_wait3A_402 : memref<10000x32xf32, #tpu.memory_space<hbm>>) dst(%dma_wait3A_396 : memref<125x32xf32, #tpu.memory_space<vmem>>)
      %run_scoped3A_403 = arith.constant 6 : i32
      "tpu.region"() ({
        %run_scoped3A_444 = tpu.sem_alloc : memref<!tpu.dma_semaphore, #tpu.memory_space<semaphore_mem>>
        %dma_start3A_445 = arith.constant 0 : i32
        %dma_start3A_446 = arith.constant 0 : i32
        %dma_start3A_447 = tpu.memref_slice %arg8[%run_scoped3A_403, %dma_start3A_445, %dma_start3A_446] : memref<8x125x32xf32, #tpu.memory_space<vmem>> -> memref<1x125x32xf32, #tpu.memory_space<vmem>>
        %dma_start3A_448 = tpu.memref_squeeze %dma_start3A_447 : memref<1x125x32xf32, #tpu.memory_space<vmem>> -> memref<125x32xf32, #tpu.memory_space<vmem>>
        %dma_start3A_449 = arith.constant 0 : i32
        %dma_start3A_450 = tpu.memref_slice %arg7[%add3A_391, %dma_start3A_449] : memref<80x125xi32, #tpu.memory_space<vmem>> -> memref<1x125xi32, #tpu.memory_space<vmem>>
        %dma_start3A_451 = tpu.memref_squeeze %dma_start3A_450 : memref<1x125xi32, #tpu.memory_space<vmem>> -> memref<125xi32, #tpu.memory_space<vmem>>
        %dma_start3A_452 = arith.constant 0 : i32
        %dma_start3A_453 = arith.constant 0 : i32
        %dma_start3A_454 = tpu.memref_slice %arg10[%dma_start3A_452, %dma_start3A_453] : memref<10240x32xf32, #tpu.memory_space<vmem_shared>> -> memref<10240x32xf32, #tpu.memory_space<vmem_shared>>
        tpu.enqueue_indirect_dma source(%dma_start3A_448 : memref<125x32xf32, #tpu.memory_space<vmem>>) target(%dma_start3A_454 : memref<10240x32xf32, #tpu.memory_space<vmem_shared>>) offsets(%dma_start3A_451 : memref<125xi32, #tpu.memory_space<vmem>>) semaphore(%run_scoped3A_444 : memref<!tpu.dma_semaphore, #tpu.memory_space<semaphore_mem>>) {add = true}
        %dma_wait3A_455 = arith.constant 0 : i32
        %dma_wait3A_456 = arith.constant 0 : i32
        %dma_wait3A_457 = tpu.memref_slice %arg8[%run_scoped3A_403, %dma_wait3A_455, %dma_wait3A_456] : memref<8x125x32xf32, #tpu.memory_space<vmem>> -> memref<1x125x32xf32, #tpu.memory_space<vmem>>
        %dma_wait3A_458 = tpu.memref_squeeze %dma_wait3A_457 : memref<1x125x32xf32, #tpu.memory_space<vmem>> -> memref<125x32xf32, #tpu.memory_space<vmem>>
        %dma_wait3A_459 = arith.constant 0 : i32
        %dma_wait3A_460 = tpu.memref_slice %arg7[%add3A_391, %dma_wait3A_459] : memref<80x125xi32, #tpu.memory_space<vmem>> -> memref<1x125xi32, #tpu.memory_space<vmem>>
        %dma_wait3A_461 = tpu.memref_squeeze %dma_wait3A_460 : memref<1x125xi32, #tpu.memory_space<vmem>> -> memref<125xi32, #tpu.memory_space<vmem>>
        %dma_wait3A_462 = arith.constant 0 : i32
        %dma_wait3A_463 = arith.constant 0 : i32
        %dma_wait3A_464 = tpu.memref_slice %arg10[%dma_wait3A_462, %dma_wait3A_463] : memref<10240x32xf32, #tpu.memory_space<vmem_shared>> -> memref<10240x32xf32, #tpu.memory_space<vmem_shared>>
        tpu.wait_indirect_dma semaphore(%run_scoped3A_444 : memref<!tpu.dma_semaphore, #tpu.memory_space<semaphore_mem>>) src(%dma_wait3A_458 : memref<125x32xf32, #tpu.memory_space<vmem>>) dst(%dma_wait3A_464 : memref<10240x32xf32, #tpu.memory_space<vmem_shared>>)
        tpu.yield
      }) : () -> ()
      %add3A_404 = arith.constant 8 : i32
      %add3A_405 = arith.addi %add3A_391, %add3A_404 : i32
      %dma_start3A_406 = arith.constant 6 : i32
      %dma_start3A_407 = arith.constant 0 : i32
      %dma_start3A_408 = arith.constant 0 : i32
      %dma_start3A_409 = tpu.memref_slice %arg8[%dma_start3A_406, %dma_start3A_407, %dma_start3A_408] : memref<8x125x32xf32, #tpu.memory_space<vmem>> -> memref<1x125x32xf32, #tpu.memory_space<vmem>>
      %dma_start3A_410 = tpu.memref_squeeze %dma_start3A_409 : memref<1x125x32xf32, #tpu.memory_space<vmem>> -> memref<125x32xf32, #tpu.memory_space<vmem>>
      %dma_start3A_411 = arith.constant 0 : i32
      %dma_start3A_412 = tpu.memref_slice %arg6[%add3A_405, %dma_start3A_411] : memref<80x125xi32, #tpu.memory_space<vmem>> -> memref<1x125xi32, #tpu.memory_space<vmem>>
      %dma_start3A_413 = tpu.memref_squeeze %dma_start3A_412 : memref<1x125xi32, #tpu.memory_space<vmem>> -> memref<125xi32, #tpu.memory_space<vmem>>
      %dma_start3A_414 = arith.constant 0 : i32
      %dma_start3A_415 = arith.constant 0 : i32
      %dma_start3A_416 = tpu.memref_slice %arg2[%dma_start3A_414, %dma_start3A_415] : memref<10000x32xf32, #tpu.memory_space<hbm>> -> memref<10000x32xf32, #tpu.memory_space<hbm>>
      tpu.enqueue_indirect_dma source(%dma_start3A_416 : memref<10000x32xf32, #tpu.memory_space<hbm>>) target(%dma_start3A_410 : memref<125x32xf32, #tpu.memory_space<vmem>>) offsets(%dma_start3A_413 : memref<125xi32, #tpu.memory_space<vmem>>) semaphore(%arg17 : memref<!tpu.dma_semaphore, #tpu.memory_space<semaphore_mem>>)
      %add3A_417 = arith.constant 7 : i32
      %add3A_418 = arith.addi %mul3A_227, %add3A_417 : i32
      %dma_wait3A_419 = arith.constant 7 : i32
      %dma_wait3A_420 = arith.constant 0 : i32
      %dma_wait3A_421 = arith.constant 0 : i32
      %dma_wait3A_422 = tpu.memref_slice %arg8[%dma_wait3A_419, %dma_wait3A_420, %dma_wait3A_421] : memref<8x125x32xf32, #tpu.memory_space<vmem>> -> memref<1x125x32xf32, #tpu.memory_space<vmem>>
      %dma_wait3A_423 = tpu.memref_squeeze %dma_wait3A_422 : memref<1x125x32xf32, #tpu.memory_space<vmem>> -> memref<125x32xf32, #tpu.memory_space<vmem>>
      %dma_wait3A_424 = arith.constant 0 : i32
      %dma_wait3A_425 = tpu.memref_slice %arg6[%add3A_418, %dma_wait3A_424] : memref<80x125xi32, #tpu.memory_space<vmem>> -> memref<1x125xi32, #tpu.memory_space<vmem>>
      %dma_wait3A_426 = tpu.memref_squeeze %dma_wait3A_425 : memref<1x125xi32, #tpu.memory_space<vmem>> -> memref<125xi32, #tpu.memory_space<vmem>>
      %dma_wait3A_427 = arith.constant 0 : i32
      %dma_wait3A_428 = arith.constant 0 : i32
      %dma_wait3A_429 = tpu.memref_slice %arg2[%dma_wait3A_427, %dma_wait3A_428] : memref<10000x32xf32, #tpu.memory_space<hbm>> -> memref<10000x32xf32, #tpu.memory_space<hbm>>
      tpu.wait_indirect_dma semaphore(%arg18 : memref<!tpu.dma_semaphore, #tpu.memory_space<semaphore_mem>>) src(%dma_wait3A_429 : memref<10000x32xf32, #tpu.memory_space<hbm>>) dst(%dma_wait3A_423 : memref<125x32xf32, #tpu.memory_space<vmem>>)
      %run_scoped3A_430 = arith.constant 7 : i32
      "tpu.region"() ({
        %run_scoped3A_444 = tpu.sem_alloc : memref<!tpu.dma_semaphore, #tpu.memory_space<semaphore_mem>>
        %dma_start3A_445 = arith.constant 0 : i32
        %dma_start3A_446 = arith.constant 0 : i32
        %dma_start3A_447 = tpu.memref_slice %arg8[%run_scoped3A_430, %dma_start3A_445, %dma_start3A_446] : memref<8x125x32xf32, #tpu.memory_space<vmem>> -> memref<1x125x32xf32, #tpu.memory_space<vmem>>
        %dma_start3A_448 = tpu.memref_squeeze %dma_start3A_447 : memref<1x125x32xf32, #tpu.memory_space<vmem>> -> memref<125x32xf32, #tpu.memory_space<vmem>>
        %dma_start3A_449 = arith.constant 0 : i32
        %dma_start3A_450 = tpu.memref_slice %arg7[%add3A_418, %dma_start3A_449] : memref<80x125xi32, #tpu.memory_space<vmem>> -> memref<1x125xi32, #tpu.memory_space<vmem>>
        %dma_start3A_451 = tpu.memref_squeeze %dma_start3A_450 : memref<1x125xi32, #tpu.memory_space<vmem>> -> memref<125xi32, #tpu.memory_space<vmem>>
        %dma_start3A_452 = arith.constant 0 : i32
        %dma_start3A_453 = arith.constant 0 : i32
        %dma_start3A_454 = tpu.memref_slice %arg10[%dma_start3A_452, %dma_start3A_453] : memref<10240x32xf32, #tpu.memory_space<vmem_shared>> -> memref<10240x32xf32, #tpu.memory_space<vmem_shared>>
        tpu.enqueue_indirect_dma source(%dma_start3A_448 : memref<125x32xf32, #tpu.memory_space<vmem>>) target(%dma_start3A_454 : memref<10240x32xf32, #tpu.memory_space<vmem_shared>>) offsets(%dma_start3A_451 : memref<125xi32, #tpu.memory_space<vmem>>) semaphore(%run_scoped3A_444 : memref<!tpu.dma_semaphore, #tpu.memory_space<semaphore_mem>>) {add = true}
        %dma_wait3A_455 = arith.constant 0 : i32
        %dma_wait3A_456 = arith.constant 0 : i32
        %dma_wait3A_457 = tpu.memref_slice %arg8[%run_scoped3A_430, %dma_wait3A_455, %dma_wait3A_456] : memref<8x125x32xf32, #tpu.memory_space<vmem>> -> memref<1x125x32xf32, #tpu.memory_space<vmem>>
        %dma_wait3A_458 = tpu.memref_squeeze %dma_wait3A_457 : memref<1x125x32xf32, #tpu.memory_space<vmem>> -> memref<125x32xf32, #tpu.memory_space<vmem>>
        %dma_wait3A_459 = arith.constant 0 : i32
        %dma_wait3A_460 = tpu.memref_slice %arg7[%add3A_418, %dma_wait3A_459] : memref<80x125xi32, #tpu.memory_space<vmem>> -> memref<1x125xi32, #tpu.memory_space<vmem>>
        %dma_wait3A_461 = tpu.memref_squeeze %dma_wait3A_460 : memref<1x125xi32, #tpu.memory_space<vmem>> -> memref<125xi32, #tpu.memory_space<vmem>>
        %dma_wait3A_462 = arith.constant 0 : i32
        %dma_wait3A_463 = arith.constant 0 : i32
        %dma_wait3A_464 = tpu.memref_slice %arg10[%dma_wait3A_462, %dma_wait3A_463] : memref<10240x32xf32, #tpu.memory_space<vmem_shared>> -> memref<10240x32xf32, #tpu.memory_space<vmem_shared>>
        tpu.wait_indirect_dma semaphore(%run_scoped3A_444 : memref<!tpu.dma_semaphore, #tpu.memory_space<semaphore_mem>>) src(%dma_wait3A_458 : memref<125x32xf32, #tpu.memory_space<vmem>>) dst(%dma_wait3A_464 : memref<10240x32xf32, #tpu.memory_space<vmem_shared>>)
        tpu.yield
      }) : () -> ()
      %add3A_431 = arith.constant 8 : i32
      %add3A_432 = arith.addi %add3A_418, %add3A_431 : i32
      %dma_start3A_433 = arith.constant 7 : i32
      %dma_start3A_434 = arith.constant 0 : i32
      %dma_start3A_435 = arith.constant 0 : i32
      %dma_start3A_436 = tpu.memref_slice %arg8[%dma_start3A_433, %dma_start3A_434, %dma_start3A_435] : memref<8x125x32xf32, #tpu.memory_space<vmem>> -> memref<1x125x32xf32, #tpu.memory_space<vmem>>
      %dma_start3A_437 = tpu.memref_squeeze %dma_start3A_436 : memref<1x125x32xf32, #tpu.memory_space<vmem>> -> memref<125x32xf32, #tpu.memory_space<vmem>>
      %dma_start3A_438 = arith.constant 0 : i32
      %dma_start3A_439 = tpu.memref_slice %arg6[%add3A_432, %dma_start3A_438] : memref<80x125xi32, #tpu.memory_space<vmem>> -> memref<1x125xi32, #tpu.memory_space<vmem>>
      %dma_start3A_440 = tpu.memref_squeeze %dma_start3A_439 : memref<1x125xi32, #tpu.memory_space<vmem>> -> memref<125xi32, #tpu.memory_space<vmem>>
      %dma_start3A_441 = arith.constant 0 : i32
      %dma_start3A_442 = arith.constant 0 : i32
      %dma_start3A_443 = tpu.memref_slice %arg2[%dma_start3A_441, %dma_start3A_442] : memref<10000x32xf32, #tpu.memory_space<hbm>> -> memref<10000x32xf32, #tpu.memory_space<hbm>>
      tpu.enqueue_indirect_dma source(%dma_start3A_443 : memref<10000x32xf32, #tpu.memory_space<hbm>>) target(%dma_start3A_437 : memref<125x32xf32, #tpu.memory_space<vmem>>) offsets(%dma_start3A_440 : memref<125xi32, #tpu.memory_space<vmem>>) semaphore(%arg18 : memref<!tpu.dma_semaphore, #tpu.memory_space<semaphore_mem>>)
    }
    %scan3A_107 = arith.constant 9 : i32
    %dma_wait3A = arith.constant 72 : i32
    %dma_wait3A_108 = arith.constant 0 : i32
    %dma_wait3A_109 = arith.constant 0 : i32
    %dma_wait3A_110 = arith.constant 0 : i32
    %dma_wait3A_111 = tpu.memref_slice %arg8[%dma_wait3A_108, %dma_wait3A_109, %dma_wait3A_110] : memref<8x125x32xf32, #tpu.memory_space<vmem>> -> memref<1x125x32xf32, #tpu.memory_space<vmem>>
    %dma_wait3A_112 = tpu.memref_squeeze %dma_wait3A_111 : memref<1x125x32xf32, #tpu.memory_space<vmem>> -> memref<125x32xf32, #tpu.memory_space<vmem>>
    %dma_wait3A_113 = arith.constant 0 : i32
    %dma_wait3A_114 = tpu.memref_slice %arg6[%dma_wait3A, %dma_wait3A_113] : memref<80x125xi32, #tpu.memory_space<vmem>> -> memref<1x125xi32, #tpu.memory_space<vmem>>
    %dma_wait3A_115 = tpu.memref_squeeze %dma_wait3A_114 : memref<1x125xi32, #tpu.memory_space<vmem>> -> memref<125xi32, #tpu.memory_space<vmem>>
    %dma_wait3A_116 = arith.constant 0 : i32
    %dma_wait3A_117 = arith.constant 0 : i32
    %dma_wait3A_118 = tpu.memref_slice %arg2[%dma_wait3A_116, %dma_wait3A_117] : memref<10000x32xf32, #tpu.memory_space<hbm>> -> memref<10000x32xf32, #tpu.memory_space<hbm>>
    tpu.wait_indirect_dma semaphore(%arg11 : memref<!tpu.dma_semaphore, #tpu.memory_space<semaphore_mem>>) src(%dma_wait3A_118 : memref<10000x32xf32, #tpu.memory_space<hbm>>) dst(%dma_wait3A_112 : memref<125x32xf32, #tpu.memory_space<vmem>>)
    %run_scoped3A = arith.constant 0 : i32
    %run_scoped3A_119 = arith.constant 72 : i32
    "tpu.region"() ({
      %run_scoped3A_221 = tpu.sem_alloc : memref<!tpu.dma_semaphore, #tpu.memory_space<semaphore_mem>>
      %dma_start3A_222 = arith.constant 0 : i32
      %dma_start3A_223 = arith.constant 0 : i32
      %dma_start3A_224 = tpu.memref_slice %arg8[%run_scoped3A, %dma_start3A_222, %dma_start3A_223] : memref<8x125x32xf32, #tpu.memory_space<vmem>> -> memref<1x125x32xf32, #tpu.memory_space<vmem>>
      %dma_start3A_225 = tpu.memref_squeeze %dma_start3A_224 : memref<1x125x32xf32, #tpu.memory_space<vmem>> -> memref<125x32xf32, #tpu.memory_space<vmem>>
      %dma_start3A_226 = arith.constant 0 : i32
      %dma_start3A_227 = tpu.memref_slice %arg7[%run_scoped3A_119, %dma_start3A_226] : memref<80x125xi32, #tpu.memory_space<vmem>> -> memref<1x125xi32, #tpu.memory_space<vmem>>
      %dma_start3A_228 = tpu.memref_squeeze %dma_start3A_227 : memref<1x125xi32, #tpu.memory_space<vmem>> -> memref<125xi32, #tpu.memory_space<vmem>>
      %dma_start3A_229 = arith.constant 0 : i32
      %dma_start3A_230 = arith.constant 0 : i32
      %dma_start3A_231 = tpu.memref_slice %arg10[%dma_start3A_229, %dma_start3A_230] : memref<10240x32xf32, #tpu.memory_space<vmem_shared>> -> memref<10240x32xf32, #tpu.memory_space<vmem_shared>>
      tpu.enqueue_indirect_dma source(%dma_start3A_225 : memref<125x32xf32, #tpu.memory_space<vmem>>) target(%dma_start3A_231 : memref<10240x32xf32, #tpu.memory_space<vmem_shared>>) offsets(%dma_start3A_228 : memref<125xi32, #tpu.memory_space<vmem>>) semaphore(%run_scoped3A_221 : memref<!tpu.dma_semaphore, #tpu.memory_space<semaphore_mem>>) {add = true}
      %dma_wait3A_232 = arith.constant 0 : i32
      %dma_wait3A_233 = arith.constant 0 : i32
      %dma_wait3A_234 = tpu.memref_slice %arg8[%run_scoped3A, %dma_wait3A_232, %dma_wait3A_233] : memref<8x125x32xf32, #tpu.memory_space<vmem>> -> memref<1x125x32xf32, #tpu.memory_space<vmem>>
      %dma_wait3A_235 = tpu.memref_squeeze %dma_wait3A_234 : memref<1x125x32xf32, #tpu.memory_space<vmem>> -> memref<125x32xf32, #tpu.memory_space<vmem>>
      %dma_wait3A_236 = arith.constant 0 : i32
      %dma_wait3A_237 = tpu.memref_slice %arg7[%run_scoped3A_119, %dma_wait3A_236] : memref<80x125xi32, #tpu.memory_space<vmem>> -> memref<1x125xi32, #tpu.memory_space<vmem>>
      %dma_wait3A_238 = tpu.memref_squeeze %dma_wait3A_237 : memref<1x125xi32, #tpu.memory_space<vmem>> -> memref<125xi32, #tpu.memory_space<vmem>>
      %dma_wait3A_239 = arith.constant 0 : i32
      %dma_wait3A_240 = arith.constant 0 : i32
      %dma_wait3A_241 = tpu.memref_slice %arg10[%dma_wait3A_239, %dma_wait3A_240] : memref<10240x32xf32, #tpu.memory_space<vmem_shared>> -> memref<10240x32xf32, #tpu.memory_space<vmem_shared>>
      tpu.wait_indirect_dma semaphore(%run_scoped3A_221 : memref<!tpu.dma_semaphore, #tpu.memory_space<semaphore_mem>>) src(%dma_wait3A_235 : memref<125x32xf32, #tpu.memory_space<vmem>>) dst(%dma_wait3A_241 : memref<10240x32xf32, #tpu.memory_space<vmem_shared>>)
      tpu.yield
    }) : () -> ()
    %dma_wait3A_120 = arith.constant 73 : i32
    %dma_wait3A_121 = arith.constant 1 : i32
    %dma_wait3A_122 = arith.constant 0 : i32
    %dma_wait3A_123 = arith.constant 0 : i32
    %dma_wait3A_124 = tpu.memref_slice %arg8[%dma_wait3A_121, %dma_wait3A_122, %dma_wait3A_123] : memref<8x125x32xf32, #tpu.memory_space<vmem>> -> memref<1x125x32xf32, #tpu.memory_space<vmem>>
    %dma_wait3A_125 = tpu.memref_squeeze %dma_wait3A_124 : memref<1x125x32xf32, #tpu.memory_space<vmem>> -> memref<125x32xf32, #tpu.memory_space<vmem>>
    %dma_wait3A_126 = arith.constant 0 : i32
    %dma_wait3A_127 = tpu.memref_slice %arg6[%dma_wait3A_120, %dma_wait3A_126] : memref<80x125xi32, #tpu.memory_space<vmem>> -> memref<1x125xi32, #tpu.memory_space<vmem>>
    %dma_wait3A_128 = tpu.memref_squeeze %dma_wait3A_127 : memref<1x125xi32, #tpu.memory_space<vmem>> -> memref<125xi32, #tpu.memory_space<vmem>>
    %dma_wait3A_129 = arith.constant 0 : i32
    %dma_wait3A_130 = arith.constant 0 : i32
    %dma_wait3A_131 = tpu.memref_slice %arg2[%dma_wait3A_129, %dma_wait3A_130] : memref<10000x32xf32, #tpu.memory_space<hbm>> -> memref<10000x32xf32, #tpu.memory_space<hbm>>
    tpu.wait_indirect_dma semaphore(%arg12 : memref<!tpu.dma_semaphore, #tpu.memory_space<semaphore_mem>>) src(%dma_wait3A_131 : memref<10000x32xf32, #tpu.memory_space<hbm>>) dst(%dma_wait3A_125 : memref<125x32xf32, #tpu.memory_space<vmem>>)
    %run_scoped3A_132 = arith.constant 1 : i32
    %run_scoped3A_133 = arith.constant 73 : i32
    "tpu.region"() ({
      %run_scoped3A_221 = tpu.sem_alloc : memref<!tpu.dma_semaphore, #tpu.memory_space<semaphore_mem>>
      %dma_start3A_222 = arith.constant 0 : i32
      %dma_start3A_223 = arith.constant 0 : i32
      %dma_start3A_224 = tpu.memref_slice %arg8[%run_scoped3A_132, %dma_start3A_222, %dma_start3A_223] : memref<8x125x32xf32, #tpu.memory_space<vmem>> -> memref<1x125x32xf32, #tpu.memory_space<vmem>>
      %dma_start3A_225 = tpu.memref_squeeze %dma_start3A_224 : memref<1x125x32xf32, #tpu.memory_space<vmem>> -> memref<125x32xf32, #tpu.memory_space<vmem>>
      %dma_start3A_226 = arith.constant 0 : i32
      %dma_start3A_227 = tpu.memref_slice %arg7[%run_scoped3A_133, %dma_start3A_226] : memref<80x125xi32, #tpu.memory_space<vmem>> -> memref<1x125xi32, #tpu.memory_space<vmem>>
      %dma_start3A_228 = tpu.memref_squeeze %dma_start3A_227 : memref<1x125xi32, #tpu.memory_space<vmem>> -> memref<125xi32, #tpu.memory_space<vmem>>
      %dma_start3A_229 = arith.constant 0 : i32
      %dma_start3A_230 = arith.constant 0 : i32
      %dma_start3A_231 = tpu.memref_slice %arg10[%dma_start3A_229, %dma_start3A_230] : memref<10240x32xf32, #tpu.memory_space<vmem_shared>> -> memref<10240x32xf32, #tpu.memory_space<vmem_shared>>
      tpu.enqueue_indirect_dma source(%dma_start3A_225 : memref<125x32xf32, #tpu.memory_space<vmem>>) target(%dma_start3A_231 : memref<10240x32xf32, #tpu.memory_space<vmem_shared>>) offsets(%dma_start3A_228 : memref<125xi32, #tpu.memory_space<vmem>>) semaphore(%run_scoped3A_221 : memref<!tpu.dma_semaphore, #tpu.memory_space<semaphore_mem>>) {add = true}
      %dma_wait3A_232 = arith.constant 0 : i32
      %dma_wait3A_233 = arith.constant 0 : i32
      %dma_wait3A_234 = tpu.memref_slice %arg8[%run_scoped3A_132, %dma_wait3A_232, %dma_wait3A_233] : memref<8x125x32xf32, #tpu.memory_space<vmem>> -> memref<1x125x32xf32, #tpu.memory_space<vmem>>
      %dma_wait3A_235 = tpu.memref_squeeze %dma_wait3A_234 : memref<1x125x32xf32, #tpu.memory_space<vmem>> -> memref<125x32xf32, #tpu.memory_space<vmem>>
      %dma_wait3A_236 = arith.constant 0 : i32
      %dma_wait3A_237 = tpu.memref_slice %arg7[%run_scoped3A_133, %dma_wait3A_236] : memref<80x125xi32, #tpu.memory_space<vmem>> -> memref<1x125xi32, #tpu.memory_space<vmem>>
      %dma_wait3A_238 = tpu.memref_squeeze %dma_wait3A_237 : memref<1x125xi32, #tpu.memory_space<vmem>> -> memref<125xi32, #tpu.memory_space<vmem>>
      %dma_wait3A_239 = arith.constant 0 : i32
      %dma_wait3A_240 = arith.constant 0 : i32
      %dma_wait3A_241 = tpu.memref_slice %arg10[%dma_wait3A_239, %dma_wait3A_240] : memref<10240x32xf32, #tpu.memory_space<vmem_shared>> -> memref<10240x32xf32, #tpu.memory_space<vmem_shared>>
      tpu.wait_indirect_dma semaphore(%run_scoped3A_221 : memref<!tpu.dma_semaphore, #tpu.memory_space<semaphore_mem>>) src(%dma_wait3A_235 : memref<125x32xf32, #tpu.memory_space<vmem>>) dst(%dma_wait3A_241 : memref<10240x32xf32, #tpu.memory_space<vmem_shared>>)
      tpu.yield
    }) : () -> ()
    %dma_wait3A_134 = arith.constant 74 : i32
    %dma_wait3A_135 = arith.constant 2 : i32
    %dma_wait3A_136 = arith.constant 0 : i32
    %dma_wait3A_137 = arith.constant 0 : i32
    %dma_wait3A_138 = tpu.memref_slice %arg8[%dma_wait3A_135, %dma_wait3A_136, %dma_wait3A_137] : memref<8x125x32xf32, #tpu.memory_space<vmem>> -> memref<1x125x32xf32, #tpu.memory_space<vmem>>
    %dma_wait3A_139 = tpu.memref_squeeze %dma_wait3A_138 : memref<1x125x32xf32, #tpu.memory_space<vmem>> -> memref<125x32xf32, #tpu.memory_space<vmem>>
    %dma_wait3A_140 = arith.constant 0 : i32
    %dma_wait3A_141 = tpu.memref_slice %arg6[%dma_wait3A_134, %dma_wait3A_140] : memref<80x125xi32, #tpu.memory_space<vmem>> -> memref<1x125xi32, #tpu.memory_space<vmem>>
    %dma_wait3A_142 = tpu.memref_squeeze %dma_wait3A_141 : memref<1x125xi32, #tpu.memory_space<vmem>> -> memref<125xi32, #tpu.memory_space<vmem>>
    %dma_wait3A_143 = arith.constant 0 : i32
    %dma_wait3A_144 = arith.constant 0 : i32
    %dma_wait3A_145 = tpu.memref_slice %arg2[%dma_wait3A_143, %dma_wait3A_144] : memref<10000x32xf32, #tpu.memory_space<hbm>> -> memref<10000x32xf32, #tpu.memory_space<hbm>>
    tpu.wait_indirect_dma semaphore(%arg13 : memref<!tpu.dma_semaphore, #tpu.memory_space<semaphore_mem>>) src(%dma_wait3A_145 : memref<10000x32xf32, #tpu.memory_space<hbm>>) dst(%dma_wait3A_139 : memref<125x32xf32, #tpu.memory_space<vmem>>)
    %run_scoped3A_146 = arith.constant 2 : i32
    %run_scoped3A_147 = arith.constant 74 : i32
    "tpu.region"() ({
      %run_scoped3A_221 = tpu.sem_alloc : memref<!tpu.dma_semaphore, #tpu.memory_space<semaphore_mem>>
      %dma_start3A_222 = arith.constant 0 : i32
      %dma_start3A_223 = arith.constant 0 : i32
      %dma_start3A_224 = tpu.memref_slice %arg8[%run_scoped3A_146, %dma_start3A_222, %dma_start3A_223] : memref<8x125x32xf32, #tpu.memory_space<vmem>> -> memref<1x125x32xf32, #tpu.memory_space<vmem>>
      %dma_start3A_225 = tpu.memref_squeeze %dma_start3A_224 : memref<1x125x32xf32, #tpu.memory_space<vmem>> -> memref<125x32xf32, #tpu.memory_space<vmem>>
      %dma_start3A_226 = arith.constant 0 : i32
      %dma_start3A_227 = tpu.memref_slice %arg7[%run_scoped3A_147, %dma_start3A_226] : memref<80x125xi32, #tpu.memory_space<vmem>> -> memref<1x125xi32, #tpu.memory_space<vmem>>
      %dma_start3A_228 = tpu.memref_squeeze %dma_start3A_227 : memref<1x125xi32, #tpu.memory_space<vmem>> -> memref<125xi32, #tpu.memory_space<vmem>>
      %dma_start3A_229 = arith.constant 0 : i32
      %dma_start3A_230 = arith.constant 0 : i32
      %dma_start3A_231 = tpu.memref_slice %arg10[%dma_start3A_229, %dma_start3A_230] : memref<10240x32xf32, #tpu.memory_space<vmem_shared>> -> memref<10240x32xf32, #tpu.memory_space<vmem_shared>>
      tpu.enqueue_indirect_dma source(%dma_start3A_225 : memref<125x32xf32, #tpu.memory_space<vmem>>) target(%dma_start3A_231 : memref<10240x32xf32, #tpu.memory_space<vmem_shared>>) offsets(%dma_start3A_228 : memref<125xi32, #tpu.memory_space<vmem>>) semaphore(%run_scoped3A_221 : memref<!tpu.dma_semaphore, #tpu.memory_space<semaphore_mem>>) {add = true}
      %dma_wait3A_232 = arith.constant 0 : i32
      %dma_wait3A_233 = arith.constant 0 : i32
      %dma_wait3A_234 = tpu.memref_slice %arg8[%run_scoped3A_146, %dma_wait3A_232, %dma_wait3A_233] : memref<8x125x32xf32, #tpu.memory_space<vmem>> -> memref<1x125x32xf32, #tpu.memory_space<vmem>>
      %dma_wait3A_235 = tpu.memref_squeeze %dma_wait3A_234 : memref<1x125x32xf32, #tpu.memory_space<vmem>> -> memref<125x32xf32, #tpu.memory_space<vmem>>
      %dma_wait3A_236 = arith.constant 0 : i32
      %dma_wait3A_237 = tpu.memref_slice %arg7[%run_scoped3A_147, %dma_wait3A_236] : memref<80x125xi32, #tpu.memory_space<vmem>> -> memref<1x125xi32, #tpu.memory_space<vmem>>
      %dma_wait3A_238 = tpu.memref_squeeze %dma_wait3A_237 : memref<1x125xi32, #tpu.memory_space<vmem>> -> memref<125xi32, #tpu.memory_space<vmem>>
      %dma_wait3A_239 = arith.constant 0 : i32
      %dma_wait3A_240 = arith.constant 0 : i32
      %dma_wait3A_241 = tpu.memref_slice %arg10[%dma_wait3A_239, %dma_wait3A_240] : memref<10240x32xf32, #tpu.memory_space<vmem_shared>> -> memref<10240x32xf32, #tpu.memory_space<vmem_shared>>
      tpu.wait_indirect_dma semaphore(%run_scoped3A_221 : memref<!tpu.dma_semaphore, #tpu.memory_space<semaphore_mem>>) src(%dma_wait3A_235 : memref<125x32xf32, #tpu.memory_space<vmem>>) dst(%dma_wait3A_241 : memref<10240x32xf32, #tpu.memory_space<vmem_shared>>)
      tpu.yield
    }) : () -> ()
    %dma_wait3A_148 = arith.constant 75 : i32
    %dma_wait3A_149 = arith.constant 3 : i32
    %dma_wait3A_150 = arith.constant 0 : i32
    %dma_wait3A_151 = arith.constant 0 : i32
    %dma_wait3A_152 = tpu.memref_slice %arg8[%dma_wait3A_149, %dma_wait3A_150, %dma_wait3A_151] : memref<8x125x32xf32, #tpu.memory_space<vmem>> -> memref<1x125x32xf32, #tpu.memory_space<vmem>>
    %dma_wait3A_153 = tpu.memref_squeeze %dma_wait3A_152 : memref<1x125x32xf32, #tpu.memory_space<vmem>> -> memref<125x32xf32, #tpu.memory_space<vmem>>
    %dma_wait3A_154 = arith.constant 0 : i32
    %dma_wait3A_155 = tpu.memref_slice %arg6[%dma_wait3A_148, %dma_wait3A_154] : memref<80x125xi32, #tpu.memory_space<vmem>> -> memref<1x125xi32, #tpu.memory_space<vmem>>
    %dma_wait3A_156 = tpu.memref_squeeze %dma_wait3A_155 : memref<1x125xi32, #tpu.memory_space<vmem>> -> memref<125xi32, #tpu.memory_space<vmem>>
    %dma_wait3A_157 = arith.constant 0 : i32
    %dma_wait3A_158 = arith.constant 0 : i32
    %dma_wait3A_159 = tpu.memref_slice %arg2[%dma_wait3A_157, %dma_wait3A_158] : memref<10000x32xf32, #tpu.memory_space<hbm>> -> memref<10000x32xf32, #tpu.memory_space<hbm>>
    tpu.wait_indirect_dma semaphore(%arg14 : memref<!tpu.dma_semaphore, #tpu.memory_space<semaphore_mem>>) src(%dma_wait3A_159 : memref<10000x32xf32, #tpu.memory_space<hbm>>) dst(%dma_wait3A_153 : memref<125x32xf32, #tpu.memory_space<vmem>>)
    %run_scoped3A_160 = arith.constant 3 : i32
    %run_scoped3A_161 = arith.constant 75 : i32
    "tpu.region"() ({
      %run_scoped3A_221 = tpu.sem_alloc : memref<!tpu.dma_semaphore, #tpu.memory_space<semaphore_mem>>
      %dma_start3A_222 = arith.constant 0 : i32
      %dma_start3A_223 = arith.constant 0 : i32
      %dma_start3A_224 = tpu.memref_slice %arg8[%run_scoped3A_160, %dma_start3A_222, %dma_start3A_223] : memref<8x125x32xf32, #tpu.memory_space<vmem>> -> memref<1x125x32xf32, #tpu.memory_space<vmem>>
      %dma_start3A_225 = tpu.memref_squeeze %dma_start3A_224 : memref<1x125x32xf32, #tpu.memory_space<vmem>> -> memref<125x32xf32, #tpu.memory_space<vmem>>
      %dma_start3A_226 = arith.constant 0 : i32
      %dma_start3A_227 = tpu.memref_slice %arg7[%run_scoped3A_161, %dma_start3A_226] : memref<80x125xi32, #tpu.memory_space<vmem>> -> memref<1x125xi32, #tpu.memory_space<vmem>>
      %dma_start3A_228 = tpu.memref_squeeze %dma_start3A_227 : memref<1x125xi32, #tpu.memory_space<vmem>> -> memref<125xi32, #tpu.memory_space<vmem>>
      %dma_start3A_229 = arith.constant 0 : i32
      %dma_start3A_230 = arith.constant 0 : i32
      %dma_start3A_231 = tpu.memref_slice %arg10[%dma_start3A_229, %dma_start3A_230] : memref<10240x32xf32, #tpu.memory_space<vmem_shared>> -> memref<10240x32xf32, #tpu.memory_space<vmem_shared>>
      tpu.enqueue_indirect_dma source(%dma_start3A_225 : memref<125x32xf32, #tpu.memory_space<vmem>>) target(%dma_start3A_231 : memref<10240x32xf32, #tpu.memory_space<vmem_shared>>) offsets(%dma_start3A_228 : memref<125xi32, #tpu.memory_space<vmem>>) semaphore(%run_scoped3A_221 : memref<!tpu.dma_semaphore, #tpu.memory_space<semaphore_mem>>) {add = true}
      %dma_wait3A_232 = arith.constant 0 : i32
      %dma_wait3A_233 = arith.constant 0 : i32
      %dma_wait3A_234 = tpu.memref_slice %arg8[%run_scoped3A_160, %dma_wait3A_232, %dma_wait3A_233] : memref<8x125x32xf32, #tpu.memory_space<vmem>> -> memref<1x125x32xf32, #tpu.memory_space<vmem>>
      %dma_wait3A_235 = tpu.memref_squeeze %dma_wait3A_234 : memref<1x125x32xf32, #tpu.memory_space<vmem>> -> memref<125x32xf32, #tpu.memory_space<vmem>>
      %dma_wait3A_236 = arith.constant 0 : i32
      %dma_wait3A_237 = tpu.memref_slice %arg7[%run_scoped3A_161, %dma_wait3A_236] : memref<80x125xi32, #tpu.memory_space<vmem>> -> memref<1x125xi32, #tpu.memory_space<vmem>>
      %dma_wait3A_238 = tpu.memref_squeeze %dma_wait3A_237 : memref<1x125xi32, #tpu.memory_space<vmem>> -> memref<125xi32, #tpu.memory_space<vmem>>
      %dma_wait3A_239 = arith.constant 0 : i32
      %dma_wait3A_240 = arith.constant 0 : i32
      %dma_wait3A_241 = tpu.memref_slice %arg10[%dma_wait3A_239, %dma_wait3A_240] : memref<10240x32xf32, #tpu.memory_space<vmem_shared>> -> memref<10240x32xf32, #tpu.memory_space<vmem_shared>>
      tpu.wait_indirect_dma semaphore(%run_scoped3A_221 : memref<!tpu.dma_semaphore, #tpu.memory_space<semaphore_mem>>) src(%dma_wait3A_235 : memref<125x32xf32, #tpu.memory_space<vmem>>) dst(%dma_wait3A_241 : memref<10240x32xf32, #tpu.memory_space<vmem_shared>>)
      tpu.yield
    }) : () -> ()
    %dma_wait3A_162 = arith.constant 76 : i32
    %dma_wait3A_163 = arith.constant 4 : i32
    %dma_wait3A_164 = arith.constant 0 : i32
    %dma_wait3A_165 = arith.constant 0 : i32
    %dma_wait3A_166 = tpu.memref_slice %arg8[%dma_wait3A_163, %dma_wait3A_164, %dma_wait3A_165] : memref<8x125x32xf32, #tpu.memory_space<vmem>> -> memref<1x125x32xf32, #tpu.memory_space<vmem>>
    %dma_wait3A_167 = tpu.memref_squeeze %dma_wait3A_166 : memref<1x125x32xf32, #tpu.memory_space<vmem>> -> memref<125x32xf32, #tpu.memory_space<vmem>>
    %dma_wait3A_168 = arith.constant 0 : i32
    %dma_wait3A_169 = tpu.memref_slice %arg6[%dma_wait3A_162, %dma_wait3A_168] : memref<80x125xi32, #tpu.memory_space<vmem>> -> memref<1x125xi32, #tpu.memory_space<vmem>>
    %dma_wait3A_170 = tpu.memref_squeeze %dma_wait3A_169 : memref<1x125xi32, #tpu.memory_space<vmem>> -> memref<125xi32, #tpu.memory_space<vmem>>
    %dma_wait3A_171 = arith.constant 0 : i32
    %dma_wait3A_172 = arith.constant 0 : i32
    %dma_wait3A_173 = tpu.memref_slice %arg2[%dma_wait3A_171, %dma_wait3A_172] : memref<10000x32xf32, #tpu.memory_space<hbm>> -> memref<10000x32xf32, #tpu.memory_space<hbm>>
    tpu.wait_indirect_dma semaphore(%arg15 : memref<!tpu.dma_semaphore, #tpu.memory_space<semaphore_mem>>) src(%dma_wait3A_173 : memref<10000x32xf32, #tpu.memory_space<hbm>>) dst(%dma_wait3A_167 : memref<125x32xf32, #tpu.memory_space<vmem>>)
    %run_scoped3A_174 = arith.constant 4 : i32
    %run_scoped3A_175 = arith.constant 76 : i32
    "tpu.region"() ({
      %run_scoped3A_221 = tpu.sem_alloc : memref<!tpu.dma_semaphore, #tpu.memory_space<semaphore_mem>>
      %dma_start3A_222 = arith.constant 0 : i32
      %dma_start3A_223 = arith.constant 0 : i32
      %dma_start3A_224 = tpu.memref_slice %arg8[%run_scoped3A_174, %dma_start3A_222, %dma_start3A_223] : memref<8x125x32xf32, #tpu.memory_space<vmem>> -> memref<1x125x32xf32, #tpu.memory_space<vmem>>
      %dma_start3A_225 = tpu.memref_squeeze %dma_start3A_224 : memref<1x125x32xf32, #tpu.memory_space<vmem>> -> memref<125x32xf32, #tpu.memory_space<vmem>>
      %dma_start3A_226 = arith.constant 0 : i32
      %dma_start3A_227 = tpu.memref_slice %arg7[%run_scoped3A_175, %dma_start3A_226] : memref<80x125xi32, #tpu.memory_space<vmem>> -> memref<1x125xi32, #tpu.memory_space<vmem>>
      %dma_start3A_228 = tpu.memref_squeeze %dma_start3A_227 : memref<1x125xi32, #tpu.memory_space<vmem>> -> memref<125xi32, #tpu.memory_space<vmem>>
      %dma_start3A_229 = arith.constant 0 : i32
      %dma_start3A_230 = arith.constant 0 : i32
      %dma_start3A_231 = tpu.memref_slice %arg10[%dma_start3A_229, %dma_start3A_230] : memref<10240x32xf32, #tpu.memory_space<vmem_shared>> -> memref<10240x32xf32, #tpu.memory_space<vmem_shared>>
      tpu.enqueue_indirect_dma source(%dma_start3A_225 : memref<125x32xf32, #tpu.memory_space<vmem>>) target(%dma_start3A_231 : memref<10240x32xf32, #tpu.memory_space<vmem_shared>>) offsets(%dma_start3A_228 : memref<125xi32, #tpu.memory_space<vmem>>) semaphore(%run_scoped3A_221 : memref<!tpu.dma_semaphore, #tpu.memory_space<semaphore_mem>>) {add = true}
      %dma_wait3A_232 = arith.constant 0 : i32
      %dma_wait3A_233 = arith.constant 0 : i32
      %dma_wait3A_234 = tpu.memref_slice %arg8[%run_scoped3A_174, %dma_wait3A_232, %dma_wait3A_233] : memref<8x125x32xf32, #tpu.memory_space<vmem>> -> memref<1x125x32xf32, #tpu.memory_space<vmem>>
      %dma_wait3A_235 = tpu.memref_squeeze %dma_wait3A_234 : memref<1x125x32xf32, #tpu.memory_space<vmem>> -> memref<125x32xf32, #tpu.memory_space<vmem>>
      %dma_wait3A_236 = arith.constant 0 : i32
      %dma_wait3A_237 = tpu.memref_slice %arg7[%run_scoped3A_175, %dma_wait3A_236] : memref<80x125xi32, #tpu.memory_space<vmem>> -> memref<1x125xi32, #tpu.memory_space<vmem>>
      %dma_wait3A_238 = tpu.memref_squeeze %dma_wait3A_237 : memref<1x125xi32, #tpu.memory_space<vmem>> -> memref<125xi32, #tpu.memory_space<vmem>>
      %dma_wait3A_239 = arith.constant 0 : i32
      %dma_wait3A_240 = arith.constant 0 : i32
      %dma_wait3A_241 = tpu.memref_slice %arg10[%dma_wait3A_239, %dma_wait3A_240] : memref<10240x32xf32, #tpu.memory_space<vmem_shared>> -> memref<10240x32xf32, #tpu.memory_space<vmem_shared>>
      tpu.wait_indirect_dma semaphore(%run_scoped3A_221 : memref<!tpu.dma_semaphore, #tpu.memory_space<semaphore_mem>>) src(%dma_wait3A_235 : memref<125x32xf32, #tpu.memory_space<vmem>>) dst(%dma_wait3A_241 : memref<10240x32xf32, #tpu.memory_space<vmem_shared>>)
      tpu.yield
    }) : () -> ()
    %dma_wait3A_176 = arith.constant 77 : i32
    %dma_wait3A_177 = arith.constant 5 : i32
    %dma_wait3A_178 = arith.constant 0 : i32
    %dma_wait3A_179 = arith.constant 0 : i32
    %dma_wait3A_180 = tpu.memref_slice %arg8[%dma_wait3A_177, %dma_wait3A_178, %dma_wait3A_179] : memref<8x125x32xf32, #tpu.memory_space<vmem>> -> memref<1x125x32xf32, #tpu.memory_space<vmem>>
    %dma_wait3A_181 = tpu.memref_squeeze %dma_wait3A_180 : memref<1x125x32xf32, #tpu.memory_space<vmem>> -> memref<125x32xf32, #tpu.memory_space<vmem>>
    %dma_wait3A_182 = arith.constant 0 : i32
    %dma_wait3A_183 = tpu.memref_slice %arg6[%dma_wait3A_176, %dma_wait3A_182] : memref<80x125xi32, #tpu.memory_space<vmem>> -> memref<1x125xi32, #tpu.memory_space<vmem>>
    %dma_wait3A_184 = tpu.memref_squeeze %dma_wait3A_183 : memref<1x125xi32, #tpu.memory_space<vmem>> -> memref<125xi32, #tpu.memory_space<vmem>>
    %dma_wait3A_185 = arith.constant 0 : i32
    %dma_wait3A_186 = arith.constant 0 : i32
    %dma_wait3A_187 = tpu.memref_slice %arg2[%dma_wait3A_185, %dma_wait3A_186] : memref<10000x32xf32, #tpu.memory_space<hbm>> -> memref<10000x32xf32, #tpu.memory_space<hbm>>
    tpu.wait_indirect_dma semaphore(%arg16 : memref<!tpu.dma_semaphore, #tpu.memory_space<semaphore_mem>>) src(%dma_wait3A_187 : memref<10000x32xf32, #tpu.memory_space<hbm>>) dst(%dma_wait3A_181 : memref<125x32xf32, #tpu.memory_space<vmem>>)
    %run_scoped3A_188 = arith.constant 5 : i32
    %run_scoped3A_189 = arith.constant 77 : i32
    "tpu.region"() ({
      %run_scoped3A_221 = tpu.sem_alloc : memref<!tpu.dma_semaphore, #tpu.memory_space<semaphore_mem>>
      %dma_start3A_222 = arith.constant 0 : i32
      %dma_start3A_223 = arith.constant 0 : i32
      %dma_start3A_224 = tpu.memref_slice %arg8[%run_scoped3A_188, %dma_start3A_222, %dma_start3A_223] : memref<8x125x32xf32, #tpu.memory_space<vmem>> -> memref<1x125x32xf32, #tpu.memory_space<vmem>>
      %dma_start3A_225 = tpu.memref_squeeze %dma_start3A_224 : memref<1x125x32xf32, #tpu.memory_space<vmem>> -> memref<125x32xf32, #tpu.memory_space<vmem>>
      %dma_start3A_226 = arith.constant 0 : i32
      %dma_start3A_227 = tpu.memref_slice %arg7[%run_scoped3A_189, %dma_start3A_226] : memref<80x125xi32, #tpu.memory_space<vmem>> -> memref<1x125xi32, #tpu.memory_space<vmem>>
      %dma_start3A_228 = tpu.memref_squeeze %dma_start3A_227 : memref<1x125xi32, #tpu.memory_space<vmem>> -> memref<125xi32, #tpu.memory_space<vmem>>
      %dma_start3A_229 = arith.constant 0 : i32
      %dma_start3A_230 = arith.constant 0 : i32
      %dma_start3A_231 = tpu.memref_slice %arg10[%dma_start3A_229, %dma_start3A_230] : memref<10240x32xf32, #tpu.memory_space<vmem_shared>> -> memref<10240x32xf32, #tpu.memory_space<vmem_shared>>
      tpu.enqueue_indirect_dma source(%dma_start3A_225 : memref<125x32xf32, #tpu.memory_space<vmem>>) target(%dma_start3A_231 : memref<10240x32xf32, #tpu.memory_space<vmem_shared>>) offsets(%dma_start3A_228 : memref<125xi32, #tpu.memory_space<vmem>>) semaphore(%run_scoped3A_221 : memref<!tpu.dma_semaphore, #tpu.memory_space<semaphore_mem>>) {add = true}
      %dma_wait3A_232 = arith.constant 0 : i32
      %dma_wait3A_233 = arith.constant 0 : i32
      %dma_wait3A_234 = tpu.memref_slice %arg8[%run_scoped3A_188, %dma_wait3A_232, %dma_wait3A_233] : memref<8x125x32xf32, #tpu.memory_space<vmem>> -> memref<1x125x32xf32, #tpu.memory_space<vmem>>
      %dma_wait3A_235 = tpu.memref_squeeze %dma_wait3A_234 : memref<1x125x32xf32, #tpu.memory_space<vmem>> -> memref<125x32xf32, #tpu.memory_space<vmem>>
      %dma_wait3A_236 = arith.constant 0 : i32
      %dma_wait3A_237 = tpu.memref_slice %arg7[%run_scoped3A_189, %dma_wait3A_236] : memref<80x125xi32, #tpu.memory_space<vmem>> -> memref<1x125xi32, #tpu.memory_space<vmem>>
      %dma_wait3A_238 = tpu.memref_squeeze %dma_wait3A_237 : memref<1x125xi32, #tpu.memory_space<vmem>> -> memref<125xi32, #tpu.memory_space<vmem>>
      %dma_wait3A_239 = arith.constant 0 : i32
      %dma_wait3A_240 = arith.constant 0 : i32
      %dma_wait3A_241 = tpu.memref_slice %arg10[%dma_wait3A_239, %dma_wait3A_240] : memref<10240x32xf32, #tpu.memory_space<vmem_shared>> -> memref<10240x32xf32, #tpu.memory_space<vmem_shared>>
      tpu.wait_indirect_dma semaphore(%run_scoped3A_221 : memref<!tpu.dma_semaphore, #tpu.memory_space<semaphore_mem>>) src(%dma_wait3A_235 : memref<125x32xf32, #tpu.memory_space<vmem>>) dst(%dma_wait3A_241 : memref<10240x32xf32, #tpu.memory_space<vmem_shared>>)
      tpu.yield
    }) : () -> ()
    %dma_wait3A_190 = arith.constant 78 : i32
    %dma_wait3A_191 = arith.constant 6 : i32
    %dma_wait3A_192 = arith.constant 0 : i32
    %dma_wait3A_193 = arith.constant 0 : i32
    %dma_wait3A_194 = tpu.memref_slice %arg8[%dma_wait3A_191, %dma_wait3A_192, %dma_wait3A_193] : memref<8x125x32xf32, #tpu.memory_space<vmem>> -> memref<1x125x32xf32, #tpu.memory_space<vmem>>
    %dma_wait3A_195 = tpu.memref_squeeze %dma_wait3A_194 : memref<1x125x32xf32, #tpu.memory_space<vmem>> -> memref<125x32xf32, #tpu.memory_space<vmem>>
    %dma_wait3A_196 = arith.constant 0 : i32
    %dma_wait3A_197 = tpu.memref_slice %arg6[%dma_wait3A_190, %dma_wait3A_196] : memref<80x125xi32, #tpu.memory_space<vmem>> -> memref<1x125xi32, #tpu.memory_space<vmem>>
    %dma_wait3A_198 = tpu.memref_squeeze %dma_wait3A_197 : memref<1x125xi32, #tpu.memory_space<vmem>> -> memref<125xi32, #tpu.memory_space<vmem>>
    %dma_wait3A_199 = arith.constant 0 : i32
    %dma_wait3A_200 = arith.constant 0 : i32
    %dma_wait3A_201 = tpu.memref_slice %arg2[%dma_wait3A_199, %dma_wait3A_200] : memref<10000x32xf32, #tpu.memory_space<hbm>> -> memref<10000x32xf32, #tpu.memory_space<hbm>>
    tpu.wait_indirect_dma semaphore(%arg17 : memref<!tpu.dma_semaphore, #tpu.memory_space<semaphore_mem>>) src(%dma_wait3A_201 : memref<10000x32xf32, #tpu.memory_space<hbm>>) dst(%dma_wait3A_195 : memref<125x32xf32, #tpu.memory_space<vmem>>)
    %run_scoped3A_202 = arith.constant 6 : i32
    %run_scoped3A_203 = arith.constant 78 : i32
    "tpu.region"() ({
      %run_scoped3A_221 = tpu.sem_alloc : memref<!tpu.dma_semaphore, #tpu.memory_space<semaphore_mem>>
      %dma_start3A_222 = arith.constant 0 : i32
      %dma_start3A_223 = arith.constant 0 : i32
      %dma_start3A_224 = tpu.memref_slice %arg8[%run_scoped3A_202, %dma_start3A_222, %dma_start3A_223] : memref<8x125x32xf32, #tpu.memory_space<vmem>> -> memref<1x125x32xf32, #tpu.memory_space<vmem>>
      %dma_start3A_225 = tpu.memref_squeeze %dma_start3A_224 : memref<1x125x32xf32, #tpu.memory_space<vmem>> -> memref<125x32xf32, #tpu.memory_space<vmem>>
      %dma_start3A_226 = arith.constant 0 : i32
      %dma_start3A_227 = tpu.memref_slice %arg7[%run_scoped3A_203, %dma_start3A_226] : memref<80x125xi32, #tpu.memory_space<vmem>> -> memref<1x125xi32, #tpu.memory_space<vmem>>
      %dma_start3A_228 = tpu.memref_squeeze %dma_start3A_227 : memref<1x125xi32, #tpu.memory_space<vmem>> -> memref<125xi32, #tpu.memory_space<vmem>>
      %dma_start3A_229 = arith.constant 0 : i32
      %dma_start3A_230 = arith.constant 0 : i32
      %dma_start3A_231 = tpu.memref_slice %arg10[%dma_start3A_229, %dma_start3A_230] : memref<10240x32xf32, #tpu.memory_space<vmem_shared>> -> memref<10240x32xf32, #tpu.memory_space<vmem_shared>>
      tpu.enqueue_indirect_dma source(%dma_start3A_225 : memref<125x32xf32, #tpu.memory_space<vmem>>) target(%dma_start3A_231 : memref<10240x32xf32, #tpu.memory_space<vmem_shared>>) offsets(%dma_start3A_228 : memref<125xi32, #tpu.memory_space<vmem>>) semaphore(%run_scoped3A_221 : memref<!tpu.dma_semaphore, #tpu.memory_space<semaphore_mem>>) {add = true}
      %dma_wait3A_232 = arith.constant 0 : i32
      %dma_wait3A_233 = arith.constant 0 : i32
      %dma_wait3A_234 = tpu.memref_slice %arg8[%run_scoped3A_202, %dma_wait3A_232, %dma_wait3A_233] : memref<8x125x32xf32, #tpu.memory_space<vmem>> -> memref<1x125x32xf32, #tpu.memory_space<vmem>>
      %dma_wait3A_235 = tpu.memref_squeeze %dma_wait3A_234 : memref<1x125x32xf32, #tpu.memory_space<vmem>> -> memref<125x32xf32, #tpu.memory_space<vmem>>
      %dma_wait3A_236 = arith.constant 0 : i32
      %dma_wait3A_237 = tpu.memref_slice %arg7[%run_scoped3A_203, %dma_wait3A_236] : memref<80x125xi32, #tpu.memory_space<vmem>> -> memref<1x125xi32, #tpu.memory_space<vmem>>
      %dma_wait3A_238 = tpu.memref_squeeze %dma_wait3A_237 : memref<1x125xi32, #tpu.memory_space<vmem>> -> memref<125xi32, #tpu.memory_space<vmem>>
      %dma_wait3A_239 = arith.constant 0 : i32
      %dma_wait3A_240 = arith.constant 0 : i32
      %dma_wait3A_241 = tpu.memref_slice %arg10[%dma_wait3A_239, %dma_wait3A_240] : memref<10240x32xf32, #tpu.memory_space<vmem_shared>> -> memref<10240x32xf32, #tpu.memory_space<vmem_shared>>
      tpu.wait_indirect_dma semaphore(%run_scoped3A_221 : memref<!tpu.dma_semaphore, #tpu.memory_space<semaphore_mem>>) src(%dma_wait3A_235 : memref<125x32xf32, #tpu.memory_space<vmem>>) dst(%dma_wait3A_241 : memref<10240x32xf32, #tpu.memory_space<vmem_shared>>)
      tpu.yield
    }) : () -> ()
    %dma_wait3A_204 = arith.constant 79 : i32
    %dma_wait3A_205 = arith.constant 7 : i32
    %dma_wait3A_206 = arith.constant 0 : i32
    %dma_wait3A_207 = arith.constant 0 : i32
    %dma_wait3A_208 = tpu.memref_slice %arg8[%dma_wait3A_205, %dma_wait3A_206, %dma_wait3A_207] : memref<8x125x32xf32, #tpu.memory_space<vmem>> -> memref<1x125x32xf32, #tpu.memory_space<vmem>>
    %dma_wait3A_209 = tpu.memref_squeeze %dma_wait3A_208 : memref<1x125x32xf32, #tpu.memory_space<vmem>> -> memref<125x32xf32, #tpu.memory_space<vmem>>
    %dma_wait3A_210 = arith.constant 0 : i32
    %dma_wait3A_211 = tpu.memref_slice %arg6[%dma_wait3A_204, %dma_wait3A_210] : memref<80x125xi32, #tpu.memory_space<vmem>> -> memref<1x125xi32, #tpu.memory_space<vmem>>
    %dma_wait3A_212 = tpu.memref_squeeze %dma_wait3A_211 : memref<1x125xi32, #tpu.memory_space<vmem>> -> memref<125xi32, #tpu.memory_space<vmem>>
    %dma_wait3A_213 = arith.constant 0 : i32
    %dma_wait3A_214 = arith.constant 0 : i32
    %dma_wait3A_215 = tpu.memref_slice %arg2[%dma_wait3A_213, %dma_wait3A_214] : memref<10000x32xf32, #tpu.memory_space<hbm>> -> memref<10000x32xf32, #tpu.memory_space<hbm>>
    tpu.wait_indirect_dma semaphore(%arg18 : memref<!tpu.dma_semaphore, #tpu.memory_space<semaphore_mem>>) src(%dma_wait3A_215 : memref<10000x32xf32, #tpu.memory_space<hbm>>) dst(%dma_wait3A_209 : memref<125x32xf32, #tpu.memory_space<vmem>>)
    %run_scoped3A_216 = arith.constant 7 : i32
    %run_scoped3A_217 = arith.constant 79 : i32
    "tpu.region"() ({
      %run_scoped3A_221 = tpu.sem_alloc : memref<!tpu.dma_semaphore, #tpu.memory_space<semaphore_mem>>
      %dma_start3A_222 = arith.constant 0 : i32
      %dma_start3A_223 = arith.constant 0 : i32
      %dma_start3A_224 = tpu.memref_slice %arg8[%run_scoped3A_216, %dma_start3A_222, %dma_start3A_223] : memref<8x125x32xf32, #tpu.memory_space<vmem>> -> memref<1x125x32xf32, #tpu.memory_space<vmem>>
      %dma_start3A_225 = tpu.memref_squeeze %dma_start3A_224 : memref<1x125x32xf32, #tpu.memory_space<vmem>> -> memref<125x32xf32, #tpu.memory_space<vmem>>
      %dma_start3A_226 = arith.constant 0 : i32
      %dma_start3A_227 = tpu.memref_slice %arg7[%run_scoped3A_217, %dma_start3A_226] : memref<80x125xi32, #tpu.memory_space<vmem>> -> memref<1x125xi32, #tpu.memory_space<vmem>>
      %dma_start3A_228 = tpu.memref_squeeze %dma_start3A_227 : memref<1x125xi32, #tpu.memory_space<vmem>> -> memref<125xi32, #tpu.memory_space<vmem>>
      %dma_start3A_229 = arith.constant 0 : i32
      %dma_start3A_230 = arith.constant 0 : i32
      %dma_start3A_231 = tpu.memref_slice %arg10[%dma_start3A_229, %dma_start3A_230] : memref<10240x32xf32, #tpu.memory_space<vmem_shared>> -> memref<10240x32xf32, #tpu.memory_space<vmem_shared>>
      tpu.enqueue_indirect_dma source(%dma_start3A_225 : memref<125x32xf32, #tpu.memory_space<vmem>>) target(%dma_start3A_231 : memref<10240x32xf32, #tpu.memory_space<vmem_shared>>) offsets(%dma_start3A_228 : memref<125xi32, #tpu.memory_space<vmem>>) semaphore(%run_scoped3A_221 : memref<!tpu.dma_semaphore, #tpu.memory_space<semaphore_mem>>) {add = true}
      %dma_wait3A_232 = arith.constant 0 : i32
      %dma_wait3A_233 = arith.constant 0 : i32
      %dma_wait3A_234 = tpu.memref_slice %arg8[%run_scoped3A_216, %dma_wait3A_232, %dma_wait3A_233] : memref<8x125x32xf32, #tpu.memory_space<vmem>> -> memref<1x125x32xf32, #tpu.memory_space<vmem>>
      %dma_wait3A_235 = tpu.memref_squeeze %dma_wait3A_234 : memref<1x125x32xf32, #tpu.memory_space<vmem>> -> memref<125x32xf32, #tpu.memory_space<vmem>>
      %dma_wait3A_236 = arith.constant 0 : i32
      %dma_wait3A_237 = tpu.memref_slice %arg7[%run_scoped3A_217, %dma_wait3A_236] : memref<80x125xi32, #tpu.memory_space<vmem>> -> memref<1x125xi32, #tpu.memory_space<vmem>>
      %dma_wait3A_238 = tpu.memref_squeeze %dma_wait3A_237 : memref<1x125xi32, #tpu.memory_space<vmem>> -> memref<125xi32, #tpu.memory_space<vmem>>
      %dma_wait3A_239 = arith.constant 0 : i32
      %dma_wait3A_240 = arith.constant 0 : i32
      %dma_wait3A_241 = tpu.memref_slice %arg10[%dma_wait3A_239, %dma_wait3A_240] : memref<10240x32xf32, #tpu.memory_space<vmem_shared>> -> memref<10240x32xf32, #tpu.memory_space<vmem_shared>>
      tpu.wait_indirect_dma semaphore(%run_scoped3A_221 : memref<!tpu.dma_semaphore, #tpu.memory_space<semaphore_mem>>) src(%dma_wait3A_235 : memref<125x32xf32, #tpu.memory_space<vmem>>) dst(%dma_wait3A_241 : memref<10240x32xf32, #tpu.memory_space<vmem_shared>>)
      tpu.yield
    }) : () -> ()
    %barrier3A_218 = arith.constant 0 : index
    tpu.barrier barrier_id(%barrier3A_218)
    %mul3A_219 = arith.constant 640 : i32
    %mul3A_220 = arith.muli %arg1, %mul3A_219 : i32
    "tpu.region"() ({
      %run_scoped3A_221 = tpu.sem_alloc : memref<!tpu.dma_semaphore, #tpu.memory_space<semaphore_mem>>
      %dma_start3A_222 = arith.constant 0 : i32
      %dma_start3A_223 = tpu.memref_slice %arg10[%mul3A_220, %dma_start3A_222] : memref<10240x32xf32, #tpu.memory_space<vmem_shared>> -> memref<640x32xf32, #tpu.memory_space<vmem_shared>>
      %dma_start3A_224 = arith.constant 0 : i32
      %dma_start3A_225 = tpu.memref_slice %arg10[%mul3A_220, %dma_start3A_224] : memref<10240x32xf32, #tpu.memory_space<vmem_shared>> -> memref<640x32xf32, #tpu.memory_space<vmem_shared>>
      tpu.enqueue_dma source(%dma_start3A_225 : memref<640x32xf32, #tpu.memory_space<vmem_shared>>) target(%arg9 : memref<640x32xf32, #tpu.memory_space<vmem>>) target_semaphore(%run_scoped3A_221 : memref<!tpu.dma_semaphore, #tpu.memory_space<semaphore_mem>>)
      %dma_wait3A_226 = arith.constant 0 : i32
      %dma_wait3A_227 = tpu.memref_slice %arg10[%mul3A_220, %dma_wait3A_226] : memref<10240x32xf32, #tpu.memory_space<vmem_shared>> -> memref<640x32xf32, #tpu.memory_space<vmem_shared>>
      %dma_wait3A_228 = arith.constant 0 : i32
      %dma_wait3A_229 = tpu.memref_slice %arg10[%mul3A_220, %dma_wait3A_228] : memref<10240x32xf32, #tpu.memory_space<vmem_shared>> -> memref<640x32xf32, #tpu.memory_space<vmem_shared>>
      tpu.wait_dma2 semaphore(%run_scoped3A_221 : memref<!tpu.dma_semaphore, #tpu.memory_space<semaphore_mem>>) src(%dma_wait3A_229 : memref<640x32xf32, #tpu.memory_space<vmem_shared>>) dst(%arg9 : memref<640x32xf32, #tpu.memory_space<vmem>>)
      tpu.yield
    }) : () -> ()
    "tpu.region"() ({
      %run_scoped3A_221 = tpu.sem_alloc : memref<!tpu.dma_semaphore, #tpu.memory_space<semaphore_mem>>
      %dma_start3A_222 = arith.constant 0 : i32
      %dma_start3A_223 = arith.constant 0 : i32
      %dma_start3A_224 = tpu.memref_slice %arg5[%arg0, %arg1, %dma_start3A_222, %dma_start3A_223] : memref<2x16x640x32xf32, #tpu.memory_space<hbm>> -> memref<1x1x640x32xf32, #tpu.memory_space<hbm>>
      %dma_start3A_225 = tpu.memref_squeeze %dma_start3A_224 : memref<1x1x640x32xf32, #tpu.memory_space<hbm>> -> memref<640x32xf32, #tpu.memory_space<hbm>>
      %dma_start3A_226 = arith.constant 0 : i32
      %dma_start3A_227 = arith.constant 0 : i32
      %dma_start3A_228 = tpu.memref_slice %arg5[%arg0, %arg1, %dma_start3A_226, %dma_start3A_227] : memref<2x16x640x32xf32, #tpu.memory_space<hbm>> -> memref<1x1x640x32xf32, #tpu.memory_space<hbm>>
      %dma_start3A_229 = tpu.memref_squeeze %dma_start3A_228 : memref<1x1x640x32xf32, #tpu.memory_space<hbm>> -> memref<640x32xf32, #tpu.memory_space<hbm>>
      tpu.enqueue_dma source(%arg9 : memref<640x32xf32, #tpu.memory_space<vmem>>) target(%dma_start3A_229 : memref<640x32xf32, #tpu.memory_space<hbm>>) target_semaphore(%run_scoped3A_221 : memref<!tpu.dma_semaphore, #tpu.memory_space<semaphore_mem>>)
      %dma_wait3A_230 = arith.constant 0 : i32
      %dma_wait3A_231 = arith.constant 0 : i32
      %dma_wait3A_232 = tpu.memref_slice %arg5[%arg0, %arg1, %dma_wait3A_230, %dma_wait3A_231] : memref<2x16x640x32xf32, #tpu.memory_space<hbm>> -> memref<1x1x640x32xf32, #tpu.memory_space<hbm>>
      %dma_wait3A_233 = tpu.memref_squeeze %dma_wait3A_232 : memref<1x1x640x32xf32, #tpu.memory_space<hbm>> -> memref<640x32xf32, #tpu.memory_space<hbm>>
      %dma_wait3A_234 = arith.constant 0 : i32
      %dma_wait3A_235 = arith.constant 0 : i32
      %dma_wait3A_236 = tpu.memref_slice %arg5[%arg0, %arg1, %dma_wait3A_234, %dma_wait3A_235] : memref<2x16x640x32xf32, #tpu.memory_space<hbm>> -> memref<1x1x640x32xf32, #tpu.memory_space<hbm>>
      %dma_wait3A_237 = tpu.memref_squeeze %dma_wait3A_236 : memref<1x1x640x32xf32, #tpu.memory_space<hbm>> -> memref<640x32xf32, #tpu.memory_space<hbm>>
      tpu.wait_dma2 semaphore(%run_scoped3A_221 : memref<!tpu.dma_semaphore, #tpu.memory_space<semaphore_mem>>) src(%arg9 : memref<640x32xf32, #tpu.memory_space<vmem>>) dst(%dma_wait3A_237 : memref<640x32xf32, #tpu.memory_space<hbm>>)
      tpu.yield
    }) : () -> ()
    return
  }
}

module attributes {stable_mosaic.version = 14 : i64} {
  func.func @_tc1_body(%arg0: memref<10000x128xf32, #tpu.memory_space<vmem>>, %arg1: memref<128x16xf32, #tpu.memory_space<vmem>>, %arg2: memref<10000x1xf32, #tpu.memory_space<vmem>>, %arg3: memref<10000x1xf32, #tpu.memory_space<vmem>>, %arg4: memref<10000x16xf32, #tpu.memory_space<vmem>>, %arg5: memref<10000x1xf32, #tpu.memory_space<vmem>>) attributes {dimension_semantics = [], scalar_prefetch = 0 : i64, scratch_operands = 0 : i64, tpu.core_type = #tpu.core_type<tc>} {
    %get3A = arith.constant 0 : index
    %get3A_0 = arith.constant 0 : index
    %get3A_1 = vector.load %arg2[%get3A, %get3A_0] : memref<10000x1xf32, #tpu.memory_space<vmem>>, vector<10000x1xf32>
    %get3A_2 = arith.constant 0 : index
    %get3A_3 = arith.constant 0 : index
    %get3A_4 = vector.load %arg3[%get3A_2, %get3A_3] : memref<10000x1xf32, #tpu.memory_space<vmem>>, vector<10000x1xf32>
    %add3A = arith.addf %get3A_1, %get3A_4 : vector<10000x1xf32>
    %add3A_5 = arith.constant 1.000000e+00 : f32
    %add3A_6 = vector.broadcast %add3A_5 : f32 to vector<10000x1xf32>
    %add3A_7 = arith.addf %add3A, %add3A_6 : vector<10000x1xf32>
    %sqrt3A = math.sqrt %add3A_7 : vector<10000x1xf32>
    %div3A = arith.constant 1.000000e+00 : f32
    %div3A_8 = vector.broadcast %div3A : f32 to vector<10000x1xf32>
    %div3A_9 = arith.divf %div3A_8, %sqrt3A : vector<10000x1xf32>
    %get3A_10 = arith.constant 0 : index
    %get3A_11 = arith.constant 0 : index
    %get3A_12 = vector.load %arg0[%get3A_10, %get3A_11] : memref<10000x128xf32, #tpu.memory_space<vmem>>, vector<10000x128xf32>
    %get3A_13 = arith.constant 0 : index
    %get3A_14 = arith.constant 0 : index
    %get3A_15 = vector.load %arg1[%get3A_13, %get3A_14] : memref<128x16xf32, #tpu.memory_space<vmem>>, vector<128x16xf32>
    %dot_general3A = arith.constant dense<0.000000e+00> : vector<10000x16xf32>
    %dot_general3A_16 = tpu.matmul %get3A_12, %get3A_15, %dot_general3A {dimension_numbers = #tpu.dot_dimension_numbers<[1], [0], [0], [1], [0, 0, 1, 1], [], []>, transpose_lhs_hint = false} : vector<10000x128xf32>, vector<128x16xf32>, vector<10000x16xf32> -> vector<10000x16xf32>
    %mul3A = vector.broadcast %div3A_9 : vector<10000x1xf32> to vector<10000x16xf32>
    %mul3A_17 = arith.mulf %dot_general3A_16, %mul3A : vector<10000x16xf32>
    %swap3A = arith.constant 0 : index
    %swap3A_18 = arith.constant 0 : index
    %swap3A_19 = vector.load %arg4[%swap3A, %swap3A_18] : memref<10000x16xf32, #tpu.memory_space<vmem>>, vector<10000x16xf32>
    tpu.vector_store %arg4[%swap3A, %swap3A_18], %mul3A_17 {strides = array<i32>} : memref<10000x16xf32, #tpu.memory_space<vmem>>, vector<10000x16xf32>,
    %swap3A_20 = arith.constant 0 : index
    %swap3A_21 = arith.constant 0 : index
    %swap3A_22 = vector.load %arg5[%swap3A_20, %swap3A_21] : memref<10000x1xf32, #tpu.memory_space<vmem>>, vector<10000x1xf32>
    tpu.vector_store %arg5[%swap3A_20, %swap3A_21], %div3A_9 {strides = array<i32>} : memref<10000x1xf32, #tpu.memory_space<vmem>>, vector<10000x1xf32>,
    return
  }
}

module attributes {stable_mosaic.version = 14 : i64} {
  func.func @_tcb_body(%arg0: memref<2x10240x16xf32, #tpu.memory_space<vmem>>, %arg1: memref<10000x16xf32, #tpu.memory_space<vmem>>, %arg2: memref<10000x1xf32, #tpu.memory_space<vmem>>, %arg3: memref<1x16xf32, #tpu.memory_space<vmem>>, %arg4: memref<1x16xf32, #tpu.memory_space<vmem>>, %arg5: memref<10000x16xf32, #tpu.memory_space<vmem>>) attributes {dimension_semantics = [], scalar_prefetch = 0 : i64, scratch_operands = 0 : i64, tpu.core_type = #tpu.core_type<tc>} {
    %get3A = arith.constant 0 : index
    %get3A_0 = arith.constant 0 : index
    %get3A_1 = vector.load %arg2[%get3A, %get3A_0] : memref<10000x1xf32, #tpu.memory_space<vmem>>, vector<10000x1xf32>
    %get3A_2 = arith.constant 0 : index
    %get3A_3 = arith.constant 0 : index
    %get3A_4 = arith.constant 0 : index
    %get3A_5 = vector.load %arg0[%get3A_2, %get3A_3, %get3A_4] : memref<2x10240x16xf32, #tpu.memory_space<vmem>>, vector<1x10000x16xf32>
    %get3A_6 = vector.shape_cast %get3A_5 : vector<1x10000x16xf32> to vector<10000x16xf32>
    %get3A_7 = arith.constant 1 : index
    %get3A_8 = arith.constant 0 : index
    %get3A_9 = arith.constant 0 : index
    %get3A_10 = vector.load %arg0[%get3A_7, %get3A_8, %get3A_9] : memref<2x10240x16xf32, #tpu.memory_space<vmem>>, vector<1x10000x16xf32>
    %get3A_11 = vector.shape_cast %get3A_10 : vector<1x10000x16xf32> to vector<10000x16xf32>
    %add3A = arith.addf %get3A_6, %get3A_11 : vector<10000x16xf32>
    %get3A_12 = arith.constant 0 : index
    %get3A_13 = arith.constant 0 : index
    %get3A_14 = vector.load %arg1[%get3A_12, %get3A_13] : memref<10000x16xf32, #tpu.memory_space<vmem>>, vector<10000x16xf32>
    %add3A_15 = arith.addf %add3A, %get3A_14 : vector<10000x16xf32>
    %mul3A = vector.broadcast %get3A_1 : vector<10000x1xf32> to vector<10000x16xf32>
    %mul3A_16 = arith.mulf %mul3A, %add3A_15 : vector<10000x16xf32>
    %get3A_17 = arith.constant 0 : index
    %get3A_18 = arith.constant 0 : index
    %get3A_19 = vector.load %arg3[%get3A_17, %get3A_18] : memref<1x16xf32, #tpu.memory_space<vmem>>, vector<1x16xf32>
    %get3A_20 = arith.constant 0 : index
    %get3A_21 = arith.constant 0 : index
    %get3A_22 = vector.load %arg4[%get3A_20, %get3A_21] : memref<1x16xf32, #tpu.memory_space<vmem>>, vector<1x16xf32>
    %reduce_sum3A = arith.constant dense<0.000000e+00> : vector<16xf32>
    %reduce_sum3A_23 = vector.multi_reduction <add>, %mul3A_16, %reduce_sum3A [0] : vector<10000x16xf32> to vector<16xf32>
    %broadcast_in_dim3A = vector.shape_cast %reduce_sum3A_23 : vector<16xf32> to vector<1x16xf32>
    %div3A = arith.constant 1.000000e+04 : f32
    %div3A_24 = vector.broadcast %div3A : f32 to vector<1x16xf32>
    %div3A_25 = arith.divf %broadcast_in_dim3A, %div3A_24 : vector<1x16xf32>
    %sub3A = vector.broadcast %div3A_25 : vector<1x16xf32> to vector<10000x16xf32>
    %sub3A_26 = arith.subf %mul3A_16, %sub3A : vector<10000x16xf32>
    %mul3A_27 = arith.mulf %sub3A_26, %sub3A_26 : vector<10000x16xf32>
    %reduce_sum3A_28 = arith.constant dense<0.000000e+00> : vector<16xf32>
    %reduce_sum3A_29 = vector.multi_reduction <add>, %mul3A_27, %reduce_sum3A_28 [0] : vector<10000x16xf32> to vector<16xf32>
    %broadcast_in_dim3A_30 = vector.shape_cast %reduce_sum3A_29 : vector<16xf32> to vector<1x16xf32>
    %div3A_31 = arith.constant 1.000000e+04 : f32
    %div3A_32 = vector.broadcast %div3A_31 : f32 to vector<1x16xf32>
    %div3A_33 = arith.divf %broadcast_in_dim3A_30, %div3A_32 : vector<1x16xf32>
    %add3A_34 = arith.constant 9.99999974E-6 : f32
    %add3A_35 = vector.broadcast %add3A_34 : f32 to vector<1x16xf32>
    %add3A_36 = arith.addf %div3A_33, %add3A_35 : vector<1x16xf32>
    %sqrt3A = math.sqrt %add3A_36 : vector<1x16xf32>
    %div3A_37 = arith.divf %get3A_19, %sqrt3A : vector<1x16xf32>
    %mul3A_38 = vector.broadcast %div3A_37 : vector<1x16xf32> to vector<10000x16xf32>
    %mul3A_39 = arith.mulf %sub3A_26, %mul3A_38 : vector<10000x16xf32>
    %add3A_40 = vector.broadcast %get3A_22 : vector<1x16xf32> to vector<10000x16xf32>
    %add3A_41 = arith.addf %mul3A_39, %add3A_40 : vector<10000x16xf32>
    %ge3A = arith.constant 0.000000e+00 : f32
    %ge3A_42 = vector.broadcast %ge3A : f32 to vector<10000x16xf32>
    %ge3A_43 = arith.cmpf oge, %add3A_41, %ge3A_42 : vector<10000x16xf32>
    %mul3A_44 = arith.constant 0.00999999977 : f32
    %mul3A_45 = vector.broadcast %mul3A_44 : f32 to vector<10000x16xf32>
    %mul3A_46 = arith.mulf %mul3A_45, %add3A_41 : vector<10000x16xf32>
    %select_n3A = arith.select %ge3A_43, %add3A_41, %mul3A_46 : vector<10000x16xi1>, vector<10000x16xf32>
    %mul3A_47 = vector.broadcast %get3A_1 : vector<10000x1xf32> to vector<10000x16xf32>
    %mul3A_48 = arith.mulf %mul3A_47, %select_n3A : vector<10000x16xf32>
    %swap3A = arith.constant 0 : index
    %swap3A_49 = arith.constant 0 : index
    %swap3A_50 = vector.load %arg5[%swap3A, %swap3A_49] : memref<10000x16xf32, #tpu.memory_space<vmem>>, vector<10000x16xf32>
    tpu.vector_store %arg5[%swap3A, %swap3A_49], %mul3A_48 {strides = array<i32>} : memref<10000x16xf32, #tpu.memory_space<vmem>>, vector<10000x16xf32>,
    return
  }
}

module attributes {stable_mosaic.version = 14 : i64} {
  func.func @_tcc_body(%arg0: memref<2x10240x16xf32, #tpu.memory_space<vmem>>, %arg1: memref<10000x16xf32, #tpu.memory_space<vmem>>, %arg2: memref<10000x1xf32, #tpu.memory_space<vmem>>, %arg3: memref<16x32xf32, #tpu.memory_space<vmem>>, %arg4: memref<1x32xf32, #tpu.memory_space<vmem>>, %arg5: memref<1x32xf32, #tpu.memory_space<vmem>>, %arg6: memref<10000x32xf32, #tpu.memory_space<vmem>>) attributes {dimension_semantics = [], scalar_prefetch = 0 : i64, scratch_operands = 0 : i64, tpu.core_type = #tpu.core_type<tc>} {
    %get3A = arith.constant 0 : index
    %get3A_0 = arith.constant 0 : index
    %get3A_1 = vector.load %arg2[%get3A, %get3A_0] : memref<10000x1xf32, #tpu.memory_space<vmem>>, vector<10000x1xf32>
    %get3A_2 = arith.constant 0 : index
    %get3A_3 = arith.constant 0 : index
    %get3A_4 = arith.constant 0 : index
    %get3A_5 = vector.load %arg0[%get3A_2, %get3A_3, %get3A_4] : memref<2x10240x16xf32, #tpu.memory_space<vmem>>, vector<1x10000x16xf32>
    %get3A_6 = vector.shape_cast %get3A_5 : vector<1x10000x16xf32> to vector<10000x16xf32>
    %get3A_7 = arith.constant 1 : index
    %get3A_8 = arith.constant 0 : index
    %get3A_9 = arith.constant 0 : index
    %get3A_10 = vector.load %arg0[%get3A_7, %get3A_8, %get3A_9] : memref<2x10240x16xf32, #tpu.memory_space<vmem>>, vector<1x10000x16xf32>
    %get3A_11 = vector.shape_cast %get3A_10 : vector<1x10000x16xf32> to vector<10000x16xf32>
    %add3A = arith.addf %get3A_6, %get3A_11 : vector<10000x16xf32>
    %get3A_12 = arith.constant 0 : index
    %get3A_13 = arith.constant 0 : index
    %get3A_14 = vector.load %arg1[%get3A_12, %get3A_13] : memref<10000x16xf32, #tpu.memory_space<vmem>>, vector<10000x16xf32>
    %add3A_15 = arith.addf %add3A, %get3A_14 : vector<10000x16xf32>
    %mul3A = vector.broadcast %get3A_1 : vector<10000x1xf32> to vector<10000x16xf32>
    %mul3A_16 = arith.mulf %mul3A, %add3A_15 : vector<10000x16xf32>
    %get3A_17 = arith.constant 0 : index
    %get3A_18 = arith.constant 0 : index
    %get3A_19 = vector.load %arg3[%get3A_17, %get3A_18] : memref<16x32xf32, #tpu.memory_space<vmem>>, vector<16x32xf32>
    %dot_general3A = arith.constant dense<0.000000e+00> : vector<10000x32xf32>
    %dot_general3A_20 = tpu.matmul %mul3A_16, %get3A_19, %dot_general3A {dimension_numbers = #tpu.dot_dimension_numbers<[1], [0], [0], [1], [0, 0, 1, 1], [], []>, transpose_lhs_hint = false} : vector<10000x16xf32>, vector<16x32xf32>, vector<10000x32xf32> -> vector<10000x32xf32>
    %get3A_21 = arith.constant 0 : index
    %get3A_22 = arith.constant 0 : index
    %get3A_23 = vector.load %arg4[%get3A_21, %get3A_22] : memref<1x32xf32, #tpu.memory_space<vmem>>, vector<1x32xf32>
    %get3A_24 = arith.constant 0 : index
    %get3A_25 = arith.constant 0 : index
    %get3A_26 = vector.load %arg5[%get3A_24, %get3A_25] : memref<1x32xf32, #tpu.memory_space<vmem>>, vector<1x32xf32>
    %reduce_sum3A = arith.constant dense<0.000000e+00> : vector<32xf32>
    %reduce_sum3A_27 = vector.multi_reduction <add>, %dot_general3A_20, %reduce_sum3A [0] : vector<10000x32xf32> to vector<32xf32>
    %broadcast_in_dim3A = vector.shape_cast %reduce_sum3A_27 : vector<32xf32> to vector<1x32xf32>
    %div3A = arith.constant 1.000000e+04 : f32
    %div3A_28 = vector.broadcast %div3A : f32 to vector<1x32xf32>
    %div3A_29 = arith.divf %broadcast_in_dim3A, %div3A_28 : vector<1x32xf32>
    %sub3A = vector.broadcast %div3A_29 : vector<1x32xf32> to vector<10000x32xf32>
    %sub3A_30 = arith.subf %dot_general3A_20, %sub3A : vector<10000x32xf32>
    %mul3A_31 = arith.mulf %sub3A_30, %sub3A_30 : vector<10000x32xf32>
    %reduce_sum3A_32 = arith.constant dense<0.000000e+00> : vector<32xf32>
    %reduce_sum3A_33 = vector.multi_reduction <add>, %mul3A_31, %reduce_sum3A_32 [0] : vector<10000x32xf32> to vector<32xf32>
    %broadcast_in_dim3A_34 = vector.shape_cast %reduce_sum3A_33 : vector<32xf32> to vector<1x32xf32>
    %div3A_35 = arith.constant 1.000000e+04 : f32
    %div3A_36 = vector.broadcast %div3A_35 : f32 to vector<1x32xf32>
    %div3A_37 = arith.divf %broadcast_in_dim3A_34, %div3A_36 : vector<1x32xf32>
    %add3A_38 = arith.constant 9.99999974E-6 : f32
    %add3A_39 = vector.broadcast %add3A_38 : f32 to vector<1x32xf32>
    %add3A_40 = arith.addf %div3A_37, %add3A_39 : vector<1x32xf32>
    %sqrt3A = math.sqrt %add3A_40 : vector<1x32xf32>
    %div3A_41 = arith.divf %get3A_23, %sqrt3A : vector<1x32xf32>
    %mul3A_42 = vector.broadcast %div3A_41 : vector<1x32xf32> to vector<10000x32xf32>
    %mul3A_43 = arith.mulf %sub3A_30, %mul3A_42 : vector<10000x32xf32>
    %add3A_44 = vector.broadcast %get3A_26 : vector<1x32xf32> to vector<10000x32xf32>
    %add3A_45 = arith.addf %mul3A_43, %add3A_44 : vector<10000x32xf32>
    %ge3A = arith.constant 0.000000e+00 : f32
    %ge3A_46 = vector.broadcast %ge3A : f32 to vector<10000x32xf32>
    %ge3A_47 = arith.cmpf oge, %add3A_45, %ge3A_46 : vector<10000x32xf32>
    %mul3A_48 = arith.constant 0.00999999977 : f32
    %mul3A_49 = vector.broadcast %mul3A_48 : f32 to vector<10000x32xf32>
    %mul3A_50 = arith.mulf %mul3A_49, %add3A_45 : vector<10000x32xf32>
    %select_n3A = arith.select %ge3A_47, %add3A_45, %mul3A_50 : vector<10000x32xi1>, vector<10000x32xf32>
    %mul3A_51 = vector.broadcast %get3A_1 : vector<10000x1xf32> to vector<10000x32xf32>
    %mul3A_52 = arith.mulf %mul3A_51, %select_n3A : vector<10000x32xf32>
    %swap3A = arith.constant 0 : index
    %swap3A_53 = arith.constant 0 : index
    %swap3A_54 = vector.load %arg6[%swap3A, %swap3A_53] : memref<10000x32xf32, #tpu.memory_space<vmem>>, vector<10000x32xf32>
    tpu.vector_store %arg6[%swap3A, %swap3A_53], %mul3A_52 {strides = array<i32>} : memref<10000x32xf32, #tpu.memory_space<vmem>>, vector<10000x32xf32>,
    return
  }
}

module attributes {stable_mosaic.version = 14 : i64} {
  func.func @_tcd_body(%arg0: memref<2x10240x32xf32, #tpu.memory_space<vmem>>, %arg1: memref<10000x32xf32, #tpu.memory_space<vmem>>, %arg2: memref<10000x1xf32, #tpu.memory_space<vmem>>, %arg3: memref<32x64xf32, #tpu.memory_space<vmem>>, %arg4: memref<1x64xf32, #tpu.memory_space<vmem>>, %arg5: memref<1x64xf32, #tpu.memory_space<vmem>>, %arg6: memref<64x16xf32, #tpu.memory_space<vmem>>, %arg7: memref<10000x16xf32, #tpu.memory_space<vmem>>) attributes {dimension_semantics = [], scalar_prefetch = 0 : i64, scratch_operands = 0 : i64, tpu.core_type = #tpu.core_type<tc>} {
    %get3A = arith.constant 0 : index
    %get3A_0 = arith.constant 0 : index
    %get3A_1 = vector.load %arg2[%get3A, %get3A_0] : memref<10000x1xf32, #tpu.memory_space<vmem>>, vector<10000x1xf32>
    %get3A_2 = arith.constant 0 : index
    %get3A_3 = arith.constant 0 : index
    %get3A_4 = arith.constant 0 : index
    %get3A_5 = vector.load %arg0[%get3A_2, %get3A_3, %get3A_4] : memref<2x10240x32xf32, #tpu.memory_space<vmem>>, vector<1x10000x32xf32>
    %get3A_6 = vector.shape_cast %get3A_5 : vector<1x10000x32xf32> to vector<10000x32xf32>
    %get3A_7 = arith.constant 1 : index
    %get3A_8 = arith.constant 0 : index
    %get3A_9 = arith.constant 0 : index
    %get3A_10 = vector.load %arg0[%get3A_7, %get3A_8, %get3A_9] : memref<2x10240x32xf32, #tpu.memory_space<vmem>>, vector<1x10000x32xf32>
    %get3A_11 = vector.shape_cast %get3A_10 : vector<1x10000x32xf32> to vector<10000x32xf32>
    %add3A = arith.addf %get3A_6, %get3A_11 : vector<10000x32xf32>
    %get3A_12 = arith.constant 0 : index
    %get3A_13 = arith.constant 0 : index
    %get3A_14 = vector.load %arg1[%get3A_12, %get3A_13] : memref<10000x32xf32, #tpu.memory_space<vmem>>, vector<10000x32xf32>
    %add3A_15 = arith.addf %add3A, %get3A_14 : vector<10000x32xf32>
    %mul3A = vector.broadcast %get3A_1 : vector<10000x1xf32> to vector<10000x32xf32>
    %mul3A_16 = arith.mulf %mul3A, %add3A_15 : vector<10000x32xf32>
    %get3A_17 = arith.constant 0 : index
    %get3A_18 = arith.constant 0 : index
    %get3A_19 = vector.load %arg3[%get3A_17, %get3A_18] : memref<32x64xf32, #tpu.memory_space<vmem>>, vector<32x64xf32>
    %dot_general3A = arith.constant dense<0.000000e+00> : vector<10000x64xf32>
    %dot_general3A_20 = tpu.matmul %mul3A_16, %get3A_19, %dot_general3A {dimension_numbers = #tpu.dot_dimension_numbers<[1], [0], [0], [1], [0, 0, 1, 1], [], []>, transpose_lhs_hint = false} : vector<10000x32xf32>, vector<32x64xf32>, vector<10000x64xf32> -> vector<10000x64xf32>
    %get3A_21 = arith.constant 0 : index
    %get3A_22 = arith.constant 0 : index
    %get3A_23 = vector.load %arg4[%get3A_21, %get3A_22] : memref<1x64xf32, #tpu.memory_space<vmem>>, vector<1x64xf32>
    %get3A_24 = arith.constant 0 : index
    %get3A_25 = arith.constant 0 : index
    %get3A_26 = vector.load %arg5[%get3A_24, %get3A_25] : memref<1x64xf32, #tpu.memory_space<vmem>>, vector<1x64xf32>
    %reduce_sum3A = arith.constant dense<0.000000e+00> : vector<64xf32>
    %reduce_sum3A_27 = vector.multi_reduction <add>, %dot_general3A_20, %reduce_sum3A [0] : vector<10000x64xf32> to vector<64xf32>
    %broadcast_in_dim3A = vector.shape_cast %reduce_sum3A_27 : vector<64xf32> to vector<1x64xf32>
    %div3A = arith.constant 1.000000e+04 : f32
    %div3A_28 = vector.broadcast %div3A : f32 to vector<1x64xf32>
    %div3A_29 = arith.divf %broadcast_in_dim3A, %div3A_28 : vector<1x64xf32>
    %sub3A = vector.broadcast %div3A_29 : vector<1x64xf32> to vector<10000x64xf32>
    %sub3A_30 = arith.subf %dot_general3A_20, %sub3A : vector<10000x64xf32>
    %mul3A_31 = arith.mulf %sub3A_30, %sub3A_30 : vector<10000x64xf32>
    %reduce_sum3A_32 = arith.constant dense<0.000000e+00> : vector<64xf32>
    %reduce_sum3A_33 = vector.multi_reduction <add>, %mul3A_31, %reduce_sum3A_32 [0] : vector<10000x64xf32> to vector<64xf32>
    %broadcast_in_dim3A_34 = vector.shape_cast %reduce_sum3A_33 : vector<64xf32> to vector<1x64xf32>
    %div3A_35 = arith.constant 1.000000e+04 : f32
    %div3A_36 = vector.broadcast %div3A_35 : f32 to vector<1x64xf32>
    %div3A_37 = arith.divf %broadcast_in_dim3A_34, %div3A_36 : vector<1x64xf32>
    %add3A_38 = arith.constant 9.99999974E-6 : f32
    %add3A_39 = vector.broadcast %add3A_38 : f32 to vector<1x64xf32>
    %add3A_40 = arith.addf %div3A_37, %add3A_39 : vector<1x64xf32>
    %sqrt3A = math.sqrt %add3A_40 : vector<1x64xf32>
    %div3A_41 = arith.divf %get3A_23, %sqrt3A : vector<1x64xf32>
    %mul3A_42 = vector.broadcast %div3A_41 : vector<1x64xf32> to vector<10000x64xf32>
    %mul3A_43 = arith.mulf %sub3A_30, %mul3A_42 : vector<10000x64xf32>
    %add3A_44 = vector.broadcast %get3A_26 : vector<1x64xf32> to vector<10000x64xf32>
    %add3A_45 = arith.addf %mul3A_43, %add3A_44 : vector<10000x64xf32>
    %max3A = arith.constant 0.000000e+00 : f32
    %max3A_46 = vector.broadcast %max3A : f32 to vector<10000x64xf32>
    %max3A_47 = arith.maximumf %add3A_45, %max3A_46 : vector<10000x64xf32>
    %get3A_48 = arith.constant 0 : index
    %get3A_49 = arith.constant 0 : index
    %get3A_50 = vector.load %arg6[%get3A_48, %get3A_49] : memref<64x16xf32, #tpu.memory_space<vmem>>, vector<64x16xf32>
    %dot_general3A_51 = arith.constant dense<0.000000e+00> : vector<10000x16xf32>
    %dot_general3A_52 = tpu.matmul %max3A_47, %get3A_50, %dot_general3A_51 {dimension_numbers = #tpu.dot_dimension_numbers<[1], [0], [0], [1], [0, 0, 1, 1], [], []>, transpose_lhs_hint = false} : vector<10000x64xf32>, vector<64x16xf32>, vector<10000x16xf32> -> vector<10000x16xf32>
    %swap3A = arith.constant 0 : index
    %swap3A_53 = arith.constant 0 : index
    %swap3A_54 = vector.load %arg7[%swap3A, %swap3A_53] : memref<10000x16xf32, #tpu.memory_space<vmem>>, vector<10000x16xf32>
    tpu.vector_store %arg7[%swap3A, %swap3A_53], %dot_general3A_52 {strides = array<i32>} : memref<10000x16xf32, #tpu.memory_space<vmem>>, vector<10000x16xf32>,
    return
  }
}

</mosaic_0001>

<sc_bundles>
// kernel: kernel.10.cloned.1.call-start
scs
__scs_entry_jumppad:
0x0: {  	(pc) =	sbr.rel $0x88, $3  }
0x1: {  	(tag) =	ssettag $0x0;
	lr =	simm.s32 $0x1  }
0x2: {  	[smem:$0x3F96] =	sst lr;
	_ =	strace $0xD0000000  }
0x3: {  	_ = 	snop  }
0x4: {  	_ = 	snop  }
0x5: {  	_ = 	snop  }
0x6: {  	_ = 	snop  }
0x7: {  	_ = 	snop  }
__scs_overlays_trampoline_lowered:
0x8: {  	[smem:$0x3FA5] =	sst s0  }
0x9: {  	[smem:$0x3FA6] =	sst s1  }
0xa: {  	[smem:$0x3FA7] =	sst s2  }
0xb: {  	[smem:$0x3FA8] =	sst s3  }
0xc: {  	[smem:$0x3FA9] =	sst s4  }
0xd: {  	[smem:$0x3FAA] =	sst s5  }
0xe: {  	[smem:$0x3FAB] =	sst s6  }
0xf: {  	[smem:$0x3FAC] =	sst s7  }
0x10: {  	[smem:$0x3FAD] =	sst s8  }
0x11: {  	[smem:$0x3FAE] =	sst s9;
	s0 =	simm.s32 @!p0 $0x0  }
0x12: {  	s1 =	sld [smem:$0x3F94];
	s0 =	simm.s32 @p0 $0x1  }
0x13: {  	[smem:$0x3FAF] =	sst s0;
	s0 =	simm.s32 @!p1 $0x0  }
0x14: {  	s2 =	sld [smem:$0x3F93];
	s0 =	simm.s32 @p1 $0x1  }
0x15: {  	[smem:$0x3FB0] =	sst s0;
	s0 =	simm.s32 @!p2 $0x0  }
0x16: {  	s3 =	sld [smem:$0x3FDB];
	s0 =	simm.s32 @p2 $0x1  }
0x17: {  	s4 =	simm.s32 $0x1BF5;
	[smem:$0x3FB2] =	sst s0  }
0x18: {  	s0 =	sld [smem:$0x3F95];
	_ =	swait.ge [sflag:s4], $0x0  }
0x19: {  	s7 =	sld [smem:$0x3F96]  }
0x1a: {  	s8 =	sadd.s32 $0xFFFFE003, lr  }
0x1b: {  	s9 =	sadd.s32 $0xFFFFFEF7, lr;
	s5 =	simm.s32 $0xFFFFFFFF;
	p2 =	slt.u32 s8, $0xFFFFF086  }
0x1c: {  	p1 =	slt.u32 s9, $0xF7A;
	s5 =	simm.s32 @!p2 $0x0  }
0x1d: {  	s5 =	simm.s32 @p1 $0x1;
	p0 =	seq.s32 s7, s2  }
0x1e: {  	s7 =	smul.u32 @!p0 $0xF7A, s2;
	p2 =	seq.s32 @!p0 s5, $0x0  }
0x1f: {  	s9 =	smul.u32 $0xF7A, s1;
	s8 =	simm.s32 @!p0 $0x1BF5;
	p2 =	por !p2, p0  }
0x20: {  	[sflag:s8] =	ssyncset.s32 @!p0 $0xFFFFF086;
	s6 =	sadd.s32 @!p0 s3, s7;
	s7 =	simm.s32 @!p0 $0x108  }
0x21: {  	s3 =	sadd.s32 s3, s9;
	s6 =	sadd.s32 @!p0 $0x88, s6;
	s7 =	simm.s32 @p2 $0x1082  }
0x22: {  	[simem:s7], [sflag:s8] =	dma.local @!p0 [hbm:s6], $0xF7A  }
0x23: {  	s9 =	sor.u32 $0xD0000000, s2;
	s6 =	simm.s32 $0x108;
	_ =	swait.ge @!p0 [sflag:s8], $0x0  }
0x24: {  	s3 =	sadd.s32 $0x88, s3;
	s6 =	simm.s32 @!p1 $0x1082;
	[sflag:s4] =	ssyncset.s32 $0xFFFFF086  }
0x25: {  	[simem:s6], [sflag:s4] =	dma.local [hbm:s3], $0xF7A  }
0x26: {  	[smem:$0x3F96] =	sst s1;
	(tag) =	ssettag s2;
	_ =	strace s9  }
0x27: {  	s1 =	sld [smem:$0x3FA6]  }
0x28: {  	s2 =	sld [smem:$0x3FA7]  }
0x29: {  	s4 =	sld [smem:$0x3FA9]  }
0x2a: {  	p0 =	seq.s32 s5, $0x0;
	s5 =	sld [smem:$0x3FAA]  }
0x2b: {  	s6 =	sld [smem:$0x3FAB]  }
0x2c: {  	s7 =	sld [smem:$0x3FAC]  }
0x2d: {  	s3 =	simm.s32 $0x108;
	s8 =	sld [smem:$0x3FAD]  }
0x2e: {  	s3 =	simm.s32 @!p0 $0x1082;
	s9 =	sld [smem:$0x3FAE]  }
0x2f: {  	lr =	sadd.s32 s0, s3;
	s0 =	sld [smem:$0x3FA5]  }
0x30: {  	s3 =	sld [smem:$0x3FA8]  }
0x31: {  	[smem:$0x3FB1] =	sst s10  }
0x32: {  	s10 =	sld [smem:$0x3FAF];
	_ =	sdelay $0x3  }
0x33: {  	p0 =	seq.s32 s10, $0x1;
	s10 =	sld [smem:$0x3FB1];
	_ =	sdelay $0x3  }
0x34: {  	[smem:$0x3FB1] =	sst s10  }
0x35: {  	s10 =	sld [smem:$0x3FB0];
	_ =	sdelay $0x3  }
0x36: {  	p1 =	seq.s32 s10, $0x1;
	s10 =	sld [smem:$0x3FB1];
	_ =	sdelay $0x3  }
0x37: {  	[smem:$0x3FB1] =	sst s10  }
0x38: {  	s10 =	sld [smem:$0x3FB2]  }
0x39: {  	_ = 	snop;
	(pc) =	sbr.ind lr, $3  }
0x3a: {  	_ = 	snop  }
0x3b: {  	_ = 	snop  }
0x3c: {  	p2 =	seq.s32 s10, $0x1;
	s10 =	sld [smem:$0x3FB1]  }
0x3d: {  	_ =	shalt  }
0x3e: {  	_ =	shalt  }
0x3f: {  	_ =	shalt  }
0x40: {  	_ =	shalt  }
0x41: {  	_ =	shalt  }
0x42: {  	_ =	shalt  }
0x43: {  	_ =	shalt  }
0x44: {  	_ =	shalt  }
0x45: {  	_ =	shalt  }
0x46: {  	_ =	shalt  }
0x47: {  	_ =	shalt  }
0x48: {  	_ =	shalt  }
0x49: {  	_ =	shalt  }
0x4a: {  	_ =	shalt  }
0x4b: {  	_ =	shalt  }
0x4c: {  	_ =	shalt  }
0x4d: {  	_ =	shalt  }
0x4e: {  	_ =	shalt  }
0x4f: {  	_ =	shalt  }
0x50: {  	_ =	shalt  }
0x51: {  	_ =	shalt  }
0x52: {  	_ =	shalt  }
0x53: {  	_ =	shalt  }
0x54: {  	_ =	shalt  }
0x55: {  	_ =	shalt  }
0x56: {  	_ =	shalt  }
0x57: {  	_ =	shalt  }
0x58: {  	_ =	shalt  }
0x59: {  	_ =	shalt  }
0x5a: {  	_ =	shalt  }
0x5b: {  	_ =	shalt  }
0x5c: {  	_ =	shalt  }
0x5d: {  	_ =	shalt  }
0x5e: {  	_ =	shalt  }
0x5f: {  	_ =	shalt  }
0x60: {  	_ =	shalt  }
0x61: {  	_ =	shalt  }
0x62: {  	_ =	shalt  }
0x63: {  	_ =	shalt  }
0x64: {  	_ =	shalt  }
0x65: {  	_ =	shalt  }
0x66: {  	_ =	shalt  }
0x67: {  	_ =	shalt  }
0x68: {  	_ =	shalt  }
0x69: {  	_ =	shalt  }
0x6a: {  	_ =	shalt  }
0x6b: {  	_ =	shalt  }
0x6c: {  	_ =	shalt  }
0x6d: {  	_ =	shalt  }
0x6e: {  	_ =	shalt  }
0x6f: {  	_ =	shalt  }
0x70: {  	_ =	shalt  }
0x71: {  	_ =	shalt  }
0x72: {  	_ =	shalt  }
0x73: {  	_ =	shalt  }
0x74: {  	_ =	shalt  }
0x75: {  	_ =	shalt  }
0x76: {  	_ =	shalt  }
0x77: {  	_ =	shalt  }
0x78: {  	_ =	shalt  }
0x79: {  	_ =	shalt  }
0x7a: {  	_ =	shalt  }
0x7b: {  	_ =	shalt  }
0x7c: {  	_ =	shalt  }
0x7d: {  	_ =	shalt  }
0x7e: {  	_ =	shalt  }
0x7f: {  	_ =	shalt  }
0x80: {  	_ =	shalt  }
0x81: {  	_ =	shalt  }
0x82: {  	_ =	shalt  }
0x83: {  	_ =	shalt  }
0x84: {  	_ =	shalt  }
0x85: {  	_ =	shalt  }
0x86: {  	_ =	shalt  }
0x87: {  	_ =	shalt  }
.Lfunc_end0:
.L_simem_size_0:
called_computation_lowered:
.L_overlay_start_0:
0x88: {  	s2 =	sld [smem:$0x3FD9]  }
0x89: {  	s3 =	sld [smem:$0x3FFE];
	_ =	sdelay $0x1  }
0x8a: {  	s1 =	srdreg.scid  }
0x8b: {  	s0 =	sand.u32 $0x1, s1  }
0x8c: {  	s17 =	sshll.u32 s0, $0xA;
	s2 =	sadd.s32 s3, s2  }
0x8d: {  	s2 =	sadd.s32 s2, s17  }
0x8e: {  	[smem:$0x3FBD] =	sst s2  }
0x8f: {  	_ = 	snop  }
0x90: {  	s2 =	sld [smem:$0x3FD0];
	(tm) =	ssettm $0x1  }
0x91: {  	s18 =	sld [smem:$0x3FFB];
	_ =	sdelay $0x3  }
0x92: {  	_ =	strace s18  }
0x93: {  	s3 =	sld [smem:$0x3FFC];
	_ =	sdelay $0x3  }
0x94: {  	_ =	strace s3  }
0x95: {  	s3 =	sld [smem:$0x3FFD];
	_ =	sdelay $0x3  }
0x96: {  	_ =	strace s3  }
0x97: {  	_ =	strace $0x8FFFFFFF  }
0x98: {  	s19 =	sld [smem:$0x3FDB];
	_ =	sdelay $0x1  }
0x99: {  	s4 =	simm.s32 $_scs_section_size  }
0x9a: {  	s5 =	simm.s32 $_size__tile_overlayer_lowered;
	s6 =	simm.s32 $_tile_overlayer_lowered  }
0x9b: {  	s22 =	simm.s32 $0x1BFF;
	s21 =	sshll.u32 s6, $0x1;
	s3 =	sadd.s32 s4, s19  }
0x9c: {  	s7 =	simm.s32 $0x0;
	s20 =	sshll.u32 s5, $0x1;
	s5 =	sadd.s32 s21, s3  }
0x9d: {  	[timem:s7], [sflag:s22] =	dma.local [hbm:s5], s20  }
0x9e: {  	_ =	swait.ge [sflag:s22], s20  }
0x9f: {  	s4 =	ssub.s32 $0x0, s20;
	[sflag:s22] =	ssyncset.done $0x0  }
0xa0: {  	[sflag:s22] =	ssyncadd.s32 s4;
	_ =	sdelay $0x1  }
0xa1: {  	s23 =	simm.s32 $0x1B8B  }
0xa2: {  	_ =	swait.ge [sflag:s23], $0x1  }
0xa3: {  	[sflag:s23] =	ssyncset.done $0x0  }
0xa4: {  	s25 =	simm.s32 $0x1B8E;
	s24 =	sld [smem:$0x3FFE];
	[sflag:s23] =	ssyncadd.s32 $0xFFFFFFFF  }
0xa5: {  	s26 =	simm.s32 $execute0_lowered;
	[smem:$0x3FD2] =	sst s25  }
0xa6: {  	s5 =	sshll.u32 s26, $0x1;
	_ =	strace $0x80000046;
	[dreg:$0x1] =	wrdreg $0xFFFFFFFF  }
0xa7: {  	s28 =	simm.s32 $_size_execute0_lowered;
	s3 =	sadd.s32 s3, s5;
	[dreg:$0x0] =	wrdreg $0x0  }
0xa8: {  	s5 =	sshll.u32 s28, $0x1;
	[dreg:$0x2] =	wrdreg s3  }
0xa9: {  	[dreg:$0x3] =	wrdreg s5  }
0xaa: {  	[dreg:$0x4] =	wrdreg $0xC0  }
0xab: {  	_ =	task [dreg:s7], $0x5FFFF  }
0xac: {  	[dreg:$0x1] =	wrdreg $0xFFFFFFFF  }
0xad: {  	[dreg:$0x0] =	wrdreg $0x60  }
0xae: {  	[dreg:$0x2] =	wrdreg s24  }
0xaf: {  	[dreg:$0x3] =	wrdreg s2  }
0xb0: {  	[dreg:$0x4] =	wrdreg $0x2B000  }
0xb1: {  	[dreg:$0x5] =	wrdreg $0x9  }
0xb2: {  	_ =	task.clear_ibuf [dreg:s7], $0x6FFFF;
	_ =	strace $0x90000046  }
0xb3: {  	s29 =	simm.s32 $0x9;
	_ =	strace $0x80000048  }
0xb4: {  	_ =	swait.ge [sflag:s29], $0x1  }
0xb5: {  	[sflag:s29] =	ssyncadd.s32 $0xFFFFFFFF  }
0xb6: {  	_ =	strace $0x90000048  }
0xb7: {  	_ =	sfence  }
0xb8: {  	s30 =	sld [smem:$0x0];
	_ =	sdelay $0x2  }
0xb9: {  	s31 =	sshll.u32 s1, $0xD;
	s1 =	sshrl.u32 s1, $0x2  }
0xba: {  	s3 =	sand.u32 $0x4000, s31;
	s1 =	sadd.s32 s1, s30  }
0xbb: {  	s0 =	sor.u32 s3, s0;
	s1 =	sshll.u32 s1, $0x11  }
0xbc: {  	s0 =	sor.u32 s1, s0  }
0xbd: {  	s0 =	sadd.s32 $0x8F2B, s0  }
0xbe: {  	[sflag:s0] =	ssyncadd.remote.s32 $0x1  }
0xbf: {  	_ =	sfence.sel $0xFFFF  }
0xc0: {  	[dreg:$0x0] =	wrdreg $0xFFFFFFFF;
	(pc) =	sbr.abs _section_cstart, $3  }
0xc1: {  	[dreg:$0x1] =	wrdreg $0xFFFFFFFF  }
0xc2: {  	_ =	task.clear_ibuf [dreg:s7], $0x2FFFF;
	_ =	strace $0x9FFFFFFF  }
0xc3: {  	(tm) =	ssettm $0x7FFFFFFF  }
tec
execute0_lowered:
.L_overlay_start_1:
0x0: {  	(tag) =	ssettag $0x1  }
0x1: {  	s4 =	rddreg [dreg:$0x0]  }
0x2: {  	s6 =	rddreg [dreg:$0x1];
	s0 =	srdreg.scid  }
0x3: {  	s2 =	rddreg [dreg:$0x2];
	s1 =	stileid.u32;
	s3 =	simm.s32 $0x0  }
0x4: {  	s11 =	simm.s32 $0x2800;
	s5 =	sand.u32 $0x1, s0;
	s0 =	rddreg [dreg:$0x3]  }
0x5: {  	s12 =	simm.s32 $0x0;
	s8 =	smul.u32 $0x280, s1;
	[smem:$0x7FF] =	sst s3  }
0x6: {  	s7 =	sshll.u32 s5, $0x4;
	s9 =	smul.u32 $0x2800, s5;
	s5 =	ssub.s32 $0x2, s5  }
0x7: {  	_ =	strace $0x80000047;
	s7 =	sor.u32 s1, s7;
	s10 =	sshrl.u32 s5, $0x1  }
0x8: {  	s7 =	smul.u32 $0x500, s7;
	s9 =	sadd.s32 s8, s9;
	s31 =	ssub.s32 s5, s10  }
0x9: {  	s5 =	sadd.s32 s8, s2;
	s8 =	simm.s32 $0x1;
	s9 =	sshrl.u32 s9, $0x3  }
0xa: {  	s10 =	simm.s32 $0x7D;
	s4 =	sadd.s32 s7, s4;
	s6 =	sadd.s32 s6, s9  }
0xb: {  	v0 =	vimm.f32 $1.000000000e+00;
	v1 =	vimm.f32 $0.0e+00;
	s7 =	smax.u32 s31, $0x1;
	s9 =	simm.s32 $0x2880;
	s4 =	sadd.s32 $0x2800, s4  }
.LBB2_1:
0xc: {  	[tilespmem:s3], [sflag:$0x1] =	stream.linear.gather [hbm4b:s4+s3], $0x2800, $0x38;
	[tilespmem:$0x2D80] =	vst v63  }
0xd: {  	_ =	swait.ge [sflag:s8], $0x2800  }
0xe: {  	[sflag:s8] =	ssyncset.done $0x0  }
0xf: {  	[sflag:s8] =	ssyncadd.s32 $0xFFFFD800  }
0x10: {  	[tilespmem:$0x2800] =	vst v0  }
0x11: {  	[tilespmem:$0x2810] =	vst v0  }
0x12: {  	[tilespmem:$0x2820] =	vst v0  }
0x13: {  	[tilespmem:$0x2830] =	vst v0  }
0x14: {  	[tilespmem:$0x2840] =	vst v0  }
0x15: {  	[tilespmem:$0x2850] =	vst v0  }
0x16: {  	[tilespmem:$0x2860] =	vst v0  }
0x17: {  	[tilespmem:$0x2870] =	vst v0  }
0x18: {  	[tilespmem:$0x2880] =	vst v1  }
0x19: {  	[tilespmem:$0x2890] =	vst v1  }
0x1a: {  	[tilespmem:$0x28A0] =	vst v1  }
0x1b: {  	[tilespmem:$0x28B0] =	vst v1  }
0x1c: {  	[tilespmem:$0x28C0] =	vst v1  }
0x1d: {  	[tilespmem:$0x28D0] =	vst v1  }
0x1e: {  	[tilespmem:$0x28E0] =	vst v1  }
0x1f: {  	[tilespmem:$0x28F0] =	vst v1  }
0x20: {  	[tilespmem:$0x2900] =	vst v1  }
0x21: {  	[tilespmem:$0x2910] =	vst v1  }
0x22: {  	[tilespmem:$0x2920] =	vst v1  }
0x23: {  	[tilespmem:$0x2930] =	vst v1  }
0x24: {  	[tilespmem:$0x2940] =	vst v1  }
0x25: {  	[tilespmem:$0x2950] =	vst v1  }
0x26: {  	[tilespmem:$0x2960] =	vst v1  }
0x27: {  	[tilespmem:$0x2970] =	vst v1  }
0x28: {  	[tilespmem:$0x2980] =	vst v1  }
0x29: {  	[tilespmem:$0x2990] =	vst v1  }
0x2a: {  	[tilespmem:$0x29A0] =	vst v1  }
0x2b: {  	[tilespmem:$0x29B0] =	vst v1  }
0x2c: {  	[tilespmem:$0x29C0] =	vst v1  }
0x2d: {  	[tilespmem:$0x29D0] =	vst v1  }
0x2e: {  	[tilespmem:$0x29E0] =	vst v1  }
0x2f: {  	[tilespmem:$0x29F0] =	vst v1  }
0x30: {  	[tilespmem:$0x2A00] =	vst v1  }
0x31: {  	[tilespmem:$0x2A10] =	vst v1  }
0x32: {  	[tilespmem:$0x2A20] =	vst v1  }
0x33: {  	[tilespmem:$0x2A30] =	vst v1  }
0x34: {  	[tilespmem:$0x2A40] =	vst v1  }
0x35: {  	[tilespmem:$0x2A50] =	vst v1  }
0x36: {  	[tilespmem:$0x2A60] =	vst v1  }
0x37: {  	[tilespmem:$0x2A70] =	vst v1  }
0x38: {  	[tilespmem:$0x2A80] =	vst v1  }
0x39: {  	[tilespmem:$0x2A90] =	vst v1  }
0x3a: {  	[tilespmem:$0x2AA0] =	vst v1  }
0x3b: {  	[tilespmem:$0x2AB0] =	vst v1  }
0x3c: {  	[tilespmem:$0x2AC0] =	vst v1  }
0x3d: {  	[tilespmem:$0x2AD0] =	vst v1  }
0x3e: {  	[tilespmem:$0x2AE0] =	vst v1  }
0x3f: {  	[tilespmem:$0x2AF0] =	vst v1  }
0x40: {  	[spmem:s5] =	stream.linear.scatter [tilespmem:s9], [sflag:$0x1], $0x280, $0x38;
	[tilespmem:$0x2D80] =	vst v63  }
0x41: {  	_ =	swait.ge [sflag:s8], $0x280  }
0x42: {  	[sflag:s8] =	ssyncset.done $0x0  }
0x43: {  	[sflag:s8] =	ssyncadd.s32 $0xFFFFFD80  }
0x44: {  	s13 =	simm.s32 $0x0;
	[bflag:$0x0] =	sbarrier.arrive $0xFFFF  }
0x45: {  	[spmem:s2] =	stream.indirect.scatter.add.f32 [tilespmem:s11], [sflag:$0x1], $0x1, s13, s10, $0xb8;
	[tilespmem:$0x2D80] =	vst v63  }
0x46: {  	_ =	swait.ge [sflag:s8], $0x7D  }
0x47: {  	s13 =	simm.s32 $0x200;
	[sflag:s8] =	ssyncset.done $0x0  }
.LBB2_2:
0x48: {  	s14 =	sshra.s32 s13, $0x2;
	[sflag:s8] =	ssyncadd.s32 $0xFFFFFF83;
	p0 =	sne.s32 s13, $0x9E00  }
0x49: {  	[spmem:s2] =	stream.indirect.scatter.add.f32 [tilespmem:s11], [sflag:$0x1], $0x1, s14, s10, $0xb8;
	[tilespmem:$0x2D80] =	vst v63  }
.Ltmp0:
0x4a: {  	_ = 	snop;
	(pc) =	sbr.rel @p0 .LBB2_2-.Ltmp0, $4  }
0x4b: {  	_ = 	snop  }
0x4c: {  	s13 =	sadd.s32 $0x200, s13  }
0x4d: {  	_ =	swait.ge [sflag:s8], $0x7D  }
0x4e: {  	[sflag:s8] =	ssyncset.done $0x0  }
0x4f: {  	[sflag:s8] =	ssyncadd.s32 $0xFFFFFF83  }
0x50: {  	[bflag:$0x0] =	sbarrier.arrive $0xFFFF  }
0x51: {  	[tilespmem:s9], [sflag:$0x1] =	stream.linear.gather [spmem:s5], $0x280, $0x38;
	[tilespmem:$0x2D80] =	vst v63  }
0x52: {  	s12 =	sadd.s32 $0x1, s12;
	_ =	swait.ge [sflag:s8], $0x280  }
0x53: {  	p0 =	sne.s32 s12, s7;
	[sflag:s8] =	ssyncset.done $0x0  }
.Ltmp1:
0x54: {  	[sflag:s8] =	ssyncadd.s32 $0xFFFFFD80;
	(pc) =	sbr.rel @p0 .LBB2_1-.Ltmp1, $4  }
0x55: {  	[hbm4b:s6+s3] =	stream.linear.scatter [tilespmem:s9], [sflag:$0x1], $0x280, $0x38;
	[tilespmem:$0x2D80] =	vst v63  }
0x56: {  	_ =	swait.ge [sflag:s8], $0x280  }
0x57: {  	[sflag:s8] =	ssyncset.done $0x0  }
0x58: {  	[sflag:s8] =	ssyncadd.s32 $0xFFFFFD80  }
0x59: {  	_ =	sfence.sel $0x180000  }
0x5a: {  	[bflag:$0x0] =	sbarrier.arrive $0xFFFF  }
0x5b: {  	p0 =	sne.s32 s1, $0x0;
	_ =	strace $0x90000047  }
0x5c: {  	s0 =	sadd.s32 @!p0 $0x100000, s0;
	[bflag:$0x2] =	sbarrier.arrive $0xFFFF  }
0x5d: {  	[sflag:s0] =	ssyncadd.tile.s32 @!p0 $0x1;
	_ =	shalt  }
.Lfunc_end2:
_tile_overlayer_lowered:
.L_overlay_start_2:
0x5e: {  	(tag) =	ssettag $0x2  }
0x5f: {  	s0 =	rddreg [dreg:$0x0];
	s2 =	stileid.u32  }
0x60: {  	s1 =	rddreg [dreg:$0x1];
	p0 =	sne.s32 s2, $0x0  }
0x61: {  	s3 =	rddreg [dreg:$0x2];
	[bflag:$0x3] =	sbarrier.arrive $0xFFFF;
	s2 =	simm.s32 @!p0 $0x1C01  }
0x62: {  	[timem:s3], [sflag:s2] =	dma.local @!p0 [hbm:s0], s1  }
0x63: {  	s0 =	simm.s32 @!p0 $0x1  }
0x64: {  	_ =	swait.ge @!p0 [sflag:s0], s1  }
0x65: {  	s1 =	ssub.s32 @!p0 $0x0, s1;
	[sflag:s0] =	ssyncset.done @!p0 $0x0  }
0x66: {  	[sflag:s0] =	ssyncadd.s32 @!p0 s1  }
0x67: {  	[bflag:$0x3] =	sbarrier.arrive $0xFFFF  }
0x68: {  	_ =	shalt  }

// kernel: kernel.13.cloned.1.call-start
scs
__scs_entry_jumppad:
0x0: {  	(pc) =	sbr.rel $0x88, $3  }
0x1: {  	(tag) =	ssettag $0x0;
	lr =	simm.s32 $0x1  }
0x2: {  	[smem:$0x3F96] =	sst lr;
	_ =	strace $0xD0000000  }
0x3: {  	_ = 	snop  }
0x4: {  	_ = 	snop  }
0x5: {  	_ = 	snop  }
0x6: {  	_ = 	snop  }
0x7: {  	_ = 	snop  }
__scs_overlays_trampoline_lowered:
0x8: {  	[smem:$0x3FA5] =	sst s0  }
0x9: {  	[smem:$0x3FA6] =	sst s1  }
0xa: {  	[smem:$0x3FA7] =	sst s2  }
0xb: {  	[smem:$0x3FA8] =	sst s3  }
0xc: {  	[smem:$0x3FA9] =	sst s4  }
0xd: {  	[smem:$0x3FAA] =	sst s5  }
0xe: {  	[smem:$0x3FAB] =	sst s6  }
0xf: {  	[smem:$0x3FAC] =	sst s7  }
0x10: {  	[smem:$0x3FAD] =	sst s8  }
0x11: {  	[smem:$0x3FAE] =	sst s9;
	s0 =	simm.s32 @!p0 $0x0  }
0x12: {  	s1 =	sld [smem:$0x3F94];
	s0 =	simm.s32 @p0 $0x1  }
0x13: {  	[smem:$0x3FAF] =	sst s0;
	s0 =	simm.s32 @!p1 $0x0  }
0x14: {  	s2 =	sld [smem:$0x3F93];
	s0 =	simm.s32 @p1 $0x1  }
0x15: {  	[smem:$0x3FB0] =	sst s0;
	s0 =	simm.s32 @!p2 $0x0  }
0x16: {  	s3 =	sld [smem:$0x3FDB];
	s0 =	simm.s32 @p2 $0x1  }
0x17: {  	s4 =	simm.s32 $0x1BF5;
	[smem:$0x3FB2] =	sst s0  }
0x18: {  	s0 =	sld [smem:$0x3F95];
	_ =	swait.ge [sflag:s4], $0x0  }
0x19: {  	s7 =	sld [smem:$0x3F96]  }
0x1a: {  	s8 =	sadd.s32 $0xFFFFE003, lr  }
0x1b: {  	s9 =	sadd.s32 $0xFFFFFEF7, lr;
	s5 =	simm.s32 $0xFFFFFFFF;
	p2 =	slt.u32 s8, $0xFFFFF086  }
0x1c: {  	p1 =	slt.u32 s9, $0xF7A;
	s5 =	simm.s32 @!p2 $0x0  }
0x1d: {  	s5 =	simm.s32 @p1 $0x1;
	p0 =	seq.s32 s7, s2  }
0x1e: {  	s7 =	smul.u32 @!p0 $0xF7A, s2;
	p2 =	seq.s32 @!p0 s5, $0x0  }
0x1f: {  	s9 =	smul.u32 $0xF7A, s1;
	s8 =	simm.s32 @!p0 $0x1BF5;
	p2 =	por !p2, p0  }
0x20: {  	[sflag:s8] =	ssyncset.s32 @!p0 $0xFFFFF086;
	s6 =	sadd.s32 @!p0 s3, s7;
	s7 =	simm.s32 @!p0 $0x108  }
0x21: {  	s3 =	sadd.s32 s3, s9;
	s6 =	sadd.s32 @!p0 $0x88, s6;
	s7 =	simm.s32 @p2 $0x1082  }
0x22: {  	[simem:s7], [sflag:s8] =	dma.local @!p0 [hbm:s6], $0xF7A  }
0x23: {  	s9 =	sor.u32 $0xD0000000, s2;
	s6 =	simm.s32 $0x108;
	_ =	swait.ge @!p0 [sflag:s8], $0x0  }
0x24: {  	s3 =	sadd.s32 $0x88, s3;
	s6 =	simm.s32 @!p1 $0x1082;
	[sflag:s4] =	ssyncset.s32 $0xFFFFF086  }
0x25: {  	[simem:s6], [sflag:s4] =	dma.local [hbm:s3], $0xF7A  }
0x26: {  	[smem:$0x3F96] =	sst s1;
	(tag) =	ssettag s2;
	_ =	strace s9  }
0x27: {  	s1 =	sld [smem:$0x3FA6]  }
0x28: {  	s2 =	sld [smem:$0x3FA7]  }
0x29: {  	s4 =	sld [smem:$0x3FA9]  }
0x2a: {  	p0 =	seq.s32 s5, $0x0;
	s5 =	sld [smem:$0x3FAA]  }
0x2b: {  	s6 =	sld [smem:$0x3FAB]  }
0x2c: {  	s7 =	sld [smem:$0x3FAC]  }
0x2d: {  	s3 =	simm.s32 $0x108;
	s8 =	sld [smem:$0x3FAD]  }
0x2e: {  	s3 =	simm.s32 @!p0 $0x1082;
	s9 =	sld [smem:$0x3FAE]  }
0x2f: {  	lr =	sadd.s32 s0, s3;
	s0 =	sld [smem:$0x3FA5]  }
0x30: {  	s3 =	sld [smem:$0x3FA8]  }
0x31: {  	[smem:$0x3FB1] =	sst s10  }
0x32: {  	s10 =	sld [smem:$0x3FAF];
	_ =	sdelay $0x3  }
0x33: {  	p0 =	seq.s32 s10, $0x1;
	s10 =	sld [smem:$0x3FB1];
	_ =	sdelay $0x3  }
0x34: {  	[smem:$0x3FB1] =	sst s10  }
0x35: {  	s10 =	sld [smem:$0x3FB0];
	_ =	sdelay $0x3  }
0x36: {  	p1 =	seq.s32 s10, $0x1;
	s10 =	sld [smem:$0x3FB1];
	_ =	sdelay $0x3  }
0x37: {  	[smem:$0x3FB1] =	sst s10  }
0x38: {  	s10 =	sld [smem:$0x3FB2]  }
0x39: {  	_ = 	snop;
	(pc) =	sbr.ind lr, $3  }
0x3a: {  	_ = 	snop  }
0x3b: {  	_ = 	snop  }
0x3c: {  	p2 =	seq.s32 s10, $0x1;
	s10 =	sld [smem:$0x3FB1]  }
0x3d: {  	_ =	shalt  }
0x3e: {  	_ =	shalt  }
0x3f: {  	_ =	shalt  }
0x40: {  	_ =	shalt  }
0x41: {  	_ =	shalt  }
0x42: {  	_ =	shalt  }
0x43: {  	_ =	shalt  }
0x44: {  	_ =	shalt  }
0x45: {  	_ =	shalt  }
0x46: {  	_ =	shalt  }
0x47: {  	_ =	shalt  }
0x48: {  	_ =	shalt  }
0x49: {  	_ =	shalt  }
0x4a: {  	_ =	shalt  }
0x4b: {  	_ =	shalt  }
0x4c: {  	_ =	shalt  }
0x4d: {  	_ =	shalt  }
0x4e: {  	_ =	shalt  }
0x4f: {  	_ =	shalt  }
0x50: {  	_ =	shalt  }
0x51: {  	_ =	shalt  }
0x52: {  	_ =	shalt  }
0x53: {  	_ =	shalt  }
0x54: {  	_ =	shalt  }
0x55: {  	_ =	shalt  }
0x56: {  	_ =	shalt  }
0x57: {  	_ =	shalt  }
0x58: {  	_ =	shalt  }
0x59: {  	_ =	shalt  }
0x5a: {  	_ =	shalt  }
0x5b: {  	_ =	shalt  }
0x5c: {  	_ =	shalt  }
0x5d: {  	_ =	shalt  }
0x5e: {  	_ =	shalt  }
0x5f: {  	_ =	shalt  }
0x60: {  	_ =	shalt  }
0x61: {  	_ =	shalt  }
0x62: {  	_ =	shalt  }
0x63: {  	_ =	shalt  }
0x64: {  	_ =	shalt  }
0x65: {  	_ =	shalt  }
0x66: {  	_ =	shalt  }
0x67: {  	_ =	shalt  }
0x68: {  	_ =	shalt  }
0x69: {  	_ =	shalt  }
0x6a: {  	_ =	shalt  }
0x6b: {  	_ =	shalt  }
0x6c: {  	_ =	shalt  }
0x6d: {  	_ =	shalt  }
0x6e: {  	_ =	shalt  }
0x6f: {  	_ =	shalt  }
0x70: {  	_ =	shalt  }
0x71: {  	_ =	shalt  }
0x72: {  	_ =	shalt  }
0x73: {  	_ =	shalt  }
0x74: {  	_ =	shalt  }
0x75: {  	_ =	shalt  }
0x76: {  	_ =	shalt  }
0x77: {  	_ =	shalt  }
0x78: {  	_ =	shalt  }
0x79: {  	_ =	shalt  }
0x7a: {  	_ =	shalt  }
0x7b: {  	_ =	shalt  }
0x7c: {  	_ =	shalt  }
0x7d: {  	_ =	shalt  }
0x7e: {  	_ =	shalt  }
0x7f: {  	_ =	shalt  }
0x80: {  	_ =	shalt  }
0x81: {  	_ =	shalt  }
0x82: {  	_ =	shalt  }
0x83: {  	_ =	shalt  }
0x84: {  	_ =	shalt  }
0x85: {  	_ =	shalt  }
0x86: {  	_ =	shalt  }
0x87: {  	_ =	shalt  }
.Lfunc_end0:
.L_simem_size_0:
called_computation.1_lowered:
.L_overlay_start_0:
0x88: {  	s2 =	sld [smem:$0x3FD9]  }
0x89: {  	s3 =	sld [smem:$0x3FFE];
	_ =	sdelay $0x1  }
0x8a: {  	s1 =	srdreg.scid  }
0x8b: {  	s0 =	sand.u32 $0x1, s1  }
0x8c: {  	s17 =	sshll.u32 s0, $0xA;
	s2 =	sadd.s32 s3, s2  }
0x8d: {  	s2 =	sadd.s32 s2, s17  }
0x8e: {  	[smem:$0x3FBD] =	sst s2  }
0x8f: {  	_ = 	snop  }
0x90: {  	s2 =	sld [smem:$0x3FD0];
	(tm) =	ssettm $0x1  }
0x91: {  	s18 =	sld [smem:$0x3FFB];
	_ =	sdelay $0x3  }
0x92: {  	_ =	strace s18  }
0x93: {  	s3 =	sld [smem:$0x3FFC];
	_ =	sdelay $0x3  }
0x94: {  	_ =	strace s3  }
0x95: {  	s3 =	sld [smem:$0x3FFD];
	_ =	sdelay $0x3  }
0x96: {  	_ =	strace s3  }
0x97: {  	_ =	strace $0x8FFFFFFF  }
0x98: {  	s19 =	sld [smem:$0x3FDB];
	_ =	sdelay $0x1  }
0x99: {  	s4 =	simm.s32 $_scs_section_size  }
0x9a: {  	s5 =	simm.s32 $_size__tile_overlayer_lowered;
	s6 =	simm.s32 $_tile_overlayer_lowered  }
0x9b: {  	s22 =	simm.s32 $0x1BFF;
	s21 =	sshll.u32 s6, $0x1;
	s3 =	sadd.s32 s4, s19  }
0x9c: {  	s7 =	simm.s32 $0x0;
	s20 =	sshll.u32 s5, $0x1;
	s5 =	sadd.s32 s21, s3  }
0x9d: {  	[timem:s7], [sflag:s22] =	dma.local [hbm:s5], s20  }
0x9e: {  	_ =	swait.ge [sflag:s22], s20  }
0x9f: {  	s4 =	ssub.s32 $0x0, s20;
	[sflag:s22] =	ssyncset.done $0x0  }
0xa0: {  	[sflag:s22] =	ssyncadd.s32 s4;
	_ =	sdelay $0x1  }
0xa1: {  	s23 =	simm.s32 $0x1B8B  }
0xa2: {  	_ =	swait.ge [sflag:s23], $0x1  }
0xa3: {  	[sflag:s23] =	ssyncset.done $0x0  }
0xa4: {  	s25 =	simm.s32 $0x1B8E;
	s24 =	sld [smem:$0x3FFE];
	[sflag:s23] =	ssyncadd.s32 $0xFFFFFFFF  }
0xa5: {  	s26 =	simm.s32 $execute0_lowered;
	[smem:$0x3FD2] =	sst s25  }
0xa6: {  	s5 =	sshll.u32 s26, $0x1;
	_ =	strace $0x80000049;
	[dreg:$0x1] =	wrdreg $0xFFFFFFFF  }
0xa7: {  	s28 =	simm.s32 $_size_execute0_lowered;
	s3 =	sadd.s32 s3, s5;
	[dreg:$0x0] =	wrdreg $0x0  }
0xa8: {  	s5 =	sshll.u32 s28, $0x1;
	[dreg:$0x2] =	wrdreg s3  }
0xa9: {  	[dreg:$0x3] =	wrdreg s5  }
0xaa: {  	[dreg:$0x4] =	wrdreg $0xC0  }
0xab: {  	_ =	task [dreg:s7], $0x5FFFF  }
0xac: {  	[dreg:$0x1] =	wrdreg $0xFFFFFFFF  }
0xad: {  	[dreg:$0x0] =	wrdreg $0x60  }
0xae: {  	[dreg:$0x2] =	wrdreg s2  }
0xaf: {  	[dreg:$0x3] =	wrdreg s24  }
0xb0: {  	[dreg:$0x4] =	wrdreg $0xB6800  }
0xb1: {  	[dreg:$0x5] =	wrdreg $0x9  }
0xb2: {  	_ =	task.clear_ibuf [dreg:s7], $0x6FFFF;
	_ =	strace $0x90000049  }
0xb3: {  	s29 =	simm.s32 $0x9;
	_ =	strace $0x8000004B  }
0xb4: {  	_ =	swait.ge [sflag:s29], $0x1  }
0xb5: {  	[sflag:s29] =	ssyncadd.s32 $0xFFFFFFFF  }
0xb6: {  	_ =	strace $0x9000004B  }
0xb7: {  	_ =	sfence  }
0xb8: {  	s30 =	sld [smem:$0x0];
	_ =	sdelay $0x2  }
0xb9: {  	s31 =	sshll.u32 s1, $0xD;
	s1 =	sshrl.u32 s1, $0x2  }
0xba: {  	s3 =	sand.u32 $0x4000, s31;
	s1 =	sadd.s32 s1, s30  }
0xbb: {  	s0 =	sor.u32 s3, s0;
	s1 =	sshll.u32 s1, $0x11  }
0xbc: {  	s0 =	sor.u32 s1, s0  }
0xbd: {  	s0 =	sadd.s32 $0x8F2B, s0  }
0xbe: {  	[sflag:s0] =	ssyncadd.remote.s32 $0x1  }
0xbf: {  	_ =	sfence.sel $0xFFFF  }
0xc0: {  	[dreg:$0x0] =	wrdreg $0xFFFFFFFF;
	(pc) =	sbr.abs _section_cstart, $3  }
0xc1: {  	[dreg:$0x1] =	wrdreg $0xFFFFFFFF  }
0xc2: {  	_ =	task.clear_ibuf [dreg:s7], $0x2FFFF;
	_ =	strace $0x9FFFFFFF  }
0xc3: {  	(tm) =	ssettm $0x7FFFFFFF  }
tec
execute0_lowered:
.L_overlay_start_1:
0x0: {  	(tag) =	ssettag $0x1  }
0x1: {  	s1 =	rddreg [dreg:$0x0]  }
0x2: {  	s0 =	rddreg [dreg:$0x1]  }
0x3: {  	s2 =	rddreg [dreg:$0x2]  }
0x4: {  	s3 =	srdreg.scid;
	s4 =	simm.s32 $0x0;
	s8 =	stileid.u32  }
0x5: {  	s10 =	simm.s32 $0x9;
	s12 =	simm.s32 $0x8E80;
	s13 =	simm.s32 $0x7D  }
0x6: {  	s14 =	simm.s32 $0x5000;
	s16 =	simm.s32 $0x57D0;
	s18 =	simm.s32 $0x5FA0  }
0x7: {  	s20 =	simm.s32 $0x6770;
	s22 =	simm.s32 $0x6F40;
	s24 =	simm.s32 $0x7710  }
0x8: {  	s29 =	simm.s32 $0x86B0;
	s30 =	simm.s32 $0x1;
	s31 =	simm.s32 $0x2  }
0x9: {  	s11 =	simm.s32 $0x5;
	s15 =	simm.s32 $0x6;
	s17 =	simm.s32 $0x7  }
0xa: {  	s19 =	simm.s32 $0x8;
	s3 =	sand.u32 $0x1, s3;
	s7 =	smul.u32 $0x2800, s8  }
0xb: {  	s21 =	simm.s32 $0x0;
	[smem:$0x7FF] =	sst s4;
	s5 =	smul.u32 $0x28000, s3  }
0xc: {  	s6 =	sshll.u32 s3, $0x4;
	_ =	strace $0x8000004A;
	s3 =	ssub.s32 $0x2, s3  }
0xd: {  	s6 =	sor.u32 s8, s6;
	s26 =	sshrl.u32 s3, $0x1;
	s8 =	smul.u32 $0xA000, s8  }
0xe: {  	s6 =	smul.u32 $0x500, s6;
	s5 =	sadd.s32 s7, s5;
	s3 =	ssub.s32 s3, s26  }
0xf: {  	s26 =	simm.s32 $0x7EE0;
	s5 =	sshrl.u32 s5, $0x3;
	s28 =	sshrl.u32 s8, $0x2  }
0x10: {  	s9 =	smax.u32 s3, $0x1;
	s3 =	simm.s32 $0x4;
	s6 =	sadd.s32 s6, s0  }
0x11: {  	s0 =	sadd.s32 s5, s0;
	s7 =	sadd.s32 s28, s2;
	s5 =	sadd.s32 $0xC800, s6  }
0x12: {  	v0 =	vimm.f32 $0.0e+00;
	s6 =	sadd.s32 $0x2800, s6;
	s8 =	sadd.s32 $0x16800, s0;
	s0 =	simm.s32 $0x3  }
.LBB2_1:
0x13: {  	[tilespmem:s4], [sflag:$0x9] =	stream.linear.gather [hbm4b:s5+s4], $0x2800, $0x38;
	[tilespmem:$0xDE80] =	vst v63  }
0x14: {  	_ =	swait.ge [sflag:s10], $0x2800  }
0x15: {  	[sflag:s10] =	ssyncset.done $0x0  }
0x16: {  	s23 =	simm.s32 $0x2800;
	[sflag:s10] =	ssyncadd.s32 $0xFFFFD800  }
0x17: {  	[tilespmem:s23], [sflag:$0x9] =	stream.linear.gather [hbm4b:s6+s4], $0x2800, $0x38;
	[tilespmem:$0xDE80] =	vst v63  }
0x18: {  	_ =	swait.ge [sflag:s10], $0x2800  }
0x19: {  	[sflag:s10] =	ssyncset.done $0x0  }
0x1a: {  	s25 =	simm.s32 $0x0;
	s23 =	simm.s32 $0x40;
	[sflag:s10] =	ssyncadd.s32 $0xFFFFD800  }
.LBB2_2:
0x1b: {  	p0 =	sne.s32 s23, $0x9FC0;
	[tilespmem:s25+$0x8E80] =	vst v0;
	s25 =	smov.u32 s23;
	s23 =	sadd.s32 $0x40, s23  }
.Ltmp0:
0x1c: {  	(pc) =	sbr.rel @p0 .LBB2_2-.Ltmp0, $2  }
0x1d: {  	_ =	sdelay $0x2  }
0x1e: {  	s25 =	sshra.s32 s25, $0x2  }
0x1f: {  	[tilespmem:s25+$0x8E80] =	vst v0  }
0x20: {  	[spmem:s7] =	stream.linear.scatter [tilespmem:s12], [sflag:$0x9], $0x2800, $0x38;
	[tilespmem:$0xDE80] =	vst v63  }
0x21: {  	_ =	swait.ge [sflag:s10], $0x2800  }
0x22: {  	[sflag:s10] =	ssyncset.done $0x0  }
0x23: {  	[sflag:s10] =	ssyncadd.s32 $0xFFFFD800  }
0x24: {  	s23 =	simm.s32 $0x0;
	[bflag:$0x0] =	sbarrier.arrive $0xFFFF  }
0x25: {  	[tilespmem:s14], [sflag:$0x1] =	stream.indirect.gather [hbm4b:s1+s13], $0x10, s23, s13, $0xb8;
	[tilespmem:$0xDE80] =	vst v63  }
0x26: {  	s25 =	simm.s32 $0x80  }
0x27: {  	[tilespmem:s16], [sflag:$0x2] =	stream.indirect.gather [hbm4b:s1+s13], $0x10, s25, s13, $0xb8;
	[tilespmem:$0xDE80] =	vst v63  }
0x28: {  	s28 =	simm.s32 $0x100  }
0x29: {  	[tilespmem:s18], [sflag:$0x3] =	stream.indirect.gather [hbm4b:s1+s13], $0x10, s28, s13, $0xb8;
	[tilespmem:$0xDE80] =	vst v63  }
0x2a: {  	s25 =	simm.s32 $0x180  }
0x2b: {  	[tilespmem:s20], [sflag:$0x4] =	stream.indirect.gather [hbm4b:s1+s13], $0x10, s25, s13, $0xb8;
	[tilespmem:$0xDE80] =	vst v63  }
0x2c: {  	s28 =	simm.s32 $0x200  }
0x2d: {  	[tilespmem:s22], [sflag:$0x5] =	stream.indirect.gather [hbm4b:s1+s13], $0x10, s28, s13, $0xb8;
	[tilespmem:$0xDE80] =	vst v63  }
0x2e: {  	s25 =	simm.s32 $0x280  }
0x2f: {  	[tilespmem:s24], [sflag:$0x6] =	stream.indirect.gather [hbm4b:s1+s13], $0x10, s25, s13, $0xb8;
	[tilespmem:$0xDE80] =	vst v63  }
0x30: {  	s28 =	simm.s32 $0x300  }
0x31: {  	[tilespmem:s26], [sflag:$0x7] =	stream.indirect.gather [hbm4b:s1+s13], $0x10, s28, s13, $0xb8;
	[tilespmem:$0xDE80] =	vst v63  }
0x32: {  	s25 =	simm.s32 $0x380  }
0x33: {  	[tilespmem:s29], [sflag:$0x8] =	stream.indirect.gather [hbm4b:s1+s13], $0x10, s25, s13, $0xb8;
	[tilespmem:$0xDE80] =	vst v63  }
0x34: {  	_ =	swait.ge [sflag:s30], $0x7D0  }
0x35: {  	[sflag:s30] =	ssyncset.done $0x0  }
0x36: {  	s28 =	simm.s32 $0x2800;
	[sflag:s30] =	ssyncadd.s32 $0xFFFFF830  }
0x37: {  	[spmem:s2] =	stream.indirect.scatter.add.f32 [tilespmem:s14], [sflag:$0x9], $0x10, s28, s13, $0xb8;
	[tilespmem:$0xDE80] =	vst v63  }
0x38: {  	_ =	swait.ge [sflag:s10], $0x7D0  }
0x39: {  	[sflag:s10] =	ssyncset.done $0x0  }
0x3a: {  	s25 =	simm.s32 $0x400;
	[sflag:s10] =	ssyncadd.s32 $0xFFFFF830  }
0x3b: {  	[tilespmem:s14], [sflag:$0x1] =	stream.indirect.gather [hbm4b:s1+s13], $0x10, s25, s13, $0xb8;
	[tilespmem:$0xDE80] =	vst v63  }
0x3c: {  	_ =	swait.ge [sflag:s31], $0x7D0  }
0x3d: {  	[sflag:s31] =	ssyncset.done $0x0  }
0x3e: {  	s28 =	simm.s32 $0x2880;
	[sflag:s31] =	ssyncadd.s32 $0xFFFFF830  }
0x3f: {  	[spmem:s2] =	stream.indirect.scatter.add.f32 [tilespmem:s16], [sflag:$0x9], $0x10, s28, s13, $0xb8;
	[tilespmem:$0xDE80] =	vst v63  }
0x40: {  	_ =	swait.ge [sflag:s10], $0x7D0  }
0x41: {  	[sflag:s10] =	ssyncset.done $0x0  }
0x42: {  	s25 =	simm.s32 $0x480;
	[sflag:s10] =	ssyncadd.s32 $0xFFFFF830  }
0x43: {  	[tilespmem:s16], [sflag:$0x2] =	stream.indirect.gather [hbm4b:s1+s13], $0x10, s25, s13, $0xb8;
	[tilespmem:$0xDE80] =	vst v63  }
0x44: {  	_ =	swait.ge [sflag:s0], $0x7D0  }
0x45: {  	[sflag:s0] =	ssyncset.done $0x0  }
0x46: {  	s28 =	simm.s32 $0x2900;
	[sflag:s0] =	ssyncadd.s32 $0xFFFFF830  }
0x47: {  	[spmem:s2] =	stream.indirect.scatter.add.f32 [tilespmem:s18], [sflag:$0x9], $0x10, s28, s13, $0xb8;
	[tilespmem:$0xDE80] =	vst v63  }
0x48: {  	_ =	swait.ge [sflag:s10], $0x7D0  }
0x49: {  	[sflag:s10] =	ssyncset.done $0x0  }
0x4a: {  	s25 =	simm.s32 $0x500;
	[sflag:s10] =	ssyncadd.s32 $0xFFFFF830  }
0x4b: {  	[tilespmem:s18], [sflag:$0x3] =	stream.indirect.gather [hbm4b:s1+s13], $0x10, s25, s13, $0xb8;
	[tilespmem:$0xDE80] =	vst v63  }
0x4c: {  	_ =	swait.ge [sflag:s3], $0x7D0  }
0x4d: {  	[sflag:s3] =	ssyncset.done $0x0  }
0x4e: {  	s28 =	simm.s32 $0x2980;
	[sflag:s3] =	ssyncadd.s32 $0xFFFFF830  }
0x4f: {  	[spmem:s2] =	stream.indirect.scatter.add.f32 [tilespmem:s20], [sflag:$0x9], $0x10, s28, s13, $0xb8;
	[tilespmem:$0xDE80] =	vst v63  }
0x50: {  	_ =	swait.ge [sflag:s10], $0x7D0  }
0x51: {  	[sflag:s10] =	ssyncset.done $0x0  }
0x52: {  	s25 =	simm.s32 $0x580;
	[sflag:s10] =	ssyncadd.s32 $0xFFFFF830  }
0x53: {  	[tilespmem:s20], [sflag:$0x4] =	stream.indirect.gather [hbm4b:s1+s13], $0x10, s25, s13, $0xb8;
	[tilespmem:$0xDE80] =	vst v63  }
0x54: {  	_ =	swait.ge [sflag:s11], $0x7D0  }
0x55: {  	[sflag:s11] =	ssyncset.done $0x0  }
0x56: {  	s28 =	simm.s32 $0x2A00;
	[sflag:s11] =	ssyncadd.s32 $0xFFFFF830  }
0x57: {  	[spmem:s2] =	stream.indirect.scatter.add.f32 [tilespmem:s22], [sflag:$0x9], $0x10, s28, s13, $0xb8;
	[tilespmem:$0xDE80] =	vst v63  }
0x58: {  	_ =	swait.ge [sflag:s10], $0x7D0  }
0x59: {  	[sflag:s10] =	ssyncset.done $0x0  }
0x5a: {  	s25 =	simm.s32 $0x600;
	[sflag:s10] =	ssyncadd.s32 $0xFFFFF830  }
0x5b: {  	[tilespmem:s22], [sflag:$0x5] =	stream.indirect.gather [hbm4b:s1+s13], $0x10, s25, s13, $0xb8;
	[tilespmem:$0xDE80] =	vst v63  }
0x5c: {  	_ =	swait.ge [sflag:s15], $0x7D0  }
0x5d: {  	[sflag:s15] =	ssyncset.done $0x0  }
0x5e: {  	s28 =	simm.s32 $0x2A80;
	[sflag:s15] =	ssyncadd.s32 $0xFFFFF830  }
0x5f: {  	[spmem:s2] =	stream.indirect.scatter.add.f32 [tilespmem:s24], [sflag:$0x9], $0x10, s28, s13, $0xb8;
	[tilespmem:$0xDE80] =	vst v63  }
0x60: {  	_ =	swait.ge [sflag:s10], $0x7D0  }
0x61: {  	[sflag:s10] =	ssyncset.done $0x0  }
0x62: {  	s25 =	simm.s32 $0x680;
	[sflag:s10] =	ssyncadd.s32 $0xFFFFF830  }
0x63: {  	[tilespmem:s24], [sflag:$0x6] =	stream.indirect.gather [hbm4b:s1+s13], $0x10, s25, s13, $0xb8;
	[tilespmem:$0xDE80] =	vst v63  }
0x64: {  	_ =	swait.ge [sflag:s17], $0x7D0  }
0x65: {  	[sflag:s17] =	ssyncset.done $0x0  }
0x66: {  	s28 =	simm.s32 $0x2B00;
	[sflag:s17] =	ssyncadd.s32 $0xFFFFF830  }
0x67: {  	[spmem:s2] =	stream.indirect.scatter.add.f32 [tilespmem:s26], [sflag:$0x9], $0x10, s28, s13, $0xb8;
	[tilespmem:$0xDE80] =	vst v63  }
0x68: {  	_ =	swait.ge [sflag:s10], $0x7D0  }
0x69: {  	[sflag:s10] =	ssyncset.done $0x0  }
0x6a: {  	s25 =	simm.s32 $0x700;
	[sflag:s10] =	ssyncadd.s32 $0xFFFFF830  }
0x6b: {  	[tilespmem:s26], [sflag:$0x7] =	stream.indirect.gather [hbm4b:s1+s13], $0x10, s25, s13, $0xb8;
	[tilespmem:$0xDE80] =	vst v63  }
0x6c: {  	_ =	swait.ge [sflag:s19], $0x7D0  }
0x6d: {  	[sflag:s19] =	ssyncset.done $0x0  }
0x6e: {  	s28 =	simm.s32 $0x2B80;
	[sflag:s19] =	ssyncadd.s32 $0xFFFFF830  }
0x6f: {  	[spmem:s2] =	stream.indirect.scatter.add.f32 [tilespmem:s29], [sflag:$0x9], $0x10, s28, s13, $0xb8;
	[tilespmem:$0xDE80] =	vst v63  }
0x70: {  	_ =	swait.ge [sflag:s10], $0x7D0  }
0x71: {  	[sflag:s10] =	ssyncset.done $0x0  }
0x72: {  	s23 =	simm.s32 $0x1000;
	s25 =	simm.s32 $0x780;
	[sflag:s10] =	ssyncadd.s32 $0xFFFFF830  }
.LBB2_4:
0x73: {  	[tilespmem:s29], [sflag:$0x8] =	stream.indirect.gather [hbm4b:s1+s13], $0x10, s25, s13, $0xb8;
	[tilespmem:$0xDE80] =	vst v63  }
0x74: {  	s25 =	smov.u32 s23  }
0x75: {  	p0 =	sne.s32 s23, $0x8000;
	s23 =	sadd.s32 $0x1000, s23;
	_ =	swait.ge [sflag:s30], $0x7D0  }
0x76: {  	s25 =	sshra.s32 s25, $0x2;
	[sflag:s30] =	ssyncset.done $0x0  }
0x77: {  	s28 =	sadd.s32 $0x2800, s25;
	[sflag:s30] =	ssyncadd.s32 $0xFFFFF830  }
0x78: {  	[spmem:s2] =	stream.indirect.scatter.add.f32 [tilespmem:s14], [sflag:$0x9], $0x10, s28, s13, $0xb8;
	[tilespmem:$0xDE80] =	vst v63  }
0x79: {  	_ =	swait.ge [sflag:s10], $0x7D0  }
0x7a: {  	[sflag:s10] =	ssyncset.done $0x0  }
0x7b: {  	s28 =	sadd.s32 $0x400, s25;
	[sflag:s10] =	ssyncadd.s32 $0xFFFFF830  }
0x7c: {  	[tilespmem:s14], [sflag:$0x1] =	stream.indirect.gather [hbm4b:s1+s13], $0x10, s28, s13, $0xb8;
	[tilespmem:$0xDE80] =	vst v63  }
0x7d: {  	_ =	swait.ge [sflag:s31], $0x7D0  }
0x7e: {  	[sflag:s31] =	ssyncset.done $0x0  }
0x7f: {  	s28 =	sadd.s32 $0x2880, s25;
	[sflag:s31] =	ssyncadd.s32 $0xFFFFF830  }
0x80: {  	[spmem:s2] =	stream.indirect.scatter.add.f32 [tilespmem:s16], [sflag:$0x9], $0x10, s28, s13, $0xb8;
	[tilespmem:$0xDE80] =	vst v63  }
0x81: {  	_ =	swait.ge [sflag:s10], $0x7D0  }
0x82: {  	[sflag:s10] =	ssyncset.done $0x0  }
0x83: {  	s28 =	sadd.s32 $0x480, s25;
	[sflag:s10] =	ssyncadd.s32 $0xFFFFF830  }
0x84: {  	[tilespmem:s16], [sflag:$0x2] =	stream.indirect.gather [hbm4b:s1+s13], $0x10, s28, s13, $0xb8;
	[tilespmem:$0xDE80] =	vst v63  }
0x85: {  	_ =	swait.ge [sflag:s0], $0x7D0  }
0x86: {  	[sflag:s0] =	ssyncset.done $0x0  }
0x87: {  	s28 =	sadd.s32 $0x2900, s25;
	[sflag:s0] =	ssyncadd.s32 $0xFFFFF830  }
0x88: {  	[spmem:s2] =	stream.indirect.scatter.add.f32 [tilespmem:s18], [sflag:$0x9], $0x10, s28, s13, $0xb8;
	[tilespmem:$0xDE80] =	vst v63  }
0x89: {  	_ =	swait.ge [sflag:s10], $0x7D0  }
0x8a: {  	[sflag:s10] =	ssyncset.done $0x0  }
0x8b: {  	s28 =	sadd.s32 $0x500, s25;
	[sflag:s10] =	ssyncadd.s32 $0xFFFFF830  }
0x8c: {  	[tilespmem:s18], [sflag:$0x3] =	stream.indirect.gather [hbm4b:s1+s13], $0x10, s28, s13, $0xb8;
	[tilespmem:$0xDE80] =	vst v63  }
0x8d: {  	_ =	swait.ge [sflag:s3], $0x7D0  }
0x8e: {  	[sflag:s3] =	ssyncset.done $0x0  }
0x8f: {  	s28 =	sadd.s32 $0x2980, s25;
	[sflag:s3] =	ssyncadd.s32 $0xFFFFF830  }
0x90: {  	[spmem:s2] =	stream.indirect.scatter.add.f32 [tilespmem:s20], [sflag:$0x9], $0x10, s28, s13, $0xb8;
	[tilespmem:$0xDE80] =	vst v63  }
0x91: {  	_ =	swait.ge [sflag:s10], $0x7D0  }
0x92: {  	[sflag:s10] =	ssyncset.done $0x0  }
0x93: {  	s28 =	sadd.s32 $0x580, s25;
	[sflag:s10] =	ssyncadd.s32 $0xFFFFF830  }
0x94: {  	[tilespmem:s20], [sflag:$0x4] =	stream.indirect.gather [hbm4b:s1+s13], $0x10, s28, s13, $0xb8;
	[tilespmem:$0xDE80] =	vst v63  }
0x95: {  	_ =	swait.ge [sflag:s11], $0x7D0  }
0x96: {  	[sflag:s11] =	ssyncset.done $0x0  }
0x97: {  	s28 =	sadd.s32 $0x2A00, s25;
	[sflag:s11] =	ssyncadd.s32 $0xFFFFF830  }
0x98: {  	[spmem:s2] =	stream.indirect.scatter.add.f32 [tilespmem:s22], [sflag:$0x9], $0x10, s28, s13, $0xb8;
	[tilespmem:$0xDE80] =	vst v63  }
0x99: {  	_ =	swait.ge [sflag:s10], $0x7D0  }
0x9a: {  	[sflag:s10] =	ssyncset.done $0x0  }
0x9b: {  	s28 =	sadd.s32 $0x600, s25;
	[sflag:s10] =	ssyncadd.s32 $0xFFFFF830  }
0x9c: {  	[tilespmem:s22], [sflag:$0x5] =	stream.indirect.gather [hbm4b:s1+s13], $0x10, s28, s13, $0xb8;
	[tilespmem:$0xDE80] =	vst v63  }
0x9d: {  	_ =	swait.ge [sflag:s15], $0x7D0  }
0x9e: {  	[sflag:s15] =	ssyncset.done $0x0  }
0x9f: {  	s28 =	sadd.s32 $0x2A80, s25;
	[sflag:s15] =	ssyncadd.s32 $0xFFFFF830  }
0xa0: {  	[spmem:s2] =	stream.indirect.scatter.add.f32 [tilespmem:s24], [sflag:$0x9], $0x10, s28, s13, $0xb8;
	[tilespmem:$0xDE80] =	vst v63  }
0xa1: {  	_ =	swait.ge [sflag:s10], $0x7D0  }
0xa2: {  	[sflag:s10] =	ssyncset.done $0x0  }
0xa3: {  	s28 =	sadd.s32 $0x680, s25;
	[sflag:s10] =	ssyncadd.s32 $0xFFFFF830  }
0xa4: {  	[tilespmem:s24], [sflag:$0x6] =	stream.indirect.gather [hbm4b:s1+s13], $0x10, s28, s13, $0xb8;
	[tilespmem:$0xDE80] =	vst v63  }
0xa5: {  	_ =	swait.ge [sflag:s17], $0x7D0  }
0xa6: {  	[sflag:s17] =	ssyncset.done $0x0  }
0xa7: {  	s28 =	sadd.s32 $0x2B00, s25;
	[sflag:s17] =	ssyncadd.s32 $0xFFFFF830  }
0xa8: {  	[spmem:s2] =	stream.indirect.scatter.add.f32 [tilespmem:s26], [sflag:$0x9], $0x10, s28, s13, $0xb8;
	[tilespmem:$0xDE80] =	vst v63  }
0xa9: {  	_ =	swait.ge [sflag:s10], $0x7D0  }
0xaa: {  	[sflag:s10] =	ssyncset.done $0x0  }
0xab: {  	s28 =	sadd.s32 $0x700, s25;
	[sflag:s10] =	ssyncadd.s32 $0xFFFFF830  }
0xac: {  	[tilespmem:s26], [sflag:$0x7] =	stream.indirect.gather [hbm4b:s1+s13], $0x10, s28, s13, $0xb8;
	[tilespmem:$0xDE80] =	vst v63  }
0xad: {  	_ =	swait.ge [sflag:s19], $0x7D0  }
0xae: {  	[sflag:s19] =	ssyncset.done $0x0  }
.Ltmp1:
0xaf: {  	s28 =	sadd.s32 $0x2B80, s25;
	[sflag:s19] =	ssyncadd.s32 $0xFFFFF830;
	(pc) =	sbr.rel @p0 .LBB2_4-.Ltmp1, $4  }
0xb0: {  	[spmem:s2] =	stream.indirect.scatter.add.f32 [tilespmem:s29], [sflag:$0x9], $0x10, s28, s13, $0xb8;
	[tilespmem:$0xDE80] =	vst v63  }
0xb1: {  	_ =	swait.ge [sflag:s10], $0x7D0  }
0xb2: {  	[sflag:s10] =	ssyncset.done $0x0  }
0xb3: {  	s25 =	sadd.s32 $0x780, s25;
	[sflag:s10] =	ssyncadd.s32 $0xFFFFF830  }
0xb4: {  	[tilespmem:s29], [sflag:$0x8] =	stream.indirect.gather [hbm4b:s1+s13], $0x10, s25, s13, $0xb8;
	[tilespmem:$0xDE80] =	vst v63  }
0xb5: {  	_ =	swait.ge [sflag:s30], $0x7D0  }
0xb6: {  	[sflag:s30] =	ssyncset.done $0x0  }
0xb7: {  	s23 =	simm.s32 $0x4C00;
	[sflag:s30] =	ssyncadd.s32 $0xFFFFF830  }
0xb8: {  	[spmem:s2] =	stream.indirect.scatter.add.f32 [tilespmem:s14], [sflag:$0x9], $0x10, s23, s13, $0xb8;
	[tilespmem:$0xDE80] =	vst v63  }
0xb9: {  	_ =	swait.ge [sflag:s10], $0x7D0  }
0xba: {  	[sflag:s10] =	ssyncset.done $0x0  }
0xbb: {  	[sflag:s10] =	ssyncadd.s32 $0xFFFFF830  }
0xbc: {  	_ =	swait.ge [sflag:s31], $0x7D0  }
0xbd: {  	[sflag:s31] =	ssyncset.done $0x0  }
0xbe: {  	s28 =	simm.s32 $0x4C80;
	[sflag:s31] =	ssyncadd.s32 $0xFFFFF830  }
0xbf: {  	[spmem:s2] =	stream.indirect.scatter.add.f32 [tilespmem:s16], [sflag:$0x9], $0x10, s28, s13, $0xb8;
	[tilespmem:$0xDE80] =	vst v63  }
0xc0: {  	_ =	swait.ge [sflag:s10], $0x7D0  }
0xc1: {  	[sflag:s10] =	ssyncset.done $0x0  }
0xc2: {  	[sflag:s10] =	ssyncadd.s32 $0xFFFFF830  }
0xc3: {  	_ =	swait.ge [sflag:s0], $0x7D0  }
0xc4: {  	[sflag:s0] =	ssyncset.done $0x0  }
0xc5: {  	s25 =	simm.s32 $0x4D00;
	[sflag:s0] =	ssyncadd.s32 $0xFFFFF830  }
0xc6: {  	[spmem:s2] =	stream.indirect.scatter.add.f32 [tilespmem:s18], [sflag:$0x9], $0x10, s25, s13, $0xb8;
	[tilespmem:$0xDE80] =	vst v63  }
0xc7: {  	_ =	swait.ge [sflag:s10], $0x7D0  }
0xc8: {  	[sflag:s10] =	ssyncset.done $0x0  }
0xc9: {  	[sflag:s10] =	ssyncadd.s32 $0xFFFFF830  }
0xca: {  	_ =	swait.ge [sflag:s3], $0x7D0  }
0xcb: {  	[sflag:s3] =	ssyncset.done $0x0  }
0xcc: {  	s28 =	simm.s32 $0x4D80;
	[sflag:s3] =	ssyncadd.s32 $0xFFFFF830  }
0xcd: {  	[spmem:s2] =	stream.indirect.scatter.add.f32 [tilespmem:s20], [sflag:$0x9], $0x10, s28, s13, $0xb8;
	[tilespmem:$0xDE80] =	vst v63  }
0xce: {  	_ =	swait.ge [sflag:s10], $0x7D0  }
0xcf: {  	[sflag:s10] =	ssyncset.done $0x0  }
0xd0: {  	[sflag:s10] =	ssyncadd.s32 $0xFFFFF830  }
0xd1: {  	_ =	swait.ge [sflag:s11], $0x7D0  }
0xd2: {  	[sflag:s11] =	ssyncset.done $0x0  }
0xd3: {  	s25 =	simm.s32 $0x4E00;
	[sflag:s11] =	ssyncadd.s32 $0xFFFFF830  }
0xd4: {  	[spmem:s2] =	stream.indirect.scatter.add.f32 [tilespmem:s22], [sflag:$0x9], $0x10, s25, s13, $0xb8;
	[tilespmem:$0xDE80] =	vst v63  }
0xd5: {  	_ =	swait.ge [sflag:s10], $0x7D0  }
0xd6: {  	[sflag:s10] =	ssyncset.done $0x0  }
0xd7: {  	[sflag:s10] =	ssyncadd.s32 $0xFFFFF830  }
0xd8: {  	_ =	swait.ge [sflag:s15], $0x7D0  }
0xd9: {  	[sflag:s15] =	ssyncset.done $0x0  }
0xda: {  	s28 =	simm.s32 $0x4E80;
	[sflag:s15] =	ssyncadd.s32 $0xFFFFF830  }
0xdb: {  	[spmem:s2] =	stream.indirect.scatter.add.f32 [tilespmem:s24], [sflag:$0x9], $0x10, s28, s13, $0xb8;
	[tilespmem:$0xDE80] =	vst v63  }
0xdc: {  	_ =	swait.ge [sflag:s10], $0x7D0  }
0xdd: {  	[sflag:s10] =	ssyncset.done $0x0  }
0xde: {  	[sflag:s10] =	ssyncadd.s32 $0xFFFFF830  }
0xdf: {  	_ =	swait.ge [sflag:s17], $0x7D0  }
0xe0: {  	[sflag:s17] =	ssyncset.done $0x0  }
0xe1: {  	s25 =	simm.s32 $0x4F00;
	[sflag:s17] =	ssyncadd.s32 $0xFFFFF830  }
0xe2: {  	[spmem:s2] =	stream.indirect.scatter.add.f32 [tilespmem:s26], [sflag:$0x9], $0x10, s25, s13, $0xb8;
	[tilespmem:$0xDE80] =	vst v63  }
0xe3: {  	_ =	swait.ge [sflag:s10], $0x7D0  }
0xe4: {  	[sflag:s10] =	ssyncset.done $0x0  }
0xe5: {  	[sflag:s10] =	ssyncadd.s32 $0xFFFFF830  }
0xe6: {  	_ =	swait.ge [sflag:s19], $0x7D0  }
0xe7: {  	[sflag:s19] =	ssyncset.done $0x0  }
0xe8: {  	s28 =	simm.s32 $0x4F80;
	[sflag:s19] =	ssyncadd.s32 $0xFFFFF830  }
0xe9: {  	[spmem:s2] =	stream.indirect.scatter.add.f32 [tilespmem:s29], [sflag:$0x9], $0x10, s28, s13, $0xb8;
	[tilespmem:$0xDE80] =	vst v63  }
0xea: {  	_ =	swait.ge [sflag:s10], $0x7D0  }
0xeb: {  	[sflag:s10] =	ssyncset.done $0x0  }
0xec: {  	[sflag:s10] =	ssyncadd.s32 $0xFFFFF830  }
0xed: {  	[bflag:$0x0] =	sbarrier.arrive $0xFFFF  }
0xee: {  	[tilespmem:s12], [sflag:$0x9] =	stream.linear.gather [spmem:s7], $0x2800, $0x38;
	[tilespmem:$0xDE80] =	vst v63  }
0xef: {  	s21 =	sadd.s32 $0x1, s21;
	_ =	swait.ge [sflag:s10], $0x2800  }
0xf0: {  	p0 =	sne.s32 s21, s9;
	[sflag:s10] =	ssyncset.done $0x0  }
.Ltmp2:
0xf1: {  	[sflag:s10] =	ssyncadd.s32 $0xFFFFD800;
	(pc) =	sbr.rel @p0 .LBB2_1-.Ltmp2, $4  }
0xf2: {  	[hbm4b:s8+s4] =	stream.linear.scatter [tilespmem:s12], [sflag:$0x9], $0x2800, $0x38;
	[tilespmem:$0xDE80] =	vst v63  }
0xf3: {  	_ =	swait.ge [sflag:s10], $0x2800  }
0xf4: {  	[sflag:s10] =	ssyncset.done $0x0  }
0xf5: {  	[sflag:s10] =	ssyncadd.s32 $0xFFFFD800  }
0xf6: {  	_ =	sfence.sel $0x180000  }
0xf7: {  	[bflag:$0x0] =	sbarrier.arrive $0xFFFF  }
0xf8: {  	_ =	strace $0x9000004A  }
0xf9: {  	s0 =	stileid.u32;
	[bflag:$0x2] =	sbarrier.arrive $0xFFFF  }
0xfa: {  	p0 =	sne.s32 s0, $0x0;
	s0 =	rddreg [dreg:$0x3]  }
0xfb: {  	s0 =	sadd.s32 @!p0 $0x100000, s0  }
0xfc: {  	[sflag:s0] =	ssyncadd.tile.s32 @!p0 $0x1;
	_ =	shalt  }
.Lfunc_end2:
_tile_overlayer_lowered:
.L_overlay_start_2:
0xfd: {  	(tag) =	ssettag $0x2  }
0xfe: {  	s0 =	rddreg [dreg:$0x0];
	s2 =	stileid.u32  }
0xff: {  	s1 =	rddreg [dreg:$0x1];
	p0 =	sne.s32 s2, $0x0  }
0x100: {  	s3 =	rddreg [dreg:$0x2];
	[bflag:$0x3] =	sbarrier.arrive $0xFFFF;
	s2 =	simm.s32 @!p0 $0x1C09  }
0x101: {  	[timem:s3], [sflag:s2] =	dma.local @!p0 [hbm:s0], s1  }
0x102: {  	s0 =	simm.s32 @!p0 $0x9  }
0x103: {  	_ =	swait.ge @!p0 [sflag:s0], s1  }
0x104: {  	s1 =	ssub.s32 @!p0 $0x0, s1;
	[sflag:s0] =	ssyncset.done @!p0 $0x0  }
0x105: {  	[sflag:s0] =	ssyncadd.s32 @!p0 s1  }
0x106: {  	[bflag:$0x3] =	sbarrier.arrive $0xFFFF  }
0x107: {  	_ =	shalt  }

// kernel: kernel.16.cloned.1.call-start
scs
__scs_entry_jumppad:
0x0: {  	(pc) =	sbr.rel $0x88, $3  }
0x1: {  	(tag) =	ssettag $0x0;
	lr =	simm.s32 $0x1  }
0x2: {  	[smem:$0x3F96] =	sst lr;
	_ =	strace $0xD0000000  }
0x3: {  	_ = 	snop  }
0x4: {  	_ = 	snop  }
0x5: {  	_ = 	snop  }
0x6: {  	_ = 	snop  }
0x7: {  	_ = 	snop  }
__scs_overlays_trampoline_lowered:
0x8: {  	[smem:$0x3FA5] =	sst s0  }
0x9: {  	[smem:$0x3FA6] =	sst s1  }
0xa: {  	[smem:$0x3FA7] =	sst s2  }
0xb: {  	[smem:$0x3FA8] =	sst s3  }
0xc: {  	[smem:$0x3FA9] =	sst s4  }
0xd: {  	[smem:$0x3FAA] =	sst s5  }
0xe: {  	[smem:$0x3FAB] =	sst s6  }
0xf: {  	[smem:$0x3FAC] =	sst s7  }
0x10: {  	[smem:$0x3FAD] =	sst s8  }
0x11: {  	[smem:$0x3FAE] =	sst s9;
	s0 =	simm.s32 @!p0 $0x0  }
0x12: {  	s1 =	sld [smem:$0x3F94];
	s0 =	simm.s32 @p0 $0x1  }
0x13: {  	[smem:$0x3FAF] =	sst s0;
	s0 =	simm.s32 @!p1 $0x0  }
0x14: {  	s2 =	sld [smem:$0x3F93];
	s0 =	simm.s32 @p1 $0x1  }
0x15: {  	[smem:$0x3FB0] =	sst s0;
	s0 =	simm.s32 @!p2 $0x0  }
0x16: {  	s3 =	sld [smem:$0x3FDB];
	s0 =	simm.s32 @p2 $0x1  }
0x17: {  	s4 =	simm.s32 $0x1BF5;
	[smem:$0x3FB2] =	sst s0  }
0x18: {  	s0 =	sld [smem:$0x3F95];
	_ =	swait.ge [sflag:s4], $0x0  }
0x19: {  	s7 =	sld [smem:$0x3F96]  }
0x1a: {  	s8 =	sadd.s32 $0xFFFFE003, lr  }
0x1b: {  	s9 =	sadd.s32 $0xFFFFFEF7, lr;
	s5 =	simm.s32 $0xFFFFFFFF;
	p2 =	slt.u32 s8, $0xFFFFF086  }
0x1c: {  	p1 =	slt.u32 s9, $0xF7A;
	s5 =	simm.s32 @!p2 $0x0  }
0x1d: {  	s5 =	simm.s32 @p1 $0x1;
	p0 =	seq.s32 s7, s2  }
0x1e: {  	s7 =	smul.u32 @!p0 $0xF7A, s2;
	p2 =	seq.s32 @!p0 s5, $0x0  }
0x1f: {  	s9 =	smul.u32 $0xF7A, s1;
	s8 =	simm.s32 @!p0 $0x1BF5;
	p2 =	por !p2, p0  }
0x20: {  	[sflag:s8] =	ssyncset.s32 @!p0 $0xFFFFF086;
	s6 =	sadd.s32 @!p0 s3, s7;
	s7 =	simm.s32 @!p0 $0x108  }
0x21: {  	s3 =	sadd.s32 s3, s9;
	s6 =	sadd.s32 @!p0 $0x88, s6;
	s7 =	simm.s32 @p2 $0x1082  }
0x22: {  	[simem:s7], [sflag:s8] =	dma.local @!p0 [hbm:s6], $0xF7A  }
0x23: {  	s9 =	sor.u32 $0xD0000000, s2;
	s6 =	simm.s32 $0x108;
	_ =	swait.ge @!p0 [sflag:s8], $0x0  }
0x24: {  	s3 =	sadd.s32 $0x88, s3;
	s6 =	simm.s32 @!p1 $0x1082;
	[sflag:s4] =	ssyncset.s32 $0xFFFFF086  }
0x25: {  	[simem:s6], [sflag:s4] =	dma.local [hbm:s3], $0xF7A  }
0x26: {  	[smem:$0x3F96] =	sst s1;
	(tag) =	ssettag s2;
	_ =	strace s9  }
0x27: {  	s1 =	sld [smem:$0x3FA6]  }
0x28: {  	s2 =	sld [smem:$0x3FA7]  }
0x29: {  	s4 =	sld [smem:$0x3FA9]  }
0x2a: {  	p0 =	seq.s32 s5, $0x0;
	s5 =	sld [smem:$0x3FAA]  }
0x2b: {  	s6 =	sld [smem:$0x3FAB]  }
0x2c: {  	s7 =	sld [smem:$0x3FAC]  }
0x2d: {  	s3 =	simm.s32 $0x108;
	s8 =	sld [smem:$0x3FAD]  }
0x2e: {  	s3 =	simm.s32 @!p0 $0x1082;
	s9 =	sld [smem:$0x3FAE]  }
0x2f: {  	lr =	sadd.s32 s0, s3;
	s0 =	sld [smem:$0x3FA5]  }
0x30: {  	s3 =	sld [smem:$0x3FA8]  }
0x31: {  	[smem:$0x3FB1] =	sst s10  }
0x32: {  	s10 =	sld [smem:$0x3FAF];
	_ =	sdelay $0x3  }
0x33: {  	p0 =	seq.s32 s10, $0x1;
	s10 =	sld [smem:$0x3FB1];
	_ =	sdelay $0x3  }
0x34: {  	[smem:$0x3FB1] =	sst s10  }
0x35: {  	s10 =	sld [smem:$0x3FB0];
	_ =	sdelay $0x3  }
0x36: {  	p1 =	seq.s32 s10, $0x1;
	s10 =	sld [smem:$0x3FB1];
	_ =	sdelay $0x3  }
0x37: {  	[smem:$0x3FB1] =	sst s10  }
0x38: {  	s10 =	sld [smem:$0x3FB2]  }
0x39: {  	_ = 	snop;
	(pc) =	sbr.ind lr, $3  }
0x3a: {  	_ = 	snop  }
0x3b: {  	_ = 	snop  }
0x3c: {  	p2 =	seq.s32 s10, $0x1;
	s10 =	sld [smem:$0x3FB1]  }
0x3d: {  	_ =	shalt  }
0x3e: {  	_ =	shalt  }
0x3f: {  	_ =	shalt  }
0x40: {  	_ =	shalt  }
0x41: {  	_ =	shalt  }
0x42: {  	_ =	shalt  }
0x43: {  	_ =	shalt  }
0x44: {  	_ =	shalt  }
0x45: {  	_ =	shalt  }
0x46: {  	_ =	shalt  }
0x47: {  	_ =	shalt  }
0x48: {  	_ =	shalt  }
0x49: {  	_ =	shalt  }
0x4a: {  	_ =	shalt  }
0x4b: {  	_ =	shalt  }
0x4c: {  	_ =	shalt  }
0x4d: {  	_ =	shalt  }
0x4e: {  	_ =	shalt  }
0x4f: {  	_ =	shalt  }
0x50: {  	_ =	shalt  }
0x51: {  	_ =	shalt  }
0x52: {  	_ =	shalt  }
0x53: {  	_ =	shalt  }
0x54: {  	_ =	shalt  }
0x55: {  	_ =	shalt  }
0x56: {  	_ =	shalt  }
0x57: {  	_ =	shalt  }
0x58: {  	_ =	shalt  }
0x59: {  	_ =	shalt  }
0x5a: {  	_ =	shalt  }
0x5b: {  	_ =	shalt  }
0x5c: {  	_ =	shalt  }
0x5d: {  	_ =	shalt  }
0x5e: {  	_ =	shalt  }
0x5f: {  	_ =	shalt  }
0x60: {  	_ =	shalt  }
0x61: {  	_ =	shalt  }
0x62: {  	_ =	shalt  }
0x63: {  	_ =	shalt  }
0x64: {  	_ =	shalt  }
0x65: {  	_ =	shalt  }
0x66: {  	_ =	shalt  }
0x67: {  	_ =	shalt  }
0x68: {  	_ =	shalt  }
0x69: {  	_ =	shalt  }
0x6a: {  	_ =	shalt  }
0x6b: {  	_ =	shalt  }
0x6c: {  	_ =	shalt  }
0x6d: {  	_ =	shalt  }
0x6e: {  	_ =	shalt  }
0x6f: {  	_ =	shalt  }
0x70: {  	_ =	shalt  }
0x71: {  	_ =	shalt  }
0x72: {  	_ =	shalt  }
0x73: {  	_ =	shalt  }
0x74: {  	_ =	shalt  }
0x75: {  	_ =	shalt  }
0x76: {  	_ =	shalt  }
0x77: {  	_ =	shalt  }
0x78: {  	_ =	shalt  }
0x79: {  	_ =	shalt  }
0x7a: {  	_ =	shalt  }
0x7b: {  	_ =	shalt  }
0x7c: {  	_ =	shalt  }
0x7d: {  	_ =	shalt  }
0x7e: {  	_ =	shalt  }
0x7f: {  	_ =	shalt  }
0x80: {  	_ =	shalt  }
0x81: {  	_ =	shalt  }
0x82: {  	_ =	shalt  }
0x83: {  	_ =	shalt  }
0x84: {  	_ =	shalt  }
0x85: {  	_ =	shalt  }
0x86: {  	_ =	shalt  }
0x87: {  	_ =	shalt  }
.Lfunc_end0:
.L_simem_size_0:
called_computation.2_lowered:
.L_overlay_start_0:
0x88: {  	s2 =	sld [smem:$0x3FD9]  }
0x89: {  	s3 =	sld [smem:$0x3FFE];
	_ =	sdelay $0x1  }
0x8a: {  	s1 =	srdreg.scid  }
0x8b: {  	s0 =	sand.u32 $0x1, s1  }
0x8c: {  	s17 =	sshll.u32 s0, $0xA;
	s2 =	sadd.s32 s3, s2  }
0x8d: {  	s2 =	sadd.s32 s2, s17  }
0x8e: {  	[smem:$0x3FBD] =	sst s2  }
0x8f: {  	_ = 	snop  }
0x90: {  	s2 =	sld [smem:$0x3FD0];
	(tm) =	ssettm $0x1  }
0x91: {  	s18 =	sld [smem:$0x3FFB];
	_ =	sdelay $0x3  }
0x92: {  	_ =	strace s18  }
0x93: {  	s3 =	sld [smem:$0x3FFC];
	_ =	sdelay $0x3  }
0x94: {  	_ =	strace s3  }
0x95: {  	s3 =	sld [smem:$0x3FFD];
	_ =	sdelay $0x3  }
0x96: {  	_ =	strace s3  }
0x97: {  	_ =	strace $0x8FFFFFFF  }
0x98: {  	s19 =	sld [smem:$0x3FDB];
	_ =	sdelay $0x1  }
0x99: {  	s4 =	simm.s32 $_scs_section_size  }
0x9a: {  	s5 =	simm.s32 $_size__tile_overlayer_lowered;
	s6 =	simm.s32 $_tile_overlayer_lowered  }
0x9b: {  	s22 =	simm.s32 $0x1BFF;
	s21 =	sshll.u32 s6, $0x1;
	s3 =	sadd.s32 s4, s19  }
0x9c: {  	s7 =	simm.s32 $0x0;
	s20 =	sshll.u32 s5, $0x1;
	s5 =	sadd.s32 s21, s3  }
0x9d: {  	[timem:s7], [sflag:s22] =	dma.local [hbm:s5], s20  }
0x9e: {  	_ =	swait.ge [sflag:s22], s20  }
0x9f: {  	s4 =	ssub.s32 $0x0, s20;
	[sflag:s22] =	ssyncset.done $0x0  }
0xa0: {  	[sflag:s22] =	ssyncadd.s32 s4;
	_ =	sdelay $0x1  }
0xa1: {  	s23 =	simm.s32 $0x1B8B  }
0xa2: {  	_ =	swait.ge [sflag:s23], $0x1  }
0xa3: {  	[sflag:s23] =	ssyncset.done $0x0  }
0xa4: {  	s25 =	simm.s32 $0x1B8E;
	s24 =	sld [smem:$0x3FFE];
	[sflag:s23] =	ssyncadd.s32 $0xFFFFFFFF  }
0xa5: {  	s26 =	simm.s32 $execute0_lowered;
	[smem:$0x3FD2] =	sst s25  }
0xa6: {  	s5 =	sshll.u32 s26, $0x1;
	_ =	strace $0x8000004C;
	[dreg:$0x1] =	wrdreg $0xFFFFFFFF  }
0xa7: {  	s28 =	simm.s32 $_size_execute0_lowered;
	s3 =	sadd.s32 s3, s5;
	[dreg:$0x0] =	wrdreg $0x0  }
0xa8: {  	s5 =	sshll.u32 s28, $0x1;
	[dreg:$0x2] =	wrdreg s3  }
0xa9: {  	[dreg:$0x3] =	wrdreg s5  }
0xaa: {  	[dreg:$0x4] =	wrdreg $0xC0  }
0xab: {  	_ =	task [dreg:s7], $0x5FFFF  }
0xac: {  	[dreg:$0x1] =	wrdreg $0xFFFFFFFF  }
0xad: {  	[dreg:$0x0] =	wrdreg $0x60  }
0xae: {  	[dreg:$0x2] =	wrdreg s2  }
0xaf: {  	[dreg:$0x3] =	wrdreg s24  }
0xb0: {  	[dreg:$0x4] =	wrdreg $0xB6800  }
0xb1: {  	[dreg:$0x5] =	wrdreg $0x9  }
0xb2: {  	_ =	task.clear_ibuf [dreg:s7], $0x6FFFF;
	_ =	strace $0x9000004C  }
0xb3: {  	s29 =	simm.s32 $0x9;
	_ =	strace $0x8000004E  }
0xb4: {  	_ =	swait.ge [sflag:s29], $0x1  }
0xb5: {  	[sflag:s29] =	ssyncadd.s32 $0xFFFFFFFF  }
0xb6: {  	_ =	strace $0x9000004E  }
0xb7: {  	_ =	sfence  }
0xb8: {  	s30 =	sld [smem:$0x0];
	_ =	sdelay $0x2  }
0xb9: {  	s31 =	sshll.u32 s1, $0xD;
	s1 =	sshrl.u32 s1, $0x2  }
0xba: {  	s3 =	sand.u32 $0x4000, s31;
	s1 =	sadd.s32 s1, s30  }
0xbb: {  	s0 =	sor.u32 s3, s0;
	s1 =	sshll.u32 s1, $0x11  }
0xbc: {  	s0 =	sor.u32 s1, s0  }
0xbd: {  	s0 =	sadd.s32 $0x8F2B, s0  }
0xbe: {  	[sflag:s0] =	ssyncadd.remote.s32 $0x1  }
0xbf: {  	_ =	sfence.sel $0xFFFF  }
0xc0: {  	[dreg:$0x0] =	wrdreg $0xFFFFFFFF;
	(pc) =	sbr.abs _section_cstart, $3  }
0xc1: {  	[dreg:$0x1] =	wrdreg $0xFFFFFFFF  }
0xc2: {  	_ =	task.clear_ibuf [dreg:s7], $0x2FFFF;
	_ =	strace $0x9FFFFFFF  }
0xc3: {  	(tm) =	ssettm $0x7FFFFFFF  }
tec
execute0_lowered:
.L_overlay_start_1:
0x0: {  	(tag) =	ssettag $0x1  }
0x1: {  	s1 =	rddreg [dreg:$0x0]  }
0x2: {  	s0 =	rddreg [dreg:$0x1]  }
0x3: {  	s2 =	rddreg [dreg:$0x2]  }
0x4: {  	s3 =	srdreg.scid;
	s4 =	simm.s32 $0x0;
	s8 =	stileid.u32  }
0x5: {  	s10 =	simm.s32 $0x9;
	s12 =	simm.s32 $0x8E80;
	s13 =	simm.s32 $0x7D  }
0x6: {  	s14 =	simm.s32 $0x5000;
	s16 =	simm.s32 $0x57D0;
	s18 =	simm.s32 $0x5FA0  }
0x7: {  	s20 =	simm.s32 $0x6770;
	s22 =	simm.s32 $0x6F40;
	s24 =	simm.s32 $0x7710  }
0x8: {  	s29 =	simm.s32 $0x86B0;
	s30 =	simm.s32 $0x1;
	s31 =	simm.s32 $0x2  }
0x9: {  	s11 =	simm.s32 $0x5;
	s15 =	simm.s32 $0x6;
	s17 =	simm.s32 $0x7  }
0xa: {  	s19 =	simm.s32 $0x8;
	s3 =	sand.u32 $0x1, s3;
	s7 =	smul.u32 $0x2800, s8  }
0xb: {  	s21 =	simm.s32 $0x0;
	[smem:$0x7FF] =	sst s4;
	s5 =	smul.u32 $0x28000, s3  }
0xc: {  	s6 =	sshll.u32 s3, $0x4;
	_ =	strace $0x8000004D;
	s3 =	ssub.s32 $0x2, s3  }
0xd: {  	s6 =	sor.u32 s8, s6;
	s26 =	sshrl.u32 s3, $0x1;
	s8 =	smul.u32 $0xA000, s8  }
0xe: {  	s6 =	smul.u32 $0x500, s6;
	s5 =	sadd.s32 s7, s5;
	s3 =	ssub.s32 s3, s26  }
0xf: {  	s26 =	simm.s32 $0x7EE0;
	s5 =	sshrl.u32 s5, $0x3;
	s28 =	sshrl.u32 s8, $0x2  }
0x10: {  	s9 =	smax.u32 s3, $0x1;
	s3 =	simm.s32 $0x4;
	s6 =	sadd.s32 s6, s0  }
0x11: {  	s0 =	sadd.s32 s5, s0;
	s7 =	sadd.s32 s28, s2;
	s5 =	sadd.s32 $0xC800, s6  }
0x12: {  	v0 =	vimm.f32 $0.0e+00;
	s6 =	sadd.s32 $0x2800, s6;
	s8 =	sadd.s32 $0x16800, s0;
	s0 =	simm.s32 $0x3  }
.LBB2_1:
0x13: {  	[tilespmem:s4], [sflag:$0x9] =	stream.linear.gather [hbm4b:s5+s4], $0x2800, $0x38;
	[tilespmem:$0xDE80] =	vst v63  }
0x14: {  	_ =	swait.ge [sflag:s10], $0x2800  }
0x15: {  	[sflag:s10] =	ssyncset.done $0x0  }
0x16: {  	s23 =	simm.s32 $0x2800;
	[sflag:s10] =	ssyncadd.s32 $0xFFFFD800  }
0x17: {  	[tilespmem:s23], [sflag:$0x9] =	stream.linear.gather [hbm4b:s6+s4], $0x2800, $0x38;
	[tilespmem:$0xDE80] =	vst v63  }
0x18: {  	_ =	swait.ge [sflag:s10], $0x2800  }
0x19: {  	[sflag:s10] =	ssyncset.done $0x0  }
0x1a: {  	s25 =	simm.s32 $0x0;
	s23 =	simm.s32 $0x40;
	[sflag:s10] =	ssyncadd.s32 $0xFFFFD800  }
.LBB2_2:
0x1b: {  	p0 =	sne.s32 s23, $0x9FC0;
	[tilespmem:s25+$0x8E80] =	vst v0;
	s25 =	smov.u32 s23;
	s23 =	sadd.s32 $0x40, s23  }
.Ltmp0:
0x1c: {  	(pc) =	sbr.rel @p0 .LBB2_2-.Ltmp0, $2  }
0x1d: {  	_ =	sdelay $0x2  }
0x1e: {  	s25 =	sshra.s32 s25, $0x2  }
0x1f: {  	[tilespmem:s25+$0x8E80] =	vst v0  }
0x20: {  	[spmem:s7] =	stream.linear.scatter [tilespmem:s12], [sflag:$0x9], $0x2800, $0x38;
	[tilespmem:$0xDE80] =	vst v63  }
0x21: {  	_ =	swait.ge [sflag:s10], $0x2800  }
0x22: {  	[sflag:s10] =	ssyncset.done $0x0  }
0x23: {  	[sflag:s10] =	ssyncadd.s32 $0xFFFFD800  }
0x24: {  	s23 =	simm.s32 $0x0;
	[bflag:$0x0] =	sbarrier.arrive $0xFFFF  }
0x25: {  	[tilespmem:s14], [sflag:$0x1] =	stream.indirect.gather [hbm4b:s1+s13], $0x10, s23, s13, $0xb8;
	[tilespmem:$0xDE80] =	vst v63  }
0x26: {  	s25 =	simm.s32 $0x80  }
0x27: {  	[tilespmem:s16], [sflag:$0x2] =	stream.indirect.gather [hbm4b:s1+s13], $0x10, s25, s13, $0xb8;
	[tilespmem:$0xDE80] =	vst v63  }
0x28: {  	s28 =	simm.s32 $0x100  }
0x29: {  	[tilespmem:s18], [sflag:$0x3] =	stream.indirect.gather [hbm4b:s1+s13], $0x10, s28, s13, $0xb8;
	[tilespmem:$0xDE80] =	vst v63  }
0x2a: {  	s25 =	simm.s32 $0x180  }
0x2b: {  	[tilespmem:s20], [sflag:$0x4] =	stream.indirect.gather [hbm4b:s1+s13], $0x10, s25, s13, $0xb8;
	[tilespmem:$0xDE80] =	vst v63  }
0x2c: {  	s28 =	simm.s32 $0x200  }
0x2d: {  	[tilespmem:s22], [sflag:$0x5] =	stream.indirect.gather [hbm4b:s1+s13], $0x10, s28, s13, $0xb8;
	[tilespmem:$0xDE80] =	vst v63  }
0x2e: {  	s25 =	simm.s32 $0x280  }
0x2f: {  	[tilespmem:s24], [sflag:$0x6] =	stream.indirect.gather [hbm4b:s1+s13], $0x10, s25, s13, $0xb8;
	[tilespmem:$0xDE80] =	vst v63  }
0x30: {  	s28 =	simm.s32 $0x300  }
0x31: {  	[tilespmem:s26], [sflag:$0x7] =	stream.indirect.gather [hbm4b:s1+s13], $0x10, s28, s13, $0xb8;
	[tilespmem:$0xDE80] =	vst v63  }
0x32: {  	s25 =	simm.s32 $0x380  }
0x33: {  	[tilespmem:s29], [sflag:$0x8] =	stream.indirect.gather [hbm4b:s1+s13], $0x10, s25, s13, $0xb8;
	[tilespmem:$0xDE80] =	vst v63  }
0x34: {  	_ =	swait.ge [sflag:s30], $0x7D0  }
0x35: {  	[sflag:s30] =	ssyncset.done $0x0  }
0x36: {  	s28 =	simm.s32 $0x2800;
	[sflag:s30] =	ssyncadd.s32 $0xFFFFF830  }
0x37: {  	[spmem:s2] =	stream.indirect.scatter.add.f32 [tilespmem:s14], [sflag:$0x9], $0x10, s28, s13, $0xb8;
	[tilespmem:$0xDE80] =	vst v63  }
0x38: {  	_ =	swait.ge [sflag:s10], $0x7D0  }
0x39: {  	[sflag:s10] =	ssyncset.done $0x0  }
0x3a: {  	s25 =	simm.s32 $0x400;
	[sflag:s10] =	ssyncadd.s32 $0xFFFFF830  }
0x3b: {  	[tilespmem:s14], [sflag:$0x1] =	stream.indirect.gather [hbm4b:s1+s13], $0x10, s25, s13, $0xb8;
	[tilespmem:$0xDE80] =	vst v63  }
0x3c: {  	_ =	swait.ge [sflag:s31], $0x7D0  }
0x3d: {  	[sflag:s31] =	ssyncset.done $0x0  }
0x3e: {  	s28 =	simm.s32 $0x2880;
	[sflag:s31] =	ssyncadd.s32 $0xFFFFF830  }
0x3f: {  	[spmem:s2] =	stream.indirect.scatter.add.f32 [tilespmem:s16], [sflag:$0x9], $0x10, s28, s13, $0xb8;
	[tilespmem:$0xDE80] =	vst v63  }
0x40: {  	_ =	swait.ge [sflag:s10], $0x7D0  }
0x41: {  	[sflag:s10] =	ssyncset.done $0x0  }
0x42: {  	s25 =	simm.s32 $0x480;
	[sflag:s10] =	ssyncadd.s32 $0xFFFFF830  }
0x43: {  	[tilespmem:s16], [sflag:$0x2] =	stream.indirect.gather [hbm4b:s1+s13], $0x10, s25, s13, $0xb8;
	[tilespmem:$0xDE80] =	vst v63  }
0x44: {  	_ =	swait.ge [sflag:s0], $0x7D0  }
0x45: {  	[sflag:s0] =	ssyncset.done $0x0  }
0x46: {  	s28 =	simm.s32 $0x2900;
	[sflag:s0] =	ssyncadd.s32 $0xFFFFF830  }
0x47: {  	[spmem:s2] =	stream.indirect.scatter.add.f32 [tilespmem:s18], [sflag:$0x9], $0x10, s28, s13, $0xb8;
	[tilespmem:$0xDE80] =	vst v63  }
0x48: {  	_ =	swait.ge [sflag:s10], $0x7D0  }
0x49: {  	[sflag:s10] =	ssyncset.done $0x0  }
0x4a: {  	s25 =	simm.s32 $0x500;
	[sflag:s10] =	ssyncadd.s32 $0xFFFFF830  }
0x4b: {  	[tilespmem:s18], [sflag:$0x3] =	stream.indirect.gather [hbm4b:s1+s13], $0x10, s25, s13, $0xb8;
	[tilespmem:$0xDE80] =	vst v63  }
0x4c: {  	_ =	swait.ge [sflag:s3], $0x7D0  }
0x4d: {  	[sflag:s3] =	ssyncset.done $0x0  }
0x4e: {  	s28 =	simm.s32 $0x2980;
	[sflag:s3] =	ssyncadd.s32 $0xFFFFF830  }
0x4f: {  	[spmem:s2] =	stream.indirect.scatter.add.f32 [tilespmem:s20], [sflag:$0x9], $0x10, s28, s13, $0xb8;
	[tilespmem:$0xDE80] =	vst v63  }
0x50: {  	_ =	swait.ge [sflag:s10], $0x7D0  }
0x51: {  	[sflag:s10] =	ssyncset.done $0x0  }
0x52: {  	s25 =	simm.s32 $0x580;
	[sflag:s10] =	ssyncadd.s32 $0xFFFFF830  }
0x53: {  	[tilespmem:s20], [sflag:$0x4] =	stream.indirect.gather [hbm4b:s1+s13], $0x10, s25, s13, $0xb8;
	[tilespmem:$0xDE80] =	vst v63  }
0x54: {  	_ =	swait.ge [sflag:s11], $0x7D0  }
0x55: {  	[sflag:s11] =	ssyncset.done $0x0  }
0x56: {  	s28 =	simm.s32 $0x2A00;
	[sflag:s11] =	ssyncadd.s32 $0xFFFFF830  }
0x57: {  	[spmem:s2] =	stream.indirect.scatter.add.f32 [tilespmem:s22], [sflag:$0x9], $0x10, s28, s13, $0xb8;
	[tilespmem:$0xDE80] =	vst v63  }
0x58: {  	_ =	swait.ge [sflag:s10], $0x7D0  }
0x59: {  	[sflag:s10] =	ssyncset.done $0x0  }
0x5a: {  	s25 =	simm.s32 $0x600;
	[sflag:s10] =	ssyncadd.s32 $0xFFFFF830  }
0x5b: {  	[tilespmem:s22], [sflag:$0x5] =	stream.indirect.gather [hbm4b:s1+s13], $0x10, s25, s13, $0xb8;
	[tilespmem:$0xDE80] =	vst v63  }
0x5c: {  	_ =	swait.ge [sflag:s15], $0x7D0  }
0x5d: {  	[sflag:s15] =	ssyncset.done $0x0  }
0x5e: {  	s28 =	simm.s32 $0x2A80;
	[sflag:s15] =	ssyncadd.s32 $0xFFFFF830  }
0x5f: {  	[spmem:s2] =	stream.indirect.scatter.add.f32 [tilespmem:s24], [sflag:$0x9], $0x10, s28, s13, $0xb8;
	[tilespmem:$0xDE80] =	vst v63  }
0x60: {  	_ =	swait.ge [sflag:s10], $0x7D0  }
0x61: {  	[sflag:s10] =	ssyncset.done $0x0  }
0x62: {  	s25 =	simm.s32 $0x680;
	[sflag:s10] =	ssyncadd.s32 $0xFFFFF830  }
0x63: {  	[tilespmem:s24], [sflag:$0x6] =	stream.indirect.gather [hbm4b:s1+s13], $0x10, s25, s13, $0xb8;
	[tilespmem:$0xDE80] =	vst v63  }
0x64: {  	_ =	swait.ge [sflag:s17], $0x7D0  }
0x65: {  	[sflag:s17] =	ssyncset.done $0x0  }
0x66: {  	s28 =	simm.s32 $0x2B00;
	[sflag:s17] =	ssyncadd.s32 $0xFFFFF830  }
0x67: {  	[spmem:s2] =	stream.indirect.scatter.add.f32 [tilespmem:s26], [sflag:$0x9], $0x10, s28, s13, $0xb8;
	[tilespmem:$0xDE80] =	vst v63  }
0x68: {  	_ =	swait.ge [sflag:s10], $0x7D0  }
0x69: {  	[sflag:s10] =	ssyncset.done $0x0  }
0x6a: {  	s25 =	simm.s32 $0x700;
	[sflag:s10] =	ssyncadd.s32 $0xFFFFF830  }
0x6b: {  	[tilespmem:s26], [sflag:$0x7] =	stream.indirect.gather [hbm4b:s1+s13], $0x10, s25, s13, $0xb8;
	[tilespmem:$0xDE80] =	vst v63  }
0x6c: {  	_ =	swait.ge [sflag:s19], $0x7D0  }
0x6d: {  	[sflag:s19] =	ssyncset.done $0x0  }
0x6e: {  	s28 =	simm.s32 $0x2B80;
	[sflag:s19] =	ssyncadd.s32 $0xFFFFF830  }
0x6f: {  	[spmem:s2] =	stream.indirect.scatter.add.f32 [tilespmem:s29], [sflag:$0x9], $0x10, s28, s13, $0xb8;
	[tilespmem:$0xDE80] =	vst v63  }
0x70: {  	_ =	swait.ge [sflag:s10], $0x7D0  }
0x71: {  	[sflag:s10] =	ssyncset.done $0x0  }
0x72: {  	s23 =	simm.s32 $0x1000;
	s25 =	simm.s32 $0x780;
	[sflag:s10] =	ssyncadd.s32 $0xFFFFF830  }
.LBB2_4:
0x73: {  	[tilespmem:s29], [sflag:$0x8] =	stream.indirect.gather [hbm4b:s1+s13], $0x10, s25, s13, $0xb8;
	[tilespmem:$0xDE80] =	vst v63  }
0x74: {  	s25 =	smov.u32 s23  }
0x75: {  	p0 =	sne.s32 s23, $0x8000;
	s23 =	sadd.s32 $0x1000, s23;
	_ =	swait.ge [sflag:s30], $0x7D0  }
0x76: {  	s25 =	sshra.s32 s25, $0x2;
	[sflag:s30] =	ssyncset.done $0x0  }
0x77: {  	s28 =	sadd.s32 $0x2800, s25;
	[sflag:s30] =	ssyncadd.s32 $0xFFFFF830  }
0x78: {  	[spmem:s2] =	stream.indirect.scatter.add.f32 [tilespmem:s14], [sflag:$0x9], $0x10, s28, s13, $0xb8;
	[tilespmem:$0xDE80] =	vst v63  }
0x79: {  	_ =	swait.ge [sflag:s10], $0x7D0  }
0x7a: {  	[sflag:s10] =	ssyncset.done $0x0  }
0x7b: {  	s28 =	sadd.s32 $0x400, s25;
	[sflag:s10] =	ssyncadd.s32 $0xFFFFF830  }
0x7c: {  	[tilespmem:s14], [sflag:$0x1] =	stream.indirect.gather [hbm4b:s1+s13], $0x10, s28, s13, $0xb8;
	[tilespmem:$0xDE80] =	vst v63  }
0x7d: {  	_ =	swait.ge [sflag:s31], $0x7D0  }
0x7e: {  	[sflag:s31] =	ssyncset.done $0x0  }
0x7f: {  	s28 =	sadd.s32 $0x2880, s25;
	[sflag:s31] =	ssyncadd.s32 $0xFFFFF830  }
0x80: {  	[spmem:s2] =	stream.indirect.scatter.add.f32 [tilespmem:s16], [sflag:$0x9], $0x10, s28, s13, $0xb8;
	[tilespmem:$0xDE80] =	vst v63  }
0x81: {  	_ =	swait.ge [sflag:s10], $0x7D0  }
0x82: {  	[sflag:s10] =	ssyncset.done $0x0  }
0x83: {  	s28 =	sadd.s32 $0x480, s25;
	[sflag:s10] =	ssyncadd.s32 $0xFFFFF830  }
0x84: {  	[tilespmem:s16], [sflag:$0x2] =	stream.indirect.gather [hbm4b:s1+s13], $0x10, s28, s13, $0xb8;
	[tilespmem:$0xDE80] =	vst v63  }
0x85: {  	_ =	swait.ge [sflag:s0], $0x7D0  }
0x86: {  	[sflag:s0] =	ssyncset.done $0x0  }
0x87: {  	s28 =	sadd.s32 $0x2900, s25;
	[sflag:s0] =	ssyncadd.s32 $0xFFFFF830  }
0x88: {  	[spmem:s2] =	stream.indirect.scatter.add.f32 [tilespmem:s18], [sflag:$0x9], $0x10, s28, s13, $0xb8;
	[tilespmem:$0xDE80] =	vst v63  }
0x89: {  	_ =	swait.ge [sflag:s10], $0x7D0  }
0x8a: {  	[sflag:s10] =	ssyncset.done $0x0  }
0x8b: {  	s28 =	sadd.s32 $0x500, s25;
	[sflag:s10] =	ssyncadd.s32 $0xFFFFF830  }
0x8c: {  	[tilespmem:s18], [sflag:$0x3] =	stream.indirect.gather [hbm4b:s1+s13], $0x10, s28, s13, $0xb8;
	[tilespmem:$0xDE80] =	vst v63  }
0x8d: {  	_ =	swait.ge [sflag:s3], $0x7D0  }
0x8e: {  	[sflag:s3] =	ssyncset.done $0x0  }
0x8f: {  	s28 =	sadd.s32 $0x2980, s25;
	[sflag:s3] =	ssyncadd.s32 $0xFFFFF830  }
0x90: {  	[spmem:s2] =	stream.indirect.scatter.add.f32 [tilespmem:s20], [sflag:$0x9], $0x10, s28, s13, $0xb8;
	[tilespmem:$0xDE80] =	vst v63  }
0x91: {  	_ =	swait.ge [sflag:s10], $0x7D0  }
0x92: {  	[sflag:s10] =	ssyncset.done $0x0  }
0x93: {  	s28 =	sadd.s32 $0x580, s25;
	[sflag:s10] =	ssyncadd.s32 $0xFFFFF830  }
0x94: {  	[tilespmem:s20], [sflag:$0x4] =	stream.indirect.gather [hbm4b:s1+s13], $0x10, s28, s13, $0xb8;
	[tilespmem:$0xDE80] =	vst v63  }
0x95: {  	_ =	swait.ge [sflag:s11], $0x7D0  }
0x96: {  	[sflag:s11] =	ssyncset.done $0x0  }
0x97: {  	s28 =	sadd.s32 $0x2A00, s25;
	[sflag:s11] =	ssyncadd.s32 $0xFFFFF830  }
0x98: {  	[spmem:s2] =	stream.indirect.scatter.add.f32 [tilespmem:s22], [sflag:$0x9], $0x10, s28, s13, $0xb8;
	[tilespmem:$0xDE80] =	vst v63  }
0x99: {  	_ =	swait.ge [sflag:s10], $0x7D0  }
0x9a: {  	[sflag:s10] =	ssyncset.done $0x0  }
0x9b: {  	s28 =	sadd.s32 $0x600, s25;
	[sflag:s10] =	ssyncadd.s32 $0xFFFFF830  }
0x9c: {  	[tilespmem:s22], [sflag:$0x5] =	stream.indirect.gather [hbm4b:s1+s13], $0x10, s28, s13, $0xb8;
	[tilespmem:$0xDE80] =	vst v63  }
0x9d: {  	_ =	swait.ge [sflag:s15], $0x7D0  }
0x9e: {  	[sflag:s15] =	ssyncset.done $0x0  }
0x9f: {  	s28 =	sadd.s32 $0x2A80, s25;
	[sflag:s15] =	ssyncadd.s32 $0xFFFFF830  }
0xa0: {  	[spmem:s2] =	stream.indirect.scatter.add.f32 [tilespmem:s24], [sflag:$0x9], $0x10, s28, s13, $0xb8;
	[tilespmem:$0xDE80] =	vst v63  }
0xa1: {  	_ =	swait.ge [sflag:s10], $0x7D0  }
0xa2: {  	[sflag:s10] =	ssyncset.done $0x0  }
0xa3: {  	s28 =	sadd.s32 $0x680, s25;
	[sflag:s10] =	ssyncadd.s32 $0xFFFFF830  }
0xa4: {  	[tilespmem:s24], [sflag:$0x6] =	stream.indirect.gather [hbm4b:s1+s13], $0x10, s28, s13, $0xb8;
	[tilespmem:$0xDE80] =	vst v63  }
0xa5: {  	_ =	swait.ge [sflag:s17], $0x7D0  }
0xa6: {  	[sflag:s17] =	ssyncset.done $0x0  }
0xa7: {  	s28 =	sadd.s32 $0x2B00, s25;
	[sflag:s17] =	ssyncadd.s32 $0xFFFFF830  }
0xa8: {  	[spmem:s2] =	stream.indirect.scatter.add.f32 [tilespmem:s26], [sflag:$0x9], $0x10, s28, s13, $0xb8;
	[tilespmem:$0xDE80] =	vst v63  }
0xa9: {  	_ =	swait.ge [sflag:s10], $0x7D0  }
0xaa: {  	[sflag:s10] =	ssyncset.done $0x0  }
0xab: {  	s28 =	sadd.s32 $0x700, s25;
	[sflag:s10] =	ssyncadd.s32 $0xFFFFF830  }
0xac: {  	[tilespmem:s26], [sflag:$0x7] =	stream.indirect.gather [hbm4b:s1+s13], $0x10, s28, s13, $0xb8;
	[tilespmem:$0xDE80] =	vst v63  }
0xad: {  	_ =	swait.ge [sflag:s19], $0x7D0  }
0xae: {  	[sflag:s19] =	ssyncset.done $0x0  }
.Ltmp1:
0xaf: {  	s28 =	sadd.s32 $0x2B80, s25;
	[sflag:s19] =	ssyncadd.s32 $0xFFFFF830;
	(pc) =	sbr.rel @p0 .LBB2_4-.Ltmp1, $4  }
0xb0: {  	[spmem:s2] =	stream.indirect.scatter.add.f32 [tilespmem:s29], [sflag:$0x9], $0x10, s28, s13, $0xb8;
	[tilespmem:$0xDE80] =	vst v63  }
0xb1: {  	_ =	swait.ge [sflag:s10], $0x7D0  }
0xb2: {  	[sflag:s10] =	ssyncset.done $0x0  }
0xb3: {  	s25 =	sadd.s32 $0x780, s25;
	[sflag:s10] =	ssyncadd.s32 $0xFFFFF830  }
0xb4: {  	[tilespmem:s29], [sflag:$0x8] =	stream.indirect.gather [hbm4b:s1+s13], $0x10, s25, s13, $0xb8;
	[tilespmem:$0xDE80] =	vst v63  }
0xb5: {  	_ =	swait.ge [sflag:s30], $0x7D0  }
0xb6: {  	[sflag:s30] =	ssyncset.done $0x0  }
0xb7: {  	s23 =	simm.s32 $0x4C00;
	[sflag:s30] =	ssyncadd.s32 $0xFFFFF830  }
0xb8: {  	[spmem:s2] =	stream.indirect.scatter.add.f32 [tilespmem:s14], [sflag:$0x9], $0x10, s23, s13, $0xb8;
	[tilespmem:$0xDE80] =	vst v63  }
0xb9: {  	_ =	swait.ge [sflag:s10], $0x7D0  }
0xba: {  	[sflag:s10] =	ssyncset.done $0x0  }
0xbb: {  	[sflag:s10] =	ssyncadd.s32 $0xFFFFF830  }
0xbc: {  	_ =	swait.ge [sflag:s31], $0x7D0  }
0xbd: {  	[sflag:s31] =	ssyncset.done $0x0  }
0xbe: {  	s28 =	simm.s32 $0x4C80;
	[sflag:s31] =	ssyncadd.s32 $0xFFFFF830  }
0xbf: {  	[spmem:s2] =	stream.indirect.scatter.add.f32 [tilespmem:s16], [sflag:$0x9], $0x10, s28, s13, $0xb8;
	[tilespmem:$0xDE80] =	vst v63  }
0xc0: {  	_ =	swait.ge [sflag:s10], $0x7D0  }
0xc1: {  	[sflag:s10] =	ssyncset.done $0x0  }
0xc2: {  	[sflag:s10] =	ssyncadd.s32 $0xFFFFF830  }
0xc3: {  	_ =	swait.ge [sflag:s0], $0x7D0  }
0xc4: {  	[sflag:s0] =	ssyncset.done $0x0  }
0xc5: {  	s25 =	simm.s32 $0x4D00;
	[sflag:s0] =	ssyncadd.s32 $0xFFFFF830  }
0xc6: {  	[spmem:s2] =	stream.indirect.scatter.add.f32 [tilespmem:s18], [sflag:$0x9], $0x10, s25, s13, $0xb8;
	[tilespmem:$0xDE80] =	vst v63  }
0xc7: {  	_ =	swait.ge [sflag:s10], $0x7D0  }
0xc8: {  	[sflag:s10] =	ssyncset.done $0x0  }
0xc9: {  	[sflag:s10] =	ssyncadd.s32 $0xFFFFF830  }
0xca: {  	_ =	swait.ge [sflag:s3], $0x7D0  }
0xcb: {  	[sflag:s3] =	ssyncset.done $0x0  }
0xcc: {  	s28 =	simm.s32 $0x4D80;
	[sflag:s3] =	ssyncadd.s32 $0xFFFFF830  }
0xcd: {  	[spmem:s2] =	stream.indirect.scatter.add.f32 [tilespmem:s20], [sflag:$0x9], $0x10, s28, s13, $0xb8;
	[tilespmem:$0xDE80] =	vst v63  }
0xce: {  	_ =	swait.ge [sflag:s10], $0x7D0  }
0xcf: {  	[sflag:s10] =	ssyncset.done $0x0  }
0xd0: {  	[sflag:s10] =	ssyncadd.s32 $0xFFFFF830  }
0xd1: {  	_ =	swait.ge [sflag:s11], $0x7D0  }
0xd2: {  	[sflag:s11] =	ssyncset.done $0x0  }
0xd3: {  	s25 =	simm.s32 $0x4E00;
	[sflag:s11] =	ssyncadd.s32 $0xFFFFF830  }
0xd4: {  	[spmem:s2] =	stream.indirect.scatter.add.f32 [tilespmem:s22], [sflag:$0x9], $0x10, s25, s13, $0xb8;
	[tilespmem:$0xDE80] =	vst v63  }
0xd5: {  	_ =	swait.ge [sflag:s10], $0x7D0  }
0xd6: {  	[sflag:s10] =	ssyncset.done $0x0  }
0xd7: {  	[sflag:s10] =	ssyncadd.s32 $0xFFFFF830  }
0xd8: {  	_ =	swait.ge [sflag:s15], $0x7D0  }
0xd9: {  	[sflag:s15] =	ssyncset.done $0x0  }
0xda: {  	s28 =	simm.s32 $0x4E80;
	[sflag:s15] =	ssyncadd.s32 $0xFFFFF830  }
0xdb: {  	[spmem:s2] =	stream.indirect.scatter.add.f32 [tilespmem:s24], [sflag:$0x9], $0x10, s28, s13, $0xb8;
	[tilespmem:$0xDE80] =	vst v63  }
0xdc: {  	_ =	swait.ge [sflag:s10], $0x7D0  }
0xdd: {  	[sflag:s10] =	ssyncset.done $0x0  }
0xde: {  	[sflag:s10] =	ssyncadd.s32 $0xFFFFF830  }
0xdf: {  	_ =	swait.ge [sflag:s17], $0x7D0  }
0xe0: {  	[sflag:s17] =	ssyncset.done $0x0  }
0xe1: {  	s25 =	simm.s32 $0x4F00;
	[sflag:s17] =	ssyncadd.s32 $0xFFFFF830  }
0xe2: {  	[spmem:s2] =	stream.indirect.scatter.add.f32 [tilespmem:s26], [sflag:$0x9], $0x10, s25, s13, $0xb8;
	[tilespmem:$0xDE80] =	vst v63  }
0xe3: {  	_ =	swait.ge [sflag:s10], $0x7D0  }
0xe4: {  	[sflag:s10] =	ssyncset.done $0x0  }
0xe5: {  	[sflag:s10] =	ssyncadd.s32 $0xFFFFF830  }
0xe6: {  	_ =	swait.ge [sflag:s19], $0x7D0  }
0xe7: {  	[sflag:s19] =	ssyncset.done $0x0  }
0xe8: {  	s28 =	simm.s32 $0x4F80;
	[sflag:s19] =	ssyncadd.s32 $0xFFFFF830  }
0xe9: {  	[spmem:s2] =	stream.indirect.scatter.add.f32 [tilespmem:s29], [sflag:$0x9], $0x10, s28, s13, $0xb8;
	[tilespmem:$0xDE80] =	vst v63  }
0xea: {  	_ =	swait.ge [sflag:s10], $0x7D0  }
0xeb: {  	[sflag:s10] =	ssyncset.done $0x0  }
0xec: {  	[sflag:s10] =	ssyncadd.s32 $0xFFFFF830  }
0xed: {  	[bflag:$0x0] =	sbarrier.arrive $0xFFFF  }
0xee: {  	[tilespmem:s12], [sflag:$0x9] =	stream.linear.gather [spmem:s7], $0x2800, $0x38;
	[tilespmem:$0xDE80] =	vst v63  }
0xef: {  	s21 =	sadd.s32 $0x1, s21;
	_ =	swait.ge [sflag:s10], $0x2800  }
0xf0: {  	p0 =	sne.s32 s21, s9;
	[sflag:s10] =	ssyncset.done $0x0  }
.Ltmp2:
0xf1: {  	[sflag:s10] =	ssyncadd.s32 $0xFFFFD800;
	(pc) =	sbr.rel @p0 .LBB2_1-.Ltmp2, $4  }
0xf2: {  	[hbm4b:s8+s4] =	stream.linear.scatter [tilespmem:s12], [sflag:$0x9], $0x2800, $0x38;
	[tilespmem:$0xDE80] =	vst v63  }
0xf3: {  	_ =	swait.ge [sflag:s10], $0x2800  }
0xf4: {  	[sflag:s10] =	ssyncset.done $0x0  }
0xf5: {  	[sflag:s10] =	ssyncadd.s32 $0xFFFFD800  }
0xf6: {  	_ =	sfence.sel $0x180000  }
0xf7: {  	[bflag:$0x0] =	sbarrier.arrive $0xFFFF  }
0xf8: {  	_ =	strace $0x9000004D  }
0xf9: {  	s0 =	stileid.u32;
	[bflag:$0x2] =	sbarrier.arrive $0xFFFF  }
0xfa: {  	p0 =	sne.s32 s0, $0x0;
	s0 =	rddreg [dreg:$0x3]  }
0xfb: {  	s0 =	sadd.s32 @!p0 $0x100000, s0  }
0xfc: {  	[sflag:s0] =	ssyncadd.tile.s32 @!p0 $0x1;
	_ =	shalt  }
.Lfunc_end2:
_tile_overlayer_lowered:
.L_overlay_start_2:
0xfd: {  	(tag) =	ssettag $0x2  }
0xfe: {  	s0 =	rddreg [dreg:$0x0];
	s2 =	stileid.u32  }
0xff: {  	s1 =	rddreg [dreg:$0x1];
	p0 =	sne.s32 s2, $0x0  }
0x100: {  	s3 =	rddreg [dreg:$0x2];
	[bflag:$0x3] =	sbarrier.arrive $0xFFFF;
	s2 =	simm.s32 @!p0 $0x1C09  }
0x101: {  	[timem:s3], [sflag:s2] =	dma.local @!p0 [hbm:s0], s1  }
0x102: {  	s0 =	simm.s32 @!p0 $0x9  }
0x103: {  	_ =	swait.ge @!p0 [sflag:s0], s1  }
0x104: {  	s1 =	ssub.s32 @!p0 $0x0, s1;
	[sflag:s0] =	ssyncset.done @!p0 $0x0  }
0x105: {  	[sflag:s0] =	ssyncadd.s32 @!p0 s1  }
0x106: {  	[bflag:$0x3] =	sbarrier.arrive $0xFFFF  }
0x107: {  	_ =	shalt  }

// kernel: kernel.19.cloned.1.call-start
scs
__scs_entry_jumppad:
0x0: {  	(pc) =	sbr.rel $0x88, $3  }
0x1: {  	(tag) =	ssettag $0x0;
	lr =	simm.s32 $0x1  }
0x2: {  	[smem:$0x3F96] =	sst lr;
	_ =	strace $0xD0000000  }
0x3: {  	_ = 	snop  }
0x4: {  	_ = 	snop  }
0x5: {  	_ = 	snop  }
0x6: {  	_ = 	snop  }
0x7: {  	_ = 	snop  }
__scs_overlays_trampoline_lowered:
0x8: {  	[smem:$0x3FA5] =	sst s0  }
0x9: {  	[smem:$0x3FA6] =	sst s1  }
0xa: {  	[smem:$0x3FA7] =	sst s2  }
0xb: {  	[smem:$0x3FA8] =	sst s3  }
0xc: {  	[smem:$0x3FA9] =	sst s4  }
0xd: {  	[smem:$0x3FAA] =	sst s5  }
0xe: {  	[smem:$0x3FAB] =	sst s6  }
0xf: {  	[smem:$0x3FAC] =	sst s7  }
0x10: {  	[smem:$0x3FAD] =	sst s8  }
0x11: {  	[smem:$0x3FAE] =	sst s9;
	s0 =	simm.s32 @!p0 $0x0  }
0x12: {  	s1 =	sld [smem:$0x3F94];
	s0 =	simm.s32 @p0 $0x1  }
0x13: {  	[smem:$0x3FAF] =	sst s0;
	s0 =	simm.s32 @!p1 $0x0  }
0x14: {  	s2 =	sld [smem:$0x3F93];
	s0 =	simm.s32 @p1 $0x1  }
0x15: {  	[smem:$0x3FB0] =	sst s0;
	s0 =	simm.s32 @!p2 $0x0  }
0x16: {  	s3 =	sld [smem:$0x3FDB];
	s0 =	simm.s32 @p2 $0x1  }
0x17: {  	s4 =	simm.s32 $0x1BF5;
	[smem:$0x3FB2] =	sst s0  }
0x18: {  	s0 =	sld [smem:$0x3F95];
	_ =	swait.ge [sflag:s4], $0x0  }
0x19: {  	s7 =	sld [smem:$0x3F96]  }
0x1a: {  	s8 =	sadd.s32 $0xFFFFE003, lr  }
0x1b: {  	s9 =	sadd.s32 $0xFFFFFEF7, lr;
	s5 =	simm.s32 $0xFFFFFFFF;
	p2 =	slt.u32 s8, $0xFFFFF086  }
0x1c: {  	p1 =	slt.u32 s9, $0xF7A;
	s5 =	simm.s32 @!p2 $0x0  }
0x1d: {  	s5 =	simm.s32 @p1 $0x1;
	p0 =	seq.s32 s7, s2  }
0x1e: {  	s7 =	smul.u32 @!p0 $0xF7A, s2;
	p2 =	seq.s32 @!p0 s5, $0x0  }
0x1f: {  	s9 =	smul.u32 $0xF7A, s1;
	s8 =	simm.s32 @!p0 $0x1BF5;
	p2 =	por !p2, p0  }
0x20: {  	[sflag:s8] =	ssyncset.s32 @!p0 $0xFFFFF086;
	s6 =	sadd.s32 @!p0 s3, s7;
	s7 =	simm.s32 @!p0 $0x108  }
0x21: {  	s3 =	sadd.s32 s3, s9;
	s6 =	sadd.s32 @!p0 $0x88, s6;
	s7 =	simm.s32 @p2 $0x1082  }
0x22: {  	[simem:s7], [sflag:s8] =	dma.local @!p0 [hbm:s6], $0xF7A  }
0x23: {  	s9 =	sor.u32 $0xD0000000, s2;
	s6 =	simm.s32 $0x108;
	_ =	swait.ge @!p0 [sflag:s8], $0x0  }
0x24: {  	s3 =	sadd.s32 $0x88, s3;
	s6 =	simm.s32 @!p1 $0x1082;
	[sflag:s4] =	ssyncset.s32 $0xFFFFF086  }
0x25: {  	[simem:s6], [sflag:s4] =	dma.local [hbm:s3], $0xF7A  }
0x26: {  	[smem:$0x3F96] =	sst s1;
	(tag) =	ssettag s2;
	_ =	strace s9  }
0x27: {  	s1 =	sld [smem:$0x3FA6]  }
0x28: {  	s2 =	sld [smem:$0x3FA7]  }
0x29: {  	s4 =	sld [smem:$0x3FA9]  }
0x2a: {  	p0 =	seq.s32 s5, $0x0;
	s5 =	sld [smem:$0x3FAA]  }
0x2b: {  	s6 =	sld [smem:$0x3FAB]  }
0x2c: {  	s7 =	sld [smem:$0x3FAC]  }
0x2d: {  	s3 =	simm.s32 $0x108;
	s8 =	sld [smem:$0x3FAD]  }
0x2e: {  	s3 =	simm.s32 @!p0 $0x1082;
	s9 =	sld [smem:$0x3FAE]  }
0x2f: {  	lr =	sadd.s32 s0, s3;
	s0 =	sld [smem:$0x3FA5]  }
0x30: {  	s3 =	sld [smem:$0x3FA8]  }
0x31: {  	[smem:$0x3FB1] =	sst s10  }
0x32: {  	s10 =	sld [smem:$0x3FAF];
	_ =	sdelay $0x3  }
0x33: {  	p0 =	seq.s32 s10, $0x1;
	s10 =	sld [smem:$0x3FB1];
	_ =	sdelay $0x3  }
0x34: {  	[smem:$0x3FB1] =	sst s10  }
0x35: {  	s10 =	sld [smem:$0x3FB0];
	_ =	sdelay $0x3  }
0x36: {  	p1 =	seq.s32 s10, $0x1;
	s10 =	sld [smem:$0x3FB1];
	_ =	sdelay $0x3  }
0x37: {  	[smem:$0x3FB1] =	sst s10  }
0x38: {  	s10 =	sld [smem:$0x3FB2]  }
0x39: {  	_ = 	snop;
	(pc) =	sbr.ind lr, $3  }
0x3a: {  	_ = 	snop  }
0x3b: {  	_ = 	snop  }
0x3c: {  	p2 =	seq.s32 s10, $0x1;
	s10 =	sld [smem:$0x3FB1]  }
0x3d: {  	_ =	shalt  }
0x3e: {  	_ =	shalt  }
0x3f: {  	_ =	shalt  }
0x40: {  	_ =	shalt  }
0x41: {  	_ =	shalt  }
0x42: {  	_ =	shalt  }
0x43: {  	_ =	shalt  }
0x44: {  	_ =	shalt  }
0x45: {  	_ =	shalt  }
0x46: {  	_ =	shalt  }
0x47: {  	_ =	shalt  }
0x48: {  	_ =	shalt  }
0x49: {  	_ =	shalt  }
0x4a: {  	_ =	shalt  }
0x4b: {  	_ =	shalt  }
0x4c: {  	_ =	shalt  }
0x4d: {  	_ =	shalt  }
0x4e: {  	_ =	shalt  }
0x4f: {  	_ =	shalt  }
0x50: {  	_ =	shalt  }
0x51: {  	_ =	shalt  }
0x52: {  	_ =	shalt  }
0x53: {  	_ =	shalt  }
0x54: {  	_ =	shalt  }
0x55: {  	_ =	shalt  }
0x56: {  	_ =	shalt  }
0x57: {  	_ =	shalt  }
0x58: {  	_ =	shalt  }
0x59: {  	_ =	shalt  }
0x5a: {  	_ =	shalt  }
0x5b: {  	_ =	shalt  }
0x5c: {  	_ =	shalt  }
0x5d: {  	_ =	shalt  }
0x5e: {  	_ =	shalt  }
0x5f: {  	_ =	shalt  }
0x60: {  	_ =	shalt  }
0x61: {  	_ =	shalt  }
0x62: {  	_ =	shalt  }
0x63: {  	_ =	shalt  }
0x64: {  	_ =	shalt  }
0x65: {  	_ =	shalt  }
0x66: {  	_ =	shalt  }
0x67: {  	_ =	shalt  }
0x68: {  	_ =	shalt  }
0x69: {  	_ =	shalt  }
0x6a: {  	_ =	shalt  }
0x6b: {  	_ =	shalt  }
0x6c: {  	_ =	shalt  }
0x6d: {  	_ =	shalt  }
0x6e: {  	_ =	shalt  }
0x6f: {  	_ =	shalt  }
0x70: {  	_ =	shalt  }
0x71: {  	_ =	shalt  }
0x72: {  	_ =	shalt  }
0x73: {  	_ =	shalt  }
0x74: {  	_ =	shalt  }
0x75: {  	_ =	shalt  }
0x76: {  	_ =	shalt  }
0x77: {  	_ =	shalt  }
0x78: {  	_ =	shalt  }
0x79: {  	_ =	shalt  }
0x7a: {  	_ =	shalt  }
0x7b: {  	_ =	shalt  }
0x7c: {  	_ =	shalt  }
0x7d: {  	_ =	shalt  }
0x7e: {  	_ =	shalt  }
0x7f: {  	_ =	shalt  }
0x80: {  	_ =	shalt  }
0x81: {  	_ =	shalt  }
0x82: {  	_ =	shalt  }
0x83: {  	_ =	shalt  }
0x84: {  	_ =	shalt  }
0x85: {  	_ =	shalt  }
0x86: {  	_ =	shalt  }
0x87: {  	_ =	shalt  }
.Lfunc_end0:
.L_simem_size_0:
called_computation.3_lowered:
.L_overlay_start_0:
0x88: {  	s2 =	sld [smem:$0x3FD9]  }
0x89: {  	s3 =	sld [smem:$0x3FFE];
	_ =	sdelay $0x1  }
0x8a: {  	s1 =	srdreg.scid  }
0x8b: {  	s0 =	sand.u32 $0x1, s1  }
0x8c: {  	s16 =	sshll.u32 s0, $0xA;
	s2 =	sadd.s32 s3, s2  }
0x8d: {  	s2 =	sadd.s32 s2, s16  }
0x8e: {  	[smem:$0x3FBD] =	sst s2  }
0x8f: {  	_ = 	snop  }
0x90: {  	(tm) =	ssettm $0x1  }
0x91: {  	s17 =	sld [smem:$0x3FFB];
	_ =	sdelay $0x3  }
0x92: {  	_ =	strace s17  }
0x93: {  	s2 =	sld [smem:$0x3FFC];
	_ =	sdelay $0x3  }
0x94: {  	_ =	strace s2  }
0x95: {  	s2 =	sld [smem:$0x3FFD];
	_ =	sdelay $0x3  }
0x96: {  	_ =	strace s2  }
0x97: {  	_ =	strace $0x8FFFFFFF  }
0x98: {  	s18 =	sld [smem:$0x3FDB];
	_ =	sdelay $0x1  }
0x99: {  	s19 =	simm.s32 $_scs_section_size  }
0x9a: {  	s4 =	simm.s32 $_size__tile_overlayer_lowered;
	s5 =	simm.s32 $_tile_overlayer_lowered  }
0x9b: {  	s22 =	simm.s32 $0x1BFF;
	s21 =	sshll.u32 s5, $0x1;
	s2 =	sadd.s32 s19, s18  }
0x9c: {  	s6 =	simm.s32 $0x0;
	s20 =	sshll.u32 s4, $0x1;
	s4 =	sadd.s32 s21, s2  }
0x9d: {  	[timem:s6], [sflag:s22] =	dma.local [hbm:s4], s20  }
0x9e: {  	_ =	swait.ge [sflag:s22], s20  }
0x9f: {  	s3 =	ssub.s32 $0x0, s20;
	[sflag:s22] =	ssyncset.done $0x0  }
0xa0: {  	[sflag:s22] =	ssyncadd.s32 s3;
	_ =	sdelay $0x1  }
0xa1: {  	s23 =	simm.s32 $0x1B8B  }
0xa2: {  	_ =	swait.ge [sflag:s23], $0x1  }
0xa3: {  	[sflag:s23] =	ssyncset.done $0x0  }
0xa4: {  	s25 =	simm.s32 $0x1B8E;
	s24 =	sld [smem:$0x3FFE];
	[sflag:s23] =	ssyncadd.s32 $0xFFFFFFFF  }
0xa5: {  	s26 =	simm.s32 $execute0_lowered;
	[smem:$0x3FD2] =	sst s25  }
0xa6: {  	s4 =	sshll.u32 s26, $0x1;
	_ =	strace $0x8000004F;
	[dreg:$0x1] =	wrdreg $0xFFFFFFFF  }
0xa7: {  	s28 =	simm.s32 $_size_execute0_lowered;
	s2 =	sadd.s32 s2, s4;
	[dreg:$0x0] =	wrdreg $0x0  }
0xa8: {  	s4 =	sshll.u32 s28, $0x1;
	[dreg:$0x2] =	wrdreg s2  }
0xa9: {  	[dreg:$0x3] =	wrdreg s4  }
0xaa: {  	[dreg:$0x4] =	wrdreg $0xC0  }
0xab: {  	_ =	task [dreg:s6], $0x5FFFF  }
0xac: {  	[dreg:$0x1] =	wrdreg $0xFFFFFFFF  }
0xad: {  	[dreg:$0x0] =	wrdreg $0x60  }
0xae: {  	[dreg:$0x2] =	wrdreg s24  }
0xaf: {  	[dreg:$0x3] =	wrdreg $0x11D000  }
0xb0: {  	[dreg:$0x4] =	wrdreg $0x9  }
0xb1: {  	_ =	task.clear_ibuf [dreg:s6], $0x5FFFF;
	_ =	strace $0x9000004F  }
0xb2: {  	s29 =	simm.s32 $0x9;
	_ =	strace $0x80000051  }
0xb3: {  	_ =	swait.ge [sflag:s29], $0x1  }
0xb4: {  	[sflag:s29] =	ssyncadd.s32 $0xFFFFFFFF  }
0xb5: {  	_ =	strace $0x90000051  }
0xb6: {  	_ =	sfence  }
0xb7: {  	s30 =	sld [smem:$0x0];
	_ =	sdelay $0x2  }
0xb8: {  	s31 =	sshll.u32 s1, $0xD;
	s1 =	sshrl.u32 s1, $0x2  }
0xb9: {  	s3 =	sand.u32 $0x4000, s31;
	s1 =	sadd.s32 s1, s30  }
0xba: {  	s0 =	sor.u32 s3, s0;
	s1 =	sshll.u32 s1, $0x11  }
0xbb: {  	s0 =	sor.u32 s1, s0  }
0xbc: {  	s0 =	sadd.s32 $0x8F2B, s0  }
0xbd: {  	[sflag:s0] =	ssyncadd.remote.s32 $0x1  }
0xbe: {  	_ =	sfence.sel $0xFFFF  }
0xbf: {  	[dreg:$0x0] =	wrdreg $0xFFFFFFFF;
	(pc) =	sbr.abs _section_cstart, $3  }
0xc0: {  	[dreg:$0x1] =	wrdreg $0xFFFFFFFF  }
0xc1: {  	_ =	task.clear_ibuf [dreg:s6], $0x2FFFF;
	_ =	strace $0x9FFFFFFF  }
0xc2: {  	(tm) =	ssettm $0x7FFFFFFF  }
0xc3: {  	_ =	shalt  }
tec
execute0_lowered:
.L_overlay_start_1:
0x0: {  	(tag) =	ssettag $0x1  }
0x1: {  	s0 =	rddreg [dreg:$0x0]  }
0x2: {  	s1 =	rddreg [dreg:$0x1];
	s2 =	srdreg.scid  }
0x3: {  	s3 =	simm.s32 $0x0;
	s8 =	stileid.u32;
	s10 =	simm.s32 $0x9  }
0x4: {  	s12 =	simm.s32 $0xCD00;
	s13 =	simm.s32 $0x7D;
	s14 =	simm.s32 $0x5000  }
0x5: {  	s16 =	simm.s32 $0x5FA0;
	s18 =	simm.s32 $0x6F40;
	s20 =	simm.s32 $0x7EE0  }
0x6: {  	s22 =	simm.s32 $0x8E80;
	s24 =	simm.s32 $0x9E20;
	s29 =	simm.s32 $0xBD60  }
0x7: {  	s30 =	simm.s32 $0x1;
	s31 =	simm.s32 $0x2;
	s11 =	simm.s32 $0x5  }
0x8: {  	s15 =	simm.s32 $0x6;
	s17 =	simm.s32 $0x7;
	s19 =	simm.s32 $0x8  }
0x9: {  	s21 =	simm.s32 $0x0;
	s2 =	sand.u32 $0x1, s2;
	s7 =	smul.u32 $0x5000, s8  }
0xa: {  	[smem:$0x7FF] =	sst s3;
	s4 =	sadd.s32 $0x16800, s0;
	s5 =	smul.u32 $0x50000, s2  }
0xb: {  	s6 =	sshll.u32 s2, $0x4;
	_ =	strace $0x80000050;
	s2 =	ssub.s32 $0x2, s2  }
0xc: {  	s6 =	sor.u32 s8, s6;
	s26 =	sshrl.u32 s2, $0x1;
	s8 =	smul.u32 $0x14000, s8  }
0xd: {  	s6 =	smul.u32 $0x500, s6;
	s5 =	sadd.s32 s7, s5;
	s2 =	ssub.s32 s2, s26  }
0xe: {  	s26 =	simm.s32 $0xADC0;
	s5 =	sshrl.u32 s5, $0x3;
	s28 =	sshrl.u32 s8, $0x2  }
0xf: {  	s9 =	smax.u32 s2, $0x1;
	s2 =	simm.s32 $0x4;
	s6 =	sadd.s32 s6, s0  }
0x10: {  	s0 =	sadd.s32 s5, s0;
	s7 =	sadd.s32 s28, s1;
	s5 =	sadd.s32 $0xC800, s6  }
0x11: {  	v0 =	vimm.f32 $0.0e+00;
	s6 =	sadd.s32 $0x2800, s6;
	s8 =	sadd.s32 $0x20600, s0;
	s0 =	simm.s32 $0x3  }
.LBB2_1:
0x12: {  	[tilespmem:s3], [sflag:$0x9] =	stream.linear.gather [hbm4b:s5+s3], $0x2800, $0x38;
	[tilespmem:$0x16D00] =	vst v63  }
0x13: {  	_ =	swait.ge [sflag:s10], $0x2800  }
0x14: {  	[sflag:s10] =	ssyncset.done $0x0  }
0x15: {  	s23 =	simm.s32 $0x2800;
	[sflag:s10] =	ssyncadd.s32 $0xFFFFD800  }
0x16: {  	[tilespmem:s23], [sflag:$0x9] =	stream.linear.gather [hbm4b:s6+s3], $0x2800, $0x38;
	[tilespmem:$0x16D00] =	vst v63  }
0x17: {  	_ =	swait.ge [sflag:s10], $0x2800  }
0x18: {  	[sflag:s10] =	ssyncset.done $0x0  }
0x19: {  	s25 =	simm.s32 $0x0;
	s23 =	simm.s32 $0x80;
	[sflag:s10] =	ssyncadd.s32 $0xFFFFD800  }
.LBB2_2:
0x1a: {  	p0 =	sne.s32 s23, $0x13F80;
	[tilespmem:s25+$0xCD00] =	vst v0;
	s28 =	smov.u32 s23;
	s23 =	sadd.s32 $0x80, s23  }
.Ltmp0:
0x1b: {  	[tilespmem:s25+$0xCD10] =	vst v0;
	(pc) =	sbr.rel @p0 .LBB2_2-.Ltmp0, $2  }
0x1c: {  	_ =	sdelay $0x2  }
0x1d: {  	s25 =	sshra.s32 s28, $0x2  }
0x1e: {  	[tilespmem:s25+$0xCD00] =	vst v0  }
0x1f: {  	[tilespmem:s25+$0xCD10] =	vst v0  }
0x20: {  	[spmem:s7] =	stream.linear.scatter [tilespmem:s12], [sflag:$0x9], $0x5000, $0x38;
	[tilespmem:$0x16D00] =	vst v63  }
0x21: {  	_ =	swait.ge [sflag:s10], $0x5000  }
0x22: {  	[sflag:s10] =	ssyncset.done $0x0  }
0x23: {  	[sflag:s10] =	ssyncadd.s32 $0xFFFFB000  }
0x24: {  	s23 =	simm.s32 $0x0;
	[bflag:$0x0] =	sbarrier.arrive $0xFFFF  }
0x25: {  	[tilespmem:s14], [sflag:$0x1] =	stream.indirect.gather [hbm4b:s4+s13], $0x20, s23, s13, $0xb8;
	[tilespmem:$0x16D00] =	vst v63  }
0x26: {  	s25 =	simm.s32 $0x80  }
0x27: {  	[tilespmem:s16], [sflag:$0x2] =	stream.indirect.gather [hbm4b:s4+s13], $0x20, s25, s13, $0xb8;
	[tilespmem:$0x16D00] =	vst v63  }
0x28: {  	s28 =	simm.s32 $0x100  }
0x29: {  	[tilespmem:s18], [sflag:$0x3] =	stream.indirect.gather [hbm4b:s4+s13], $0x20, s28, s13, $0xb8;
	[tilespmem:$0x16D00] =	vst v63  }
0x2a: {  	s25 =	simm.s32 $0x180  }
0x2b: {  	[tilespmem:s20], [sflag:$0x4] =	stream.indirect.gather [hbm4b:s4+s13], $0x20, s25, s13, $0xb8;
	[tilespmem:$0x16D00] =	vst v63  }
0x2c: {  	s28 =	simm.s32 $0x200  }
0x2d: {  	[tilespmem:s22], [sflag:$0x5] =	stream.indirect.gather [hbm4b:s4+s13], $0x20, s28, s13, $0xb8;
	[tilespmem:$0x16D00] =	vst v63  }
0x2e: {  	s25 =	simm.s32 $0x280  }
0x2f: {  	[tilespmem:s24], [sflag:$0x6] =	stream.indirect.gather [hbm4b:s4+s13], $0x20, s25, s13, $0xb8;
	[tilespmem:$0x16D00] =	vst v63  }
0x30: {  	s28 =	simm.s32 $0x300  }
0x31: {  	[tilespmem:s26], [sflag:$0x7] =	stream.indirect.gather [hbm4b:s4+s13], $0x20, s28, s13, $0xb8;
	[tilespmem:$0x16D00] =	vst v63  }
0x32: {  	s25 =	simm.s32 $0x380  }
0x33: {  	[tilespmem:s29], [sflag:$0x8] =	stream.indirect.gather [hbm4b:s4+s13], $0x20, s25, s13, $0xb8;
	[tilespmem:$0x16D00] =	vst v63  }
0x34: {  	_ =	swait.ge [sflag:s30], $0xFA0  }
0x35: {  	[sflag:s30] =	ssyncset.done $0x0  }
0x36: {  	s28 =	simm.s32 $0x2800;
	[sflag:s30] =	ssyncadd.s32 $0xFFFFF060  }
0x37: {  	[spmem:s1] =	stream.indirect.scatter.add.f32 [tilespmem:s14], [sflag:$0x9], $0x20, s28, s13, $0xb8;
	[tilespmem:$0x16D00] =	vst v63  }
0x38: {  	_ =	swait.ge [sflag:s10], $0xFA0  }
0x39: {  	[sflag:s10] =	ssyncset.done $0x0  }
0x3a: {  	s25 =	simm.s32 $0x400;
	[sflag:s10] =	ssyncadd.s32 $0xFFFFF060  }
0x3b: {  	[tilespmem:s14], [sflag:$0x1] =	stream.indirect.gather [hbm4b:s4+s13], $0x20, s25, s13, $0xb8;
	[tilespmem:$0x16D00] =	vst v63  }
0x3c: {  	_ =	swait.ge [sflag:s31], $0xFA0  }
0x3d: {  	[sflag:s31] =	ssyncset.done $0x0  }
0x3e: {  	s28 =	simm.s32 $0x2880;
	[sflag:s31] =	ssyncadd.s32 $0xFFFFF060  }
0x3f: {  	[spmem:s1] =	stream.indirect.scatter.add.f32 [tilespmem:s16], [sflag:$0x9], $0x20, s28, s13, $0xb8;
	[tilespmem:$0x16D00] =	vst v63  }
0x40: {  	_ =	swait.ge [sflag:s10], $0xFA0  }
0x41: {  	[sflag:s10] =	ssyncset.done $0x0  }
0x42: {  	s25 =	simm.s32 $0x480;
	[sflag:s10] =	ssyncadd.s32 $0xFFFFF060  }
0x43: {  	[tilespmem:s16], [sflag:$0x2] =	stream.indirect.gather [hbm4b:s4+s13], $0x20, s25, s13, $0xb8;
	[tilespmem:$0x16D00] =	vst v63  }
0x44: {  	_ =	swait.ge [sflag:s0], $0xFA0  }
0x45: {  	[sflag:s0] =	ssyncset.done $0x0  }
0x46: {  	s28 =	simm.s32 $0x2900;
	[sflag:s0] =	ssyncadd.s32 $0xFFFFF060  }
0x47: {  	[spmem:s1] =	stream.indirect.scatter.add.f32 [tilespmem:s18], [sflag:$0x9], $0x20, s28, s13, $0xb8;
	[tilespmem:$0x16D00] =	vst v63  }
0x48: {  	_ =	swait.ge [sflag:s10], $0xFA0  }
0x49: {  	[sflag:s10] =	ssyncset.done $0x0  }
0x4a: {  	s25 =	simm.s32 $0x500;
	[sflag:s10] =	ssyncadd.s32 $0xFFFFF060  }
0x4b: {  	[tilespmem:s18], [sflag:$0x3] =	stream.indirect.gather [hbm4b:s4+s13], $0x20, s25, s13, $0xb8;
	[tilespmem:$0x16D00] =	vst v63  }
0x4c: {  	_ =	swait.ge [sflag:s2], $0xFA0  }
0x4d: {  	[sflag:s2] =	ssyncset.done $0x0  }
0x4e: {  	s28 =	simm.s32 $0x2980;
	[sflag:s2] =	ssyncadd.s32 $0xFFFFF060  }
0x4f: {  	[spmem:s1] =	stream.indirect.scatter.add.f32 [tilespmem:s20], [sflag:$0x9], $0x20, s28, s13, $0xb8;
	[tilespmem:$0x16D00] =	vst v63  }
0x50: {  	_ =	swait.ge [sflag:s10], $0xFA0  }
0x51: {  	[sflag:s10] =	ssyncset.done $0x0  }
0x52: {  	s25 =	simm.s32 $0x580;
	[sflag:s10] =	ssyncadd.s32 $0xFFFFF060  }
0x53: {  	[tilespmem:s20], [sflag:$0x4] =	stream.indirect.gather [hbm4b:s4+s13], $0x20, s25, s13, $0xb8;
	[tilespmem:$0x16D00] =	vst v63  }
0x54: {  	_ =	swait.ge [sflag:s11], $0xFA0  }
0x55: {  	[sflag:s11] =	ssyncset.done $0x0  }
0x56: {  	s28 =	simm.s32 $0x2A00;
	[sflag:s11] =	ssyncadd.s32 $0xFFFFF060  }
0x57: {  	[spmem:s1] =	stream.indirect.scatter.add.f32 [tilespmem:s22], [sflag:$0x9], $0x20, s28, s13, $0xb8;
	[tilespmem:$0x16D00] =	vst v63  }
0x58: {  	_ =	swait.ge [sflag:s10], $0xFA0  }
0x59: {  	[sflag:s10] =	ssyncset.done $0x0  }
0x5a: {  	s25 =	simm.s32 $0x600;
	[sflag:s10] =	ssyncadd.s32 $0xFFFFF060  }
0x5b: {  	[tilespmem:s22], [sflag:$0x5] =	stream.indirect.gather [hbm4b:s4+s13], $0x20, s25, s13, $0xb8;
	[tilespmem:$0x16D00] =	vst v63  }
0x5c: {  	_ =	swait.ge [sflag:s15], $0xFA0  }
0x5d: {  	[sflag:s15] =	ssyncset.done $0x0  }
0x5e: {  	s28 =	simm.s32 $0x2A80;
	[sflag:s15] =	ssyncadd.s32 $0xFFFFF060  }
0x5f: {  	[spmem:s1] =	stream.indirect.scatter.add.f32 [tilespmem:s24], [sflag:$0x9], $0x20, s28, s13, $0xb8;
	[tilespmem:$0x16D00] =	vst v63  }
0x60: {  	_ =	swait.ge [sflag:s10], $0xFA0  }
0x61: {  	[sflag:s10] =	ssyncset.done $0x0  }
0x62: {  	s25 =	simm.s32 $0x680;
	[sflag:s10] =	ssyncadd.s32 $0xFFFFF060  }
0x63: {  	[tilespmem:s24], [sflag:$0x6] =	stream.indirect.gather [hbm4b:s4+s13], $0x20, s25, s13, $0xb8;
	[tilespmem:$0x16D00] =	vst v63  }
0x64: {  	_ =	swait.ge [sflag:s17], $0xFA0  }
0x65: {  	[sflag:s17] =	ssyncset.done $0x0  }
0x66: {  	s28 =	simm.s32 $0x2B00;
	[sflag:s17] =	ssyncadd.s32 $0xFFFFF060  }
0x67: {  	[spmem:s1] =	stream.indirect.scatter.add.f32 [tilespmem:s26], [sflag:$0x9], $0x20, s28, s13, $0xb8;
	[tilespmem:$0x16D00] =	vst v63  }
0x68: {  	_ =	swait.ge [sflag:s10], $0xFA0  }
0x69: {  	[sflag:s10] =	ssyncset.done $0x0  }
0x6a: {  	s25 =	simm.s32 $0x700;
	[sflag:s10] =	ssyncadd.s32 $0xFFFFF060  }
0x6b: {  	[tilespmem:s26], [sflag:$0x7] =	stream.indirect.gather [hbm4b:s4+s13], $0x20, s25, s13, $0xb8;
	[tilespmem:$0x16D00] =	vst v63  }
0x6c: {  	_ =	swait.ge [sflag:s19], $0xFA0  }
0x6d: {  	[sflag:s19] =	ssyncset.done $0x0  }
0x6e: {  	s28 =	simm.s32 $0x2B80;
	[sflag:s19] =	ssyncadd.s32 $0xFFFFF060  }
0x6f: {  	[spmem:s1] =	stream.indirect.scatter.add.f32 [tilespmem:s29], [sflag:$0x9], $0x20, s28, s13, $0xb8;
	[tilespmem:$0x16D00] =	vst v63  }
0x70: {  	_ =	swait.ge [sflag:s10], $0xFA0  }
0x71: {  	[sflag:s10] =	ssyncset.done $0x0  }
0x72: {  	s23 =	simm.s32 $0x1000;
	s25 =	simm.s32 $0x780;
	[sflag:s10] =	ssyncadd.s32 $0xFFFFF060  }
.LBB2_4:
0x73: {  	[tilespmem:s29], [sflag:$0x8] =	stream.indirect.gather [hbm4b:s4+s13], $0x20, s25, s13, $0xb8;
	[tilespmem:$0x16D00] =	vst v63  }
0x74: {  	s25 =	smov.u32 s23  }
0x75: {  	p0 =	sne.s32 s23, $0x8000;
	s23 =	sadd.s32 $0x1000, s23;
	_ =	swait.ge [sflag:s30], $0xFA0  }
0x76: {  	s25 =	sshra.s32 s25, $0x2;
	[sflag:s30] =	ssyncset.done $0x0  }
0x77: {  	s28 =	sadd.s32 $0x2800, s25;
	[sflag:s30] =	ssyncadd.s32 $0xFFFFF060  }
0x78: {  	[spmem:s1] =	stream.indirect.scatter.add.f32 [tilespmem:s14], [sflag:$0x9], $0x20, s28, s13, $0xb8;
	[tilespmem:$0x16D00] =	vst v63  }
0x79: {  	_ =	swait.ge [sflag:s10], $0xFA0  }
0x7a: {  	[sflag:s10] =	ssyncset.done $0x0  }
0x7b: {  	s28 =	sadd.s32 $0x400, s25;
	[sflag:s10] =	ssyncadd.s32 $0xFFFFF060  }
0x7c: {  	[tilespmem:s14], [sflag:$0x1] =	stream.indirect.gather [hbm4b:s4+s13], $0x20, s28, s13, $0xb8;
	[tilespmem:$0x16D00] =	vst v63  }
0x7d: {  	_ =	swait.ge [sflag:s31], $0xFA0  }
0x7e: {  	[sflag:s31] =	ssyncset.done $0x0  }
0x7f: {  	s28 =	sadd.s32 $0x2880, s25;
	[sflag:s31] =	ssyncadd.s32 $0xFFFFF060  }
0x80: {  	[spmem:s1] =	stream.indirect.scatter.add.f32 [tilespmem:s16], [sflag:$0x9], $0x20, s28, s13, $0xb8;
	[tilespmem:$0x16D00] =	vst v63  }
0x81: {  	_ =	swait.ge [sflag:s10], $0xFA0  }
0x82: {  	[sflag:s10] =	ssyncset.done $0x0  }
0x83: {  	s28 =	sadd.s32 $0x480, s25;
	[sflag:s10] =	ssyncadd.s32 $0xFFFFF060  }
0x84: {  	[tilespmem:s16], [sflag:$0x2] =	stream.indirect.gather [hbm4b:s4+s13], $0x20, s28, s13, $0xb8;
	[tilespmem:$0x16D00] =	vst v63  }
0x85: {  	_ =	swait.ge [sflag:s0], $0xFA0  }
0x86: {  	[sflag:s0] =	ssyncset.done $0x0  }
0x87: {  	s28 =	sadd.s32 $0x2900, s25;
	[sflag:s0] =	ssyncadd.s32 $0xFFFFF060  }
0x88: {  	[spmem:s1] =	stream.indirect.scatter.add.f32 [tilespmem:s18], [sflag:$0x9], $0x20, s28, s13, $0xb8;
	[tilespmem:$0x16D00] =	vst v63  }
0x89: {  	_ =	swait.ge [sflag:s10], $0xFA0  }
0x8a: {  	[sflag:s10] =	ssyncset.done $0x0  }
0x8b: {  	s28 =	sadd.s32 $0x500, s25;
	[sflag:s10] =	ssyncadd.s32 $0xFFFFF060  }
0x8c: {  	[tilespmem:s18], [sflag:$0x3] =	stream.indirect.gather [hbm4b:s4+s13], $0x20, s28, s13, $0xb8;
	[tilespmem:$0x16D00] =	vst v63  }
0x8d: {  	_ =	swait.ge [sflag:s2], $0xFA0  }
0x8e: {  	[sflag:s2] =	ssyncset.done $0x0  }
0x8f: {  	s28 =	sadd.s32 $0x2980, s25;
	[sflag:s2] =	ssyncadd.s32 $0xFFFFF060  }
0x90: {  	[spmem:s1] =	stream.indirect.scatter.add.f32 [tilespmem:s20], [sflag:$0x9], $0x20, s28, s13, $0xb8;
	[tilespmem:$0x16D00] =	vst v63  }
0x91: {  	_ =	swait.ge [sflag:s10], $0xFA0  }
0x92: {  	[sflag:s10] =	ssyncset.done $0x0  }
0x93: {  	s28 =	sadd.s32 $0x580, s25;
	[sflag:s10] =	ssyncadd.s32 $0xFFFFF060  }
0x94: {  	[tilespmem:s20], [sflag:$0x4] =	stream.indirect.gather [hbm4b:s4+s13], $0x20, s28, s13, $0xb8;
	[tilespmem:$0x16D00] =	vst v63  }
0x95: {  	_ =	swait.ge [sflag:s11], $0xFA0  }
0x96: {  	[sflag:s11] =	ssyncset.done $0x0  }
0x97: {  	s28 =	sadd.s32 $0x2A00, s25;
	[sflag:s11] =	ssyncadd.s32 $0xFFFFF060  }
0x98: {  	[spmem:s1] =	stream.indirect.scatter.add.f32 [tilespmem:s22], [sflag:$0x9], $0x20, s28, s13, $0xb8;
	[tilespmem:$0x16D00] =	vst v63  }
0x99: {  	_ =	swait.ge [sflag:s10], $0xFA0  }
0x9a: {  	[sflag:s10] =	ssyncset.done $0x0  }
0x9b: {  	s28 =	sadd.s32 $0x600, s25;
	[sflag:s10] =	ssyncadd.s32 $0xFFFFF060  }
0x9c: {  	[tilespmem:s22], [sflag:$0x5] =	stream.indirect.gather [hbm4b:s4+s13], $0x20, s28, s13, $0xb8;
	[tilespmem:$0x16D00] =	vst v63  }
0x9d: {  	_ =	swait.ge [sflag:s15], $0xFA0  }
0x9e: {  	[sflag:s15] =	ssyncset.done $0x0  }
0x9f: {  	s28 =	sadd.s32 $0x2A80, s25;
	[sflag:s15] =	ssyncadd.s32 $0xFFFFF060  }
0xa0: {  	[spmem:s1] =	stream.indirect.scatter.add.f32 [tilespmem:s24], [sflag:$0x9], $0x20, s28, s13, $0xb8;
	[tilespmem:$0x16D00] =	vst v63  }
0xa1: {  	_ =	swait.ge [sflag:s10], $0xFA0  }
0xa2: {  	[sflag:s10] =	ssyncset.done $0x0  }
0xa3: {  	s28 =	sadd.s32 $0x680, s25;
	[sflag:s10] =	ssyncadd.s32 $0xFFFFF060  }
0xa4: {  	[tilespmem:s24], [sflag:$0x6] =	stream.indirect.gather [hbm4b:s4+s13], $0x20, s28, s13, $0xb8;
	[tilespmem:$0x16D00] =	vst v63  }
0xa5: {  	_ =	swait.ge [sflag:s17], $0xFA0  }
0xa6: {  	[sflag:s17] =	ssyncset.done $0x0  }
0xa7: {  	s28 =	sadd.s32 $0x2B00, s25;
	[sflag:s17] =	ssyncadd.s32 $0xFFFFF060  }
0xa8: {  	[spmem:s1] =	stream.indirect.scatter.add.f32 [tilespmem:s26], [sflag:$0x9], $0x20, s28, s13, $0xb8;
	[tilespmem:$0x16D00] =	vst v63  }
0xa9: {  	_ =	swait.ge [sflag:s10], $0xFA0  }
0xaa: {  	[sflag:s10] =	ssyncset.done $0x0  }
0xab: {  	s28 =	sadd.s32 $0x700, s25;
	[sflag:s10] =	ssyncadd.s32 $0xFFFFF060  }
0xac: {  	[tilespmem:s26], [sflag:$0x7] =	stream.indirect.gather [hbm4b:s4+s13], $0x20, s28, s13, $0xb8;
	[tilespmem:$0x16D00] =	vst v63  }
0xad: {  	_ =	swait.ge [sflag:s19], $0xFA0  }
0xae: {  	[sflag:s19] =	ssyncset.done $0x0  }
.Ltmp1:
0xaf: {  	s28 =	sadd.s32 $0x2B80, s25;
	[sflag:s19] =	ssyncadd.s32 $0xFFFFF060;
	(pc) =	sbr.rel @p0 .LBB2_4-.Ltmp1, $4  }
0xb0: {  	[spmem:s1] =	stream.indirect.scatter.add.f32 [tilespmem:s29], [sflag:$0x9], $0x20, s28, s13, $0xb8;
	[tilespmem:$0x16D00] =	vst v63  }
0xb1: {  	_ =	swait.ge [sflag:s10], $0xFA0  }
0xb2: {  	[sflag:s10] =	ssyncset.done $0x0  }
0xb3: {  	s25 =	sadd.s32 $0x780, s25;
	[sflag:s10] =	ssyncadd.s32 $0xFFFFF060  }
0xb4: {  	[tilespmem:s29], [sflag:$0x8] =	stream.indirect.gather [hbm4b:s4+s13], $0x20, s25, s13, $0xb8;
	[tilespmem:$0x16D00] =	vst v63  }
0xb5: {  	_ =	swait.ge [sflag:s30], $0xFA0  }
0xb6: {  	[sflag:s30] =	ssyncset.done $0x0  }
0xb7: {  	s23 =	simm.s32 $0x4C00;
	[sflag:s30] =	ssyncadd.s32 $0xFFFFF060  }
0xb8: {  	[spmem:s1] =	stream.indirect.scatter.add.f32 [tilespmem:s14], [sflag:$0x9], $0x20, s23, s13, $0xb8;
	[tilespmem:$0x16D00] =	vst v63  }
0xb9: {  	_ =	swait.ge [sflag:s10], $0xFA0  }
0xba: {  	[sflag:s10] =	ssyncset.done $0x0  }
0xbb: {  	[sflag:s10] =	ssyncadd.s32 $0xFFFFF060  }
0xbc: {  	_ =	swait.ge [sflag:s31], $0xFA0  }
0xbd: {  	[sflag:s31] =	ssyncset.done $0x0  }
0xbe: {  	s28 =	simm.s32 $0x4C80;
	[sflag:s31] =	ssyncadd.s32 $0xFFFFF060  }
0xbf: {  	[spmem:s1] =	stream.indirect.scatter.add.f32 [tilespmem:s16], [sflag:$0x9], $0x20, s28, s13, $0xb8;
	[tilespmem:$0x16D00] =	vst v63  }
0xc0: {  	_ =	swait.ge [sflag:s10], $0xFA0  }
0xc1: {  	[sflag:s10] =	ssyncset.done $0x0  }
0xc2: {  	[sflag:s10] =	ssyncadd.s32 $0xFFFFF060  }
0xc3: {  	_ =	swait.ge [sflag:s0], $0xFA0  }
0xc4: {  	[sflag:s0] =	ssyncset.done $0x0  }
0xc5: {  	s25 =	simm.s32 $0x4D00;
	[sflag:s0] =	ssyncadd.s32 $0xFFFFF060  }
0xc6: {  	[spmem:s1] =	stream.indirect.scatter.add.f32 [tilespmem:s18], [sflag:$0x9], $0x20, s25, s13, $0xb8;
	[tilespmem:$0x16D00] =	vst v63  }
0xc7: {  	_ =	swait.ge [sflag:s10], $0xFA0  }
0xc8: {  	[sflag:s10] =	ssyncset.done $0x0  }
0xc9: {  	[sflag:s10] =	ssyncadd.s32 $0xFFFFF060  }
0xca: {  	_ =	swait.ge [sflag:s2], $0xFA0  }
0xcb: {  	[sflag:s2] =	ssyncset.done $0x0  }
0xcc: {  	s28 =	simm.s32 $0x4D80;
	[sflag:s2] =	ssyncadd.s32 $0xFFFFF060  }
0xcd: {  	[spmem:s1] =	stream.indirect.scatter.add.f32 [tilespmem:s20], [sflag:$0x9], $0x20, s28, s13, $0xb8;
	[tilespmem:$0x16D00] =	vst v63  }
0xce: {  	_ =	swait.ge [sflag:s10], $0xFA0  }
0xcf: {  	[sflag:s10] =	ssyncset.done $0x0  }
0xd0: {  	[sflag:s10] =	ssyncadd.s32 $0xFFFFF060  }
0xd1: {  	_ =	swait.ge [sflag:s11], $0xFA0  }
0xd2: {  	[sflag:s11] =	ssyncset.done $0x0  }
0xd3: {  	s25 =	simm.s32 $0x4E00;
	[sflag:s11] =	ssyncadd.s32 $0xFFFFF060  }
0xd4: {  	[spmem:s1] =	stream.indirect.scatter.add.f32 [tilespmem:s22], [sflag:$0x9], $0x20, s25, s13, $0xb8;
	[tilespmem:$0x16D00] =	vst v63  }
0xd5: {  	_ =	swait.ge [sflag:s10], $0xFA0  }
0xd6: {  	[sflag:s10] =	ssyncset.done $0x0  }
0xd7: {  	[sflag:s10] =	ssyncadd.s32 $0xFFFFF060  }
0xd8: {  	_ =	swait.ge [sflag:s15], $0xFA0  }
0xd9: {  	[sflag:s15] =	ssyncset.done $0x0  }
0xda: {  	s28 =	simm.s32 $0x4E80;
	[sflag:s15] =	ssyncadd.s32 $0xFFFFF060  }
0xdb: {  	[spmem:s1] =	stream.indirect.scatter.add.f32 [tilespmem:s24], [sflag:$0x9], $0x20, s28, s13, $0xb8;
	[tilespmem:$0x16D00] =	vst v63  }
0xdc: {  	_ =	swait.ge [sflag:s10], $0xFA0  }
0xdd: {  	[sflag:s10] =	ssyncset.done $0x0  }
0xde: {  	[sflag:s10] =	ssyncadd.s32 $0xFFFFF060  }
0xdf: {  	_ =	swait.ge [sflag:s17], $0xFA0  }
0xe0: {  	[sflag:s17] =	ssyncset.done $0x0  }
0xe1: {  	s25 =	simm.s32 $0x4F00;
	[sflag:s17] =	ssyncadd.s32 $0xFFFFF060  }
0xe2: {  	[spmem:s1] =	stream.indirect.scatter.add.f32 [tilespmem:s26], [sflag:$0x9], $0x20, s25, s13, $0xb8;
	[tilespmem:$0x16D00] =	vst v63  }
0xe3: {  	_ =	swait.ge [sflag:s10], $0xFA0  }
0xe4: {  	[sflag:s10] =	ssyncset.done $0x0  }
0xe5: {  	[sflag:s10] =	ssyncadd.s32 $0xFFFFF060  }
0xe6: {  	_ =	swait.ge [sflag:s19], $0xFA0  }
0xe7: {  	[sflag:s19] =	ssyncset.done $0x0  }
0xe8: {  	s28 =	simm.s32 $0x4F80;
	[sflag:s19] =	ssyncadd.s32 $0xFFFFF060  }
0xe9: {  	[spmem:s1] =	stream.indirect.scatter.add.f32 [tilespmem:s29], [sflag:$0x9], $0x20, s28, s13, $0xb8;
	[tilespmem:$0x16D00] =	vst v63  }
0xea: {  	_ =	swait.ge [sflag:s10], $0xFA0  }
0xeb: {  	[sflag:s10] =	ssyncset.done $0x0  }
0xec: {  	[sflag:s10] =	ssyncadd.s32 $0xFFFFF060  }
0xed: {  	[bflag:$0x0] =	sbarrier.arrive $0xFFFF  }
0xee: {  	[tilespmem:s12], [sflag:$0x9] =	stream.linear.gather [spmem:s7], $0x5000, $0x38;
	[tilespmem:$0x16D00] =	vst v63  }
0xef: {  	s21 =	sadd.s32 $0x1, s21;
	_ =	swait.ge [sflag:s10], $0x5000  }
0xf0: {  	p0 =	sne.s32 s21, s9;
	[sflag:s10] =	ssyncset.done $0x0  }
.Ltmp2:
0xf1: {  	[sflag:s10] =	ssyncadd.s32 $0xFFFFB000;
	(pc) =	sbr.rel @p0 .LBB2_1-.Ltmp2, $4  }
0xf2: {  	[hbm4b:s8+s3] =	stream.linear.scatter [tilespmem:s12], [sflag:$0x9], $0x5000, $0x38;
	[tilespmem:$0x16D00] =	vst v63  }
0xf3: {  	_ =	swait.ge [sflag:s10], $0x5000  }
0xf4: {  	[sflag:s10] =	ssyncset.done $0x0  }
0xf5: {  	[sflag:s10] =	ssyncadd.s32 $0xFFFFB000  }
0xf6: {  	_ =	sfence.sel $0x180000  }
0xf7: {  	[bflag:$0x0] =	sbarrier.arrive $0xFFFF  }
0xf8: {  	_ =	strace $0x90000050  }
0xf9: {  	s0 =	stileid.u32;
	[bflag:$0x2] =	sbarrier.arrive $0xFFFF  }
0xfa: {  	p0 =	sne.s32 s0, $0x0;
	s0 =	rddreg [dreg:$0x2]  }
0xfb: {  	s0 =	sadd.s32 @!p0 $0x100000, s0  }
0xfc: {  	[sflag:s0] =	ssyncadd.tile.s32 @!p0 $0x1;
	_ =	shalt  }
.Lfunc_end2:
_tile_overlayer_lowered:
.L_overlay_start_2:
0xfd: {  	(tag) =	ssettag $0x2  }
0xfe: {  	s0 =	rddreg [dreg:$0x0];
	s2 =	stileid.u32  }
0xff: {  	s1 =	rddreg [dreg:$0x1];
	p0 =	sne.s32 s2, $0x0  }
0x100: {  	s3 =	rddreg [dreg:$0x2];
	[bflag:$0x3] =	sbarrier.arrive $0xFFFF;
	s2 =	simm.s32 @!p0 $0x1C09  }
0x101: {  	[timem:s3], [sflag:s2] =	dma.local @!p0 [hbm:s0], s1  }
0x102: {  	s0 =	simm.s32 @!p0 $0x9  }
0x103: {  	_ =	swait.ge @!p0 [sflag:s0], s1  }
0x104: {  	s1 =	ssub.s32 @!p0 $0x0, s1;
	[sflag:s0] =	ssyncset.done @!p0 $0x0  }
0x105: {  	[sflag:s0] =	ssyncadd.s32 @!p0 s1  }
0x106: {  	[bflag:$0x3] =	sbarrier.arrive $0xFFFF  }
0x107: {  	_ =	shalt  }

</sc_bundles>
